<compile_context>
chip_gen: v7x
topology: tpu7x:2x2x1
jax: 0.10.2.dev20260603
libtpu: 0.0.44.dev20260713+nightly
codegen_flags: <defaults>
</compile_context>

<pallas_src>
import functools

import jax
import jax.numpy as jnp
from jax import lax
from jax.experimental import pallas as pl
from jax.experimental.pallas import tpu as pltpu
from jax.experimental.pallas import tpu_sc as plsc

N_NODES = 10000
NPAD = 10240
N_EDGES = 320000
N_GRAPHS = 128
NCORES = 2
NSUB = 16
NTILES = NCORES * NSUB
EPT = N_EDGES // NTILES
K = 80
NBLK = EPT // K
RPT = NPAD // NSUB
ZR = 16


@functools.lru_cache(maxsize=None)
def _make_agg(C, with_gather=True):
    mesh = plsc.VectorSubcoreMesh(core_axis_name="c", subcore_axis_name="s")

    def agg(x_hbm, row_hbm, col_hbm, out_hbm, acc, rv, cv, rows, zb, sem):
        cid = lax.axis_index("c")
        sid = lax.axis_index("s")
        g = cid * NSUB + sid

        zvec = jnp.zeros((16,), jnp.float32)

        def zb_row(i, carry):
            def zb_col(k, c2):
                zb[i, pl.ds(k * 16, 16)] = zvec
                return c2
            return lax.fori_loop(0, C // 16, zb_col, carry)

        lax.fori_loop(0, ZR, zb_row, 0)
        nb = sid * RPT

        def zcp(i, carry):
            pltpu.sync_copy(zb, acc.at[pl.ds(nb + i * ZR, ZR)])
            return carry

        lax.fori_loop(0, RPT // ZR, zcp, 0)

        if not with_gather:
            onev = jnp.ones((16,), jnp.float32)

            def ones_row(i, carry):
                def ones_col(k, c2):
                    rows[i, pl.ds(k * 16, 16)] = onev
                    return c2
                return lax.fori_loop(0, C // 16, ones_col, carry)

            lax.fori_loop(0, K, ones_row, 0)

        if with_gather:
            pltpu.sync_copy(row_hbm.at[g], rv)
        pltpu.sync_copy(col_hbm.at[g], cv)
        plsc.subcore_barrier()

        def step(j, carry):
            if with_gather:
                pltpu.async_copy(x_hbm.at[rv.at[j]], rows, sem).wait()
            pltpu.sync_copy(rows, acc.at[cv.at[j]], add=True)
            return carry

        lax.fori_loop(0, NBLK, step, 0)
        plsc.subcore_barrier()

        pltpu.sync_copy(acc.at[pl.ds(nb, RPT)], out_hbm.at[cid, pl.ds(nb, RPT)])

    return pl.kernel(
        agg,
        mesh=mesh,
        out_type=jax.ShapeDtypeStruct((NCORES, NPAD, C), jnp.float32),
        scratch_types=[
            pltpu.VMEM_SHARED((NPAD, C), jnp.float32),
            pltpu.VMEM((NBLK, K), jnp.int32),
            pltpu.VMEM((NBLK, K), jnp.int32),
            pltpu.VMEM((K, C), jnp.float32),
            pltpu.VMEM((ZR, C), jnp.float32),
            pltpu.SemaphoreType.DMA,
        ],
    )


def _agg_sum(x, row3, col3):
    parts = _make_agg(x.shape[1])(x, row3, col3)
    return (parts[0] + parts[1])[:N_NODES]


def _degrees(row3, col3):
    parts = _make_agg(128, with_gather=False)(
        jnp.zeros((8, 128), jnp.float32), row3, col3)
    return (parts[0, :N_NODES, 0] + parts[1, :N_NODES, 0]) + 1.0


_ACTS = {
    'none': lambda z: z,
    'relu': jax.nn.relu,
    'sigmoid': jax.nn.sigmoid,
    'tanh': jnp.tanh,
    'leaky': lambda z: jnp.where(z >= 0, z, 0.01 * z),
}


def _mm(x, W, b=None, act='none'):
    M, Kd = x.shape
    N = W.shape[0]
    BM = 512
    Mp = -(-M // BM) * BM
    xp = jnp.pad(x, ((0, Mp - M), (0, 0))) if Mp != M else x
    b2 = jnp.zeros((1, N), jnp.float32) if b is None else b.reshape(1, N)

    def body(x_ref, w_ref, b_ref, o_ref):
        y = jnp.dot(x_ref[...], w_ref[...].T,
                    preferred_element_type=jnp.float32) + b_ref[...]
        o_ref[...] = _ACTS[act](y)

    y = pl.pallas_call(
        body,
        grid=(Mp // BM,),
        in_specs=[
            pl.BlockSpec((BM, Kd), lambda i: (i, 0)),
            pl.BlockSpec((N, Kd), lambda i: (0, 0)),
            pl.BlockSpec((1, N), lambda i: (0, 0)),
        ],
        out_specs=pl.BlockSpec((BM, N), lambda i: (i, 0)),
        out_shape=jax.ShapeDtypeStruct((Mp, N), jnp.float32),
    )(xp, W, b2)
    return y[:M]


def _bnorm(x, g, b, act='none'):
    M, N = x.shape

    def body(x_ref, g_ref, b_ref, o_ref):
        z = _ACTS[act](x_ref[...])
        m = jnp.mean(z, axis=0, keepdims=True)
        v = jnp.mean((z - m) ** 2, axis=0, keepdims=True)
        o_ref[...] = (z - m) / jnp.sqrt(v + 1e-5) * g_ref[...] + b_ref[...]

    return pl.pallas_call(
        body,
        in_specs=[
            pl.BlockSpec((M, N), lambda: (0, 0)),
            pl.BlockSpec((1, N), lambda: (0, 0)),
            pl.BlockSpec((1, N), lambda: (0, 0)),
        ],
        out_specs=pl.BlockSpec((M, N), lambda: (0, 0)),
        out_shape=jax.ShapeDtypeStruct((M, N), jnp.float32),
    )(x, g.reshape(1, N), b.reshape(1, N))


def _pool(x, P, N):
    M = x.shape[0]
    BM = 256
    Mp = -(-M // BM) * BM
    xp = jnp.pad(x, ((0, Mp - M), (0, 0))) if Mp != M else x

    def body(x_ref, o_ref):
        z = x_ref[:, 0:N]
        for i in range(1, P):
            z = jnp.maximum(z, x_ref[:, i * N:(i + 1) * N])
        o_ref[...] = z

    y = pl.pallas_call(
        body,
        grid=(Mp // BM,),
        in_specs=[pl.BlockSpec((BM, P * N), lambda i: (i, 0))],
        out_specs=pl.BlockSpec((BM, N), lambda i: (i, 0)),
        out_shape=jax.ShapeDtypeStruct((Mp, N), jnp.float32),
    )(xp)
    return y[:M]


def _segment_max(x, ibatch):
    M, N = x.shape

    def body(x_ref, ib_ref, o_ref):
        gid = pl.program_id(0)
        mask = ib_ref[...] == gid
        z = jnp.where(mask, x_ref[...], -jnp.inf)
        o_ref[...] = jnp.max(z, axis=0, keepdims=True)[None]

    out = pl.pallas_call(
        body,
        grid=(N_GRAPHS,),
        in_specs=[
            pl.BlockSpec((M, N), lambda i: (0, 0)),
            pl.BlockSpec((M, 1), lambda i: (0, 0)),
        ],
        out_specs=pl.BlockSpec((1, 1, N), lambda i: (i, 0, 0)),
        out_shape=jax.ShapeDtypeStruct((N_GRAPHS, 1, N), jnp.float32),
    )(x, ibatch.reshape(M, 1))
    return out.reshape(N_GRAPHS, N)


def kernel(epoch, epochs, drug_feature, drug_adj, ibatch, mutation_data,
           gexpr_data, copy_number_data, params):
    p = params
    row3 = drug_adj[0].reshape(NTILES, NBLK, K)
    col3 = drug_adj[1].reshape(NTILES, NBLK, K)

    deg = _degrees(row3, col3)
    dinv = lax.rsqrt(deg)

    def sg_agg(x):
        w = x.shape[1]
        if w % 128:
            x = jnp.pad(x, ((0, 0), (0, 128 - w % 128)))
        xp = dinv[:, None] * x
        chunks = []
        for c0 in range(0, xp.shape[1], 128):
            chunks.append(_agg_sum(xp[:, c0:c0 + 128], row3, col3))
        s = jnp.concatenate(chunks, axis=1) if len(chunks) > 1 else chunks[0]
        return (dinv[:, None] * (s + xp))[:, :w]

    x = _mm(sg_agg(drug_feature), p['W_sg1'], p['b_sg1'])
    x = _bnorm(x, p['bn1_g'], p['bn1_b'], act='relu')
    x = _mm(sg_agg(x), p['W_g0'], p['b_g0'])
    x = _bnorm(x, p['bng0_g'], p['bng0_b'], act='relu')
    x = _mm(sg_agg(x), p['W_g1'], p['b_g1'])
    x = _bnorm(x, p['bng1_g'], p['bng1_b'], act='relu')
    x = sg_agg(_mm(x, p['W_end'])) + p['b_end']
    x = _bnorm(x, p['bne_g'], p['bne_b'], act='relu')
    x_drug = _segment_max(x, ibatch)

    B = mutation_data.shape[0]
    x5 = mutation_data.reshape(B, 147, 5)
    p1 = jnp.stack([x5[:, q:q + 138, :] for q in range(10)], axis=2)
    h1 = _mm(p1.reshape(B * 138, 50), p['Wc1'].reshape(50, 50), p['bc1'],
             act='tanh').reshape(B, 138, 50)
    h1p = _pool(h1[:, :135].reshape(B * 27, 5 * 50), 5, 50).reshape(B, 27, 50)
    p2 = jnp.stack([h1p[:, k:k + 23:2, :] for k in range(5)], axis=2)
    w2r = jnp.transpose(p['Wc2'][:, :, 0, :], (0, 2, 1)).reshape(960, 250)
    h2 = _mm(p2.reshape(B * 12, 250), w2r, p['bc2'],
             act='relu').reshape(B, 12, 960)
    h3 = _pool(h2[:, :10].reshape(B, 10 * 960), 10, 960)
    x_mut = _mm(h3, p['Wmut'], p['bmut'], act='relu')

    g = _mm(gexpr_data, p['Wgex1'], p['bgex1'], act='sigmoid')
    g = _bnorm(g, p['bngex_g'], p['bngex_b'])
    g = _mm(g, p['Wgex2'], p['bgex2'], act='relu')

    c = _mm(copy_number_data, p['Wmet1'], p['bmet1'], act='tanh')
    c = _bnorm(c, p['bnmet_g'], p['bnmet_b'])
    c = _mm(c, p['Wmet2'], p['bmet2'], act='relu')

    x_cell = jnp.concatenate([x_mut, g, c], axis=1)
    x_cell = _mm(x_cell, p['Wcat'], p['bcat'], act='leaky')
    x_all = jnp.concatenate([x_cell, x_drug], axis=0)
    return _bnorm(x_all, p['bnc_g'], p['bnc_b'])

# --- scband reference (transcript-rebuilt; emitter-appended) ---
"""Pipeline reference for scband-node-representation-88854283419734 (READ-ONLY COPY).

The authoritative reference and input builder live on the scoring server;
editing this copy changes nothing except your own understanding.
"""

import jax, jax.numpy as jnp
import numpy as np
from jax import lax

N_NODES = 10000
N_EDGES = 320000
D_IN = 128
HID = 256
OUT = 64
B_CELL = 1024
N_GRAPHS = 128
DIM_GEXP = 697
DIM_METHY = 808
MUT_W = 735


def _bn(x, g, b):
    # BatchNorm1d in training mode: batch mean, biased variance, eps=1e-5
    m = jnp.mean(x, axis=0)
    v = jnp.var(x, axis=0)
    return (x - m) / jnp.sqrt(v + 1e-5) * g + b


def _sgconv(x, W, b, row, col, n):
    # SGConv(K=1): gcn_norm with self loops, propagate, then linear
    loop = jnp.arange(n, dtype=row.dtype)
    r = jnp.concatenate([row, loop])
    c = jnp.concatenate([col, loop])
    deg = jnp.zeros((n,), x.dtype).at[c].add(1.0)
    dinv = jnp.where(deg > 0, 1.0 / jnp.sqrt(deg), 0.0)
    norm = dinv[r] * dinv[c]
    agg = jnp.zeros((n, x.shape[1]), x.dtype).at[c].add(norm[:, None] * x[r])
    return agg @ W.T + b


def _conv(x, w, b, stride):
    y = lax.conv_general_dilated(x, w, window_strides=stride, padding='VALID', dimension_numbers=('NCHW', 'OIHW', 'NCHW'))
    return y + b[None, :, None, None]


def _maxpool_w(x, k):
    return lax.reduce_window(x, -jnp.inf, lax.max, (1, 1, 1, k), (1, 1, 1, k), 'VALID')


def setup_inputs(seed: int = 0) -> dict:
    key = jax.random.key(seed)
    ks = iter(jax.random.split(key, 64))

    def nrm(shape, s=0.05):
        return jax.random.normal(next(ks), shape, jnp.float32) * s

    inp = {}
    inp['epoch'] = 0
    inp['epochs'] = 100
    inp['drug_feature'] = jax.random.normal(next(ks), (N_NODES, D_IN), jnp.float32)
    inp['drug_adj'] = jax.random.randint(next(ks), (2, N_EDGES), 0, N_NODES, dtype=jnp.int32)
    inp['ibatch'] = jnp.sort(jax.random.randint(next(ks), (N_NODES,), 0, N_GRAPHS, dtype=jnp.int32))
    inp['mutation_data'] = jax.random.normal(next(ks), (B_CELL, 1, 1, MUT_W), jnp.float32)
    inp['gexpr_data'] = jax.random.normal(next(ks), (B_CELL, DIM_GEXP), jnp.float32)
    inp['copy_number_data'] = jax.random.normal(next(ks), (B_CELL, DIM_METHY), jnp.float32)
    z = lambda n: jnp.zeros((n,), jnp.float32)
    o = lambda n: jnp.ones((n,), jnp.float32)
    params = {
        'W_sg1': nrm((HID, D_IN)), 'b_sg1': z(HID),
        'W_g0': nrm((HID, HID)), 'b_g0': z(HID),
        'W_g1': nrm((HID, HID)), 'b_g1': z(HID),
        'W_end': nrm((OUT, HID)), 'b_end': z(OUT),
        'bn1_g': o(HID), 'bn1_b': z(HID),
        'bng0_g': o(HID), 'bng0_b': z(HID),
        'bng1_g': o(HID), 'bng1_b': z(HID),
        'bne_g': o(OUT), 'bne_b': z(OUT),
        'Wgex1': nrm((HID, DIM_GEXP)), 'bgex1': z(HID),
        'bngex_g': o(HID), 'bngex_b': z(HID),
        'Wgex2': nrm((OUT, HID)), 'bgex2': z(OUT),
        'Wmet1': nrm((HID, DIM_METHY)), 'bmet1': z(HID),
        'bnmet_g': o(HID), 'bnmet_b': z(HID),
        'Wmet2': nrm((OUT, HID)), 'bmet2': z(OUT),
        'Wc1': nrm((50, 1, 1, 50)), 'bc1': z(50),
        'Wc2': nrm((960, 50, 1, 5)), 'bc2': z(960),
        'Wmut': nrm((OUT, 960)), 'bmut': z(OUT),
        'Wcat': nrm((OUT, 3 * OUT)), 'bcat': z(OUT),
        'bnc_g': o(OUT), 'bnc_b': z(OUT),
    }
    inp['params'] = params
    return inp


def _forward(drug_feature, mutation_data, gexpr_data, copy_number_data, p, row, col, ibatch):
    # drug graph branch
    x = _sgconv(drug_feature, p['W_sg1'], p['b_sg1'], row, col, N_NODES)
    x = _bn(jax.nn.relu(x), p['bn1_g'], p['bn1_b'])
    x = _sgconv(x, p['W_g0'], p['b_g0'], row, col, N_NODES)
    x = _bn(jax.nn.relu(x), p['bng0_g'], p['bng0_b'])
    x = _sgconv(x, p['W_g1'], p['b_g1'], row, col, N_NODES)
    x = _bn(jax.nn.relu(x), p['bng1_g'], p['bng1_b'])
    x = _sgconv(x, p['W_end'], p['b_end'], row, col, N_NODES)
    x = _bn(jax.nn.relu(x), p['bne_g'], p['bne_b'])
    x_drug = jax.ops.segment_max(x, ibatch, num_segments=N_GRAPHS)
    # mutation branch
    h = jnp.tanh(_conv(mutation_data, p['Wc1'], p['bc1'], (1, 5)))
    h = _maxpool_w(h, 5)
    h = jax.nn.relu(_conv(h, p['Wc2'], p['bc2'], (1, 2)))
    h = _maxpool_w(h, 10)
    h = h.reshape(h.shape[0], -1)
    x_mut = jax.nn.relu(h @ p['Wmut'].T + p['bmut'])
    # gexpr branch
    g = jax.nn.sigmoid(gexpr_data @ p['Wgex1'].T + p['bgex1'])
    g = _bn(g, p['bngex_g'], p['bngex_b'])
    g = jax.nn.relu(g @ p['Wgex2'].T + p['bgex2'])
    # copy-number (methy) branch
    c = jnp.tanh(copy_number_data @ p['Wmet1'].T + p['bmet1'])
    c = _bn(c, p['bnmet_g'], p['bnmet_b'])
    c = jax.nn.relu(c @ p['Wmet2'].T + p['bmet2'])
    x_cell = jnp.concatenate([x_mut, g, c], axis=1)
    x_cell = jax.nn.leaky_relu(x_cell @ p['Wcat'].T + p['bcat'], negative_slope=0.01)
    x_all = jnp.concatenate([x_cell, x_drug], axis=0)
    x_all = _bn(x_all, p['bnc_g'], p['bnc_b'])
    return x_all


def reference(epoch, epochs, drug_feature, drug_adj, ibatch, mutation_data, gexpr_data, copy_number_data, params):
    # epoch=0, epochs=100 -> CSV-saving branches are skipped (no side effects)
    row, col = drug_adj[0], drug_adj[1]
    return _forward(drug_feature, mutation_data, gexpr_data, copy_number_data, params, row, col, ibatch)

if __name__ == "__main__":
    import jax
    _d = setup_inputs()
    print(jax.jit(kernel)(*tuple(_d.values())))

</pallas_src>

<mosaic_0001>
#map = affine_map<(d0, d1) -> (0, 0)>
#map1 = affine_map<(d0, d1) -> (0, 0, 0)>
module attributes {stable_mosaic.version = 14 : i64} {
  func.func @agg(%arg0: i32, %arg1: i32, %arg2: memref<8x128xf32, #tpu.memory_space<hbm>>, %arg3: memref<32x125x80xi32, #tpu.memory_space<hbm>>, %arg4: memref<32x125x80xi32, #tpu.memory_space<hbm>>, %arg5: memref<2x10240x128xf32, #tpu.memory_space<hbm>>, %arg6: memref<10240x128xf32, #tpu.memory_space<vmem_shared>>, %arg7: memref<125x80xi32, #tpu.memory_space<vmem>>, %arg8: memref<125x80xi32, #tpu.memory_space<vmem>>, %arg9: memref<80x128xf32, #tpu.memory_space<vmem>>, %arg10: memref<16x128xf32, #tpu.memory_space<vmem>>, %arg11: memref<!tpu.dma_semaphore, #tpu.memory_space<semaphore_mem>>) attributes {dimension_semantics = [#tpu.dimension_semantics<core_parallel>, #tpu.dimension_semantics<subcore_parallel>], iteration_bounds = array<i64: 2, 16>, scalar_prefetch = 0 : i64, scratch_operands = 6 : i64, tpu.core_type = #tpu.core_type<sc_vector_subcore>, window_params = [{transform_indices = #map}, {transform_indices = #map1}, {transform_indices = #map1}, {transform_indices = #map1}]} {
    %mul3A = arith.constant 16 : i32
    %mul3A_0 = arith.muli %arg0, %mul3A : i32
    %add3A = arith.addi %mul3A_0, %arg1 : i32
    %broadcast_in_dim3A = arith.constant 0.000000e+00 : f32
    %broadcast_in_dim3A_1 = vector.broadcast %broadcast_in_dim3A : f32 to vector<16xf32>
    %scan3A = arith.constant 0 : i32
    %scan3A_2 = arith.constant 0 : i32
    %scan3A_3 = arith.constant 16 : i32
    %scan3A_4 = arith.addi %scan3A_2, %scan3A_3 : i32
    %scan3A_5 = arith.constant 1 : i32
    scf.for %scan3A_30 = %scan3A_2 to %scan3A_4 step %scan3A_5  : i32 {
      %scan3A_31 = arith.constant 0 : i32
      %scan3A_32 = arith.constant 8 : i32
      %scan3A_33 = arith.addi %scan3A_31, %scan3A_32 : i32
      %scan3A_34 = arith.constant 1 : i32
      scf.for %scan3A_36 = %scan3A_31 to %scan3A_33 step %scan3A_34  : i32 {
        %mul3A_37 = arith.constant 16 : i32
        %mul3A_38 = arith.muli %scan3A_36, %mul3A_37 : i32
        %swap3A = arith.index_cast %scan3A_30 : i32 to index
        %swap3A_39 = arith.index_cast %mul3A_38 : i32 to index
        %swap3A_40 = tpu.vector_load %arg10[%swap3A, %swap3A_39] {strides = array<i32>} : memref<16x128xf32, #tpu.memory_space<vmem>>, vector<1x16xf32>,
        %swap3A_41 = vector.shape_cast %swap3A_40 : vector<1x16xf32> to vector<16xf32>
        %swap3A_42 = vector.shape_cast %broadcast_in_dim3A_1 : vector<16xf32> to vector<1x16xf32>
        tpu.vector_store %arg10[%swap3A, %swap3A_39], %swap3A_42 {strides = array<i32>} : memref<16x128xf32, #tpu.memory_space<vmem>>, vector<1x16xf32>,
      }
      %scan3A_35 = arith.constant 8 : i32
    }
    %scan3A_6 = arith.constant 16 : i32
    %mul3A_7 = arith.constant 640 : i32
    %mul3A_8 = arith.muli %arg1, %mul3A_7 : i32
    %scan3A_9 = arith.constant 0 : i32
    %scan3A_10 = arith.constant 0 : i32
    %scan3A_11 = arith.constant 40 : i32
    %scan3A_12 = arith.addi %scan3A_10, %scan3A_11 : i32
    %scan3A_13 = arith.constant 1 : i32
    scf.for %scan3A_30 = %scan3A_10 to %scan3A_12 step %scan3A_13  : i32 {
      %mul3A_31 = arith.constant 16 : i32
      %mul3A_32 = arith.muli %scan3A_30, %mul3A_31 : i32
      %add3A_33 = arith.addi %mul3A_8, %mul3A_32 : i32
      "tpu.region"() ({
        %run_scoped3A = tpu.sem_alloc : memref<!tpu.dma_semaphore, #tpu.memory_space<semaphore_mem>>
        %dma_start3A = arith.constant 0 : i32
        %dma_start3A_34 = tpu.memref_slice %arg6[%add3A_33, %dma_start3A] : memref<10240x128xf32, #tpu.memory_space<vmem_shared>> -> memref<16x128xf32, #tpu.memory_space<vmem_shared>>
        %dma_start3A_35 = arith.constant 0 : i32
        %dma_start3A_36 = tpu.memref_slice %arg6[%add3A_33, %dma_start3A_35] : memref<10240x128xf32, #tpu.memory_space<vmem_shared>> -> memref<16x128xf32, #tpu.memory_space<vmem_shared>>
        tpu.enqueue_dma source(%arg10 : memref<16x128xf32, #tpu.memory_space<vmem>>) target(%dma_start3A_36 : memref<16x128xf32, #tpu.memory_space<vmem_shared>>) target_semaphore(%run_scoped3A : memref<!tpu.dma_semaphore, #tpu.memory_space<semaphore_mem>>)
        %dma_wait3A = arith.constant 0 : i32
        %dma_wait3A_37 = tpu.memref_slice %arg6[%add3A_33, %dma_wait3A] : memref<10240x128xf32, #tpu.memory_space<vmem_shared>> -> memref<16x128xf32, #tpu.memory_space<vmem_shared>>
        %dma_wait3A_38 = arith.constant 0 : i32
        %dma_wait3A_39 = tpu.memref_slice %arg6[%add3A_33, %dma_wait3A_38] : memref<10240x128xf32, #tpu.memory_space<vmem_shared>> -> memref<16x128xf32, #tpu.memory_space<vmem_shared>>
        tpu.wait_dma2 semaphore(%run_scoped3A : memref<!tpu.dma_semaphore, #tpu.memory_space<semaphore_mem>>) src(%arg10 : memref<16x128xf32, #tpu.memory_space<vmem>>) dst(%dma_wait3A_39 : memref<16x128xf32, #tpu.memory_space<vmem_shared>>)
        tpu.yield
      }) : () -> ()
    }
    %scan3A_14 = arith.constant 40 : i32
    %broadcast_in_dim3A_15 = arith.constant 1.000000e+00 : f32
    %broadcast_in_dim3A_16 = vector.broadcast %broadcast_in_dim3A_15 : f32 to vector<16xf32>
    %scan3A_17 = arith.constant 0 : i32
    %scan3A_18 = arith.constant 0 : i32
    %scan3A_19 = arith.constant 80 : i32
    %scan3A_20 = arith.addi %scan3A_18, %scan3A_19 : i32
    %scan3A_21 = arith.constant 1 : i32
    scf.for %scan3A_30 = %scan3A_18 to %scan3A_20 step %scan3A_21  : i32 {
      %scan3A_31 = arith.constant 0 : i32
      %scan3A_32 = arith.constant 8 : i32
      %scan3A_33 = arith.addi %scan3A_31, %scan3A_32 : i32
      %scan3A_34 = arith.constant 1 : i32
      scf.for %scan3A_36 = %scan3A_31 to %scan3A_33 step %scan3A_34  : i32 {
        %mul3A_37 = arith.constant 16 : i32
        %mul3A_38 = arith.muli %scan3A_36, %mul3A_37 : i32
        %swap3A = arith.index_cast %scan3A_30 : i32 to index
        %swap3A_39 = arith.index_cast %mul3A_38 : i32 to index
        %swap3A_40 = tpu.vector_load %arg9[%swap3A, %swap3A_39] {strides = array<i32>} : memref<80x128xf32, #tpu.memory_space<vmem>>, vector<1x16xf32>,
        %swap3A_41 = vector.shape_cast %swap3A_40 : vector<1x16xf32> to vector<16xf32>
        %swap3A_42 = vector.shape_cast %broadcast_in_dim3A_16 : vector<16xf32> to vector<1x16xf32>
        tpu.vector_store %arg9[%swap3A, %swap3A_39], %swap3A_42 {strides = array<i32>} : memref<80x128xf32, #tpu.memory_space<vmem>>, vector<1x16xf32>,
      }
      %scan3A_35 = arith.constant 8 : i32
    }
    %scan3A_22 = arith.constant 80 : i32
    "tpu.region"() ({
      %run_scoped3A = tpu.sem_alloc : memref<!tpu.dma_semaphore, #tpu.memory_space<semaphore_mem>>
      %dma_start3A = arith.constant 0 : i32
      %dma_start3A_30 = arith.constant 0 : i32
      %dma_start3A_31 = tpu.memref_slice %arg4[%add3A, %dma_start3A, %dma_start3A_30] : memref<32x125x80xi32, #tpu.memory_space<hbm>> -> memref<1x125x80xi32, #tpu.memory_space<hbm>>
      %dma_start3A_32 = tpu.memref_squeeze %dma_start3A_31 : memref<1x125x80xi32, #tpu.memory_space<hbm>> -> memref<125x80xi32, #tpu.memory_space<hbm>>
      %dma_start3A_33 = arith.constant 0 : i32
      %dma_start3A_34 = arith.constant 0 : i32
      %dma_start3A_35 = tpu.memref_slice %arg4[%add3A, %dma_start3A_33, %dma_start3A_34] : memref<32x125x80xi32, #tpu.memory_space<hbm>> -> memref<1x125x80xi32, #tpu.memory_space<hbm>>
      %dma_start3A_36 = tpu.memref_squeeze %dma_start3A_35 : memref<1x125x80xi32, #tpu.memory_space<hbm>> -> memref<125x80xi32, #tpu.memory_space<hbm>>
      tpu.enqueue_dma source(%dma_start3A_36 : memref<125x80xi32, #tpu.memory_space<hbm>>) target(%arg8 : memref<125x80xi32, #tpu.memory_space<vmem>>) target_semaphore(%run_scoped3A : memref<!tpu.dma_semaphore, #tpu.memory_space<semaphore_mem>>)
      %dma_wait3A = arith.constant 0 : i32
      %dma_wait3A_37 = arith.constant 0 : i32
      %dma_wait3A_38 = tpu.memref_slice %arg4[%add3A, %dma_wait3A, %dma_wait3A_37] : memref<32x125x80xi32, #tpu.memory_space<hbm>> -> memref<1x125x80xi32, #tpu.memory_space<hbm>>
      %dma_wait3A_39 = tpu.memref_squeeze %dma_wait3A_38 : memref<1x125x80xi32, #tpu.memory_space<hbm>> -> memref<125x80xi32, #tpu.memory_space<hbm>>
      %dma_wait3A_40 = arith.constant 0 : i32
      %dma_wait3A_41 = arith.constant 0 : i32
      %dma_wait3A_42 = tpu.memref_slice %arg4[%add3A, %dma_wait3A_40, %dma_wait3A_41] : memref<32x125x80xi32, #tpu.memory_space<hbm>> -> memref<1x125x80xi32, #tpu.memory_space<hbm>>
      %dma_wait3A_43 = tpu.memref_squeeze %dma_wait3A_42 : memref<1x125x80xi32, #tpu.memory_space<hbm>> -> memref<125x80xi32, #tpu.memory_space<hbm>>
      tpu.wait_dma2 semaphore(%run_scoped3A : memref<!tpu.dma_semaphore, #tpu.memory_space<semaphore_mem>>) src(%dma_wait3A_43 : memref<125x80xi32, #tpu.memory_space<hbm>>) dst(%arg8 : memref<125x80xi32, #tpu.memory_space<vmem>>)
      tpu.yield
    }) : () -> ()
    %barrier3A = arith.constant 0 : index
    tpu.barrier barrier_id(%barrier3A)
    %scan3A_23 = arith.constant 0 : i32
    %scan3A_24 = arith.constant 0 : i32
    %scan3A_25 = arith.constant 125 : i32
    %scan3A_26 = arith.addi %scan3A_24, %scan3A_25 : i32
    %scan3A_27 = arith.constant 1 : i32
    scf.for %scan3A_30 = %scan3A_24 to %scan3A_26 step %scan3A_27  : i32 {
      "tpu.region"() ({
        %run_scoped3A = tpu.sem_alloc : memref<!tpu.dma_semaphore, #tpu.memory_space<semaphore_mem>>
        %dma_start3A = arith.constant 0 : i32
        %dma_start3A_31 = tpu.memref_slice %arg8[%scan3A_30, %dma_start3A] : memref<125x80xi32, #tpu.memory_space<vmem>> -> memref<1x80xi32, #tpu.memory_space<vmem>>
        %dma_start3A_32 = tpu.memref_squeeze %dma_start3A_31 : memref<1x80xi32, #tpu.memory_space<vmem>> -> memref<80xi32, #tpu.memory_space<vmem>>
        %dma_start3A_33 = arith.constant 0 : i32
        %dma_start3A_34 = arith.constant 0 : i32
        %dma_start3A_35 = tpu.memref_slice %arg6[%dma_start3A_33, %dma_start3A_34] : memref<10240x128xf32, #tpu.memory_space<vmem_shared>> -> memref<10240x128xf32, #tpu.memory_space<vmem_shared>>
        tpu.enqueue_indirect_dma source(%arg9 : memref<80x128xf32, #tpu.memory_space<vmem>>) target(%dma_start3A_35 : memref<10240x128xf32, #tpu.memory_space<vmem_shared>>) offsets(%dma_start3A_32 : memref<80xi32, #tpu.memory_space<vmem>>) semaphore(%run_scoped3A : memref<!tpu.dma_semaphore, #tpu.memory_space<semaphore_mem>>) {add = true}
        %dma_wait3A = arith.constant 0 : i32
        %dma_wait3A_36 = tpu.memref_slice %arg8[%scan3A_30, %dma_wait3A] : memref<125x80xi32, #tpu.memory_space<vmem>> -> memref<1x80xi32, #tpu.memory_space<vmem>>
        %dma_wait3A_37 = tpu.memref_squeeze %dma_wait3A_36 : memref<1x80xi32, #tpu.memory_space<vmem>> -> memref<80xi32, #tpu.memory_space<vmem>>
        %dma_wait3A_38 = arith.constant 0 : i32
        %dma_wait3A_39 = arith.constant 0 : i32
        %dma_wait3A_40 = tpu.memref_slice %arg6[%dma_wait3A_38, %dma_wait3A_39] : memref<10240x128xf32, #tpu.memory_space<vmem_shared>> -> memref<10240x128xf32, #tpu.memory_space<vmem_shared>>
        tpu.wait_indirect_dma semaphore(%run_scoped3A : memref<!tpu.dma_semaphore, #tpu.memory_space<semaphore_mem>>) src(%arg9 : memref<80x128xf32, #tpu.memory_space<vmem>>) dst(%dma_wait3A_40 : memref<10240x128xf32, #tpu.memory_space<vmem_shared>>)
        tpu.yield
      }) : () -> ()
    }
    %scan3A_28 = arith.constant 125 : i32
    %barrier3A_29 = arith.constant 0 : index
    tpu.barrier barrier_id(%barrier3A_29)
    "tpu.region"() ({
      %run_scoped3A = tpu.sem_alloc : memref<!tpu.dma_semaphore, #tpu.memory_space<semaphore_mem>>
      %dma_start3A = arith.constant 0 : i32
      %dma_start3A_30 = tpu.memref_slice %arg5[%arg0, %mul3A_8, %dma_start3A] : memref<2x10240x128xf32, #tpu.memory_space<hbm>> -> memref<1x640x128xf32, #tpu.memory_space<hbm>>
      %dma_start3A_31 = tpu.memref_squeeze %dma_start3A_30 : memref<1x640x128xf32, #tpu.memory_space<hbm>> -> memref<640x128xf32, #tpu.memory_space<hbm>>
      %dma_start3A_32 = arith.constant 0 : i32
      %dma_start3A_33 = tpu.memref_slice %arg6[%mul3A_8, %dma_start3A_32] : memref<10240x128xf32, #tpu.memory_space<vmem_shared>> -> memref<640x128xf32, #tpu.memory_space<vmem_shared>>
      tpu.enqueue_dma source(%dma_start3A_33 : memref<640x128xf32, #tpu.memory_space<vmem_shared>>) target(%dma_start3A_31 : memref<640x128xf32, #tpu.memory_space<hbm>>) target_semaphore(%run_scoped3A : memref<!tpu.dma_semaphore, #tpu.memory_space<semaphore_mem>>)
      %dma_wait3A = arith.constant 0 : i32
      %dma_wait3A_34 = tpu.memref_slice %arg5[%arg0, %mul3A_8, %dma_wait3A] : memref<2x10240x128xf32, #tpu.memory_space<hbm>> -> memref<1x640x128xf32, #tpu.memory_space<hbm>>
      %dma_wait3A_35 = tpu.memref_squeeze %dma_wait3A_34 : memref<1x640x128xf32, #tpu.memory_space<hbm>> -> memref<640x128xf32, #tpu.memory_space<hbm>>
      %dma_wait3A_36 = arith.constant 0 : i32
      %dma_wait3A_37 = tpu.memref_slice %arg6[%mul3A_8, %dma_wait3A_36] : memref<10240x128xf32, #tpu.memory_space<vmem_shared>> -> memref<640x128xf32, #tpu.memory_space<vmem_shared>>
      tpu.wait_dma2 semaphore(%run_scoped3A : memref<!tpu.dma_semaphore, #tpu.memory_space<semaphore_mem>>) src(%dma_wait3A_37 : memref<640x128xf32, #tpu.memory_space<vmem_shared>>) dst(%dma_wait3A_35 : memref<640x128xf32, #tpu.memory_space<hbm>>)
      tpu.yield
    }) : () -> ()
    return
  }
}

#map = affine_map<(d0, d1) -> (0, 0)>
#map1 = affine_map<(d0, d1) -> (0, 0, 0)>
module attributes {stable_mosaic.version = 14 : i64} {
  func.func @agg(%arg0: i32, %arg1: i32, %arg2: memref<10000x128xf32, #tpu.memory_space<hbm>>, %arg3: memref<32x125x80xi32, #tpu.memory_space<hbm>>, %arg4: memref<32x125x80xi32, #tpu.memory_space<hbm>>, %arg5: memref<2x10240x128xf32, #tpu.memory_space<hbm>>, %arg6: memref<10240x128xf32, #tpu.memory_space<vmem_shared>>, %arg7: memref<125x80xi32, #tpu.memory_space<vmem>>, %arg8: memref<125x80xi32, #tpu.memory_space<vmem>>, %arg9: memref<80x128xf32, #tpu.memory_space<vmem>>, %arg10: memref<16x128xf32, #tpu.memory_space<vmem>>, %arg11: memref<!tpu.dma_semaphore, #tpu.memory_space<semaphore_mem>>) attributes {dimension_semantics = [#tpu.dimension_semantics<core_parallel>, #tpu.dimension_semantics<subcore_parallel>], iteration_bounds = array<i64: 2, 16>, scalar_prefetch = 0 : i64, scratch_operands = 6 : i64, tpu.core_type = #tpu.core_type<sc_vector_subcore>, window_params = [{transform_indices = #map}, {transform_indices = #map1}, {transform_indices = #map1}, {transform_indices = #map1}]} {
    %mul3A = arith.constant 16 : i32
    %mul3A_0 = arith.muli %arg0, %mul3A : i32
    %add3A = arith.addi %mul3A_0, %arg1 : i32
    %broadcast_in_dim3A = arith.constant 0.000000e+00 : f32
    %broadcast_in_dim3A_1 = vector.broadcast %broadcast_in_dim3A : f32 to vector<16xf32>
    %scan3A = arith.constant 0 : i32
    %scan3A_2 = arith.constant 0 : i32
    %scan3A_3 = arith.constant 16 : i32
    %scan3A_4 = arith.addi %scan3A_2, %scan3A_3 : i32
    %scan3A_5 = arith.constant 1 : i32
    scf.for %scan3A_22 = %scan3A_2 to %scan3A_4 step %scan3A_5  : i32 {
      %scan3A_23 = arith.constant 0 : i32
      %scan3A_24 = arith.constant 8 : i32
      %scan3A_25 = arith.addi %scan3A_23, %scan3A_24 : i32
      %scan3A_26 = arith.constant 1 : i32
      scf.for %scan3A_28 = %scan3A_23 to %scan3A_25 step %scan3A_26  : i32 {
        %mul3A_29 = arith.constant 16 : i32
        %mul3A_30 = arith.muli %scan3A_28, %mul3A_29 : i32
        %swap3A = arith.index_cast %scan3A_22 : i32 to index
        %swap3A_31 = arith.index_cast %mul3A_30 : i32 to index
        %swap3A_32 = tpu.vector_load %arg10[%swap3A, %swap3A_31] {strides = array<i32>} : memref<16x128xf32, #tpu.memory_space<vmem>>, vector<1x16xf32>,
        %swap3A_33 = vector.shape_cast %swap3A_32 : vector<1x16xf32> to vector<16xf32>
        %swap3A_34 = vector.shape_cast %broadcast_in_dim3A_1 : vector<16xf32> to vector<1x16xf32>
        tpu.vector_store %arg10[%swap3A, %swap3A_31], %swap3A_34 {strides = array<i32>} : memref<16x128xf32, #tpu.memory_space<vmem>>, vector<1x16xf32>,
      }
      %scan3A_27 = arith.constant 8 : i32
    }
    %scan3A_6 = arith.constant 16 : i32
    %mul3A_7 = arith.constant 640 : i32
    %mul3A_8 = arith.muli %arg1, %mul3A_7 : i32
    %scan3A_9 = arith.constant 0 : i32
    %scan3A_10 = arith.constant 0 : i32
    %scan3A_11 = arith.constant 40 : i32
    %scan3A_12 = arith.addi %scan3A_10, %scan3A_11 : i32
    %scan3A_13 = arith.constant 1 : i32
    scf.for %scan3A_22 = %scan3A_10 to %scan3A_12 step %scan3A_13  : i32 {
      %mul3A_23 = arith.constant 16 : i32
      %mul3A_24 = arith.muli %scan3A_22, %mul3A_23 : i32
      %add3A_25 = arith.addi %mul3A_8, %mul3A_24 : i32
      "tpu.region"() ({
        %run_scoped3A = tpu.sem_alloc : memref<!tpu.dma_semaphore, #tpu.memory_space<semaphore_mem>>
        %dma_start3A = arith.constant 0 : i32
        %dma_start3A_26 = tpu.memref_slice %arg6[%add3A_25, %dma_start3A] : memref<10240x128xf32, #tpu.memory_space<vmem_shared>> -> memref<16x128xf32, #tpu.memory_space<vmem_shared>>
        %dma_start3A_27 = arith.constant 0 : i32
        %dma_start3A_28 = tpu.memref_slice %arg6[%add3A_25, %dma_start3A_27] : memref<10240x128xf32, #tpu.memory_space<vmem_shared>> -> memref<16x128xf32, #tpu.memory_space<vmem_shared>>
        tpu.enqueue_dma source(%arg10 : memref<16x128xf32, #tpu.memory_space<vmem>>) target(%dma_start3A_28 : memref<16x128xf32, #tpu.memory_space<vmem_shared>>) target_semaphore(%run_scoped3A : memref<!tpu.dma_semaphore, #tpu.memory_space<semaphore_mem>>)
        %dma_wait3A = arith.constant 0 : i32
        %dma_wait3A_29 = tpu.memref_slice %arg6[%add3A_25, %dma_wait3A] : memref<10240x128xf32, #tpu.memory_space<vmem_shared>> -> memref<16x128xf32, #tpu.memory_space<vmem_shared>>
        %dma_wait3A_30 = arith.constant 0 : i32
        %dma_wait3A_31 = tpu.memref_slice %arg6[%add3A_25, %dma_wait3A_30] : memref<10240x128xf32, #tpu.memory_space<vmem_shared>> -> memref<16x128xf32, #tpu.memory_space<vmem_shared>>
        tpu.wait_dma2 semaphore(%run_scoped3A : memref<!tpu.dma_semaphore, #tpu.memory_space<semaphore_mem>>) src(%arg10 : memref<16x128xf32, #tpu.memory_space<vmem>>) dst(%dma_wait3A_31 : memref<16x128xf32, #tpu.memory_space<vmem_shared>>)
        tpu.yield
      }) : () -> ()
    }
    %scan3A_14 = arith.constant 40 : i32
    "tpu.region"() ({
      %run_scoped3A = tpu.sem_alloc : memref<!tpu.dma_semaphore, #tpu.memory_space<semaphore_mem>>
      %dma_start3A = arith.constant 0 : i32
      %dma_start3A_22 = arith.constant 0 : i32
      %dma_start3A_23 = tpu.memref_slice %arg3[%add3A, %dma_start3A, %dma_start3A_22] : memref<32x125x80xi32, #tpu.memory_space<hbm>> -> memref<1x125x80xi32, #tpu.memory_space<hbm>>
      %dma_start3A_24 = tpu.memref_squeeze %dma_start3A_23 : memref<1x125x80xi32, #tpu.memory_space<hbm>> -> memref<125x80xi32, #tpu.memory_space<hbm>>
      %dma_start3A_25 = arith.constant 0 : i32
      %dma_start3A_26 = arith.constant 0 : i32
      %dma_start3A_27 = tpu.memref_slice %arg3[%add3A, %dma_start3A_25, %dma_start3A_26] : memref<32x125x80xi32, #tpu.memory_space<hbm>> -> memref<1x125x80xi32, #tpu.memory_space<hbm>>
      %dma_start3A_28 = tpu.memref_squeeze %dma_start3A_27 : memref<1x125x80xi32, #tpu.memory_space<hbm>> -> memref<125x80xi32, #tpu.memory_space<hbm>>
      tpu.enqueue_dma source(%dma_start3A_28 : memref<125x80xi32, #tpu.memory_space<hbm>>) target(%arg7 : memref<125x80xi32, #tpu.memory_space<vmem>>) target_semaphore(%run_scoped3A : memref<!tpu.dma_semaphore, #tpu.memory_space<semaphore_mem>>)
      %dma_wait3A = arith.constant 0 : i32
      %dma_wait3A_29 = arith.constant 0 : i32
      %dma_wait3A_30 = tpu.memref_slice %arg3[%add3A, %dma_wait3A, %dma_wait3A_29] : memref<32x125x80xi32, #tpu.memory_space<hbm>> -> memref<1x125x80xi32, #tpu.memory_space<hbm>>
      %dma_wait3A_31 = tpu.memref_squeeze %dma_wait3A_30 : memref<1x125x80xi32, #tpu.memory_space<hbm>> -> memref<125x80xi32, #tpu.memory_space<hbm>>
      %dma_wait3A_32 = arith.constant 0 : i32
      %dma_wait3A_33 = arith.constant 0 : i32
      %dma_wait3A_34 = tpu.memref_slice %arg3[%add3A, %dma_wait3A_32, %dma_wait3A_33] : memref<32x125x80xi32, #tpu.memory_space<hbm>> -> memref<1x125x80xi32, #tpu.memory_space<hbm>>
      %dma_wait3A_35 = tpu.memref_squeeze %dma_wait3A_34 : memref<1x125x80xi32, #tpu.memory_space<hbm>> -> memref<125x80xi32, #tpu.memory_space<hbm>>
      tpu.wait_dma2 semaphore(%run_scoped3A : memref<!tpu.dma_semaphore, #tpu.memory_space<semaphore_mem>>) src(%dma_wait3A_35 : memref<125x80xi32, #tpu.memory_space<hbm>>) dst(%arg7 : memref<125x80xi32, #tpu.memory_space<vmem>>)
      tpu.yield
    }) : () -> ()
    "tpu.region"() ({
      %run_scoped3A = tpu.sem_alloc : memref<!tpu.dma_semaphore, #tpu.memory_space<semaphore_mem>>
      %dma_start3A = arith.constant 0 : i32
      %dma_start3A_22 = arith.constant 0 : i32
      %dma_start3A_23 = tpu.memref_slice %arg4[%add3A, %dma_start3A, %dma_start3A_22] : memref<32x125x80xi32, #tpu.memory_space<hbm>> -> memref<1x125x80xi32, #tpu.memory_space<hbm>>
      %dma_start3A_24 = tpu.memref_squeeze %dma_start3A_23 : memref<1x125x80xi32, #tpu.memory_space<hbm>> -> memref<125x80xi32, #tpu.memory_space<hbm>>
      %dma_start3A_25 = arith.constant 0 : i32
      %dma_start3A_26 = arith.constant 0 : i32
      %dma_start3A_27 = tpu.memref_slice %arg4[%add3A, %dma_start3A_25, %dma_start3A_26] : memref<32x125x80xi32, #tpu.memory_space<hbm>> -> memref<1x125x80xi32, #tpu.memory_space<hbm>>
      %dma_start3A_28 = tpu.memref_squeeze %dma_start3A_27 : memref<1x125x80xi32, #tpu.memory_space<hbm>> -> memref<125x80xi32, #tpu.memory_space<hbm>>
      tpu.enqueue_dma source(%dma_start3A_28 : memref<125x80xi32, #tpu.memory_space<hbm>>) target(%arg8 : memref<125x80xi32, #tpu.memory_space<vmem>>) target_semaphore(%run_scoped3A : memref<!tpu.dma_semaphore, #tpu.memory_space<semaphore_mem>>)
      %dma_wait3A = arith.constant 0 : i32
      %dma_wait3A_29 = arith.constant 0 : i32
      %dma_wait3A_30 = tpu.memref_slice %arg4[%add3A, %dma_wait3A, %dma_wait3A_29] : memref<32x125x80xi32, #tpu.memory_space<hbm>> -> memref<1x125x80xi32, #tpu.memory_space<hbm>>
      %dma_wait3A_31 = tpu.memref_squeeze %dma_wait3A_30 : memref<1x125x80xi32, #tpu.memory_space<hbm>> -> memref<125x80xi32, #tpu.memory_space<hbm>>
      %dma_wait3A_32 = arith.constant 0 : i32
      %dma_wait3A_33 = arith.constant 0 : i32
      %dma_wait3A_34 = tpu.memref_slice %arg4[%add3A, %dma_wait3A_32, %dma_wait3A_33] : memref<32x125x80xi32, #tpu.memory_space<hbm>> -> memref<1x125x80xi32, #tpu.memory_space<hbm>>
      %dma_wait3A_35 = tpu.memref_squeeze %dma_wait3A_34 : memref<1x125x80xi32, #tpu.memory_space<hbm>> -> memref<125x80xi32, #tpu.memory_space<hbm>>
      tpu.wait_dma2 semaphore(%run_scoped3A : memref<!tpu.dma_semaphore, #tpu.memory_space<semaphore_mem>>) src(%dma_wait3A_35 : memref<125x80xi32, #tpu.memory_space<hbm>>) dst(%arg8 : memref<125x80xi32, #tpu.memory_space<vmem>>)
      tpu.yield
    }) : () -> ()
    %barrier3A = arith.constant 0 : index
    tpu.barrier barrier_id(%barrier3A)
    %scan3A_15 = arith.constant 0 : i32
    %scan3A_16 = arith.constant 0 : i32
    %scan3A_17 = arith.constant 125 : i32
    %scan3A_18 = arith.addi %scan3A_16, %scan3A_17 : i32
    %scan3A_19 = arith.constant 1 : i32
    scf.for %scan3A_22 = %scan3A_16 to %scan3A_18 step %scan3A_19  : i32 {
      %dma_start3A = arith.constant 0 : i32
      %dma_start3A_23 = tpu.memref_slice %arg7[%scan3A_22, %dma_start3A] : memref<125x80xi32, #tpu.memory_space<vmem>> -> memref<1x80xi32, #tpu.memory_space<vmem>>
      %dma_start3A_24 = tpu.memref_squeeze %dma_start3A_23 : memref<1x80xi32, #tpu.memory_space<vmem>> -> memref<80xi32, #tpu.memory_space<vmem>>
      %dma_start3A_25 = arith.constant 0 : i32
      %dma_start3A_26 = arith.constant 0 : i32
      %dma_start3A_27 = tpu.memref_slice %arg2[%dma_start3A_25, %dma_start3A_26] : memref<10000x128xf32, #tpu.memory_space<hbm>> -> memref<10000x128xf32, #tpu.memory_space<hbm>>
      tpu.enqueue_indirect_dma source(%dma_start3A_27 : memref<10000x128xf32, #tpu.memory_space<hbm>>) target(%arg9 : memref<80x128xf32, #tpu.memory_space<vmem>>) offsets(%dma_start3A_24 : memref<80xi32, #tpu.memory_space<vmem>>) semaphore(%arg11 : memref<!tpu.dma_semaphore, #tpu.memory_space<semaphore_mem>>)
      %dma_wait3A = arith.constant 0 : i32
      %dma_wait3A_28 = tpu.memref_slice %arg7[%scan3A_22, %dma_wait3A] : memref<125x80xi32, #tpu.memory_space<vmem>> -> memref<1x80xi32, #tpu.memory_space<vmem>>
      %dma_wait3A_29 = tpu.memref_squeeze %dma_wait3A_28 : memref<1x80xi32, #tpu.memory_space<vmem>> -> memref<80xi32, #tpu.memory_space<vmem>>
      %dma_wait3A_30 = arith.constant 0 : i32
      %dma_wait3A_31 = arith.constant 0 : i32
      %dma_wait3A_32 = tpu.memref_slice %arg2[%dma_wait3A_30, %dma_wait3A_31] : memref<10000x128xf32, #tpu.memory_space<hbm>> -> memref<10000x128xf32, #tpu.memory_space<hbm>>
      tpu.wait_indirect_dma semaphore(%arg11 : memref<!tpu.dma_semaphore, #tpu.memory_space<semaphore_mem>>) src(%dma_wait3A_32 : memref<10000x128xf32, #tpu.memory_space<hbm>>) dst(%arg9 : memref<80x128xf32, #tpu.memory_space<vmem>>)
      "tpu.region"() ({
        %run_scoped3A = tpu.sem_alloc : memref<!tpu.dma_semaphore, #tpu.memory_space<semaphore_mem>>
        %dma_start3A_33 = arith.constant 0 : i32
        %dma_start3A_34 = tpu.memref_slice %arg8[%scan3A_22, %dma_start3A_33] : memref<125x80xi32, #tpu.memory_space<vmem>> -> memref<1x80xi32, #tpu.memory_space<vmem>>
        %dma_start3A_35 = tpu.memref_squeeze %dma_start3A_34 : memref<1x80xi32, #tpu.memory_space<vmem>> -> memref<80xi32, #tpu.memory_space<vmem>>
        %dma_start3A_36 = arith.constant 0 : i32
        %dma_start3A_37 = arith.constant 0 : i32
        %dma_start3A_38 = tpu.memref_slice %arg6[%dma_start3A_36, %dma_start3A_37] : memref<10240x128xf32, #tpu.memory_space<vmem_shared>> -> memref<10240x128xf32, #tpu.memory_space<vmem_shared>>
        tpu.enqueue_indirect_dma source(%arg9 : memref<80x128xf32, #tpu.memory_space<vmem>>) target(%dma_start3A_38 : memref<10240x128xf32, #tpu.memory_space<vmem_shared>>) offsets(%dma_start3A_35 : memref<80xi32, #tpu.memory_space<vmem>>) semaphore(%run_scoped3A : memref<!tpu.dma_semaphore, #tpu.memory_space<semaphore_mem>>) {add = true}
        %dma_wait3A_39 = arith.constant 0 : i32
        %dma_wait3A_40 = tpu.memref_slice %arg8[%scan3A_22, %dma_wait3A_39] : memref<125x80xi32, #tpu.memory_space<vmem>> -> memref<1x80xi32, #tpu.memory_space<vmem>>
        %dma_wait3A_41 = tpu.memref_squeeze %dma_wait3A_40 : memref<1x80xi32, #tpu.memory_space<vmem>> -> memref<80xi32, #tpu.memory_space<vmem>>
        %dma_wait3A_42 = arith.constant 0 : i32
        %dma_wait3A_43 = arith.constant 0 : i32
        %dma_wait3A_44 = tpu.memref_slice %arg6[%dma_wait3A_42, %dma_wait3A_43] : memref<10240x128xf32, #tpu.memory_space<vmem_shared>> -> memref<10240x128xf32, #tpu.memory_space<vmem_shared>>
        tpu.wait_indirect_dma semaphore(%run_scoped3A : memref<!tpu.dma_semaphore, #tpu.memory_space<semaphore_mem>>) src(%arg9 : memref<80x128xf32, #tpu.memory_space<vmem>>) dst(%dma_wait3A_44 : memref<10240x128xf32, #tpu.memory_space<vmem_shared>>)
        tpu.yield
      }) : () -> ()
    }
    %scan3A_20 = arith.constant 125 : i32
    %barrier3A_21 = arith.constant 0 : index
    tpu.barrier barrier_id(%barrier3A_21)
    "tpu.region"() ({
      %run_scoped3A = tpu.sem_alloc : memref<!tpu.dma_semaphore, #tpu.memory_space<semaphore_mem>>
      %dma_start3A = arith.constant 0 : i32
      %dma_start3A_22 = tpu.memref_slice %arg5[%arg0, %mul3A_8, %dma_start3A] : memref<2x10240x128xf32, #tpu.memory_space<hbm>> -> memref<1x640x128xf32, #tpu.memory_space<hbm>>
      %dma_start3A_23 = tpu.memref_squeeze %dma_start3A_22 : memref<1x640x128xf32, #tpu.memory_space<hbm>> -> memref<640x128xf32, #tpu.memory_space<hbm>>
      %dma_start3A_24 = arith.constant 0 : i32
      %dma_start3A_25 = tpu.memref_slice %arg6[%mul3A_8, %dma_start3A_24] : memref<10240x128xf32, #tpu.memory_space<vmem_shared>> -> memref<640x128xf32, #tpu.memory_space<vmem_shared>>
      tpu.enqueue_dma source(%dma_start3A_25 : memref<640x128xf32, #tpu.memory_space<vmem_shared>>) target(%dma_start3A_23 : memref<640x128xf32, #tpu.memory_space<hbm>>) target_semaphore(%run_scoped3A : memref<!tpu.dma_semaphore, #tpu.memory_space<semaphore_mem>>)
      %dma_wait3A = arith.constant 0 : i32
      %dma_wait3A_26 = tpu.memref_slice %arg5[%arg0, %mul3A_8, %dma_wait3A] : memref<2x10240x128xf32, #tpu.memory_space<hbm>> -> memref<1x640x128xf32, #tpu.memory_space<hbm>>
      %dma_wait3A_27 = tpu.memref_squeeze %dma_wait3A_26 : memref<1x640x128xf32, #tpu.memory_space<hbm>> -> memref<640x128xf32, #tpu.memory_space<hbm>>
      %dma_wait3A_28 = arith.constant 0 : i32
      %dma_wait3A_29 = tpu.memref_slice %arg6[%mul3A_8, %dma_wait3A_28] : memref<10240x128xf32, #tpu.memory_space<vmem_shared>> -> memref<640x128xf32, #tpu.memory_space<vmem_shared>>
      tpu.wait_dma2 semaphore(%run_scoped3A : memref<!tpu.dma_semaphore, #tpu.memory_space<semaphore_mem>>) src(%dma_wait3A_29 : memref<640x128xf32, #tpu.memory_space<vmem_shared>>) dst(%dma_wait3A_27 : memref<640x128xf32, #tpu.memory_space<hbm>>)
      tpu.yield
    }) : () -> ()
    return
  }
}

#map = affine_map<(d0, d1) -> (0, 0)>
#map1 = affine_map<(d0, d1) -> (0, 0, 0)>
module attributes {stable_mosaic.version = 14 : i64} {
  func.func @agg(%arg0: i32, %arg1: i32, %arg2: memref<10000x128xf32, #tpu.memory_space<hbm>>, %arg3: memref<32x125x80xi32, #tpu.memory_space<hbm>>, %arg4: memref<32x125x80xi32, #tpu.memory_space<hbm>>, %arg5: memref<2x10240x128xf32, #tpu.memory_space<hbm>>, %arg6: memref<10240x128xf32, #tpu.memory_space<vmem_shared>>, %arg7: memref<125x80xi32, #tpu.memory_space<vmem>>, %arg8: memref<125x80xi32, #tpu.memory_space<vmem>>, %arg9: memref<80x128xf32, #tpu.memory_space<vmem>>, %arg10: memref<16x128xf32, #tpu.memory_space<vmem>>, %arg11: memref<!tpu.dma_semaphore, #tpu.memory_space<semaphore_mem>>) attributes {dimension_semantics = [#tpu.dimension_semantics<core_parallel>, #tpu.dimension_semantics<subcore_parallel>], iteration_bounds = array<i64: 2, 16>, scalar_prefetch = 0 : i64, scratch_operands = 6 : i64, tpu.core_type = #tpu.core_type<sc_vector_subcore>, window_params = [{transform_indices = #map}, {transform_indices = #map1}, {transform_indices = #map1}, {transform_indices = #map1}]} {
    %mul3A = arith.constant 16 : i32
    %mul3A_0 = arith.muli %arg0, %mul3A : i32
    %add3A = arith.addi %mul3A_0, %arg1 : i32
    %broadcast_in_dim3A = arith.constant 0.000000e+00 : f32
    %broadcast_in_dim3A_1 = vector.broadcast %broadcast_in_dim3A : f32 to vector<16xf32>
    %scan3A = arith.constant 0 : i32
    %scan3A_2 = arith.constant 0 : i32
    %scan3A_3 = arith.constant 16 : i32
    %scan3A_4 = arith.addi %scan3A_2, %scan3A_3 : i32
    %scan3A_5 = arith.constant 1 : i32
    scf.for %scan3A_22 = %scan3A_2 to %scan3A_4 step %scan3A_5  : i32 {
      %scan3A_23 = arith.constant 0 : i32
      %scan3A_24 = arith.constant 8 : i32
      %scan3A_25 = arith.addi %scan3A_23, %scan3A_24 : i32
      %scan3A_26 = arith.constant 1 : i32
      scf.for %scan3A_28 = %scan3A_23 to %scan3A_25 step %scan3A_26  : i32 {
        %mul3A_29 = arith.constant 16 : i32
        %mul3A_30 = arith.muli %scan3A_28, %mul3A_29 : i32
        %swap3A = arith.index_cast %scan3A_22 : i32 to index
        %swap3A_31 = arith.index_cast %mul3A_30 : i32 to index
        %swap3A_32 = tpu.vector_load %arg10[%swap3A, %swap3A_31] {strides = array<i32>} : memref<16x128xf32, #tpu.memory_space<vmem>>, vector<1x16xf32>,
        %swap3A_33 = vector.shape_cast %swap3A_32 : vector<1x16xf32> to vector<16xf32>
        %swap3A_34 = vector.shape_cast %broadcast_in_dim3A_1 : vector<16xf32> to vector<1x16xf32>
        tpu.vector_store %arg10[%swap3A, %swap3A_31], %swap3A_34 {strides = array<i32>} : memref<16x128xf32, #tpu.memory_space<vmem>>, vector<1x16xf32>,
      }
      %scan3A_27 = arith.constant 8 : i32
    }
    %scan3A_6 = arith.constant 16 : i32
    %mul3A_7 = arith.constant 640 : i32
    %mul3A_8 = arith.muli %arg1, %mul3A_7 : i32
    %scan3A_9 = arith.constant 0 : i32
    %scan3A_10 = arith.constant 0 : i32
    %scan3A_11 = arith.constant 40 : i32
    %scan3A_12 = arith.addi %scan3A_10, %scan3A_11 : i32
    %scan3A_13 = arith.constant 1 : i32
    scf.for %scan3A_22 = %scan3A_10 to %scan3A_12 step %scan3A_13  : i32 {
      %mul3A_23 = arith.constant 16 : i32
      %mul3A_24 = arith.muli %scan3A_22, %mul3A_23 : i32
      %add3A_25 = arith.addi %mul3A_8, %mul3A_24 : i32
      "tpu.region"() ({
        %run_scoped3A = tpu.sem_alloc : memref<!tpu.dma_semaphore, #tpu.memory_space<semaphore_mem>>
        %dma_start3A = arith.constant 0 : i32
        %dma_start3A_26 = tpu.memref_slice %arg6[%add3A_25, %dma_start3A] : memref<10240x128xf32, #tpu.memory_space<vmem_shared>> -> memref<16x128xf32, #tpu.memory_space<vmem_shared>>
        %dma_start3A_27 = arith.constant 0 : i32
        %dma_start3A_28 = tpu.memref_slice %arg6[%add3A_25, %dma_start3A_27] : memref<10240x128xf32, #tpu.memory_space<vmem_shared>> -> memref<16x128xf32, #tpu.memory_space<vmem_shared>>
        tpu.enqueue_dma source(%arg10 : memref<16x128xf32, #tpu.memory_space<vmem>>) target(%dma_start3A_28 : memref<16x128xf32, #tpu.memory_space<vmem_shared>>) target_semaphore(%run_scoped3A : memref<!tpu.dma_semaphore, #tpu.memory_space<semaphore_mem>>)
        %dma_wait3A = arith.constant 0 : i32
        %dma_wait3A_29 = tpu.memref_slice %arg6[%add3A_25, %dma_wait3A] : memref<10240x128xf32, #tpu.memory_space<vmem_shared>> -> memref<16x128xf32, #tpu.memory_space<vmem_shared>>
        %dma_wait3A_30 = arith.constant 0 : i32
        %dma_wait3A_31 = tpu.memref_slice %arg6[%add3A_25, %dma_wait3A_30] : memref<10240x128xf32, #tpu.memory_space<vmem_shared>> -> memref<16x128xf32, #tpu.memory_space<vmem_shared>>
        tpu.wait_dma2 semaphore(%run_scoped3A : memref<!tpu.dma_semaphore, #tpu.memory_space<semaphore_mem>>) src(%arg10 : memref<16x128xf32, #tpu.memory_space<vmem>>) dst(%dma_wait3A_31 : memref<16x128xf32, #tpu.memory_space<vmem_shared>>)
        tpu.yield
      }) : () -> ()
    }
    %scan3A_14 = arith.constant 40 : i32
    "tpu.region"() ({
      %run_scoped3A = tpu.sem_alloc : memref<!tpu.dma_semaphore, #tpu.memory_space<semaphore_mem>>
      %dma_start3A = arith.constant 0 : i32
      %dma_start3A_22 = arith.constant 0 : i32
      %dma_start3A_23 = tpu.memref_slice %arg3[%add3A, %dma_start3A, %dma_start3A_22] : memref<32x125x80xi32, #tpu.memory_space<hbm>> -> memref<1x125x80xi32, #tpu.memory_space<hbm>>
      %dma_start3A_24 = tpu.memref_squeeze %dma_start3A_23 : memref<1x125x80xi32, #tpu.memory_space<hbm>> -> memref<125x80xi32, #tpu.memory_space<hbm>>
      %dma_start3A_25 = arith.constant 0 : i32
      %dma_start3A_26 = arith.constant 0 : i32
      %dma_start3A_27 = tpu.memref_slice %arg3[%add3A, %dma_start3A_25, %dma_start3A_26] : memref<32x125x80xi32, #tpu.memory_space<hbm>> -> memref<1x125x80xi32, #tpu.memory_space<hbm>>
      %dma_start3A_28 = tpu.memref_squeeze %dma_start3A_27 : memref<1x125x80xi32, #tpu.memory_space<hbm>> -> memref<125x80xi32, #tpu.memory_space<hbm>>
      tpu.enqueue_dma source(%dma_start3A_28 : memref<125x80xi32, #tpu.memory_space<hbm>>) target(%arg7 : memref<125x80xi32, #tpu.memory_space<vmem>>) target_semaphore(%run_scoped3A : memref<!tpu.dma_semaphore, #tpu.memory_space<semaphore_mem>>)
      %dma_wait3A = arith.constant 0 : i32
      %dma_wait3A_29 = arith.constant 0 : i32
      %dma_wait3A_30 = tpu.memref_slice %arg3[%add3A, %dma_wait3A, %dma_wait3A_29] : memref<32x125x80xi32, #tpu.memory_space<hbm>> -> memref<1x125x80xi32, #tpu.memory_space<hbm>>
      %dma_wait3A_31 = tpu.memref_squeeze %dma_wait3A_30 : memref<1x125x80xi32, #tpu.memory_space<hbm>> -> memref<125x80xi32, #tpu.memory_space<hbm>>
      %dma_wait3A_32 = arith.constant 0 : i32
      %dma_wait3A_33 = arith.constant 0 : i32
      %dma_wait3A_34 = tpu.memref_slice %arg3[%add3A, %dma_wait3A_32, %dma_wait3A_33] : memref<32x125x80xi32, #tpu.memory_space<hbm>> -> memref<1x125x80xi32, #tpu.memory_space<hbm>>
      %dma_wait3A_35 = tpu.memref_squeeze %dma_wait3A_34 : memref<1x125x80xi32, #tpu.memory_space<hbm>> -> memref<125x80xi32, #tpu.memory_space<hbm>>
      tpu.wait_dma2 semaphore(%run_scoped3A : memref<!tpu.dma_semaphore, #tpu.memory_space<semaphore_mem>>) src(%dma_wait3A_35 : memref<125x80xi32, #tpu.memory_space<hbm>>) dst(%arg7 : memref<125x80xi32, #tpu.memory_space<vmem>>)
      tpu.yield
    }) : () -> ()
    "tpu.region"() ({
      %run_scoped3A = tpu.sem_alloc : memref<!tpu.dma_semaphore, #tpu.memory_space<semaphore_mem>>
      %dma_start3A = arith.constant 0 : i32
      %dma_start3A_22 = arith.constant 0 : i32
      %dma_start3A_23 = tpu.memref_slice %arg4[%add3A, %dma_start3A, %dma_start3A_22] : memref<32x125x80xi32, #tpu.memory_space<hbm>> -> memref<1x125x80xi32, #tpu.memory_space<hbm>>
      %dma_start3A_24 = tpu.memref_squeeze %dma_start3A_23 : memref<1x125x80xi32, #tpu.memory_space<hbm>> -> memref<125x80xi32, #tpu.memory_space<hbm>>
      %dma_start3A_25 = arith.constant 0 : i32
      %dma_start3A_26 = arith.constant 0 : i32
      %dma_start3A_27 = tpu.memref_slice %arg4[%add3A, %dma_start3A_25, %dma_start3A_26] : memref<32x125x80xi32, #tpu.memory_space<hbm>> -> memref<1x125x80xi32, #tpu.memory_space<hbm>>
      %dma_start3A_28 = tpu.memref_squeeze %dma_start3A_27 : memref<1x125x80xi32, #tpu.memory_space<hbm>> -> memref<125x80xi32, #tpu.memory_space<hbm>>
      tpu.enqueue_dma source(%dma_start3A_28 : memref<125x80xi32, #tpu.memory_space<hbm>>) target(%arg8 : memref<125x80xi32, #tpu.memory_space<vmem>>) target_semaphore(%run_scoped3A : memref<!tpu.dma_semaphore, #tpu.memory_space<semaphore_mem>>)
      %dma_wait3A = arith.constant 0 : i32
      %dma_wait3A_29 = arith.constant 0 : i32
      %dma_wait3A_30 = tpu.memref_slice %arg4[%add3A, %dma_wait3A, %dma_wait3A_29] : memref<32x125x80xi32, #tpu.memory_space<hbm>> -> memref<1x125x80xi32, #tpu.memory_space<hbm>>
      %dma_wait3A_31 = tpu.memref_squeeze %dma_wait3A_30 : memref<1x125x80xi32, #tpu.memory_space<hbm>> -> memref<125x80xi32, #tpu.memory_space<hbm>>
      %dma_wait3A_32 = arith.constant 0 : i32
      %dma_wait3A_33 = arith.constant 0 : i32
      %dma_wait3A_34 = tpu.memref_slice %arg4[%add3A, %dma_wait3A_32, %dma_wait3A_33] : memref<32x125x80xi32, #tpu.memory_space<hbm>> -> memref<1x125x80xi32, #tpu.memory_space<hbm>>
      %dma_wait3A_35 = tpu.memref_squeeze %dma_wait3A_34 : memref<1x125x80xi32, #tpu.memory_space<hbm>> -> memref<125x80xi32, #tpu.memory_space<hbm>>
      tpu.wait_dma2 semaphore(%run_scoped3A : memref<!tpu.dma_semaphore, #tpu.memory_space<semaphore_mem>>) src(%dma_wait3A_35 : memref<125x80xi32, #tpu.memory_space<hbm>>) dst(%arg8 : memref<125x80xi32, #tpu.memory_space<vmem>>)
      tpu.yield
    }) : () -> ()
    %barrier3A = arith.constant 0 : index
    tpu.barrier barrier_id(%barrier3A)
    %scan3A_15 = arith.constant 0 : i32
    %scan3A_16 = arith.constant 0 : i32
    %scan3A_17 = arith.constant 125 : i32
    %scan3A_18 = arith.addi %scan3A_16, %scan3A_17 : i32
    %scan3A_19 = arith.constant 1 : i32
    scf.for %scan3A_22 = %scan3A_16 to %scan3A_18 step %scan3A_19  : i32 {
      %dma_start3A = arith.constant 0 : i32
      %dma_start3A_23 = tpu.memref_slice %arg7[%scan3A_22, %dma_start3A] : memref<125x80xi32, #tpu.memory_space<vmem>> -> memref<1x80xi32, #tpu.memory_space<vmem>>
      %dma_start3A_24 = tpu.memref_squeeze %dma_start3A_23 : memref<1x80xi32, #tpu.memory_space<vmem>> -> memref<80xi32, #tpu.memory_space<vmem>>
      %dma_start3A_25 = arith.constant 0 : i32
      %dma_start3A_26 = arith.constant 0 : i32
      %dma_start3A_27 = tpu.memref_slice %arg2[%dma_start3A_25, %dma_start3A_26] : memref<10000x128xf32, #tpu.memory_space<hbm>> -> memref<10000x128xf32, #tpu.memory_space<hbm>>
      tpu.enqueue_indirect_dma source(%dma_start3A_27 : memref<10000x128xf32, #tpu.memory_space<hbm>>) target(%arg9 : memref<80x128xf32, #tpu.memory_space<vmem>>) offsets(%dma_start3A_24 : memref<80xi32, #tpu.memory_space<vmem>>) semaphore(%arg11 : memref<!tpu.dma_semaphore, #tpu.memory_space<semaphore_mem>>)
      %dma_wait3A = arith.constant 0 : i32
      %dma_wait3A_28 = tpu.memref_slice %arg7[%scan3A_22, %dma_wait3A] : memref<125x80xi32, #tpu.memory_space<vmem>> -> memref<1x80xi32, #tpu.memory_space<vmem>>
      %dma_wait3A_29 = tpu.memref_squeeze %dma_wait3A_28 : memref<1x80xi32, #tpu.memory_space<vmem>> -> memref<80xi32, #tpu.memory_space<vmem>>
      %dma_wait3A_30 = arith.constant 0 : i32
      %dma_wait3A_31 = arith.constant 0 : i32
      %dma_wait3A_32 = tpu.memref_slice %arg2[%dma_wait3A_30, %dma_wait3A_31] : memref<10000x128xf32, #tpu.memory_space<hbm>> -> memref<10000x128xf32, #tpu.memory_space<hbm>>
      tpu.wait_indirect_dma semaphore(%arg11 : memref<!tpu.dma_semaphore, #tpu.memory_space<semaphore_mem>>) src(%dma_wait3A_32 : memref<10000x128xf32, #tpu.memory_space<hbm>>) dst(%arg9 : memref<80x128xf32, #tpu.memory_space<vmem>>)
      "tpu.region"() ({
        %run_scoped3A = tpu.sem_alloc : memref<!tpu.dma_semaphore, #tpu.memory_space<semaphore_mem>>
        %dma_start3A_33 = arith.constant 0 : i32
        %dma_start3A_34 = tpu.memref_slice %arg8[%scan3A_22, %dma_start3A_33] : memref<125x80xi32, #tpu.memory_space<vmem>> -> memref<1x80xi32, #tpu.memory_space<vmem>>
        %dma_start3A_35 = tpu.memref_squeeze %dma_start3A_34 : memref<1x80xi32, #tpu.memory_space<vmem>> -> memref<80xi32, #tpu.memory_space<vmem>>
        %dma_start3A_36 = arith.constant 0 : i32
        %dma_start3A_37 = arith.constant 0 : i32
        %dma_start3A_38 = tpu.memref_slice %arg6[%dma_start3A_36, %dma_start3A_37] : memref<10240x128xf32, #tpu.memory_space<vmem_shared>> -> memref<10240x128xf32, #tpu.memory_space<vmem_shared>>
        tpu.enqueue_indirect_dma source(%arg9 : memref<80x128xf32, #tpu.memory_space<vmem>>) target(%dma_start3A_38 : memref<10240x128xf32, #tpu.memory_space<vmem_shared>>) offsets(%dma_start3A_35 : memref<80xi32, #tpu.memory_space<vmem>>) semaphore(%run_scoped3A : memref<!tpu.dma_semaphore, #tpu.memory_space<semaphore_mem>>) {add = true}
        %dma_wait3A_39 = arith.constant 0 : i32
        %dma_wait3A_40 = tpu.memref_slice %arg8[%scan3A_22, %dma_wait3A_39] : memref<125x80xi32, #tpu.memory_space<vmem>> -> memref<1x80xi32, #tpu.memory_space<vmem>>
        %dma_wait3A_41 = tpu.memref_squeeze %dma_wait3A_40 : memref<1x80xi32, #tpu.memory_space<vmem>> -> memref<80xi32, #tpu.memory_space<vmem>>
        %dma_wait3A_42 = arith.constant 0 : i32
        %dma_wait3A_43 = arith.constant 0 : i32
        %dma_wait3A_44 = tpu.memref_slice %arg6[%dma_wait3A_42, %dma_wait3A_43] : memref<10240x128xf32, #tpu.memory_space<vmem_shared>> -> memref<10240x128xf32, #tpu.memory_space<vmem_shared>>
        tpu.wait_indirect_dma semaphore(%run_scoped3A : memref<!tpu.dma_semaphore, #tpu.memory_space<semaphore_mem>>) src(%arg9 : memref<80x128xf32, #tpu.memory_space<vmem>>) dst(%dma_wait3A_44 : memref<10240x128xf32, #tpu.memory_space<vmem_shared>>)
        tpu.yield
      }) : () -> ()
    }
    %scan3A_20 = arith.constant 125 : i32
    %barrier3A_21 = arith.constant 0 : index
    tpu.barrier barrier_id(%barrier3A_21)
    "tpu.region"() ({
      %run_scoped3A = tpu.sem_alloc : memref<!tpu.dma_semaphore, #tpu.memory_space<semaphore_mem>>
      %dma_start3A = arith.constant 0 : i32
      %dma_start3A_22 = tpu.memref_slice %arg5[%arg0, %mul3A_8, %dma_start3A] : memref<2x10240x128xf32, #tpu.memory_space<hbm>> -> memref<1x640x128xf32, #tpu.memory_space<hbm>>
      %dma_start3A_23 = tpu.memref_squeeze %dma_start3A_22 : memref<1x640x128xf32, #tpu.memory_space<hbm>> -> memref<640x128xf32, #tpu.memory_space<hbm>>
      %dma_start3A_24 = arith.constant 0 : i32
      %dma_start3A_25 = tpu.memref_slice %arg6[%mul3A_8, %dma_start3A_24] : memref<10240x128xf32, #tpu.memory_space<vmem_shared>> -> memref<640x128xf32, #tpu.memory_space<vmem_shared>>
      tpu.enqueue_dma source(%dma_start3A_25 : memref<640x128xf32, #tpu.memory_space<vmem_shared>>) target(%dma_start3A_23 : memref<640x128xf32, #tpu.memory_space<hbm>>) target_semaphore(%run_scoped3A : memref<!tpu.dma_semaphore, #tpu.memory_space<semaphore_mem>>)
      %dma_wait3A = arith.constant 0 : i32
      %dma_wait3A_26 = tpu.memref_slice %arg5[%arg0, %mul3A_8, %dma_wait3A] : memref<2x10240x128xf32, #tpu.memory_space<hbm>> -> memref<1x640x128xf32, #tpu.memory_space<hbm>>
      %dma_wait3A_27 = tpu.memref_squeeze %dma_wait3A_26 : memref<1x640x128xf32, #tpu.memory_space<hbm>> -> memref<640x128xf32, #tpu.memory_space<hbm>>
      %dma_wait3A_28 = arith.constant 0 : i32
      %dma_wait3A_29 = tpu.memref_slice %arg6[%mul3A_8, %dma_wait3A_28] : memref<10240x128xf32, #tpu.memory_space<vmem_shared>> -> memref<640x128xf32, #tpu.memory_space<vmem_shared>>
      tpu.wait_dma2 semaphore(%run_scoped3A : memref<!tpu.dma_semaphore, #tpu.memory_space<semaphore_mem>>) src(%dma_wait3A_29 : memref<640x128xf32, #tpu.memory_space<vmem_shared>>) dst(%dma_wait3A_27 : memref<640x128xf32, #tpu.memory_space<hbm>>)
      tpu.yield
    }) : () -> ()
    return
  }
}

#map = affine_map<(d0, d1) -> (0, 0)>
#map1 = affine_map<(d0, d1) -> (0, 0, 0)>
module attributes {stable_mosaic.version = 14 : i64} {
  func.func @agg(%arg0: i32, %arg1: i32, %arg2: memref<10000x128xf32, #tpu.memory_space<hbm>>, %arg3: memref<32x125x80xi32, #tpu.memory_space<hbm>>, %arg4: memref<32x125x80xi32, #tpu.memory_space<hbm>>, %arg5: memref<2x10240x128xf32, #tpu.memory_space<hbm>>, %arg6: memref<10240x128xf32, #tpu.memory_space<vmem_shared>>, %arg7: memref<125x80xi32, #tpu.memory_space<vmem>>, %arg8: memref<125x80xi32, #tpu.memory_space<vmem>>, %arg9: memref<80x128xf32, #tpu.memory_space<vmem>>, %arg10: memref<16x128xf32, #tpu.memory_space<vmem>>, %arg11: memref<!tpu.dma_semaphore, #tpu.memory_space<semaphore_mem>>) attributes {dimension_semantics = [#tpu.dimension_semantics<core_parallel>, #tpu.dimension_semantics<subcore_parallel>], iteration_bounds = array<i64: 2, 16>, scalar_prefetch = 0 : i64, scratch_operands = 6 : i64, tpu.core_type = #tpu.core_type<sc_vector_subcore>, window_params = [{transform_indices = #map}, {transform_indices = #map1}, {transform_indices = #map1}, {transform_indices = #map1}]} {
    %mul3A = arith.constant 16 : i32
    %mul3A_0 = arith.muli %arg0, %mul3A : i32
    %add3A = arith.addi %mul3A_0, %arg1 : i32
    %broadcast_in_dim3A = arith.constant 0.000000e+00 : f32
    %broadcast_in_dim3A_1 = vector.broadcast %broadcast_in_dim3A : f32 to vector<16xf32>
    %scan3A = arith.constant 0 : i32
    %scan3A_2 = arith.constant 0 : i32
    %scan3A_3 = arith.constant 16 : i32
    %scan3A_4 = arith.addi %scan3A_2, %scan3A_3 : i32
    %scan3A_5 = arith.constant 1 : i32
    scf.for %scan3A_22 = %scan3A_2 to %scan3A_4 step %scan3A_5  : i32 {
      %scan3A_23 = arith.constant 0 : i32
      %scan3A_24 = arith.constant 8 : i32
      %scan3A_25 = arith.addi %scan3A_23, %scan3A_24 : i32
      %scan3A_26 = arith.constant 1 : i32
      scf.for %scan3A_28 = %scan3A_23 to %scan3A_25 step %scan3A_26  : i32 {
        %mul3A_29 = arith.constant 16 : i32
        %mul3A_30 = arith.muli %scan3A_28, %mul3A_29 : i32
        %swap3A = arith.index_cast %scan3A_22 : i32 to index
        %swap3A_31 = arith.index_cast %mul3A_30 : i32 to index
        %swap3A_32 = tpu.vector_load %arg10[%swap3A, %swap3A_31] {strides = array<i32>} : memref<16x128xf32, #tpu.memory_space<vmem>>, vector<1x16xf32>,
        %swap3A_33 = vector.shape_cast %swap3A_32 : vector<1x16xf32> to vector<16xf32>
        %swap3A_34 = vector.shape_cast %broadcast_in_dim3A_1 : vector<16xf32> to vector<1x16xf32>
        tpu.vector_store %arg10[%swap3A, %swap3A_31], %swap3A_34 {strides = array<i32>} : memref<16x128xf32, #tpu.memory_space<vmem>>, vector<1x16xf32>,
      }
      %scan3A_27 = arith.constant 8 : i32
    }
    %scan3A_6 = arith.constant 16 : i32
    %mul3A_7 = arith.constant 640 : i32
    %mul3A_8 = arith.muli %arg1, %mul3A_7 : i32
    %scan3A_9 = arith.constant 0 : i32
    %scan3A_10 = arith.constant 0 : i32
    %scan3A_11 = arith.constant 40 : i32
    %scan3A_12 = arith.addi %scan3A_10, %scan3A_11 : i32
    %scan3A_13 = arith.constant 1 : i32
    scf.for %scan3A_22 = %scan3A_10 to %scan3A_12 step %scan3A_13  : i32 {
      %mul3A_23 = arith.constant 16 : i32
      %mul3A_24 = arith.muli %scan3A_22, %mul3A_23 : i32
      %add3A_25 = arith.addi %mul3A_8, %mul3A_24 : i32
      "tpu.region"() ({
        %run_scoped3A = tpu.sem_alloc : memref<!tpu.dma_semaphore, #tpu.memory_space<semaphore_mem>>
        %dma_start3A = arith.constant 0 : i32
        %dma_start3A_26 = tpu.memref_slice %arg6[%add3A_25, %dma_start3A] : memref<10240x128xf32, #tpu.memory_space<vmem_shared>> -> memref<16x128xf32, #tpu.memory_space<vmem_shared>>
        %dma_start3A_27 = arith.constant 0 : i32
        %dma_start3A_28 = tpu.memref_slice %arg6[%add3A_25, %dma_start3A_27] : memref<10240x128xf32, #tpu.memory_space<vmem_shared>> -> memref<16x128xf32, #tpu.memory_space<vmem_shared>>
        tpu.enqueue_dma source(%arg10 : memref<16x128xf32, #tpu.memory_space<vmem>>) target(%dma_start3A_28 : memref<16x128xf32, #tpu.memory_space<vmem_shared>>) target_semaphore(%run_scoped3A : memref<!tpu.dma_semaphore, #tpu.memory_space<semaphore_mem>>)
        %dma_wait3A = arith.constant 0 : i32
        %dma_wait3A_29 = tpu.memref_slice %arg6[%add3A_25, %dma_wait3A] : memref<10240x128xf32, #tpu.memory_space<vmem_shared>> -> memref<16x128xf32, #tpu.memory_space<vmem_shared>>
        %dma_wait3A_30 = arith.constant 0 : i32
        %dma_wait3A_31 = tpu.memref_slice %arg6[%add3A_25, %dma_wait3A_30] : memref<10240x128xf32, #tpu.memory_space<vmem_shared>> -> memref<16x128xf32, #tpu.memory_space<vmem_shared>>
        tpu.wait_dma2 semaphore(%run_scoped3A : memref<!tpu.dma_semaphore, #tpu.memory_space<semaphore_mem>>) src(%arg10 : memref<16x128xf32, #tpu.memory_space<vmem>>) dst(%dma_wait3A_31 : memref<16x128xf32, #tpu.memory_space<vmem_shared>>)
        tpu.yield
      }) : () -> ()
    }
    %scan3A_14 = arith.constant 40 : i32
    "tpu.region"() ({
      %run_scoped3A = tpu.sem_alloc : memref<!tpu.dma_semaphore, #tpu.memory_space<semaphore_mem>>
      %dma_start3A = arith.constant 0 : i32
      %dma_start3A_22 = arith.constant 0 : i32
      %dma_start3A_23 = tpu.memref_slice %arg3[%add3A, %dma_start3A, %dma_start3A_22] : memref<32x125x80xi32, #tpu.memory_space<hbm>> -> memref<1x125x80xi32, #tpu.memory_space<hbm>>
      %dma_start3A_24 = tpu.memref_squeeze %dma_start3A_23 : memref<1x125x80xi32, #tpu.memory_space<hbm>> -> memref<125x80xi32, #tpu.memory_space<hbm>>
      %dma_start3A_25 = arith.constant 0 : i32
      %dma_start3A_26 = arith.constant 0 : i32
      %dma_start3A_27 = tpu.memref_slice %arg3[%add3A, %dma_start3A_25, %dma_start3A_26] : memref<32x125x80xi32, #tpu.memory_space<hbm>> -> memref<1x125x80xi32, #tpu.memory_space<hbm>>
      %dma_start3A_28 = tpu.memref_squeeze %dma_start3A_27 : memref<1x125x80xi32, #tpu.memory_space<hbm>> -> memref<125x80xi32, #tpu.memory_space<hbm>>
      tpu.enqueue_dma source(%dma_start3A_28 : memref<125x80xi32, #tpu.memory_space<hbm>>) target(%arg7 : memref<125x80xi32, #tpu.memory_space<vmem>>) target_semaphore(%run_scoped3A : memref<!tpu.dma_semaphore, #tpu.memory_space<semaphore_mem>>)
      %dma_wait3A = arith.constant 0 : i32
      %dma_wait3A_29 = arith.constant 0 : i32
      %dma_wait3A_30 = tpu.memref_slice %arg3[%add3A, %dma_wait3A, %dma_wait3A_29] : memref<32x125x80xi32, #tpu.memory_space<hbm>> -> memref<1x125x80xi32, #tpu.memory_space<hbm>>
      %dma_wait3A_31 = tpu.memref_squeeze %dma_wait3A_30 : memref<1x125x80xi32, #tpu.memory_space<hbm>> -> memref<125x80xi32, #tpu.memory_space<hbm>>
      %dma_wait3A_32 = arith.constant 0 : i32
      %dma_wait3A_33 = arith.constant 0 : i32
      %dma_wait3A_34 = tpu.memref_slice %arg3[%add3A, %dma_wait3A_32, %dma_wait3A_33] : memref<32x125x80xi32, #tpu.memory_space<hbm>> -> memref<1x125x80xi32, #tpu.memory_space<hbm>>
      %dma_wait3A_35 = tpu.memref_squeeze %dma_wait3A_34 : memref<1x125x80xi32, #tpu.memory_space<hbm>> -> memref<125x80xi32, #tpu.memory_space<hbm>>
      tpu.wait_dma2 semaphore(%run_scoped3A : memref<!tpu.dma_semaphore, #tpu.memory_space<semaphore_mem>>) src(%dma_wait3A_35 : memref<125x80xi32, #tpu.memory_space<hbm>>) dst(%arg7 : memref<125x80xi32, #tpu.memory_space<vmem>>)
      tpu.yield
    }) : () -> ()
    "tpu.region"() ({
      %run_scoped3A = tpu.sem_alloc : memref<!tpu.dma_semaphore, #tpu.memory_space<semaphore_mem>>
      %dma_start3A = arith.constant 0 : i32
      %dma_start3A_22 = arith.constant 0 : i32
      %dma_start3A_23 = tpu.memref_slice %arg4[%add3A, %dma_start3A, %dma_start3A_22] : memref<32x125x80xi32, #tpu.memory_space<hbm>> -> memref<1x125x80xi32, #tpu.memory_space<hbm>>
      %dma_start3A_24 = tpu.memref_squeeze %dma_start3A_23 : memref<1x125x80xi32, #tpu.memory_space<hbm>> -> memref<125x80xi32, #tpu.memory_space<hbm>>
      %dma_start3A_25 = arith.constant 0 : i32
      %dma_start3A_26 = arith.constant 0 : i32
      %dma_start3A_27 = tpu.memref_slice %arg4[%add3A, %dma_start3A_25, %dma_start3A_26] : memref<32x125x80xi32, #tpu.memory_space<hbm>> -> memref<1x125x80xi32, #tpu.memory_space<hbm>>
      %dma_start3A_28 = tpu.memref_squeeze %dma_start3A_27 : memref<1x125x80xi32, #tpu.memory_space<hbm>> -> memref<125x80xi32, #tpu.memory_space<hbm>>
      tpu.enqueue_dma source(%dma_start3A_28 : memref<125x80xi32, #tpu.memory_space<hbm>>) target(%arg8 : memref<125x80xi32, #tpu.memory_space<vmem>>) target_semaphore(%run_scoped3A : memref<!tpu.dma_semaphore, #tpu.memory_space<semaphore_mem>>)
      %dma_wait3A = arith.constant 0 : i32
      %dma_wait3A_29 = arith.constant 0 : i32
      %dma_wait3A_30 = tpu.memref_slice %arg4[%add3A, %dma_wait3A, %dma_wait3A_29] : memref<32x125x80xi32, #tpu.memory_space<hbm>> -> memref<1x125x80xi32, #tpu.memory_space<hbm>>
      %dma_wait3A_31 = tpu.memref_squeeze %dma_wait3A_30 : memref<1x125x80xi32, #tpu.memory_space<hbm>> -> memref<125x80xi32, #tpu.memory_space<hbm>>
      %dma_wait3A_32 = arith.constant 0 : i32
      %dma_wait3A_33 = arith.constant 0 : i32
      %dma_wait3A_34 = tpu.memref_slice %arg4[%add3A, %dma_wait3A_32, %dma_wait3A_33] : memref<32x125x80xi32, #tpu.memory_space<hbm>> -> memref<1x125x80xi32, #tpu.memory_space<hbm>>
      %dma_wait3A_35 = tpu.memref_squeeze %dma_wait3A_34 : memref<1x125x80xi32, #tpu.memory_space<hbm>> -> memref<125x80xi32, #tpu.memory_space<hbm>>
      tpu.wait_dma2 semaphore(%run_scoped3A : memref<!tpu.dma_semaphore, #tpu.memory_space<semaphore_mem>>) src(%dma_wait3A_35 : memref<125x80xi32, #tpu.memory_space<hbm>>) dst(%arg8 : memref<125x80xi32, #tpu.memory_space<vmem>>)
      tpu.yield
    }) : () -> ()
    %barrier3A = arith.constant 0 : index
    tpu.barrier barrier_id(%barrier3A)
    %scan3A_15 = arith.constant 0 : i32
    %scan3A_16 = arith.constant 0 : i32
    %scan3A_17 = arith.constant 125 : i32
    %scan3A_18 = arith.addi %scan3A_16, %scan3A_17 : i32
    %scan3A_19 = arith.constant 1 : i32
    scf.for %scan3A_22 = %scan3A_16 to %scan3A_18 step %scan3A_19  : i32 {
      %dma_start3A = arith.constant 0 : i32
      %dma_start3A_23 = tpu.memref_slice %arg7[%scan3A_22, %dma_start3A] : memref<125x80xi32, #tpu.memory_space<vmem>> -> memref<1x80xi32, #tpu.memory_space<vmem>>
      %dma_start3A_24 = tpu.memref_squeeze %dma_start3A_23 : memref<1x80xi32, #tpu.memory_space<vmem>> -> memref<80xi32, #tpu.memory_space<vmem>>
      %dma_start3A_25 = arith.constant 0 : i32
      %dma_start3A_26 = arith.constant 0 : i32
      %dma_start3A_27 = tpu.memref_slice %arg2[%dma_start3A_25, %dma_start3A_26] : memref<10000x128xf32, #tpu.memory_space<hbm>> -> memref<10000x128xf32, #tpu.memory_space<hbm>>
      tpu.enqueue_indirect_dma source(%dma_start3A_27 : memref<10000x128xf32, #tpu.memory_space<hbm>>) target(%arg9 : memref<80x128xf32, #tpu.memory_space<vmem>>) offsets(%dma_start3A_24 : memref<80xi32, #tpu.memory_space<vmem>>) semaphore(%arg11 : memref<!tpu.dma_semaphore, #tpu.memory_space<semaphore_mem>>)
      %dma_wait3A = arith.constant 0 : i32
      %dma_wait3A_28 = tpu.memref_slice %arg7[%scan3A_22, %dma_wait3A] : memref<125x80xi32, #tpu.memory_space<vmem>> -> memref<1x80xi32, #tpu.memory_space<vmem>>
      %dma_wait3A_29 = tpu.memref_squeeze %dma_wait3A_28 : memref<1x80xi32, #tpu.memory_space<vmem>> -> memref<80xi32, #tpu.memory_space<vmem>>
      %dma_wait3A_30 = arith.constant 0 : i32
      %dma_wait3A_31 = arith.constant 0 : i32
      %dma_wait3A_32 = tpu.memref_slice %arg2[%dma_wait3A_30, %dma_wait3A_31] : memref<10000x128xf32, #tpu.memory_space<hbm>> -> memref<10000x128xf32, #tpu.memory_space<hbm>>
      tpu.wait_indirect_dma semaphore(%arg11 : memref<!tpu.dma_semaphore, #tpu.memory_space<semaphore_mem>>) src(%dma_wait3A_32 : memref<10000x128xf32, #tpu.memory_space<hbm>>) dst(%arg9 : memref<80x128xf32, #tpu.memory_space<vmem>>)
      "tpu.region"() ({
        %run_scoped3A = tpu.sem_alloc : memref<!tpu.dma_semaphore, #tpu.memory_space<semaphore_mem>>
        %dma_start3A_33 = arith.constant 0 : i32
        %dma_start3A_34 = tpu.memref_slice %arg8[%scan3A_22, %dma_start3A_33] : memref<125x80xi32, #tpu.memory_space<vmem>> -> memref<1x80xi32, #tpu.memory_space<vmem>>
        %dma_start3A_35 = tpu.memref_squeeze %dma_start3A_34 : memref<1x80xi32, #tpu.memory_space<vmem>> -> memref<80xi32, #tpu.memory_space<vmem>>
        %dma_start3A_36 = arith.constant 0 : i32
        %dma_start3A_37 = arith.constant 0 : i32
        %dma_start3A_38 = tpu.memref_slice %arg6[%dma_start3A_36, %dma_start3A_37] : memref<10240x128xf32, #tpu.memory_space<vmem_shared>> -> memref<10240x128xf32, #tpu.memory_space<vmem_shared>>
        tpu.enqueue_indirect_dma source(%arg9 : memref<80x128xf32, #tpu.memory_space<vmem>>) target(%dma_start3A_38 : memref<10240x128xf32, #tpu.memory_space<vmem_shared>>) offsets(%dma_start3A_35 : memref<80xi32, #tpu.memory_space<vmem>>) semaphore(%run_scoped3A : memref<!tpu.dma_semaphore, #tpu.memory_space<semaphore_mem>>) {add = true}
        %dma_wait3A_39 = arith.constant 0 : i32
        %dma_wait3A_40 = tpu.memref_slice %arg8[%scan3A_22, %dma_wait3A_39] : memref<125x80xi32, #tpu.memory_space<vmem>> -> memref<1x80xi32, #tpu.memory_space<vmem>>
        %dma_wait3A_41 = tpu.memref_squeeze %dma_wait3A_40 : memref<1x80xi32, #tpu.memory_space<vmem>> -> memref<80xi32, #tpu.memory_space<vmem>>
        %dma_wait3A_42 = arith.constant 0 : i32
        %dma_wait3A_43 = arith.constant 0 : i32
        %dma_wait3A_44 = tpu.memref_slice %arg6[%dma_wait3A_42, %dma_wait3A_43] : memref<10240x128xf32, #tpu.memory_space<vmem_shared>> -> memref<10240x128xf32, #tpu.memory_space<vmem_shared>>
        tpu.wait_indirect_dma semaphore(%run_scoped3A : memref<!tpu.dma_semaphore, #tpu.memory_space<semaphore_mem>>) src(%arg9 : memref<80x128xf32, #tpu.memory_space<vmem>>) dst(%dma_wait3A_44 : memref<10240x128xf32, #tpu.memory_space<vmem_shared>>)
        tpu.yield
      }) : () -> ()
    }
    %scan3A_20 = arith.constant 125 : i32
    %barrier3A_21 = arith.constant 0 : index
    tpu.barrier barrier_id(%barrier3A_21)
    "tpu.region"() ({
      %run_scoped3A = tpu.sem_alloc : memref<!tpu.dma_semaphore, #tpu.memory_space<semaphore_mem>>
      %dma_start3A = arith.constant 0 : i32
      %dma_start3A_22 = tpu.memref_slice %arg5[%arg0, %mul3A_8, %dma_start3A] : memref<2x10240x128xf32, #tpu.memory_space<hbm>> -> memref<1x640x128xf32, #tpu.memory_space<hbm>>
      %dma_start3A_23 = tpu.memref_squeeze %dma_start3A_22 : memref<1x640x128xf32, #tpu.memory_space<hbm>> -> memref<640x128xf32, #tpu.memory_space<hbm>>
      %dma_start3A_24 = arith.constant 0 : i32
      %dma_start3A_25 = tpu.memref_slice %arg6[%mul3A_8, %dma_start3A_24] : memref<10240x128xf32, #tpu.memory_space<vmem_shared>> -> memref<640x128xf32, #tpu.memory_space<vmem_shared>>
      tpu.enqueue_dma source(%dma_start3A_25 : memref<640x128xf32, #tpu.memory_space<vmem_shared>>) target(%dma_start3A_23 : memref<640x128xf32, #tpu.memory_space<hbm>>) target_semaphore(%run_scoped3A : memref<!tpu.dma_semaphore, #tpu.memory_space<semaphore_mem>>)
      %dma_wait3A = arith.constant 0 : i32
      %dma_wait3A_26 = tpu.memref_slice %arg5[%arg0, %mul3A_8, %dma_wait3A] : memref<2x10240x128xf32, #tpu.memory_space<hbm>> -> memref<1x640x128xf32, #tpu.memory_space<hbm>>
      %dma_wait3A_27 = tpu.memref_squeeze %dma_wait3A_26 : memref<1x640x128xf32, #tpu.memory_space<hbm>> -> memref<640x128xf32, #tpu.memory_space<hbm>>
      %dma_wait3A_28 = arith.constant 0 : i32
      %dma_wait3A_29 = tpu.memref_slice %arg6[%mul3A_8, %dma_wait3A_28] : memref<10240x128xf32, #tpu.memory_space<vmem_shared>> -> memref<640x128xf32, #tpu.memory_space<vmem_shared>>
      tpu.wait_dma2 semaphore(%run_scoped3A : memref<!tpu.dma_semaphore, #tpu.memory_space<semaphore_mem>>) src(%dma_wait3A_29 : memref<640x128xf32, #tpu.memory_space<vmem_shared>>) dst(%dma_wait3A_27 : memref<640x128xf32, #tpu.memory_space<hbm>>)
      tpu.yield
    }) : () -> ()
    return
  }
}

#map = affine_map<(d0, d1) -> (0, 0)>
#map1 = affine_map<(d0, d1) -> (0, 0, 0)>
module attributes {stable_mosaic.version = 14 : i64} {
  func.func @agg(%arg0: i32, %arg1: i32, %arg2: memref<10000x128xf32, #tpu.memory_space<hbm>>, %arg3: memref<32x125x80xi32, #tpu.memory_space<hbm>>, %arg4: memref<32x125x80xi32, #tpu.memory_space<hbm>>, %arg5: memref<2x10240x128xf32, #tpu.memory_space<hbm>>, %arg6: memref<10240x128xf32, #tpu.memory_space<vmem_shared>>, %arg7: memref<125x80xi32, #tpu.memory_space<vmem>>, %arg8: memref<125x80xi32, #tpu.memory_space<vmem>>, %arg9: memref<80x128xf32, #tpu.memory_space<vmem>>, %arg10: memref<16x128xf32, #tpu.memory_space<vmem>>, %arg11: memref<!tpu.dma_semaphore, #tpu.memory_space<semaphore_mem>>) attributes {dimension_semantics = [#tpu.dimension_semantics<core_parallel>, #tpu.dimension_semantics<subcore_parallel>], iteration_bounds = array<i64: 2, 16>, scalar_prefetch = 0 : i64, scratch_operands = 6 : i64, tpu.core_type = #tpu.core_type<sc_vector_subcore>, window_params = [{transform_indices = #map}, {transform_indices = #map1}, {transform_indices = #map1}, {transform_indices = #map1}]} {
    %mul3A = arith.constant 16 : i32
    %mul3A_0 = arith.muli %arg0, %mul3A : i32
    %add3A = arith.addi %mul3A_0, %arg1 : i32
    %broadcast_in_dim3A = arith.constant 0.000000e+00 : f32
    %broadcast_in_dim3A_1 = vector.broadcast %broadcast_in_dim3A : f32 to vector<16xf32>
    %scan3A = arith.constant 0 : i32
    %scan3A_2 = arith.constant 0 : i32
    %scan3A_3 = arith.constant 16 : i32
    %scan3A_4 = arith.addi %scan3A_2, %scan3A_3 : i32
    %scan3A_5 = arith.constant 1 : i32
    scf.for %scan3A_22 = %scan3A_2 to %scan3A_4 step %scan3A_5  : i32 {
      %scan3A_23 = arith.constant 0 : i32
      %scan3A_24 = arith.constant 8 : i32
      %scan3A_25 = arith.addi %scan3A_23, %scan3A_24 : i32
      %scan3A_26 = arith.constant 1 : i32
      scf.for %scan3A_28 = %scan3A_23 to %scan3A_25 step %scan3A_26  : i32 {
        %mul3A_29 = arith.constant 16 : i32
        %mul3A_30 = arith.muli %scan3A_28, %mul3A_29 : i32
        %swap3A = arith.index_cast %scan3A_22 : i32 to index
        %swap3A_31 = arith.index_cast %mul3A_30 : i32 to index
        %swap3A_32 = tpu.vector_load %arg10[%swap3A, %swap3A_31] {strides = array<i32>} : memref<16x128xf32, #tpu.memory_space<vmem>>, vector<1x16xf32>,
        %swap3A_33 = vector.shape_cast %swap3A_32 : vector<1x16xf32> to vector<16xf32>
        %swap3A_34 = vector.shape_cast %broadcast_in_dim3A_1 : vector<16xf32> to vector<1x16xf32>
        tpu.vector_store %arg10[%swap3A, %swap3A_31], %swap3A_34 {strides = array<i32>} : memref<16x128xf32, #tpu.memory_space<vmem>>, vector<1x16xf32>,
      }
      %scan3A_27 = arith.constant 8 : i32
    }
    %scan3A_6 = arith.constant 16 : i32
    %mul3A_7 = arith.constant 640 : i32
    %mul3A_8 = arith.muli %arg1, %mul3A_7 : i32
    %scan3A_9 = arith.constant 0 : i32
    %scan3A_10 = arith.constant 0 : i32
    %scan3A_11 = arith.constant 40 : i32
    %scan3A_12 = arith.addi %scan3A_10, %scan3A_11 : i32
    %scan3A_13 = arith.constant 1 : i32
    scf.for %scan3A_22 = %scan3A_10 to %scan3A_12 step %scan3A_13  : i32 {
      %mul3A_23 = arith.constant 16 : i32
      %mul3A_24 = arith.muli %scan3A_22, %mul3A_23 : i32
      %add3A_25 = arith.addi %mul3A_8, %mul3A_24 : i32
      "tpu.region"() ({
        %run_scoped3A = tpu.sem_alloc : memref<!tpu.dma_semaphore, #tpu.memory_space<semaphore_mem>>
        %dma_start3A = arith.constant 0 : i32
        %dma_start3A_26 = tpu.memref_slice %arg6[%add3A_25, %dma_start3A] : memref<10240x128xf32, #tpu.memory_space<vmem_shared>> -> memref<16x128xf32, #tpu.memory_space<vmem_shared>>
        %dma_start3A_27 = arith.constant 0 : i32
        %dma_start3A_28 = tpu.memref_slice %arg6[%add3A_25, %dma_start3A_27] : memref<10240x128xf32, #tpu.memory_space<vmem_shared>> -> memref<16x128xf32, #tpu.memory_space<vmem_shared>>
        tpu.enqueue_dma source(%arg10 : memref<16x128xf32, #tpu.memory_space<vmem>>) target(%dma_start3A_28 : memref<16x128xf32, #tpu.memory_space<vmem_shared>>) target_semaphore(%run_scoped3A : memref<!tpu.dma_semaphore, #tpu.memory_space<semaphore_mem>>)
        %dma_wait3A = arith.constant 0 : i32
        %dma_wait3A_29 = tpu.memref_slice %arg6[%add3A_25, %dma_wait3A] : memref<10240x128xf32, #tpu.memory_space<vmem_shared>> -> memref<16x128xf32, #tpu.memory_space<vmem_shared>>
        %dma_wait3A_30 = arith.constant 0 : i32
        %dma_wait3A_31 = tpu.memref_slice %arg6[%add3A_25, %dma_wait3A_30] : memref<10240x128xf32, #tpu.memory_space<vmem_shared>> -> memref<16x128xf32, #tpu.memory_space<vmem_shared>>
        tpu.wait_dma2 semaphore(%run_scoped3A : memref<!tpu.dma_semaphore, #tpu.memory_space<semaphore_mem>>) src(%arg10 : memref<16x128xf32, #tpu.memory_space<vmem>>) dst(%dma_wait3A_31 : memref<16x128xf32, #tpu.memory_space<vmem_shared>>)
        tpu.yield
      }) : () -> ()
    }
    %scan3A_14 = arith.constant 40 : i32
    "tpu.region"() ({
      %run_scoped3A = tpu.sem_alloc : memref<!tpu.dma_semaphore, #tpu.memory_space<semaphore_mem>>
      %dma_start3A = arith.constant 0 : i32
      %dma_start3A_22 = arith.constant 0 : i32
      %dma_start3A_23 = tpu.memref_slice %arg3[%add3A, %dma_start3A, %dma_start3A_22] : memref<32x125x80xi32, #tpu.memory_space<hbm>> -> memref<1x125x80xi32, #tpu.memory_space<hbm>>
      %dma_start3A_24 = tpu.memref_squeeze %dma_start3A_23 : memref<1x125x80xi32, #tpu.memory_space<hbm>> -> memref<125x80xi32, #tpu.memory_space<hbm>>
      %dma_start3A_25 = arith.constant 0 : i32
      %dma_start3A_26 = arith.constant 0 : i32
      %dma_start3A_27 = tpu.memref_slice %arg3[%add3A, %dma_start3A_25, %dma_start3A_26] : memref<32x125x80xi32, #tpu.memory_space<hbm>> -> memref<1x125x80xi32, #tpu.memory_space<hbm>>
      %dma_start3A_28 = tpu.memref_squeeze %dma_start3A_27 : memref<1x125x80xi32, #tpu.memory_space<hbm>> -> memref<125x80xi32, #tpu.memory_space<hbm>>
      tpu.enqueue_dma source(%dma_start3A_28 : memref<125x80xi32, #tpu.memory_space<hbm>>) target(%arg7 : memref<125x80xi32, #tpu.memory_space<vmem>>) target_semaphore(%run_scoped3A : memref<!tpu.dma_semaphore, #tpu.memory_space<semaphore_mem>>)
      %dma_wait3A = arith.constant 0 : i32
      %dma_wait3A_29 = arith.constant 0 : i32
      %dma_wait3A_30 = tpu.memref_slice %arg3[%add3A, %dma_wait3A, %dma_wait3A_29] : memref<32x125x80xi32, #tpu.memory_space<hbm>> -> memref<1x125x80xi32, #tpu.memory_space<hbm>>
      %dma_wait3A_31 = tpu.memref_squeeze %dma_wait3A_30 : memref<1x125x80xi32, #tpu.memory_space<hbm>> -> memref<125x80xi32, #tpu.memory_space<hbm>>
      %dma_wait3A_32 = arith.constant 0 : i32
      %dma_wait3A_33 = arith.constant 0 : i32
      %dma_wait3A_34 = tpu.memref_slice %arg3[%add3A, %dma_wait3A_32, %dma_wait3A_33] : memref<32x125x80xi32, #tpu.memory_space<hbm>> -> memref<1x125x80xi32, #tpu.memory_space<hbm>>
      %dma_wait3A_35 = tpu.memref_squeeze %dma_wait3A_34 : memref<1x125x80xi32, #tpu.memory_space<hbm>> -> memref<125x80xi32, #tpu.memory_space<hbm>>
      tpu.wait_dma2 semaphore(%run_scoped3A : memref<!tpu.dma_semaphore, #tpu.memory_space<semaphore_mem>>) src(%dma_wait3A_35 : memref<125x80xi32, #tpu.memory_space<hbm>>) dst(%arg7 : memref<125x80xi32, #tpu.memory_space<vmem>>)
      tpu.yield
    }) : () -> ()
    "tpu.region"() ({
      %run_scoped3A = tpu.sem_alloc : memref<!tpu.dma_semaphore, #tpu.memory_space<semaphore_mem>>
      %dma_start3A = arith.constant 0 : i32
      %dma_start3A_22 = arith.constant 0 : i32
      %dma_start3A_23 = tpu.memref_slice %arg4[%add3A, %dma_start3A, %dma_start3A_22] : memref<32x125x80xi32, #tpu.memory_space<hbm>> -> memref<1x125x80xi32, #tpu.memory_space<hbm>>
      %dma_start3A_24 = tpu.memref_squeeze %dma_start3A_23 : memref<1x125x80xi32, #tpu.memory_space<hbm>> -> memref<125x80xi32, #tpu.memory_space<hbm>>
      %dma_start3A_25 = arith.constant 0 : i32
      %dma_start3A_26 = arith.constant 0 : i32
      %dma_start3A_27 = tpu.memref_slice %arg4[%add3A, %dma_start3A_25, %dma_start3A_26] : memref<32x125x80xi32, #tpu.memory_space<hbm>> -> memref<1x125x80xi32, #tpu.memory_space<hbm>>
      %dma_start3A_28 = tpu.memref_squeeze %dma_start3A_27 : memref<1x125x80xi32, #tpu.memory_space<hbm>> -> memref<125x80xi32, #tpu.memory_space<hbm>>
      tpu.enqueue_dma source(%dma_start3A_28 : memref<125x80xi32, #tpu.memory_space<hbm>>) target(%arg8 : memref<125x80xi32, #tpu.memory_space<vmem>>) target_semaphore(%run_scoped3A : memref<!tpu.dma_semaphore, #tpu.memory_space<semaphore_mem>>)
      %dma_wait3A = arith.constant 0 : i32
      %dma_wait3A_29 = arith.constant 0 : i32
      %dma_wait3A_30 = tpu.memref_slice %arg4[%add3A, %dma_wait3A, %dma_wait3A_29] : memref<32x125x80xi32, #tpu.memory_space<hbm>> -> memref<1x125x80xi32, #tpu.memory_space<hbm>>
      %dma_wait3A_31 = tpu.memref_squeeze %dma_wait3A_30 : memref<1x125x80xi32, #tpu.memory_space<hbm>> -> memref<125x80xi32, #tpu.memory_space<hbm>>
      %dma_wait3A_32 = arith.constant 0 : i32
      %dma_wait3A_33 = arith.constant 0 : i32
      %dma_wait3A_34 = tpu.memref_slice %arg4[%add3A, %dma_wait3A_32, %dma_wait3A_33] : memref<32x125x80xi32, #tpu.memory_space<hbm>> -> memref<1x125x80xi32, #tpu.memory_space<hbm>>
      %dma_wait3A_35 = tpu.memref_squeeze %dma_wait3A_34 : memref<1x125x80xi32, #tpu.memory_space<hbm>> -> memref<125x80xi32, #tpu.memory_space<hbm>>
      tpu.wait_dma2 semaphore(%run_scoped3A : memref<!tpu.dma_semaphore, #tpu.memory_space<semaphore_mem>>) src(%dma_wait3A_35 : memref<125x80xi32, #tpu.memory_space<hbm>>) dst(%arg8 : memref<125x80xi32, #tpu.memory_space<vmem>>)
      tpu.yield
    }) : () -> ()
    %barrier3A = arith.constant 0 : index
    tpu.barrier barrier_id(%barrier3A)
    %scan3A_15 = arith.constant 0 : i32
    %scan3A_16 = arith.constant 0 : i32
    %scan3A_17 = arith.constant 125 : i32
    %scan3A_18 = arith.addi %scan3A_16, %scan3A_17 : i32
    %scan3A_19 = arith.constant 1 : i32
    scf.for %scan3A_22 = %scan3A_16 to %scan3A_18 step %scan3A_19  : i32 {
      %dma_start3A = arith.constant 0 : i32
      %dma_start3A_23 = tpu.memref_slice %arg7[%scan3A_22, %dma_start3A] : memref<125x80xi32, #tpu.memory_space<vmem>> -> memref<1x80xi32, #tpu.memory_space<vmem>>
      %dma_start3A_24 = tpu.memref_squeeze %dma_start3A_23 : memref<1x80xi32, #tpu.memory_space<vmem>> -> memref<80xi32, #tpu.memory_space<vmem>>
      %dma_start3A_25 = arith.constant 0 : i32
      %dma_start3A_26 = arith.constant 0 : i32
      %dma_start3A_27 = tpu.memref_slice %arg2[%dma_start3A_25, %dma_start3A_26] : memref<10000x128xf32, #tpu.memory_space<hbm>> -> memref<10000x128xf32, #tpu.memory_space<hbm>>
      tpu.enqueue_indirect_dma source(%dma_start3A_27 : memref<10000x128xf32, #tpu.memory_space<hbm>>) target(%arg9 : memref<80x128xf32, #tpu.memory_space<vmem>>) offsets(%dma_start3A_24 : memref<80xi32, #tpu.memory_space<vmem>>) semaphore(%arg11 : memref<!tpu.dma_semaphore, #tpu.memory_space<semaphore_mem>>)
      %dma_wait3A = arith.constant 0 : i32
      %dma_wait3A_28 = tpu.memref_slice %arg7[%scan3A_22, %dma_wait3A] : memref<125x80xi32, #tpu.memory_space<vmem>> -> memref<1x80xi32, #tpu.memory_space<vmem>>
      %dma_wait3A_29 = tpu.memref_squeeze %dma_wait3A_28 : memref<1x80xi32, #tpu.memory_space<vmem>> -> memref<80xi32, #tpu.memory_space<vmem>>
      %dma_wait3A_30 = arith.constant 0 : i32
      %dma_wait3A_31 = arith.constant 0 : i32
      %dma_wait3A_32 = tpu.memref_slice %arg2[%dma_wait3A_30, %dma_wait3A_31] : memref<10000x128xf32, #tpu.memory_space<hbm>> -> memref<10000x128xf32, #tpu.memory_space<hbm>>
      tpu.wait_indirect_dma semaphore(%arg11 : memref<!tpu.dma_semaphore, #tpu.memory_space<semaphore_mem>>) src(%dma_wait3A_32 : memref<10000x128xf32, #tpu.memory_space<hbm>>) dst(%arg9 : memref<80x128xf32, #tpu.memory_space<vmem>>)
      "tpu.region"() ({
        %run_scoped3A = tpu.sem_alloc : memref<!tpu.dma_semaphore, #tpu.memory_space<semaphore_mem>>
        %dma_start3A_33 = arith.constant 0 : i32
        %dma_start3A_34 = tpu.memref_slice %arg8[%scan3A_22, %dma_start3A_33] : memref<125x80xi32, #tpu.memory_space<vmem>> -> memref<1x80xi32, #tpu.memory_space<vmem>>
        %dma_start3A_35 = tpu.memref_squeeze %dma_start3A_34 : memref<1x80xi32, #tpu.memory_space<vmem>> -> memref<80xi32, #tpu.memory_space<vmem>>
        %dma_start3A_36 = arith.constant 0 : i32
        %dma_start3A_37 = arith.constant 0 : i32
        %dma_start3A_38 = tpu.memref_slice %arg6[%dma_start3A_36, %dma_start3A_37] : memref<10240x128xf32, #tpu.memory_space<vmem_shared>> -> memref<10240x128xf32, #tpu.memory_space<vmem_shared>>
        tpu.enqueue_indirect_dma source(%arg9 : memref<80x128xf32, #tpu.memory_space<vmem>>) target(%dma_start3A_38 : memref<10240x128xf32, #tpu.memory_space<vmem_shared>>) offsets(%dma_start3A_35 : memref<80xi32, #tpu.memory_space<vmem>>) semaphore(%run_scoped3A : memref<!tpu.dma_semaphore, #tpu.memory_space<semaphore_mem>>) {add = true}
        %dma_wait3A_39 = arith.constant 0 : i32
        %dma_wait3A_40 = tpu.memref_slice %arg8[%scan3A_22, %dma_wait3A_39] : memref<125x80xi32, #tpu.memory_space<vmem>> -> memref<1x80xi32, #tpu.memory_space<vmem>>
        %dma_wait3A_41 = tpu.memref_squeeze %dma_wait3A_40 : memref<1x80xi32, #tpu.memory_space<vmem>> -> memref<80xi32, #tpu.memory_space<vmem>>
        %dma_wait3A_42 = arith.constant 0 : i32
        %dma_wait3A_43 = arith.constant 0 : i32
        %dma_wait3A_44 = tpu.memref_slice %arg6[%dma_wait3A_42, %dma_wait3A_43] : memref<10240x128xf32, #tpu.memory_space<vmem_shared>> -> memref<10240x128xf32, #tpu.memory_space<vmem_shared>>
        tpu.wait_indirect_dma semaphore(%run_scoped3A : memref<!tpu.dma_semaphore, #tpu.memory_space<semaphore_mem>>) src(%arg9 : memref<80x128xf32, #tpu.memory_space<vmem>>) dst(%dma_wait3A_44 : memref<10240x128xf32, #tpu.memory_space<vmem_shared>>)
        tpu.yield
      }) : () -> ()
    }
    %scan3A_20 = arith.constant 125 : i32
    %barrier3A_21 = arith.constant 0 : index
    tpu.barrier barrier_id(%barrier3A_21)
    "tpu.region"() ({
      %run_scoped3A = tpu.sem_alloc : memref<!tpu.dma_semaphore, #tpu.memory_space<semaphore_mem>>
      %dma_start3A = arith.constant 0 : i32
      %dma_start3A_22 = tpu.memref_slice %arg5[%arg0, %mul3A_8, %dma_start3A] : memref<2x10240x128xf32, #tpu.memory_space<hbm>> -> memref<1x640x128xf32, #tpu.memory_space<hbm>>
      %dma_start3A_23 = tpu.memref_squeeze %dma_start3A_22 : memref<1x640x128xf32, #tpu.memory_space<hbm>> -> memref<640x128xf32, #tpu.memory_space<hbm>>
      %dma_start3A_24 = arith.constant 0 : i32
      %dma_start3A_25 = tpu.memref_slice %arg6[%mul3A_8, %dma_start3A_24] : memref<10240x128xf32, #tpu.memory_space<vmem_shared>> -> memref<640x128xf32, #tpu.memory_space<vmem_shared>>
      tpu.enqueue_dma source(%dma_start3A_25 : memref<640x128xf32, #tpu.memory_space<vmem_shared>>) target(%dma_start3A_23 : memref<640x128xf32, #tpu.memory_space<hbm>>) target_semaphore(%run_scoped3A : memref<!tpu.dma_semaphore, #tpu.memory_space<semaphore_mem>>)
      %dma_wait3A = arith.constant 0 : i32
      %dma_wait3A_26 = tpu.memref_slice %arg5[%arg0, %mul3A_8, %dma_wait3A] : memref<2x10240x128xf32, #tpu.memory_space<hbm>> -> memref<1x640x128xf32, #tpu.memory_space<hbm>>
      %dma_wait3A_27 = tpu.memref_squeeze %dma_wait3A_26 : memref<1x640x128xf32, #tpu.memory_space<hbm>> -> memref<640x128xf32, #tpu.memory_space<hbm>>
      %dma_wait3A_28 = arith.constant 0 : i32
      %dma_wait3A_29 = tpu.memref_slice %arg6[%mul3A_8, %dma_wait3A_28] : memref<10240x128xf32, #tpu.memory_space<vmem_shared>> -> memref<640x128xf32, #tpu.memory_space<vmem_shared>>
      tpu.wait_dma2 semaphore(%run_scoped3A : memref<!tpu.dma_semaphore, #tpu.memory_space<semaphore_mem>>) src(%dma_wait3A_29 : memref<640x128xf32, #tpu.memory_space<vmem_shared>>) dst(%dma_wait3A_27 : memref<640x128xf32, #tpu.memory_space<hbm>>)
      tpu.yield
    }) : () -> ()
    return
  }
}

#map = affine_map<(d0, d1) -> (0, 0)>
#map1 = affine_map<(d0, d1) -> (0, 0, 0)>
module attributes {stable_mosaic.version = 14 : i64} {
  func.func @agg(%arg0: i32, %arg1: i32, %arg2: memref<10000x128xf32, #tpu.memory_space<hbm>>, %arg3: memref<32x125x80xi32, #tpu.memory_space<hbm>>, %arg4: memref<32x125x80xi32, #tpu.memory_space<hbm>>, %arg5: memref<2x10240x128xf32, #tpu.memory_space<hbm>>, %arg6: memref<10240x128xf32, #tpu.memory_space<vmem_shared>>, %arg7: memref<125x80xi32, #tpu.memory_space<vmem>>, %arg8: memref<125x80xi32, #tpu.memory_space<vmem>>, %arg9: memref<80x128xf32, #tpu.memory_space<vmem>>, %arg10: memref<16x128xf32, #tpu.memory_space<vmem>>, %arg11: memref<!tpu.dma_semaphore, #tpu.memory_space<semaphore_mem>>) attributes {dimension_semantics = [#tpu.dimension_semantics<core_parallel>, #tpu.dimension_semantics<subcore_parallel>], iteration_bounds = array<i64: 2, 16>, scalar_prefetch = 0 : i64, scratch_operands = 6 : i64, tpu.core_type = #tpu.core_type<sc_vector_subcore>, window_params = [{transform_indices = #map}, {transform_indices = #map1}, {transform_indices = #map1}, {transform_indices = #map1}]} {
    %mul3A = arith.constant 16 : i32
    %mul3A_0 = arith.muli %arg0, %mul3A : i32
    %add3A = arith.addi %mul3A_0, %arg1 : i32
    %broadcast_in_dim3A = arith.constant 0.000000e+00 : f32
    %broadcast_in_dim3A_1 = vector.broadcast %broadcast_in_dim3A : f32 to vector<16xf32>
    %scan3A = arith.constant 0 : i32
    %scan3A_2 = arith.constant 0 : i32
    %scan3A_3 = arith.constant 16 : i32
    %scan3A_4 = arith.addi %scan3A_2, %scan3A_3 : i32
    %scan3A_5 = arith.constant 1 : i32
    scf.for %scan3A_22 = %scan3A_2 to %scan3A_4 step %scan3A_5  : i32 {
      %scan3A_23 = arith.constant 0 : i32
      %scan3A_24 = arith.constant 8 : i32
      %scan3A_25 = arith.addi %scan3A_23, %scan3A_24 : i32
      %scan3A_26 = arith.constant 1 : i32
      scf.for %scan3A_28 = %scan3A_23 to %scan3A_25 step %scan3A_26  : i32 {
        %mul3A_29 = arith.constant 16 : i32
        %mul3A_30 = arith.muli %scan3A_28, %mul3A_29 : i32
        %swap3A = arith.index_cast %scan3A_22 : i32 to index
        %swap3A_31 = arith.index_cast %mul3A_30 : i32 to index
        %swap3A_32 = tpu.vector_load %arg10[%swap3A, %swap3A_31] {strides = array<i32>} : memref<16x128xf32, #tpu.memory_space<vmem>>, vector<1x16xf32>,
        %swap3A_33 = vector.shape_cast %swap3A_32 : vector<1x16xf32> to vector<16xf32>
        %swap3A_34 = vector.shape_cast %broadcast_in_dim3A_1 : vector<16xf32> to vector<1x16xf32>
        tpu.vector_store %arg10[%swap3A, %swap3A_31], %swap3A_34 {strides = array<i32>} : memref<16x128xf32, #tpu.memory_space<vmem>>, vector<1x16xf32>,
      }
      %scan3A_27 = arith.constant 8 : i32
    }
    %scan3A_6 = arith.constant 16 : i32
    %mul3A_7 = arith.constant 640 : i32
    %mul3A_8 = arith.muli %arg1, %mul3A_7 : i32
    %scan3A_9 = arith.constant 0 : i32
    %scan3A_10 = arith.constant 0 : i32
    %scan3A_11 = arith.constant 40 : i32
    %scan3A_12 = arith.addi %scan3A_10, %scan3A_11 : i32
    %scan3A_13 = arith.constant 1 : i32
    scf.for %scan3A_22 = %scan3A_10 to %scan3A_12 step %scan3A_13  : i32 {
      %mul3A_23 = arith.constant 16 : i32
      %mul3A_24 = arith.muli %scan3A_22, %mul3A_23 : i32
      %add3A_25 = arith.addi %mul3A_8, %mul3A_24 : i32
      "tpu.region"() ({
        %run_scoped3A = tpu.sem_alloc : memref<!tpu.dma_semaphore, #tpu.memory_space<semaphore_mem>>
        %dma_start3A = arith.constant 0 : i32
        %dma_start3A_26 = tpu.memref_slice %arg6[%add3A_25, %dma_start3A] : memref<10240x128xf32, #tpu.memory_space<vmem_shared>> -> memref<16x128xf32, #tpu.memory_space<vmem_shared>>
        %dma_start3A_27 = arith.constant 0 : i32
        %dma_start3A_28 = tpu.memref_slice %arg6[%add3A_25, %dma_start3A_27] : memref<10240x128xf32, #tpu.memory_space<vmem_shared>> -> memref<16x128xf32, #tpu.memory_space<vmem_shared>>
        tpu.enqueue_dma source(%arg10 : memref<16x128xf32, #tpu.memory_space<vmem>>) target(%dma_start3A_28 : memref<16x128xf32, #tpu.memory_space<vmem_shared>>) target_semaphore(%run_scoped3A : memref<!tpu.dma_semaphore, #tpu.memory_space<semaphore_mem>>)
        %dma_wait3A = arith.constant 0 : i32
        %dma_wait3A_29 = tpu.memref_slice %arg6[%add3A_25, %dma_wait3A] : memref<10240x128xf32, #tpu.memory_space<vmem_shared>> -> memref<16x128xf32, #tpu.memory_space<vmem_shared>>
        %dma_wait3A_30 = arith.constant 0 : i32
        %dma_wait3A_31 = tpu.memref_slice %arg6[%add3A_25, %dma_wait3A_30] : memref<10240x128xf32, #tpu.memory_space<vmem_shared>> -> memref<16x128xf32, #tpu.memory_space<vmem_shared>>
        tpu.wait_dma2 semaphore(%run_scoped3A : memref<!tpu.dma_semaphore, #tpu.memory_space<semaphore_mem>>) src(%arg10 : memref<16x128xf32, #tpu.memory_space<vmem>>) dst(%dma_wait3A_31 : memref<16x128xf32, #tpu.memory_space<vmem_shared>>)
        tpu.yield
      }) : () -> ()
    }
    %scan3A_14 = arith.constant 40 : i32
    "tpu.region"() ({
      %run_scoped3A = tpu.sem_alloc : memref<!tpu.dma_semaphore, #tpu.memory_space<semaphore_mem>>
      %dma_start3A = arith.constant 0 : i32
      %dma_start3A_22 = arith.constant 0 : i32
      %dma_start3A_23 = tpu.memref_slice %arg3[%add3A, %dma_start3A, %dma_start3A_22] : memref<32x125x80xi32, #tpu.memory_space<hbm>> -> memref<1x125x80xi32, #tpu.memory_space<hbm>>
      %dma_start3A_24 = tpu.memref_squeeze %dma_start3A_23 : memref<1x125x80xi32, #tpu.memory_space<hbm>> -> memref<125x80xi32, #tpu.memory_space<hbm>>
      %dma_start3A_25 = arith.constant 0 : i32
      %dma_start3A_26 = arith.constant 0 : i32
      %dma_start3A_27 = tpu.memref_slice %arg3[%add3A, %dma_start3A_25, %dma_start3A_26] : memref<32x125x80xi32, #tpu.memory_space<hbm>> -> memref<1x125x80xi32, #tpu.memory_space<hbm>>
      %dma_start3A_28 = tpu.memref_squeeze %dma_start3A_27 : memref<1x125x80xi32, #tpu.memory_space<hbm>> -> memref<125x80xi32, #tpu.memory_space<hbm>>
      tpu.enqueue_dma source(%dma_start3A_28 : memref<125x80xi32, #tpu.memory_space<hbm>>) target(%arg7 : memref<125x80xi32, #tpu.memory_space<vmem>>) target_semaphore(%run_scoped3A : memref<!tpu.dma_semaphore, #tpu.memory_space<semaphore_mem>>)
      %dma_wait3A = arith.constant 0 : i32
      %dma_wait3A_29 = arith.constant 0 : i32
      %dma_wait3A_30 = tpu.memref_slice %arg3[%add3A, %dma_wait3A, %dma_wait3A_29] : memref<32x125x80xi32, #tpu.memory_space<hbm>> -> memref<1x125x80xi32, #tpu.memory_space<hbm>>
      %dma_wait3A_31 = tpu.memref_squeeze %dma_wait3A_30 : memref<1x125x80xi32, #tpu.memory_space<hbm>> -> memref<125x80xi32, #tpu.memory_space<hbm>>
      %dma_wait3A_32 = arith.constant 0 : i32
      %dma_wait3A_33 = arith.constant 0 : i32
      %dma_wait3A_34 = tpu.memref_slice %arg3[%add3A, %dma_wait3A_32, %dma_wait3A_33] : memref<32x125x80xi32, #tpu.memory_space<hbm>> -> memref<1x125x80xi32, #tpu.memory_space<hbm>>
      %dma_wait3A_35 = tpu.memref_squeeze %dma_wait3A_34 : memref<1x125x80xi32, #tpu.memory_space<hbm>> -> memref<125x80xi32, #tpu.memory_space<hbm>>
      tpu.wait_dma2 semaphore(%run_scoped3A : memref<!tpu.dma_semaphore, #tpu.memory_space<semaphore_mem>>) src(%dma_wait3A_35 : memref<125x80xi32, #tpu.memory_space<hbm>>) dst(%arg7 : memref<125x80xi32, #tpu.memory_space<vmem>>)
      tpu.yield
    }) : () -> ()
    "tpu.region"() ({
      %run_scoped3A = tpu.sem_alloc : memref<!tpu.dma_semaphore, #tpu.memory_space<semaphore_mem>>
      %dma_start3A = arith.constant 0 : i32
      %dma_start3A_22 = arith.constant 0 : i32
      %dma_start3A_23 = tpu.memref_slice %arg4[%add3A, %dma_start3A, %dma_start3A_22] : memref<32x125x80xi32, #tpu.memory_space<hbm>> -> memref<1x125x80xi32, #tpu.memory_space<hbm>>
      %dma_start3A_24 = tpu.memref_squeeze %dma_start3A_23 : memref<1x125x80xi32, #tpu.memory_space<hbm>> -> memref<125x80xi32, #tpu.memory_space<hbm>>
      %dma_start3A_25 = arith.constant 0 : i32
      %dma_start3A_26 = arith.constant 0 : i32
      %dma_start3A_27 = tpu.memref_slice %arg4[%add3A, %dma_start3A_25, %dma_start3A_26] : memref<32x125x80xi32, #tpu.memory_space<hbm>> -> memref<1x125x80xi32, #tpu.memory_space<hbm>>
      %dma_start3A_28 = tpu.memref_squeeze %dma_start3A_27 : memref<1x125x80xi32, #tpu.memory_space<hbm>> -> memref<125x80xi32, #tpu.memory_space<hbm>>
      tpu.enqueue_dma source(%dma_start3A_28 : memref<125x80xi32, #tpu.memory_space<hbm>>) target(%arg8 : memref<125x80xi32, #tpu.memory_space<vmem>>) target_semaphore(%run_scoped3A : memref<!tpu.dma_semaphore, #tpu.memory_space<semaphore_mem>>)
      %dma_wait3A = arith.constant 0 : i32
      %dma_wait3A_29 = arith.constant 0 : i32
      %dma_wait3A_30 = tpu.memref_slice %arg4[%add3A, %dma_wait3A, %dma_wait3A_29] : memref<32x125x80xi32, #tpu.memory_space<hbm>> -> memref<1x125x80xi32, #tpu.memory_space<hbm>>
      %dma_wait3A_31 = tpu.memref_squeeze %dma_wait3A_30 : memref<1x125x80xi32, #tpu.memory_space<hbm>> -> memref<125x80xi32, #tpu.memory_space<hbm>>
      %dma_wait3A_32 = arith.constant 0 : i32
      %dma_wait3A_33 = arith.constant 0 : i32
      %dma_wait3A_34 = tpu.memref_slice %arg4[%add3A, %dma_wait3A_32, %dma_wait3A_33] : memref<32x125x80xi32, #tpu.memory_space<hbm>> -> memref<1x125x80xi32, #tpu.memory_space<hbm>>
      %dma_wait3A_35 = tpu.memref_squeeze %dma_wait3A_34 : memref<1x125x80xi32, #tpu.memory_space<hbm>> -> memref<125x80xi32, #tpu.memory_space<hbm>>
      tpu.wait_dma2 semaphore(%run_scoped3A : memref<!tpu.dma_semaphore, #tpu.memory_space<semaphore_mem>>) src(%dma_wait3A_35 : memref<125x80xi32, #tpu.memory_space<hbm>>) dst(%arg8 : memref<125x80xi32, #tpu.memory_space<vmem>>)
      tpu.yield
    }) : () -> ()
    %barrier3A = arith.constant 0 : index
    tpu.barrier barrier_id(%barrier3A)
    %scan3A_15 = arith.constant 0 : i32
    %scan3A_16 = arith.constant 0 : i32
    %scan3A_17 = arith.constant 125 : i32
    %scan3A_18 = arith.addi %scan3A_16, %scan3A_17 : i32
    %scan3A_19 = arith.constant 1 : i32
    scf.for %scan3A_22 = %scan3A_16 to %scan3A_18 step %scan3A_19  : i32 {
      %dma_start3A = arith.constant 0 : i32
      %dma_start3A_23 = tpu.memref_slice %arg7[%scan3A_22, %dma_start3A] : memref<125x80xi32, #tpu.memory_space<vmem>> -> memref<1x80xi32, #tpu.memory_space<vmem>>
      %dma_start3A_24 = tpu.memref_squeeze %dma_start3A_23 : memref<1x80xi32, #tpu.memory_space<vmem>> -> memref<80xi32, #tpu.memory_space<vmem>>
      %dma_start3A_25 = arith.constant 0 : i32
      %dma_start3A_26 = arith.constant 0 : i32
      %dma_start3A_27 = tpu.memref_slice %arg2[%dma_start3A_25, %dma_start3A_26] : memref<10000x128xf32, #tpu.memory_space<hbm>> -> memref<10000x128xf32, #tpu.memory_space<hbm>>
      tpu.enqueue_indirect_dma source(%dma_start3A_27 : memref<10000x128xf32, #tpu.memory_space<hbm>>) target(%arg9 : memref<80x128xf32, #tpu.memory_space<vmem>>) offsets(%dma_start3A_24 : memref<80xi32, #tpu.memory_space<vmem>>) semaphore(%arg11 : memref<!tpu.dma_semaphore, #tpu.memory_space<semaphore_mem>>)
      %dma_wait3A = arith.constant 0 : i32
      %dma_wait3A_28 = tpu.memref_slice %arg7[%scan3A_22, %dma_wait3A] : memref<125x80xi32, #tpu.memory_space<vmem>> -> memref<1x80xi32, #tpu.memory_space<vmem>>
      %dma_wait3A_29 = tpu.memref_squeeze %dma_wait3A_28 : memref<1x80xi32, #tpu.memory_space<vmem>> -> memref<80xi32, #tpu.memory_space<vmem>>
      %dma_wait3A_30 = arith.constant 0 : i32
      %dma_wait3A_31 = arith.constant 0 : i32
      %dma_wait3A_32 = tpu.memref_slice %arg2[%dma_wait3A_30, %dma_wait3A_31] : memref<10000x128xf32, #tpu.memory_space<hbm>> -> memref<10000x128xf32, #tpu.memory_space<hbm>>
      tpu.wait_indirect_dma semaphore(%arg11 : memref<!tpu.dma_semaphore, #tpu.memory_space<semaphore_mem>>) src(%dma_wait3A_32 : memref<10000x128xf32, #tpu.memory_space<hbm>>) dst(%arg9 : memref<80x128xf32, #tpu.memory_space<vmem>>)
      "tpu.region"() ({
        %run_scoped3A = tpu.sem_alloc : memref<!tpu.dma_semaphore, #tpu.memory_space<semaphore_mem>>
        %dma_start3A_33 = arith.constant 0 : i32
        %dma_start3A_34 = tpu.memref_slice %arg8[%scan3A_22, %dma_start3A_33] : memref<125x80xi32, #tpu.memory_space<vmem>> -> memref<1x80xi32, #tpu.memory_space<vmem>>
        %dma_start3A_35 = tpu.memref_squeeze %dma_start3A_34 : memref<1x80xi32, #tpu.memory_space<vmem>> -> memref<80xi32, #tpu.memory_space<vmem>>
        %dma_start3A_36 = arith.constant 0 : i32
        %dma_start3A_37 = arith.constant 0 : i32
        %dma_start3A_38 = tpu.memref_slice %arg6[%dma_start3A_36, %dma_start3A_37] : memref<10240x128xf32, #tpu.memory_space<vmem_shared>> -> memref<10240x128xf32, #tpu.memory_space<vmem_shared>>
        tpu.enqueue_indirect_dma source(%arg9 : memref<80x128xf32, #tpu.memory_space<vmem>>) target(%dma_start3A_38 : memref<10240x128xf32, #tpu.memory_space<vmem_shared>>) offsets(%dma_start3A_35 : memref<80xi32, #tpu.memory_space<vmem>>) semaphore(%run_scoped3A : memref<!tpu.dma_semaphore, #tpu.memory_space<semaphore_mem>>) {add = true}
        %dma_wait3A_39 = arith.constant 0 : i32
        %dma_wait3A_40 = tpu.memref_slice %arg8[%scan3A_22, %dma_wait3A_39] : memref<125x80xi32, #tpu.memory_space<vmem>> -> memref<1x80xi32, #tpu.memory_space<vmem>>
        %dma_wait3A_41 = tpu.memref_squeeze %dma_wait3A_40 : memref<1x80xi32, #tpu.memory_space<vmem>> -> memref<80xi32, #tpu.memory_space<vmem>>
        %dma_wait3A_42 = arith.constant 0 : i32
        %dma_wait3A_43 = arith.constant 0 : i32
        %dma_wait3A_44 = tpu.memref_slice %arg6[%dma_wait3A_42, %dma_wait3A_43] : memref<10240x128xf32, #tpu.memory_space<vmem_shared>> -> memref<10240x128xf32, #tpu.memory_space<vmem_shared>>
        tpu.wait_indirect_dma semaphore(%run_scoped3A : memref<!tpu.dma_semaphore, #tpu.memory_space<semaphore_mem>>) src(%arg9 : memref<80x128xf32, #tpu.memory_space<vmem>>) dst(%dma_wait3A_44 : memref<10240x128xf32, #tpu.memory_space<vmem_shared>>)
        tpu.yield
      }) : () -> ()
    }
    %scan3A_20 = arith.constant 125 : i32
    %barrier3A_21 = arith.constant 0 : index
    tpu.barrier barrier_id(%barrier3A_21)
    "tpu.region"() ({
      %run_scoped3A = tpu.sem_alloc : memref<!tpu.dma_semaphore, #tpu.memory_space<semaphore_mem>>
      %dma_start3A = arith.constant 0 : i32
      %dma_start3A_22 = tpu.memref_slice %arg5[%arg0, %mul3A_8, %dma_start3A] : memref<2x10240x128xf32, #tpu.memory_space<hbm>> -> memref<1x640x128xf32, #tpu.memory_space<hbm>>
      %dma_start3A_23 = tpu.memref_squeeze %dma_start3A_22 : memref<1x640x128xf32, #tpu.memory_space<hbm>> -> memref<640x128xf32, #tpu.memory_space<hbm>>
      %dma_start3A_24 = arith.constant 0 : i32
      %dma_start3A_25 = tpu.memref_slice %arg6[%mul3A_8, %dma_start3A_24] : memref<10240x128xf32, #tpu.memory_space<vmem_shared>> -> memref<640x128xf32, #tpu.memory_space<vmem_shared>>
      tpu.enqueue_dma source(%dma_start3A_25 : memref<640x128xf32, #tpu.memory_space<vmem_shared>>) target(%dma_start3A_23 : memref<640x128xf32, #tpu.memory_space<hbm>>) target_semaphore(%run_scoped3A : memref<!tpu.dma_semaphore, #tpu.memory_space<semaphore_mem>>)
      %dma_wait3A = arith.constant 0 : i32
      %dma_wait3A_26 = tpu.memref_slice %arg5[%arg0, %mul3A_8, %dma_wait3A] : memref<2x10240x128xf32, #tpu.memory_space<hbm>> -> memref<1x640x128xf32, #tpu.memory_space<hbm>>
      %dma_wait3A_27 = tpu.memref_squeeze %dma_wait3A_26 : memref<1x640x128xf32, #tpu.memory_space<hbm>> -> memref<640x128xf32, #tpu.memory_space<hbm>>
      %dma_wait3A_28 = arith.constant 0 : i32
      %dma_wait3A_29 = tpu.memref_slice %arg6[%mul3A_8, %dma_wait3A_28] : memref<10240x128xf32, #tpu.memory_space<vmem_shared>> -> memref<640x128xf32, #tpu.memory_space<vmem_shared>>
      tpu.wait_dma2 semaphore(%run_scoped3A : memref<!tpu.dma_semaphore, #tpu.memory_space<semaphore_mem>>) src(%dma_wait3A_29 : memref<640x128xf32, #tpu.memory_space<vmem_shared>>) dst(%dma_wait3A_27 : memref<640x128xf32, #tpu.memory_space<hbm>>)
      tpu.yield
    }) : () -> ()
    return
  }
}

#map = affine_map<(d0, d1) -> (0, 0)>
#map1 = affine_map<(d0, d1) -> (0, 0, 0)>
module attributes {stable_mosaic.version = 14 : i64} {
  func.func @agg(%arg0: i32, %arg1: i32, %arg2: memref<10000x128xf32, #tpu.memory_space<hbm>>, %arg3: memref<32x125x80xi32, #tpu.memory_space<hbm>>, %arg4: memref<32x125x80xi32, #tpu.memory_space<hbm>>, %arg5: memref<2x10240x128xf32, #tpu.memory_space<hbm>>, %arg6: memref<10240x128xf32, #tpu.memory_space<vmem_shared>>, %arg7: memref<125x80xi32, #tpu.memory_space<vmem>>, %arg8: memref<125x80xi32, #tpu.memory_space<vmem>>, %arg9: memref<80x128xf32, #tpu.memory_space<vmem>>, %arg10: memref<16x128xf32, #tpu.memory_space<vmem>>, %arg11: memref<!tpu.dma_semaphore, #tpu.memory_space<semaphore_mem>>) attributes {dimension_semantics = [#tpu.dimension_semantics<core_parallel>, #tpu.dimension_semantics<subcore_parallel>], iteration_bounds = array<i64: 2, 16>, scalar_prefetch = 0 : i64, scratch_operands = 6 : i64, tpu.core_type = #tpu.core_type<sc_vector_subcore>, window_params = [{transform_indices = #map}, {transform_indices = #map1}, {transform_indices = #map1}, {transform_indices = #map1}]} {
    %mul3A = arith.constant 16 : i32
    %mul3A_0 = arith.muli %arg0, %mul3A : i32
    %add3A = arith.addi %mul3A_0, %arg1 : i32
    %broadcast_in_dim3A = arith.constant 0.000000e+00 : f32
    %broadcast_in_dim3A_1 = vector.broadcast %broadcast_in_dim3A : f32 to vector<16xf32>
    %scan3A = arith.constant 0 : i32
    %scan3A_2 = arith.constant 0 : i32
    %scan3A_3 = arith.constant 16 : i32
    %scan3A_4 = arith.addi %scan3A_2, %scan3A_3 : i32
    %scan3A_5 = arith.constant 1 : i32
    scf.for %scan3A_22 = %scan3A_2 to %scan3A_4 step %scan3A_5  : i32 {
      %scan3A_23 = arith.constant 0 : i32
      %scan3A_24 = arith.constant 8 : i32
      %scan3A_25 = arith.addi %scan3A_23, %scan3A_24 : i32
      %scan3A_26 = arith.constant 1 : i32
      scf.for %scan3A_28 = %scan3A_23 to %scan3A_25 step %scan3A_26  : i32 {
        %mul3A_29 = arith.constant 16 : i32
        %mul3A_30 = arith.muli %scan3A_28, %mul3A_29 : i32
        %swap3A = arith.index_cast %scan3A_22 : i32 to index
        %swap3A_31 = arith.index_cast %mul3A_30 : i32 to index
        %swap3A_32 = tpu.vector_load %arg10[%swap3A, %swap3A_31] {strides = array<i32>} : memref<16x128xf32, #tpu.memory_space<vmem>>, vector<1x16xf32>,
        %swap3A_33 = vector.shape_cast %swap3A_32 : vector<1x16xf32> to vector<16xf32>
        %swap3A_34 = vector.shape_cast %broadcast_in_dim3A_1 : vector<16xf32> to vector<1x16xf32>
        tpu.vector_store %arg10[%swap3A, %swap3A_31], %swap3A_34 {strides = array<i32>} : memref<16x128xf32, #tpu.memory_space<vmem>>, vector<1x16xf32>,
      }
      %scan3A_27 = arith.constant 8 : i32
    }
    %scan3A_6 = arith.constant 16 : i32
    %mul3A_7 = arith.constant 640 : i32
    %mul3A_8 = arith.muli %arg1, %mul3A_7 : i32
    %scan3A_9 = arith.constant 0 : i32
    %scan3A_10 = arith.constant 0 : i32
    %scan3A_11 = arith.constant 40 : i32
    %scan3A_12 = arith.addi %scan3A_10, %scan3A_11 : i32
    %scan3A_13 = arith.constant 1 : i32
    scf.for %scan3A_22 = %scan3A_10 to %scan3A_12 step %scan3A_13  : i32 {
      %mul3A_23 = arith.constant 16 : i32
      %mul3A_24 = arith.muli %scan3A_22, %mul3A_23 : i32
      %add3A_25 = arith.addi %mul3A_8, %mul3A_24 : i32
      "tpu.region"() ({
        %run_scoped3A = tpu.sem_alloc : memref<!tpu.dma_semaphore, #tpu.memory_space<semaphore_mem>>
        %dma_start3A = arith.constant 0 : i32
        %dma_start3A_26 = tpu.memref_slice %arg6[%add3A_25, %dma_start3A] : memref<10240x128xf32, #tpu.memory_space<vmem_shared>> -> memref<16x128xf32, #tpu.memory_space<vmem_shared>>
        %dma_start3A_27 = arith.constant 0 : i32
        %dma_start3A_28 = tpu.memref_slice %arg6[%add3A_25, %dma_start3A_27] : memref<10240x128xf32, #tpu.memory_space<vmem_shared>> -> memref<16x128xf32, #tpu.memory_space<vmem_shared>>
        tpu.enqueue_dma source(%arg10 : memref<16x128xf32, #tpu.memory_space<vmem>>) target(%dma_start3A_28 : memref<16x128xf32, #tpu.memory_space<vmem_shared>>) target_semaphore(%run_scoped3A : memref<!tpu.dma_semaphore, #tpu.memory_space<semaphore_mem>>)
        %dma_wait3A = arith.constant 0 : i32
        %dma_wait3A_29 = tpu.memref_slice %arg6[%add3A_25, %dma_wait3A] : memref<10240x128xf32, #tpu.memory_space<vmem_shared>> -> memref<16x128xf32, #tpu.memory_space<vmem_shared>>
        %dma_wait3A_30 = arith.constant 0 : i32
        %dma_wait3A_31 = tpu.memref_slice %arg6[%add3A_25, %dma_wait3A_30] : memref<10240x128xf32, #tpu.memory_space<vmem_shared>> -> memref<16x128xf32, #tpu.memory_space<vmem_shared>>
        tpu.wait_dma2 semaphore(%run_scoped3A : memref<!tpu.dma_semaphore, #tpu.memory_space<semaphore_mem>>) src(%arg10 : memref<16x128xf32, #tpu.memory_space<vmem>>) dst(%dma_wait3A_31 : memref<16x128xf32, #tpu.memory_space<vmem_shared>>)
        tpu.yield
      }) : () -> ()
    }
    %scan3A_14 = arith.constant 40 : i32
    "tpu.region"() ({
      %run_scoped3A = tpu.sem_alloc : memref<!tpu.dma_semaphore, #tpu.memory_space<semaphore_mem>>
      %dma_start3A = arith.constant 0 : i32
      %dma_start3A_22 = arith.constant 0 : i32
      %dma_start3A_23 = tpu.memref_slice %arg3[%add3A, %dma_start3A, %dma_start3A_22] : memref<32x125x80xi32, #tpu.memory_space<hbm>> -> memref<1x125x80xi32, #tpu.memory_space<hbm>>
      %dma_start3A_24 = tpu.memref_squeeze %dma_start3A_23 : memref<1x125x80xi32, #tpu.memory_space<hbm>> -> memref<125x80xi32, #tpu.memory_space<hbm>>
      %dma_start3A_25 = arith.constant 0 : i32
      %dma_start3A_26 = arith.constant 0 : i32
      %dma_start3A_27 = tpu.memref_slice %arg3[%add3A, %dma_start3A_25, %dma_start3A_26] : memref<32x125x80xi32, #tpu.memory_space<hbm>> -> memref<1x125x80xi32, #tpu.memory_space<hbm>>
      %dma_start3A_28 = tpu.memref_squeeze %dma_start3A_27 : memref<1x125x80xi32, #tpu.memory_space<hbm>> -> memref<125x80xi32, #tpu.memory_space<hbm>>
      tpu.enqueue_dma source(%dma_start3A_28 : memref<125x80xi32, #tpu.memory_space<hbm>>) target(%arg7 : memref<125x80xi32, #tpu.memory_space<vmem>>) target_semaphore(%run_scoped3A : memref<!tpu.dma_semaphore, #tpu.memory_space<semaphore_mem>>)
      %dma_wait3A = arith.constant 0 : i32
      %dma_wait3A_29 = arith.constant 0 : i32
      %dma_wait3A_30 = tpu.memref_slice %arg3[%add3A, %dma_wait3A, %dma_wait3A_29] : memref<32x125x80xi32, #tpu.memory_space<hbm>> -> memref<1x125x80xi32, #tpu.memory_space<hbm>>
      %dma_wait3A_31 = tpu.memref_squeeze %dma_wait3A_30 : memref<1x125x80xi32, #tpu.memory_space<hbm>> -> memref<125x80xi32, #tpu.memory_space<hbm>>
      %dma_wait3A_32 = arith.constant 0 : i32
      %dma_wait3A_33 = arith.constant 0 : i32
      %dma_wait3A_34 = tpu.memref_slice %arg3[%add3A, %dma_wait3A_32, %dma_wait3A_33] : memref<32x125x80xi32, #tpu.memory_space<hbm>> -> memref<1x125x80xi32, #tpu.memory_space<hbm>>
      %dma_wait3A_35 = tpu.memref_squeeze %dma_wait3A_34 : memref<1x125x80xi32, #tpu.memory_space<hbm>> -> memref<125x80xi32, #tpu.memory_space<hbm>>
      tpu.wait_dma2 semaphore(%run_scoped3A : memref<!tpu.dma_semaphore, #tpu.memory_space<semaphore_mem>>) src(%dma_wait3A_35 : memref<125x80xi32, #tpu.memory_space<hbm>>) dst(%arg7 : memref<125x80xi32, #tpu.memory_space<vmem>>)
      tpu.yield
    }) : () -> ()
    "tpu.region"() ({
      %run_scoped3A = tpu.sem_alloc : memref<!tpu.dma_semaphore, #tpu.memory_space<semaphore_mem>>
      %dma_start3A = arith.constant 0 : i32
      %dma_start3A_22 = arith.constant 0 : i32
      %dma_start3A_23 = tpu.memref_slice %arg4[%add3A, %dma_start3A, %dma_start3A_22] : memref<32x125x80xi32, #tpu.memory_space<hbm>> -> memref<1x125x80xi32, #tpu.memory_space<hbm>>
      %dma_start3A_24 = tpu.memref_squeeze %dma_start3A_23 : memref<1x125x80xi32, #tpu.memory_space<hbm>> -> memref<125x80xi32, #tpu.memory_space<hbm>>
      %dma_start3A_25 = arith.constant 0 : i32
      %dma_start3A_26 = arith.constant 0 : i32
      %dma_start3A_27 = tpu.memref_slice %arg4[%add3A, %dma_start3A_25, %dma_start3A_26] : memref<32x125x80xi32, #tpu.memory_space<hbm>> -> memref<1x125x80xi32, #tpu.memory_space<hbm>>
      %dma_start3A_28 = tpu.memref_squeeze %dma_start3A_27 : memref<1x125x80xi32, #tpu.memory_space<hbm>> -> memref<125x80xi32, #tpu.memory_space<hbm>>
      tpu.enqueue_dma source(%dma_start3A_28 : memref<125x80xi32, #tpu.memory_space<hbm>>) target(%arg8 : memref<125x80xi32, #tpu.memory_space<vmem>>) target_semaphore(%run_scoped3A : memref<!tpu.dma_semaphore, #tpu.memory_space<semaphore_mem>>)
      %dma_wait3A = arith.constant 0 : i32
      %dma_wait3A_29 = arith.constant 0 : i32
      %dma_wait3A_30 = tpu.memref_slice %arg4[%add3A, %dma_wait3A, %dma_wait3A_29] : memref<32x125x80xi32, #tpu.memory_space<hbm>> -> memref<1x125x80xi32, #tpu.memory_space<hbm>>
      %dma_wait3A_31 = tpu.memref_squeeze %dma_wait3A_30 : memref<1x125x80xi32, #tpu.memory_space<hbm>> -> memref<125x80xi32, #tpu.memory_space<hbm>>
      %dma_wait3A_32 = arith.constant 0 : i32
      %dma_wait3A_33 = arith.constant 0 : i32
      %dma_wait3A_34 = tpu.memref_slice %arg4[%add3A, %dma_wait3A_32, %dma_wait3A_33] : memref<32x125x80xi32, #tpu.memory_space<hbm>> -> memref<1x125x80xi32, #tpu.memory_space<hbm>>
      %dma_wait3A_35 = tpu.memref_squeeze %dma_wait3A_34 : memref<1x125x80xi32, #tpu.memory_space<hbm>> -> memref<125x80xi32, #tpu.memory_space<hbm>>
      tpu.wait_dma2 semaphore(%run_scoped3A : memref<!tpu.dma_semaphore, #tpu.memory_space<semaphore_mem>>) src(%dma_wait3A_35 : memref<125x80xi32, #tpu.memory_space<hbm>>) dst(%arg8 : memref<125x80xi32, #tpu.memory_space<vmem>>)
      tpu.yield
    }) : () -> ()
    %barrier3A = arith.constant 0 : index
    tpu.barrier barrier_id(%barrier3A)
    %scan3A_15 = arith.constant 0 : i32
    %scan3A_16 = arith.constant 0 : i32
    %scan3A_17 = arith.constant 125 : i32
    %scan3A_18 = arith.addi %scan3A_16, %scan3A_17 : i32
    %scan3A_19 = arith.constant 1 : i32
    scf.for %scan3A_22 = %scan3A_16 to %scan3A_18 step %scan3A_19  : i32 {
      %dma_start3A = arith.constant 0 : i32
      %dma_start3A_23 = tpu.memref_slice %arg7[%scan3A_22, %dma_start3A] : memref<125x80xi32, #tpu.memory_space<vmem>> -> memref<1x80xi32, #tpu.memory_space<vmem>>
      %dma_start3A_24 = tpu.memref_squeeze %dma_start3A_23 : memref<1x80xi32, #tpu.memory_space<vmem>> -> memref<80xi32, #tpu.memory_space<vmem>>
      %dma_start3A_25 = arith.constant 0 : i32
      %dma_start3A_26 = arith.constant 0 : i32
      %dma_start3A_27 = tpu.memref_slice %arg2[%dma_start3A_25, %dma_start3A_26] : memref<10000x128xf32, #tpu.memory_space<hbm>> -> memref<10000x128xf32, #tpu.memory_space<hbm>>
      tpu.enqueue_indirect_dma source(%dma_start3A_27 : memref<10000x128xf32, #tpu.memory_space<hbm>>) target(%arg9 : memref<80x128xf32, #tpu.memory_space<vmem>>) offsets(%dma_start3A_24 : memref<80xi32, #tpu.memory_space<vmem>>) semaphore(%arg11 : memref<!tpu.dma_semaphore, #tpu.memory_space<semaphore_mem>>)
      %dma_wait3A = arith.constant 0 : i32
      %dma_wait3A_28 = tpu.memref_slice %arg7[%scan3A_22, %dma_wait3A] : memref<125x80xi32, #tpu.memory_space<vmem>> -> memref<1x80xi32, #tpu.memory_space<vmem>>
      %dma_wait3A_29 = tpu.memref_squeeze %dma_wait3A_28 : memref<1x80xi32, #tpu.memory_space<vmem>> -> memref<80xi32, #tpu.memory_space<vmem>>
      %dma_wait3A_30 = arith.constant 0 : i32
      %dma_wait3A_31 = arith.constant 0 : i32
      %dma_wait3A_32 = tpu.memref_slice %arg2[%dma_wait3A_30, %dma_wait3A_31] : memref<10000x128xf32, #tpu.memory_space<hbm>> -> memref<10000x128xf32, #tpu.memory_space<hbm>>
      tpu.wait_indirect_dma semaphore(%arg11 : memref<!tpu.dma_semaphore, #tpu.memory_space<semaphore_mem>>) src(%dma_wait3A_32 : memref<10000x128xf32, #tpu.memory_space<hbm>>) dst(%arg9 : memref<80x128xf32, #tpu.memory_space<vmem>>)
      "tpu.region"() ({
        %run_scoped3A = tpu.sem_alloc : memref<!tpu.dma_semaphore, #tpu.memory_space<semaphore_mem>>
        %dma_start3A_33 = arith.constant 0 : i32
        %dma_start3A_34 = tpu.memref_slice %arg8[%scan3A_22, %dma_start3A_33] : memref<125x80xi32, #tpu.memory_space<vmem>> -> memref<1x80xi32, #tpu.memory_space<vmem>>
        %dma_start3A_35 = tpu.memref_squeeze %dma_start3A_34 : memref<1x80xi32, #tpu.memory_space<vmem>> -> memref<80xi32, #tpu.memory_space<vmem>>
        %dma_start3A_36 = arith.constant 0 : i32
        %dma_start3A_37 = arith.constant 0 : i32
        %dma_start3A_38 = tpu.memref_slice %arg6[%dma_start3A_36, %dma_start3A_37] : memref<10240x128xf32, #tpu.memory_space<vmem_shared>> -> memref<10240x128xf32, #tpu.memory_space<vmem_shared>>
        tpu.enqueue_indirect_dma source(%arg9 : memref<80x128xf32, #tpu.memory_space<vmem>>) target(%dma_start3A_38 : memref<10240x128xf32, #tpu.memory_space<vmem_shared>>) offsets(%dma_start3A_35 : memref<80xi32, #tpu.memory_space<vmem>>) semaphore(%run_scoped3A : memref<!tpu.dma_semaphore, #tpu.memory_space<semaphore_mem>>) {add = true}
        %dma_wait3A_39 = arith.constant 0 : i32
        %dma_wait3A_40 = tpu.memref_slice %arg8[%scan3A_22, %dma_wait3A_39] : memref<125x80xi32, #tpu.memory_space<vmem>> -> memref<1x80xi32, #tpu.memory_space<vmem>>
        %dma_wait3A_41 = tpu.memref_squeeze %dma_wait3A_40 : memref<1x80xi32, #tpu.memory_space<vmem>> -> memref<80xi32, #tpu.memory_space<vmem>>
        %dma_wait3A_42 = arith.constant 0 : i32
        %dma_wait3A_43 = arith.constant 0 : i32
        %dma_wait3A_44 = tpu.memref_slice %arg6[%dma_wait3A_42, %dma_wait3A_43] : memref<10240x128xf32, #tpu.memory_space<vmem_shared>> -> memref<10240x128xf32, #tpu.memory_space<vmem_shared>>
        tpu.wait_indirect_dma semaphore(%run_scoped3A : memref<!tpu.dma_semaphore, #tpu.memory_space<semaphore_mem>>) src(%arg9 : memref<80x128xf32, #tpu.memory_space<vmem>>) dst(%dma_wait3A_44 : memref<10240x128xf32, #tpu.memory_space<vmem_shared>>)
        tpu.yield
      }) : () -> ()
    }
    %scan3A_20 = arith.constant 125 : i32
    %barrier3A_21 = arith.constant 0 : index
    tpu.barrier barrier_id(%barrier3A_21)
    "tpu.region"() ({
      %run_scoped3A = tpu.sem_alloc : memref<!tpu.dma_semaphore, #tpu.memory_space<semaphore_mem>>
      %dma_start3A = arith.constant 0 : i32
      %dma_start3A_22 = tpu.memref_slice %arg5[%arg0, %mul3A_8, %dma_start3A] : memref<2x10240x128xf32, #tpu.memory_space<hbm>> -> memref<1x640x128xf32, #tpu.memory_space<hbm>>
      %dma_start3A_23 = tpu.memref_squeeze %dma_start3A_22 : memref<1x640x128xf32, #tpu.memory_space<hbm>> -> memref<640x128xf32, #tpu.memory_space<hbm>>
      %dma_start3A_24 = arith.constant 0 : i32
      %dma_start3A_25 = tpu.memref_slice %arg6[%mul3A_8, %dma_start3A_24] : memref<10240x128xf32, #tpu.memory_space<vmem_shared>> -> memref<640x128xf32, #tpu.memory_space<vmem_shared>>
      tpu.enqueue_dma source(%dma_start3A_25 : memref<640x128xf32, #tpu.memory_space<vmem_shared>>) target(%dma_start3A_23 : memref<640x128xf32, #tpu.memory_space<hbm>>) target_semaphore(%run_scoped3A : memref<!tpu.dma_semaphore, #tpu.memory_space<semaphore_mem>>)
      %dma_wait3A = arith.constant 0 : i32
      %dma_wait3A_26 = tpu.memref_slice %arg5[%arg0, %mul3A_8, %dma_wait3A] : memref<2x10240x128xf32, #tpu.memory_space<hbm>> -> memref<1x640x128xf32, #tpu.memory_space<hbm>>
      %dma_wait3A_27 = tpu.memref_squeeze %dma_wait3A_26 : memref<1x640x128xf32, #tpu.memory_space<hbm>> -> memref<640x128xf32, #tpu.memory_space<hbm>>
      %dma_wait3A_28 = arith.constant 0 : i32
      %dma_wait3A_29 = tpu.memref_slice %arg6[%mul3A_8, %dma_wait3A_28] : memref<10240x128xf32, #tpu.memory_space<vmem_shared>> -> memref<640x128xf32, #tpu.memory_space<vmem_shared>>
      tpu.wait_dma2 semaphore(%run_scoped3A : memref<!tpu.dma_semaphore, #tpu.memory_space<semaphore_mem>>) src(%dma_wait3A_29 : memref<640x128xf32, #tpu.memory_space<vmem_shared>>) dst(%dma_wait3A_27 : memref<640x128xf32, #tpu.memory_space<hbm>>)
      tpu.yield
    }) : () -> ()
    return
  }
}

module attributes {stable_mosaic.version = 14 : i64} {
  func.func @body(%arg0: i32, %arg1: memref<512x128xf32, #tpu.memory_space<vmem>>, %arg2: memref<256x128xf32, #tpu.memory_space<vmem>>, %arg3: memref<1x256xf32, #tpu.memory_space<vmem>>, %arg4: memref<512x256xf32, #tpu.memory_space<vmem>>) attributes {dimension_semantics = [#tpu.dimension_semantics<arbitrary>], iteration_bounds = array<i64: 20>, scalar_prefetch = 0 : i64, scratch_operands = 0 : i64, tpu.core_type = #tpu.core_type<tc>, window_params = [{transform_indices = @transform_0, window_bounds = array<i64: 512, 128>}, {pipeline_mode = #tpu.pipeline_mode<synchronous>, transform_indices = @transform_1, window_bounds = array<i64: 256, 128>}, {pipeline_mode = #tpu.pipeline_mode<synchronous>, transform_indices = @transform_2, window_bounds = array<i64: 1, 256>}, {transform_indices = @transform_3, window_bounds = array<i64: 512, 256>}]} {
    %get3A = arith.constant 0 : index
    %get3A_0 = arith.constant 0 : index
    %get3A_1 = vector.load %arg1[%get3A, %get3A_0] : memref<512x128xf32, #tpu.memory_space<vmem>>, vector<512x128xf32>
    %get3A_2 = arith.constant 0 : index
    %get3A_3 = arith.constant 0 : index
    %get3A_4 = vector.load %arg2[%get3A_2, %get3A_3] : memref<256x128xf32, #tpu.memory_space<vmem>>, vector<256x128xf32>
    %transpose3A = tpu.transpose %get3A_4, [1, 0] : vector<256x128xf32> -> vector<128x256xf32>
    %dot_general3A = arith.constant dense<0.000000e+00> : vector<512x256xf32>
    %dot_general3A_5 = tpu.matmul %get3A_1, %transpose3A, %dot_general3A {dimension_numbers = #tpu.dot_dimension_numbers<[1], [0], [0], [1], [0, 0, 1, 1], [], []>, transpose_lhs_hint = false} : vector<512x128xf32>, vector<128x256xf32>, vector<512x256xf32> -> vector<512x256xf32>
    %get3A_6 = arith.constant 0 : index
    %get3A_7 = arith.constant 0 : index
    %get3A_8 = vector.load %arg3[%get3A_6, %get3A_7] : memref<1x256xf32, #tpu.memory_space<vmem>>, vector<1x256xf32>
    %add3A = vector.broadcast %get3A_8 : vector<1x256xf32> to vector<512x256xf32>
    %add3A_9 = arith.addf %dot_general3A_5, %add3A : vector<512x256xf32>
    %swap3A = arith.constant 0 : index
    %swap3A_10 = arith.constant 0 : index
    %swap3A_11 = vector.load %arg4[%swap3A, %swap3A_10] : memref<512x256xf32, #tpu.memory_space<vmem>>, vector<512x256xf32>
    tpu.vector_store %arg4[%swap3A, %swap3A_10], %add3A_9 {strides = array<i32>} : memref<512x256xf32, #tpu.memory_space<vmem>>, vector<512x256xf32>,
    return
  }
  func.func @transform_0(%arg0: i32) -> (i32, i32) {
    %c0_i32 = arith.constant 0 : i32
    %c0_i32_0 = arith.constant 0 : i32
    return %arg0, %c0_i32 : i32, i32
  }
  func.func @transform_1(%arg0: i32) -> (i32, i32) {
    %c0_i32 = arith.constant 0 : i32
    %c0_i32_0 = arith.constant 0 : i32
    %c0_i32_1 = arith.constant 0 : i32
    return %c0_i32, %c0_i32_0 : i32, i32
  }
  func.func @transform_2(%arg0: i32) -> (i32, i32) {
    %c0_i32 = arith.constant 0 : i32
    %c0_i32_0 = arith.constant 0 : i32
    %c0_i32_1 = arith.constant 0 : i32
    return %c0_i32, %c0_i32_0 : i32, i32
  }
  func.func @transform_3(%arg0: i32) -> (i32, i32) {
    %c0_i32 = arith.constant 0 : i32
    %c0_i32_0 = arith.constant 0 : i32
    return %arg0, %c0_i32 : i32, i32
  }
}

module attributes {stable_mosaic.version = 14 : i64} {
  func.func @body(%arg0: memref<10000x256xf32, #tpu.memory_space<vmem>>, %arg1: memref<1x256xf32, #tpu.memory_space<vmem>>, %arg2: memref<1x256xf32, #tpu.memory_space<vmem>>, %arg3: memref<10000x256xf32, #tpu.memory_space<vmem>>) attributes {dimension_semantics = [], scalar_prefetch = 0 : i64, scratch_operands = 0 : i64, tpu.core_type = #tpu.core_type<tc>} {
    %get3A = arith.constant 0 : index
    %get3A_0 = arith.constant 0 : index
    %get3A_1 = vector.load %arg0[%get3A, %get3A_0] : memref<10000x256xf32, #tpu.memory_space<vmem>>, vector<10000x256xf32>
    %max3A = arith.constant 0.000000e+00 : f32
    %max3A_2 = vector.broadcast %max3A : f32 to vector<10000x256xf32>
    %max3A_3 = arith.maximumf %get3A_1, %max3A_2 : vector<10000x256xf32>
    %reduce_sum3A = arith.constant dense<0.000000e+00> : vector<256xf32>
    %reduce_sum3A_4 = vector.multi_reduction <add>, %max3A_3, %reduce_sum3A [0] : vector<10000x256xf32> to vector<256xf32>
    %broadcast_in_dim3A = vector.shape_cast %reduce_sum3A_4 : vector<256xf32> to vector<1x256xf32>
    %div3A = arith.constant 1.000000e+04 : f32
    %div3A_5 = vector.broadcast %div3A : f32 to vector<1x256xf32>
    %div3A_6 = arith.divf %broadcast_in_dim3A, %div3A_5 : vector<1x256xf32>
    %sub3A = vector.broadcast %div3A_6 : vector<1x256xf32> to vector<10000x256xf32>
    %sub3A_7 = arith.subf %max3A_3, %sub3A : vector<10000x256xf32>
    %integer_pow3A = arith.mulf %sub3A_7, %sub3A_7 : vector<10000x256xf32>
    %reduce_sum3A_8 = arith.constant dense<0.000000e+00> : vector<256xf32>
    %reduce_sum3A_9 = vector.multi_reduction <add>, %integer_pow3A, %reduce_sum3A_8 [0] : vector<10000x256xf32> to vector<256xf32>
    %broadcast_in_dim3A_10 = vector.shape_cast %reduce_sum3A_9 : vector<256xf32> to vector<1x256xf32>
    %div3A_11 = arith.constant 1.000000e+04 : f32
    %div3A_12 = vector.broadcast %div3A_11 : f32 to vector<1x256xf32>
    %div3A_13 = arith.divf %broadcast_in_dim3A_10, %div3A_12 : vector<1x256xf32>
    %sub3A_14 = vector.broadcast %div3A_6 : vector<1x256xf32> to vector<10000x256xf32>
    %sub3A_15 = arith.subf %max3A_3, %sub3A_14 : vector<10000x256xf32>
    %add3A = arith.constant 9.99999974E-6 : f32
    %add3A_16 = vector.broadcast %add3A : f32 to vector<1x256xf32>
    %add3A_17 = arith.addf %div3A_13, %add3A_16 : vector<1x256xf32>
    %sqrt3A = math.sqrt %add3A_17 : vector<1x256xf32>
    %div3A_18 = vector.broadcast %sqrt3A : vector<1x256xf32> to vector<10000x256xf32>
    %div3A_19 = arith.divf %sub3A_15, %div3A_18 : vector<10000x256xf32>
    %get3A_20 = arith.constant 0 : index
    %get3A_21 = arith.constant 0 : index
    %get3A_22 = vector.load %arg1[%get3A_20, %get3A_21] : memref<1x256xf32, #tpu.memory_space<vmem>>, vector<1x256xf32>
    %mul3A = vector.broadcast %get3A_22 : vector<1x256xf32> to vector<10000x256xf32>
    %mul3A_23 = arith.mulf %div3A_19, %mul3A : vector<10000x256xf32>
    %get3A_24 = arith.constant 0 : index
    %get3A_25 = arith.constant 0 : index
    %get3A_26 = vector.load %arg2[%get3A_24, %get3A_25] : memref<1x256xf32, #tpu.memory_space<vmem>>, vector<1x256xf32>
    %add3A_27 = vector.broadcast %get3A_26 : vector<1x256xf32> to vector<10000x256xf32>
    %add3A_28 = arith.addf %mul3A_23, %add3A_27 : vector<10000x256xf32>
    %swap3A = arith.constant 0 : index
    %swap3A_29 = arith.constant 0 : index
    %swap3A_30 = vector.load %arg3[%swap3A, %swap3A_29] : memref<10000x256xf32, #tpu.memory_space<vmem>>, vector<10000x256xf32>
    tpu.vector_store %arg3[%swap3A, %swap3A_29], %add3A_28 {strides = array<i32>} : memref<10000x256xf32, #tpu.memory_space<vmem>>, vector<10000x256xf32>,
    return
  }
}

module attributes {stable_mosaic.version = 14 : i64} {
  func.func @body(%arg0: i32, %arg1: memref<512x256xf32, #tpu.memory_space<vmem>>, %arg2: memref<256x256xf32, #tpu.memory_space<vmem>>, %arg3: memref<1x256xf32, #tpu.memory_space<vmem>>, %arg4: memref<512x256xf32, #tpu.memory_space<vmem>>) attributes {dimension_semantics = [#tpu.dimension_semantics<arbitrary>], iteration_bounds = array<i64: 20>, scalar_prefetch = 0 : i64, scratch_operands = 0 : i64, tpu.core_type = #tpu.core_type<tc>, window_params = [{transform_indices = @transform_0, window_bounds = array<i64: 512, 256>}, {pipeline_mode = #tpu.pipeline_mode<synchronous>, transform_indices = @transform_1, window_bounds = array<i64: 256, 256>}, {pipeline_mode = #tpu.pipeline_mode<synchronous>, transform_indices = @transform_2, window_bounds = array<i64: 1, 256>}, {transform_indices = @transform_3, window_bounds = array<i64: 512, 256>}]} {
    %get3A = arith.constant 0 : index
    %get3A_0 = arith.constant 0 : index
    %get3A_1 = vector.load %arg1[%get3A, %get3A_0] : memref<512x256xf32, #tpu.memory_space<vmem>>, vector<512x256xf32>
    %get3A_2 = arith.constant 0 : index
    %get3A_3 = arith.constant 0 : index
    %get3A_4 = vector.load %arg2[%get3A_2, %get3A_3] : memref<256x256xf32, #tpu.memory_space<vmem>>, vector<256x256xf32>
    %transpose3A = tpu.transpose %get3A_4, [1, 0] : vector<256x256xf32> -> vector<256x256xf32>
    %dot_general3A = arith.constant dense<0.000000e+00> : vector<512x256xf32>
    %dot_general3A_5 = tpu.matmul %get3A_1, %transpose3A, %dot_general3A {dimension_numbers = #tpu.dot_dimension_numbers<[1], [0], [0], [1], [0, 0, 1, 1], [], []>, transpose_lhs_hint = false} : vector<512x256xf32>, vector<256x256xf32>, vector<512x256xf32> -> vector<512x256xf32>
    %get3A_6 = arith.constant 0 : index
    %get3A_7 = arith.constant 0 : index
    %get3A_8 = vector.load %arg3[%get3A_6, %get3A_7] : memref<1x256xf32, #tpu.memory_space<vmem>>, vector<1x256xf32>
    %add3A = vector.broadcast %get3A_8 : vector<1x256xf32> to vector<512x256xf32>
    %add3A_9 = arith.addf %dot_general3A_5, %add3A : vector<512x256xf32>
    %swap3A = arith.constant 0 : index
    %swap3A_10 = arith.constant 0 : index
    %swap3A_11 = vector.load %arg4[%swap3A, %swap3A_10] : memref<512x256xf32, #tpu.memory_space<vmem>>, vector<512x256xf32>
    tpu.vector_store %arg4[%swap3A, %swap3A_10], %add3A_9 {strides = array<i32>} : memref<512x256xf32, #tpu.memory_space<vmem>>, vector<512x256xf32>,
    return
  }
  func.func @transform_0(%arg0: i32) -> (i32, i32) {
    %c0_i32 = arith.constant 0 : i32
    %c0_i32_0 = arith.constant 0 : i32
    return %arg0, %c0_i32 : i32, i32
  }
  func.func @transform_1(%arg0: i32) -> (i32, i32) {
    %c0_i32 = arith.constant 0 : i32
    %c0_i32_0 = arith.constant 0 : i32
    %c0_i32_1 = arith.constant 0 : i32
    return %c0_i32, %c0_i32_0 : i32, i32
  }
  func.func @transform_2(%arg0: i32) -> (i32, i32) {
    %c0_i32 = arith.constant 0 : i32
    %c0_i32_0 = arith.constant 0 : i32
    %c0_i32_1 = arith.constant 0 : i32
    return %c0_i32, %c0_i32_0 : i32, i32
  }
  func.func @transform_3(%arg0: i32) -> (i32, i32) {
    %c0_i32 = arith.constant 0 : i32
    %c0_i32_0 = arith.constant 0 : i32
    return %arg0, %c0_i32 : i32, i32
  }
}

module attributes {stable_mosaic.version = 14 : i64} {
  func.func @body(%arg0: i32, %arg1: memref<512x50xf32, #tpu.memory_space<vmem>>, %arg2: memref<50x50xf32, #tpu.memory_space<vmem>>, %arg3: memref<1x50xf32, #tpu.memory_space<vmem>>, %arg4: memref<512x50xf32, #tpu.memory_space<vmem>>) attributes {dimension_semantics = [#tpu.dimension_semantics<arbitrary>], iteration_bounds = array<i64: 276>, scalar_prefetch = 0 : i64, scratch_operands = 0 : i64, tpu.core_type = #tpu.core_type<tc>, window_params = [{transform_indices = @transform_0, window_bounds = array<i64: 512, 50>}, {pipeline_mode = #tpu.pipeline_mode<synchronous>, transform_indices = @transform_1, window_bounds = array<i64: 50, 50>}, {pipeline_mode = #tpu.pipeline_mode<synchronous>, transform_indices = @transform_2, window_bounds = array<i64: 1, 50>}, {transform_indices = @transform_3, window_bounds = array<i64: 512, 50>}]} {
    %get3A = arith.constant 0 : index
    %get3A_0 = arith.constant 0 : index
    %get3A_1 = vector.load %arg1[%get3A, %get3A_0] : memref<512x50xf32, #tpu.memory_space<vmem>>, vector<512x50xf32>
    %get3A_2 = arith.constant 0 : index
    %get3A_3 = arith.constant 0 : index
    %get3A_4 = vector.load %arg2[%get3A_2, %get3A_3] : memref<50x50xf32, #tpu.memory_space<vmem>>, vector<50x50xf32>
    %transpose3A = tpu.transpose %get3A_4, [1, 0] : vector<50x50xf32> -> vector<50x50xf32>
    %dot_general3A = arith.constant dense<0.000000e+00> : vector<512x50xf32>
    %dot_general3A_5 = tpu.matmul %get3A_1, %transpose3A, %dot_general3A {dimension_numbers = #tpu.dot_dimension_numbers<[1], [0], [0], [1], [0, 0, 1, 1], [], []>, transpose_lhs_hint = false} : vector<512x50xf32>, vector<50x50xf32>, vector<512x50xf32> -> vector<512x50xf32>
    %get3A_6 = arith.constant 0 : index
    %get3A_7 = arith.constant 0 : index
    %get3A_8 = vector.load %arg3[%get3A_6, %get3A_7] : memref<1x50xf32, #tpu.memory_space<vmem>>, vector<1x50xf32>
    %add3A = vector.broadcast %get3A_8 : vector<1x50xf32> to vector<512x50xf32>
    %add3A_9 = arith.addf %dot_general3A_5, %add3A : vector<512x50xf32>
    %tanh3A = math.tanh %add3A_9 : vector<512x50xf32>
    %swap3A = arith.constant 0 : index
    %swap3A_10 = arith.constant 0 : index
    %swap3A_11 = vector.load %arg4[%swap3A, %swap3A_10] : memref<512x50xf32, #tpu.memory_space<vmem>>, vector<512x50xf32>
    tpu.vector_store %arg4[%swap3A, %swap3A_10], %tanh3A {strides = array<i32>} : memref<512x50xf32, #tpu.memory_space<vmem>>, vector<512x50xf32>,
    return
  }
  func.func @transform_0(%arg0: i32) -> (i32, i32) {
    %c0_i32 = arith.constant 0 : i32
    %c0_i32_0 = arith.constant 0 : i32
    return %arg0, %c0_i32 : i32, i32
  }
  func.func @transform_1(%arg0: i32) -> (i32, i32) {
    %c0_i32 = arith.constant 0 : i32
    %c0_i32_0 = arith.constant 0 : i32
    %c0_i32_1 = arith.constant 0 : i32
    return %c0_i32, %c0_i32_0 : i32, i32
  }
  func.func @transform_2(%arg0: i32) -> (i32, i32) {
    %c0_i32 = arith.constant 0 : i32
    %c0_i32_0 = arith.constant 0 : i32
    %c0_i32_1 = arith.constant 0 : i32
    return %c0_i32, %c0_i32_0 : i32, i32
  }
  func.func @transform_3(%arg0: i32) -> (i32, i32) {
    %c0_i32 = arith.constant 0 : i32
    %c0_i32_0 = arith.constant 0 : i32
    return %arg0, %c0_i32 : i32, i32
  }
}

module attributes {stable_mosaic.version = 14 : i64} {
  func.func @body(%arg0: i32, %arg1: memref<256x250xf32, #tpu.memory_space<vmem>>, %arg2: memref<256x50xf32, #tpu.memory_space<vmem>>) attributes {dimension_semantics = [#tpu.dimension_semantics<arbitrary>], iteration_bounds = array<i64: 108>, scalar_prefetch = 0 : i64, scratch_operands = 0 : i64, tpu.core_type = #tpu.core_type<tc>, window_params = [{transform_indices = @transform_0, window_bounds = array<i64: 256, 250>}, {transform_indices = @transform_1, window_bounds = array<i64: 256, 50>}]} {
    %get3A = arith.constant 0 : index
    %get3A_0 = arith.constant 0 : index
    %get3A_1 = vector.load %arg1[%get3A, %get3A_0] : memref<256x250xf32, #tpu.memory_space<vmem>>, vector<256x50xf32>
    %get3A_2 = arith.constant 0 : index
    %get3A_3 = arith.constant 50 : index
    %get3A_4 = vector.load %arg1[%get3A_2, %get3A_3] : memref<256x250xf32, #tpu.memory_space<vmem>>, vector<256x50xf32>
    %max3A = arith.maximumf %get3A_1, %get3A_4 : vector<256x50xf32>
    %get3A_5 = arith.constant 0 : index
    %get3A_6 = arith.constant 100 : index
    %get3A_7 = vector.load %arg1[%get3A_5, %get3A_6] : memref<256x250xf32, #tpu.memory_space<vmem>>, vector<256x50xf32>
    %max3A_8 = arith.maximumf %max3A, %get3A_7 : vector<256x50xf32>
    %get3A_9 = arith.constant 0 : index
    %get3A_10 = arith.constant 150 : index
    %get3A_11 = vector.load %arg1[%get3A_9, %get3A_10] : memref<256x250xf32, #tpu.memory_space<vmem>>, vector<256x50xf32>
    %max3A_12 = arith.maximumf %max3A_8, %get3A_11 : vector<256x50xf32>
    %get3A_13 = arith.constant 0 : index
    %get3A_14 = arith.constant 200 : index
    %get3A_15 = vector.load %arg1[%get3A_13, %get3A_14] : memref<256x250xf32, #tpu.memory_space<vmem>>, vector<256x50xf32>
    %max3A_16 = arith.maximumf %max3A_12, %get3A_15 : vector<256x50xf32>
    %swap3A = arith.constant 0 : index
    %swap3A_17 = arith.constant 0 : index
    %swap3A_18 = vector.load %arg2[%swap3A, %swap3A_17] : memref<256x50xf32, #tpu.memory_space<vmem>>, vector<256x50xf32>
    tpu.vector_store %arg2[%swap3A, %swap3A_17], %max3A_16 {strides = array<i32>} : memref<256x50xf32, #tpu.memory_space<vmem>>, vector<256x50xf32>,
    return
  }
  func.func @transform_0(%arg0: i32) -> (i32, i32) {
    %c0_i32 = arith.constant 0 : i32
    %c0_i32_0 = arith.constant 0 : i32
    return %arg0, %c0_i32 : i32, i32
  }
  func.func @transform_1(%arg0: i32) -> (i32, i32) {
    %c0_i32 = arith.constant 0 : i32
    %c0_i32_0 = arith.constant 0 : i32
    return %arg0, %c0_i32 : i32, i32
  }
}

module attributes {stable_mosaic.version = 14 : i64} {
  func.func @body(%arg0: i32, %arg1: memref<512x250xf32, #tpu.memory_space<vmem>>, %arg2: memref<960x250xf32, #tpu.memory_space<vmem>>, %arg3: memref<1x960xf32, #tpu.memory_space<vmem>>, %arg4: memref<512x960xf32, #tpu.memory_space<vmem>>) attributes {dimension_semantics = [#tpu.dimension_semantics<arbitrary>], iteration_bounds = array<i64: 24>, scalar_prefetch = 0 : i64, scratch_operands = 0 : i64, tpu.core_type = #tpu.core_type<tc>, window_params = [{transform_indices = @transform_0, window_bounds = array<i64: 512, 250>}, {pipeline_mode = #tpu.pipeline_mode<synchronous>, transform_indices = @transform_1, window_bounds = array<i64: 960, 250>}, {pipeline_mode = #tpu.pipeline_mode<synchronous>, transform_indices = @transform_2, window_bounds = array<i64: 1, 960>}, {transform_indices = @transform_3, window_bounds = array<i64: 512, 960>}]} {
    %get3A = arith.constant 0 : index
    %get3A_0 = arith.constant 0 : index
    %get3A_1 = vector.load %arg1[%get3A, %get3A_0] : memref<512x250xf32, #tpu.memory_space<vmem>>, vector<512x250xf32>
    %get3A_2 = arith.constant 0 : index
    %get3A_3 = arith.constant 0 : index
    %get3A_4 = vector.load %arg2[%get3A_2, %get3A_3] : memref<960x250xf32, #tpu.memory_space<vmem>>, vector<960x250xf32>
    %transpose3A = tpu.transpose %get3A_4, [1, 0] : vector<960x250xf32> -> vector<250x960xf32>
    %dot_general3A = arith.constant dense<0.000000e+00> : vector<512x960xf32>
    %dot_general3A_5 = tpu.matmul %get3A_1, %transpose3A, %dot_general3A {dimension_numbers = #tpu.dot_dimension_numbers<[1], [0], [0], [1], [0, 0, 1, 1], [], []>, transpose_lhs_hint = false} : vector<512x250xf32>, vector<250x960xf32>, vector<512x960xf32> -> vector<512x960xf32>
    %get3A_6 = arith.constant 0 : index
    %get3A_7 = arith.constant 0 : index
    %get3A_8 = vector.load %arg3[%get3A_6, %get3A_7] : memref<1x960xf32, #tpu.memory_space<vmem>>, vector<1x960xf32>
    %add3A = vector.broadcast %get3A_8 : vector<1x960xf32> to vector<512x960xf32>
    %add3A_9 = arith.addf %dot_general3A_5, %add3A : vector<512x960xf32>
    %max3A = arith.constant 0.000000e+00 : f32
    %max3A_10 = vector.broadcast %max3A : f32 to vector<512x960xf32>
    %max3A_11 = arith.maximumf %add3A_9, %max3A_10 : vector<512x960xf32>
    %swap3A = arith.constant 0 : index
    %swap3A_12 = arith.constant 0 : index
    %swap3A_13 = vector.load %arg4[%swap3A, %swap3A_12] : memref<512x960xf32, #tpu.memory_space<vmem>>, vector<512x960xf32>
    tpu.vector_store %arg4[%swap3A, %swap3A_12], %max3A_11 {strides = array<i32>} : memref<512x960xf32, #tpu.memory_space<vmem>>, vector<512x960xf32>,
    return
  }
  func.func @transform_0(%arg0: i32) -> (i32, i32) {
    %c0_i32 = arith.constant 0 : i32
    %c0_i32_0 = arith.constant 0 : i32
    return %arg0, %c0_i32 : i32, i32
  }
  func.func @transform_1(%arg0: i32) -> (i32, i32) {
    %c0_i32 = arith.constant 0 : i32
    %c0_i32_0 = arith.constant 0 : i32
    %c0_i32_1 = arith.constant 0 : i32
    return %c0_i32, %c0_i32_0 : i32, i32
  }
  func.func @transform_2(%arg0: i32) -> (i32, i32) {
    %c0_i32 = arith.constant 0 : i32
    %c0_i32_0 = arith.constant 0 : i32
    %c0_i32_1 = arith.constant 0 : i32
    return %c0_i32, %c0_i32_0 : i32, i32
  }
  func.func @transform_3(%arg0: i32) -> (i32, i32) {
    %c0_i32 = arith.constant 0 : i32
    %c0_i32_0 = arith.constant 0 : i32
    return %arg0, %c0_i32 : i32, i32
  }
}

module attributes {stable_mosaic.version = 14 : i64} {
  func.func @body(%arg0: i32, %arg1: memref<512x256xf32, #tpu.memory_space<vmem>>, %arg2: memref<64x256xf32, #tpu.memory_space<vmem>>, %arg3: memref<1x64xf32, #tpu.memory_space<vmem>>, %arg4: memref<512x64xf32, #tpu.memory_space<vmem>>) attributes {dimension_semantics = [#tpu.dimension_semantics<arbitrary>], iteration_bounds = array<i64: 20>, scalar_prefetch = 0 : i64, scratch_operands = 0 : i64, tpu.core_type = #tpu.core_type<tc>, window_params = [{transform_indices = @transform_0, window_bounds = array<i64: 512, 256>}, {pipeline_mode = #tpu.pipeline_mode<synchronous>, transform_indices = @transform_1, window_bounds = array<i64: 64, 256>}, {pipeline_mode = #tpu.pipeline_mode<synchronous>, transform_indices = @transform_2, window_bounds = array<i64: 1, 64>}, {transform_indices = @transform_3, window_bounds = array<i64: 512, 64>}]} {
    %get3A = arith.constant 0 : index
    %get3A_0 = arith.constant 0 : index
    %get3A_1 = vector.load %arg1[%get3A, %get3A_0] : memref<512x256xf32, #tpu.memory_space<vmem>>, vector<512x256xf32>
    %get3A_2 = arith.constant 0 : index
    %get3A_3 = arith.constant 0 : index
    %get3A_4 = vector.load %arg2[%get3A_2, %get3A_3] : memref<64x256xf32, #tpu.memory_space<vmem>>, vector<64x256xf32>
    %transpose3A = tpu.transpose %get3A_4, [1, 0] : vector<64x256xf32> -> vector<256x64xf32>
    %dot_general3A = arith.constant dense<0.000000e+00> : vector<512x64xf32>
    %dot_general3A_5 = tpu.matmul %get3A_1, %transpose3A, %dot_general3A {dimension_numbers = #tpu.dot_dimension_numbers<[1], [0], [0], [1], [0, 0, 1, 1], [], []>, transpose_lhs_hint = false} : vector<512x256xf32>, vector<256x64xf32>, vector<512x64xf32> -> vector<512x64xf32>
    %get3A_6 = arith.constant 0 : index
    %get3A_7 = arith.constant 0 : index
    %get3A_8 = vector.load %arg3[%get3A_6, %get3A_7] : memref<1x64xf32, #tpu.memory_space<vmem>>, vector<1x64xf32>
    %add3A = vector.broadcast %get3A_8 : vector<1x64xf32> to vector<512x64xf32>
    %add3A_9 = arith.addf %dot_general3A_5, %add3A : vector<512x64xf32>
    %swap3A = arith.constant 0 : index
    %swap3A_10 = arith.constant 0 : index
    %swap3A_11 = vector.load %arg4[%swap3A, %swap3A_10] : memref<512x64xf32, #tpu.memory_space<vmem>>, vector<512x64xf32>
    tpu.vector_store %arg4[%swap3A, %swap3A_10], %add3A_9 {strides = array<i32>} : memref<512x64xf32, #tpu.memory_space<vmem>>, vector<512x64xf32>,
    return
  }
  func.func @transform_0(%arg0: i32) -> (i32, i32) {
    %c0_i32 = arith.constant 0 : i32
    %c0_i32_0 = arith.constant 0 : i32
    return %arg0, %c0_i32 : i32, i32
  }
  func.func @transform_1(%arg0: i32) -> (i32, i32) {
    %c0_i32 = arith.constant 0 : i32
    %c0_i32_0 = arith.constant 0 : i32
    %c0_i32_1 = arith.constant 0 : i32
    return %c0_i32, %c0_i32_0 : i32, i32
  }
  func.func @transform_2(%arg0: i32) -> (i32, i32) {
    %c0_i32 = arith.constant 0 : i32
    %c0_i32_0 = arith.constant 0 : i32
    %c0_i32_1 = arith.constant 0 : i32
    return %c0_i32, %c0_i32_0 : i32, i32
  }
  func.func @transform_3(%arg0: i32) -> (i32, i32) {
    %c0_i32 = arith.constant 0 : i32
    %c0_i32_0 = arith.constant 0 : i32
    return %arg0, %c0_i32 : i32, i32
  }
}

module attributes {stable_mosaic.version = 14 : i64} {
  func.func @body(%arg0: i32, %arg1: memref<512x808xf32, #tpu.memory_space<vmem>>, %arg2: memref<256x808xf32, #tpu.memory_space<vmem>>, %arg3: memref<1x256xf32, #tpu.memory_space<vmem>>, %arg4: memref<512x256xf32, #tpu.memory_space<vmem>>) attributes {dimension_semantics = [#tpu.dimension_semantics<arbitrary>], iteration_bounds = array<i64: 2>, scalar_prefetch = 0 : i64, scratch_operands = 0 : i64, tpu.core_type = #tpu.core_type<tc>, window_params = [{transform_indices = @transform_0, window_bounds = array<i64: 512, 808>}, {pipeline_mode = #tpu.pipeline_mode<synchronous>, transform_indices = @transform_1, window_bounds = array<i64: 256, 808>}, {pipeline_mode = #tpu.pipeline_mode<synchronous>, transform_indices = @transform_2, window_bounds = array<i64: 1, 256>}, {transform_indices = @transform_3, window_bounds = array<i64: 512, 256>}]} {
    %get3A = arith.constant 0 : index
    %get3A_0 = arith.constant 0 : index
    %get3A_1 = vector.load %arg1[%get3A, %get3A_0] : memref<512x808xf32, #tpu.memory_space<vmem>>, vector<512x808xf32>
    %get3A_2 = arith.constant 0 : index
    %get3A_3 = arith.constant 0 : index
    %get3A_4 = vector.load %arg2[%get3A_2, %get3A_3] : memref<256x808xf32, #tpu.memory_space<vmem>>, vector<256x808xf32>
    %transpose3A = tpu.transpose %get3A_4, [1, 0] : vector<256x808xf32> -> vector<808x256xf32>
    %dot_general3A = arith.constant dense<0.000000e+00> : vector<512x256xf32>
    %dot_general3A_5 = tpu.matmul %get3A_1, %transpose3A, %dot_general3A {dimension_numbers = #tpu.dot_dimension_numbers<[1], [0], [0], [1], [0, 0, 1, 1], [], []>, transpose_lhs_hint = false} : vector<512x808xf32>, vector<808x256xf32>, vector<512x256xf32> -> vector<512x256xf32>
    %get3A_6 = arith.constant 0 : index
    %get3A_7 = arith.constant 0 : index
    %get3A_8 = vector.load %arg3[%get3A_6, %get3A_7] : memref<1x256xf32, #tpu.memory_space<vmem>>, vector<1x256xf32>
    %add3A = vector.broadcast %get3A_8 : vector<1x256xf32> to vector<512x256xf32>
    %add3A_9 = arith.addf %dot_general3A_5, %add3A : vector<512x256xf32>
    %tanh3A = math.tanh %add3A_9 : vector<512x256xf32>
    %swap3A = arith.constant 0 : index
    %swap3A_10 = arith.constant 0 : index
    %swap3A_11 = vector.load %arg4[%swap3A, %swap3A_10] : memref<512x256xf32, #tpu.memory_space<vmem>>, vector<512x256xf32>
    tpu.vector_store %arg4[%swap3A, %swap3A_10], %tanh3A {strides = array<i32>} : memref<512x256xf32, #tpu.memory_space<vmem>>, vector<512x256xf32>,
    return
  }
  func.func @transform_0(%arg0: i32) -> (i32, i32) {
    %c0_i32 = arith.constant 0 : i32
    %c0_i32_0 = arith.constant 0 : i32
    return %arg0, %c0_i32 : i32, i32
  }
  func.func @transform_1(%arg0: i32) -> (i32, i32) {
    %c0_i32 = arith.constant 0 : i32
    %c0_i32_0 = arith.constant 0 : i32
    %c0_i32_1 = arith.constant 0 : i32
    return %c0_i32, %c0_i32_0 : i32, i32
  }
  func.func @transform_2(%arg0: i32) -> (i32, i32) {
    %c0_i32 = arith.constant 0 : i32
    %c0_i32_0 = arith.constant 0 : i32
    %c0_i32_1 = arith.constant 0 : i32
    return %c0_i32, %c0_i32_0 : i32, i32
  }
  func.func @transform_3(%arg0: i32) -> (i32, i32) {
    %c0_i32 = arith.constant 0 : i32
    %c0_i32_0 = arith.constant 0 : i32
    return %arg0, %c0_i32 : i32, i32
  }
}

module attributes {stable_mosaic.version = 14 : i64} {
  func.func @body(%arg0: memref<1024x256xf32, #tpu.memory_space<vmem>>, %arg1: memref<1x256xf32, #tpu.memory_space<vmem>>, %arg2: memref<1x256xf32, #tpu.memory_space<vmem>>, %arg3: memref<1024x256xf32, #tpu.memory_space<vmem>>) attributes {dimension_semantics = [], scalar_prefetch = 0 : i64, scratch_operands = 0 : i64, tpu.core_type = #tpu.core_type<tc>} {
    %get3A = arith.constant 0 : index
    %get3A_0 = arith.constant 0 : index
    %get3A_1 = vector.load %arg0[%get3A, %get3A_0] : memref<1024x256xf32, #tpu.memory_space<vmem>>, vector<1024x256xf32>
    %reduce_sum3A = arith.constant dense<0.000000e+00> : vector<256xf32>
    %reduce_sum3A_2 = vector.multi_reduction <add>, %get3A_1, %reduce_sum3A [0] : vector<1024x256xf32> to vector<256xf32>
    %broadcast_in_dim3A = vector.shape_cast %reduce_sum3A_2 : vector<256xf32> to vector<1x256xf32>
    %div3A = arith.constant 1.024000e+03 : f32
    %div3A_3 = vector.broadcast %div3A : f32 to vector<1x256xf32>
    %div3A_4 = arith.divf %broadcast_in_dim3A, %div3A_3 : vector<1x256xf32>
    %sub3A = vector.broadcast %div3A_4 : vector<1x256xf32> to vector<1024x256xf32>
    %sub3A_5 = arith.subf %get3A_1, %sub3A : vector<1024x256xf32>
    %integer_pow3A = arith.mulf %sub3A_5, %sub3A_5 : vector<1024x256xf32>
    %reduce_sum3A_6 = arith.constant dense<0.000000e+00> : vector<256xf32>
    %reduce_sum3A_7 = vector.multi_reduction <add>, %integer_pow3A, %reduce_sum3A_6 [0] : vector<1024x256xf32> to vector<256xf32>
    %broadcast_in_dim3A_8 = vector.shape_cast %reduce_sum3A_7 : vector<256xf32> to vector<1x256xf32>
    %div3A_9 = arith.constant 1.024000e+03 : f32
    %div3A_10 = vector.broadcast %div3A_9 : f32 to vector<1x256xf32>
    %div3A_11 = arith.divf %broadcast_in_dim3A_8, %div3A_10 : vector<1x256xf32>
    %sub3A_12 = vector.broadcast %div3A_4 : vector<1x256xf32> to vector<1024x256xf32>
    %sub3A_13 = arith.subf %get3A_1, %sub3A_12 : vector<1024x256xf32>
    %add3A = arith.constant 9.99999974E-6 : f32
    %add3A_14 = vector.broadcast %add3A : f32 to vector<1x256xf32>
    %add3A_15 = arith.addf %div3A_11, %add3A_14 : vector<1x256xf32>
    %sqrt3A = math.sqrt %add3A_15 : vector<1x256xf32>
    %div3A_16 = vector.broadcast %sqrt3A : vector<1x256xf32> to vector<1024x256xf32>
    %div3A_17 = arith.divf %sub3A_13, %div3A_16 : vector<1024x256xf32>
    %get3A_18 = arith.constant 0 : index
    %get3A_19 = arith.constant 0 : index
    %get3A_20 = vector.load %arg1[%get3A_18, %get3A_19] : memref<1x256xf32, #tpu.memory_space<vmem>>, vector<1x256xf32>
    %mul3A = vector.broadcast %get3A_20 : vector<1x256xf32> to vector<1024x256xf32>
    %mul3A_21 = arith.mulf %div3A_17, %mul3A : vector<1024x256xf32>
    %get3A_22 = arith.constant 0 : index
    %get3A_23 = arith.constant 0 : index
    %get3A_24 = vector.load %arg2[%get3A_22, %get3A_23] : memref<1x256xf32, #tpu.memory_space<vmem>>, vector<1x256xf32>
    %add3A_25 = vector.broadcast %get3A_24 : vector<1x256xf32> to vector<1024x256xf32>
    %add3A_26 = arith.addf %mul3A_21, %add3A_25 : vector<1024x256xf32>
    %swap3A = arith.constant 0 : index
    %swap3A_27 = arith.constant 0 : index
    %swap3A_28 = vector.load %arg3[%swap3A, %swap3A_27] : memref<1024x256xf32, #tpu.memory_space<vmem>>, vector<1024x256xf32>
    tpu.vector_store %arg3[%swap3A, %swap3A_27], %add3A_26 {strides = array<i32>} : memref<1024x256xf32, #tpu.memory_space<vmem>>, vector<1024x256xf32>,
    return
  }
}

module attributes {stable_mosaic.version = 14 : i64} {
  func.func @body(%arg0: i32, %arg1: memref<512x256xf32, #tpu.memory_space<vmem>>, %arg2: memref<64x256xf32, #tpu.memory_space<vmem>>, %arg3: memref<1x64xf32, #tpu.memory_space<vmem>>, %arg4: memref<512x64xf32, #tpu.memory_space<vmem>>) attributes {dimension_semantics = [#tpu.dimension_semantics<arbitrary>], iteration_bounds = array<i64: 2>, scalar_prefetch = 0 : i64, scratch_operands = 0 : i64, tpu.core_type = #tpu.core_type<tc>, window_params = [{transform_indices = @transform_0, window_bounds = array<i64: 512, 256>}, {pipeline_mode = #tpu.pipeline_mode<synchronous>, transform_indices = @transform_1, window_bounds = array<i64: 64, 256>}, {pipeline_mode = #tpu.pipeline_mode<synchronous>, transform_indices = @transform_2, window_bounds = array<i64: 1, 64>}, {transform_indices = @transform_3, window_bounds = array<i64: 512, 64>}]} {
    %get3A = arith.constant 0 : index
    %get3A_0 = arith.constant 0 : index
    %get3A_1 = vector.load %arg1[%get3A, %get3A_0] : memref<512x256xf32, #tpu.memory_space<vmem>>, vector<512x256xf32>
    %get3A_2 = arith.constant 0 : index
    %get3A_3 = arith.constant 0 : index
    %get3A_4 = vector.load %arg2[%get3A_2, %get3A_3] : memref<64x256xf32, #tpu.memory_space<vmem>>, vector<64x256xf32>
    %transpose3A = tpu.transpose %get3A_4, [1, 0] : vector<64x256xf32> -> vector<256x64xf32>
    %dot_general3A = arith.constant dense<0.000000e+00> : vector<512x64xf32>
    %dot_general3A_5 = tpu.matmul %get3A_1, %transpose3A, %dot_general3A {dimension_numbers = #tpu.dot_dimension_numbers<[1], [0], [0], [1], [0, 0, 1, 1], [], []>, transpose_lhs_hint = false} : vector<512x256xf32>, vector<256x64xf32>, vector<512x64xf32> -> vector<512x64xf32>
    %get3A_6 = arith.constant 0 : index
    %get3A_7 = arith.constant 0 : index
    %get3A_8 = vector.load %arg3[%get3A_6, %get3A_7] : memref<1x64xf32, #tpu.memory_space<vmem>>, vector<1x64xf32>
    %add3A = vector.broadcast %get3A_8 : vector<1x64xf32> to vector<512x64xf32>
    %add3A_9 = arith.addf %dot_general3A_5, %add3A : vector<512x64xf32>
    %max3A = arith.constant 0.000000e+00 : f32
    %max3A_10 = vector.broadcast %max3A : f32 to vector<512x64xf32>
    %max3A_11 = arith.maximumf %add3A_9, %max3A_10 : vector<512x64xf32>
    %swap3A = arith.constant 0 : index
    %swap3A_12 = arith.constant 0 : index
    %swap3A_13 = vector.load %arg4[%swap3A, %swap3A_12] : memref<512x64xf32, #tpu.memory_space<vmem>>, vector<512x64xf32>
    tpu.vector_store %arg4[%swap3A, %swap3A_12], %max3A_11 {strides = array<i32>} : memref<512x64xf32, #tpu.memory_space<vmem>>, vector<512x64xf32>,
    return
  }
  func.func @transform_0(%arg0: i32) -> (i32, i32) {
    %c0_i32 = arith.constant 0 : i32
    %c0_i32_0 = arith.constant 0 : i32
    return %arg0, %c0_i32 : i32, i32
  }
  func.func @transform_1(%arg0: i32) -> (i32, i32) {
    %c0_i32 = arith.constant 0 : i32
    %c0_i32_0 = arith.constant 0 : i32
    %c0_i32_1 = arith.constant 0 : i32
    return %c0_i32, %c0_i32_0 : i32, i32
  }
  func.func @transform_2(%arg0: i32) -> (i32, i32) {
    %c0_i32 = arith.constant 0 : i32
    %c0_i32_0 = arith.constant 0 : i32
    %c0_i32_1 = arith.constant 0 : i32
    return %c0_i32, %c0_i32_0 : i32, i32
  }
  func.func @transform_3(%arg0: i32) -> (i32, i32) {
    %c0_i32 = arith.constant 0 : i32
    %c0_i32_0 = arith.constant 0 : i32
    return %arg0, %c0_i32 : i32, i32
  }
}

module attributes {stable_mosaic.version = 14 : i64} {
  func.func @body(%arg0: i32, %arg1: memref<512x697xf32, #tpu.memory_space<vmem>>, %arg2: memref<256x697xf32, #tpu.memory_space<vmem>>, %arg3: memref<1x256xf32, #tpu.memory_space<vmem>>, %arg4: memref<512x256xf32, #tpu.memory_space<vmem>>) attributes {dimension_semantics = [#tpu.dimension_semantics<arbitrary>], iteration_bounds = array<i64: 2>, scalar_prefetch = 0 : i64, scratch_operands = 0 : i64, tpu.core_type = #tpu.core_type<tc>, window_params = [{transform_indices = @transform_0, window_bounds = array<i64: 512, 697>}, {pipeline_mode = #tpu.pipeline_mode<synchronous>, transform_indices = @transform_1, window_bounds = array<i64: 256, 697>}, {pipeline_mode = #tpu.pipeline_mode<synchronous>, transform_indices = @transform_2, window_bounds = array<i64: 1, 256>}, {transform_indices = @transform_3, window_bounds = array<i64: 512, 256>}]} {
    %get3A = arith.constant 0 : index
    %get3A_0 = arith.constant 0 : index
    %get3A_1 = vector.load %arg1[%get3A, %get3A_0] : memref<512x697xf32, #tpu.memory_space<vmem>>, vector<512x697xf32>
    %get3A_2 = arith.constant 0 : index
    %get3A_3 = arith.constant 0 : index
    %get3A_4 = vector.load %arg2[%get3A_2, %get3A_3] : memref<256x697xf32, #tpu.memory_space<vmem>>, vector<256x697xf32>
    %transpose3A = tpu.transpose %get3A_4, [1, 0] : vector<256x697xf32> -> vector<697x256xf32>
    %dot_general3A = arith.constant dense<0.000000e+00> : vector<512x256xf32>
    %dot_general3A_5 = tpu.matmul %get3A_1, %transpose3A, %dot_general3A {dimension_numbers = #tpu.dot_dimension_numbers<[1], [0], [0], [1], [0, 0, 1, 1], [], []>, transpose_lhs_hint = false} : vector<512x697xf32>, vector<697x256xf32>, vector<512x256xf32> -> vector<512x256xf32>
    %get3A_6 = arith.constant 0 : index
    %get3A_7 = arith.constant 0 : index
    %get3A_8 = vector.load %arg3[%get3A_6, %get3A_7] : memref<1x256xf32, #tpu.memory_space<vmem>>, vector<1x256xf32>
    %add3A = vector.broadcast %get3A_8 : vector<1x256xf32> to vector<512x256xf32>
    %add3A_9 = arith.addf %dot_general3A_5, %add3A : vector<512x256xf32>
    %logistic3A = arith.negf %add3A_9 : vector<512x256xf32>
    %logistic3A_10 = math.exp %logistic3A : vector<512x256xf32>
    %logistic3A_11 = arith.constant 1.000000e+00 : f32
    %logistic3A_12 = vector.broadcast %logistic3A_11 : f32 to vector<512x256xf32>
    %logistic3A_13 = arith.addf %logistic3A_12, %logistic3A_10 : vector<512x256xf32>
    %logistic3A_14 = arith.divf %logistic3A_12, %logistic3A_13 : vector<512x256xf32>
    %swap3A = arith.constant 0 : index
    %swap3A_15 = arith.constant 0 : index
    %swap3A_16 = vector.load %arg4[%swap3A, %swap3A_15] : memref<512x256xf32, #tpu.memory_space<vmem>>, vector<512x256xf32>
    tpu.vector_store %arg4[%swap3A, %swap3A_15], %logistic3A_14 {strides = array<i32>} : memref<512x256xf32, #tpu.memory_space<vmem>>, vector<512x256xf32>,
    return
  }
  func.func @transform_0(%arg0: i32) -> (i32, i32) {
    %c0_i32 = arith.constant 0 : i32
    %c0_i32_0 = arith.constant 0 : i32
    return %arg0, %c0_i32 : i32, i32
  }
  func.func @transform_1(%arg0: i32) -> (i32, i32) {
    %c0_i32 = arith.constant 0 : i32
    %c0_i32_0 = arith.constant 0 : i32
    %c0_i32_1 = arith.constant 0 : i32
    return %c0_i32, %c0_i32_0 : i32, i32
  }
  func.func @transform_2(%arg0: i32) -> (i32, i32) {
    %c0_i32 = arith.constant 0 : i32
    %c0_i32_0 = arith.constant 0 : i32
    %c0_i32_1 = arith.constant 0 : i32
    return %c0_i32, %c0_i32_0 : i32, i32
  }
  func.func @transform_3(%arg0: i32) -> (i32, i32) {
    %c0_i32 = arith.constant 0 : i32
    %c0_i32_0 = arith.constant 0 : i32
    return %arg0, %c0_i32 : i32, i32
  }
}

module attributes {stable_mosaic.version = 14 : i64} {
  func.func @body(%arg0: i32, %arg1: memref<256x9600xf32, #tpu.memory_space<vmem>>, %arg2: memref<256x960xf32, #tpu.memory_space<vmem>>) attributes {dimension_semantics = [#tpu.dimension_semantics<arbitrary>], iteration_bounds = array<i64: 4>, scalar_prefetch = 0 : i64, scratch_operands = 0 : i64, tpu.core_type = #tpu.core_type<tc>, window_params = [{transform_indices = @transform_0, window_bounds = array<i64: 256, 9600>}, {transform_indices = @transform_1, window_bounds = array<i64: 256, 960>}]} {
    %get3A = arith.constant 0 : index
    %get3A_0 = arith.constant 0 : index
    %get3A_1 = vector.load %arg1[%get3A, %get3A_0] : memref<256x9600xf32, #tpu.memory_space<vmem>>, vector<256x960xf32>
    %get3A_2 = arith.constant 0 : index
    %get3A_3 = arith.constant 960 : index
    %get3A_4 = vector.load %arg1[%get3A_2, %get3A_3] : memref<256x9600xf32, #tpu.memory_space<vmem>>, vector<256x960xf32>
    %max3A = arith.maximumf %get3A_1, %get3A_4 : vector<256x960xf32>
    %get3A_5 = arith.constant 0 : index
    %get3A_6 = arith.constant 1920 : index
    %get3A_7 = vector.load %arg1[%get3A_5, %get3A_6] : memref<256x9600xf32, #tpu.memory_space<vmem>>, vector<256x960xf32>
    %max3A_8 = arith.maximumf %max3A, %get3A_7 : vector<256x960xf32>
    %get3A_9 = arith.constant 0 : index
    %get3A_10 = arith.constant 2880 : index
    %get3A_11 = vector.load %arg1[%get3A_9, %get3A_10] : memref<256x9600xf32, #tpu.memory_space<vmem>>, vector<256x960xf32>
    %max3A_12 = arith.maximumf %max3A_8, %get3A_11 : vector<256x960xf32>
    %get3A_13 = arith.constant 0 : index
    %get3A_14 = arith.constant 3840 : index
    %get3A_15 = vector.load %arg1[%get3A_13, %get3A_14] : memref<256x9600xf32, #tpu.memory_space<vmem>>, vector<256x960xf32>
    %max3A_16 = arith.maximumf %max3A_12, %get3A_15 : vector<256x960xf32>
    %get3A_17 = arith.constant 0 : index
    %get3A_18 = arith.constant 4800 : index
    %get3A_19 = vector.load %arg1[%get3A_17, %get3A_18] : memref<256x9600xf32, #tpu.memory_space<vmem>>, vector<256x960xf32>
    %max3A_20 = arith.maximumf %max3A_16, %get3A_19 : vector<256x960xf32>
    %get3A_21 = arith.constant 0 : index
    %get3A_22 = arith.constant 5760 : index
    %get3A_23 = vector.load %arg1[%get3A_21, %get3A_22] : memref<256x9600xf32, #tpu.memory_space<vmem>>, vector<256x960xf32>
    %max3A_24 = arith.maximumf %max3A_20, %get3A_23 : vector<256x960xf32>
    %get3A_25 = arith.constant 0 : index
    %get3A_26 = arith.constant 6720 : index
    %get3A_27 = vector.load %arg1[%get3A_25, %get3A_26] : memref<256x9600xf32, #tpu.memory_space<vmem>>, vector<256x960xf32>
    %max3A_28 = arith.maximumf %max3A_24, %get3A_27 : vector<256x960xf32>
    %get3A_29 = arith.constant 0 : index
    %get3A_30 = arith.constant 7680 : index
    %get3A_31 = vector.load %arg1[%get3A_29, %get3A_30] : memref<256x9600xf32, #tpu.memory_space<vmem>>, vector<256x960xf32>
    %max3A_32 = arith.maximumf %max3A_28, %get3A_31 : vector<256x960xf32>
    %get3A_33 = arith.constant 0 : index
    %get3A_34 = arith.constant 8640 : index
    %get3A_35 = vector.load %arg1[%get3A_33, %get3A_34] : memref<256x9600xf32, #tpu.memory_space<vmem>>, vector<256x960xf32>
    %max3A_36 = arith.maximumf %max3A_32, %get3A_35 : vector<256x960xf32>
    %swap3A = arith.constant 0 : index
    %swap3A_37 = arith.constant 0 : index
    %swap3A_38 = vector.load %arg2[%swap3A, %swap3A_37] : memref<256x960xf32, #tpu.memory_space<vmem>>, vector<256x960xf32>
    tpu.vector_store %arg2[%swap3A, %swap3A_37], %max3A_36 {strides = array<i32>} : memref<256x960xf32, #tpu.memory_space<vmem>>, vector<256x960xf32>,
    return
  }
  func.func @transform_0(%arg0: i32) -> (i32, i32) {
    %c0_i32 = arith.constant 0 : i32
    %c0_i32_0 = arith.constant 0 : i32
    return %arg0, %c0_i32 : i32, i32
  }
  func.func @transform_1(%arg0: i32) -> (i32, i32) {
    %c0_i32 = arith.constant 0 : i32
    %c0_i32_0 = arith.constant 0 : i32
    return %arg0, %c0_i32 : i32, i32
  }
}

module attributes {stable_mosaic.version = 14 : i64} {
  func.func @body(%arg0: i32, %arg1: memref<512x960xf32, #tpu.memory_space<vmem>>, %arg2: memref<64x960xf32, #tpu.memory_space<vmem>>, %arg3: memref<1x64xf32, #tpu.memory_space<vmem>>, %arg4: memref<512x64xf32, #tpu.memory_space<vmem>>) attributes {dimension_semantics = [#tpu.dimension_semantics<arbitrary>], iteration_bounds = array<i64: 2>, scalar_prefetch = 0 : i64, scratch_operands = 0 : i64, tpu.core_type = #tpu.core_type<tc>, window_params = [{transform_indices = @transform_0, window_bounds = array<i64: 512, 960>}, {pipeline_mode = #tpu.pipeline_mode<synchronous>, transform_indices = @transform_1, window_bounds = array<i64: 64, 960>}, {pipeline_mode = #tpu.pipeline_mode<synchronous>, transform_indices = @transform_2, window_bounds = array<i64: 1, 64>}, {transform_indices = @transform_3, window_bounds = array<i64: 512, 64>}]} {
    %get3A = arith.constant 0 : index
    %get3A_0 = arith.constant 0 : index
    %get3A_1 = vector.load %arg1[%get3A, %get3A_0] : memref<512x960xf32, #tpu.memory_space<vmem>>, vector<512x960xf32>
    %get3A_2 = arith.constant 0 : index
    %get3A_3 = arith.constant 0 : index
    %get3A_4 = vector.load %arg2[%get3A_2, %get3A_3] : memref<64x960xf32, #tpu.memory_space<vmem>>, vector<64x960xf32>
    %transpose3A = tpu.transpose %get3A_4, [1, 0] : vector<64x960xf32> -> vector<960x64xf32>
    %dot_general3A = arith.constant dense<0.000000e+00> : vector<512x64xf32>
    %dot_general3A_5 = tpu.matmul %get3A_1, %transpose3A, %dot_general3A {dimension_numbers = #tpu.dot_dimension_numbers<[1], [0], [0], [1], [0, 0, 1, 1], [], []>, transpose_lhs_hint = false} : vector<512x960xf32>, vector<960x64xf32>, vector<512x64xf32> -> vector<512x64xf32>
    %get3A_6 = arith.constant 0 : index
    %get3A_7 = arith.constant 0 : index
    %get3A_8 = vector.load %arg3[%get3A_6, %get3A_7] : memref<1x64xf32, #tpu.memory_space<vmem>>, vector<1x64xf32>
    %add3A = vector.broadcast %get3A_8 : vector<1x64xf32> to vector<512x64xf32>
    %add3A_9 = arith.addf %dot_general3A_5, %add3A : vector<512x64xf32>
    %max3A = arith.constant 0.000000e+00 : f32
    %max3A_10 = vector.broadcast %max3A : f32 to vector<512x64xf32>
    %max3A_11 = arith.maximumf %add3A_9, %max3A_10 : vector<512x64xf32>
    %swap3A = arith.constant 0 : index
    %swap3A_12 = arith.constant 0 : index
    %swap3A_13 = vector.load %arg4[%swap3A, %swap3A_12] : memref<512x64xf32, #tpu.memory_space<vmem>>, vector<512x64xf32>
    tpu.vector_store %arg4[%swap3A, %swap3A_12], %max3A_11 {strides = array<i32>} : memref<512x64xf32, #tpu.memory_space<vmem>>, vector<512x64xf32>,
    return
  }
  func.func @transform_0(%arg0: i32) -> (i32, i32) {
    %c0_i32 = arith.constant 0 : i32
    %c0_i32_0 = arith.constant 0 : i32
    return %arg0, %c0_i32 : i32, i32
  }
  func.func @transform_1(%arg0: i32) -> (i32, i32) {
    %c0_i32 = arith.constant 0 : i32
    %c0_i32_0 = arith.constant 0 : i32
    %c0_i32_1 = arith.constant 0 : i32
    return %c0_i32, %c0_i32_0 : i32, i32
  }
  func.func @transform_2(%arg0: i32) -> (i32, i32) {
    %c0_i32 = arith.constant 0 : i32
    %c0_i32_0 = arith.constant 0 : i32
    %c0_i32_1 = arith.constant 0 : i32
    return %c0_i32, %c0_i32_0 : i32, i32
  }
  func.func @transform_3(%arg0: i32) -> (i32, i32) {
    %c0_i32 = arith.constant 0 : i32
    %c0_i32_0 = arith.constant 0 : i32
    return %arg0, %c0_i32 : i32, i32
  }
}

module attributes {stable_mosaic.version = 14 : i64} {
  func.func @body(%arg0: i32, %arg1: memref<512x192xf32, #tpu.memory_space<vmem>>, %arg2: memref<64x192xf32, #tpu.memory_space<vmem>>, %arg3: memref<1x64xf32, #tpu.memory_space<vmem>>, %arg4: memref<512x64xf32, #tpu.memory_space<vmem>>) attributes {dimension_semantics = [#tpu.dimension_semantics<arbitrary>], iteration_bounds = array<i64: 2>, scalar_prefetch = 0 : i64, scratch_operands = 0 : i64, tpu.core_type = #tpu.core_type<tc>, window_params = [{transform_indices = @transform_0, window_bounds = array<i64: 512, 192>}, {pipeline_mode = #tpu.pipeline_mode<synchronous>, transform_indices = @transform_1, window_bounds = array<i64: 64, 192>}, {pipeline_mode = #tpu.pipeline_mode<synchronous>, transform_indices = @transform_2, window_bounds = array<i64: 1, 64>}, {transform_indices = @transform_3, window_bounds = array<i64: 512, 64>}]} {
    %get3A = arith.constant 0 : index
    %get3A_0 = arith.constant 0 : index
    %get3A_1 = vector.load %arg1[%get3A, %get3A_0] : memref<512x192xf32, #tpu.memory_space<vmem>>, vector<512x192xf32>
    %get3A_2 = arith.constant 0 : index
    %get3A_3 = arith.constant 0 : index
    %get3A_4 = vector.load %arg2[%get3A_2, %get3A_3] : memref<64x192xf32, #tpu.memory_space<vmem>>, vector<64x192xf32>
    %transpose3A = tpu.transpose %get3A_4, [1, 0] : vector<64x192xf32> -> vector<192x64xf32>
    %dot_general3A = arith.constant dense<0.000000e+00> : vector<512x64xf32>
    %dot_general3A_5 = tpu.matmul %get3A_1, %transpose3A, %dot_general3A {dimension_numbers = #tpu.dot_dimension_numbers<[1], [0], [0], [1], [0, 0, 1, 1], [], []>, transpose_lhs_hint = false} : vector<512x192xf32>, vector<192x64xf32>, vector<512x64xf32> -> vector<512x64xf32>
    %get3A_6 = arith.constant 0 : index
    %get3A_7 = arith.constant 0 : index
    %get3A_8 = vector.load %arg3[%get3A_6, %get3A_7] : memref<1x64xf32, #tpu.memory_space<vmem>>, vector<1x64xf32>
    %add3A = vector.broadcast %get3A_8 : vector<1x64xf32> to vector<512x64xf32>
    %add3A_9 = arith.addf %dot_general3A_5, %add3A : vector<512x64xf32>
    %ge3A = arith.constant 0.000000e+00 : f32
    %ge3A_10 = vector.broadcast %ge3A : f32 to vector<512x64xf32>
    %ge3A_11 = arith.cmpf oge, %add3A_9, %ge3A_10 : vector<512x64xf32>
    %mul3A = arith.constant 0.00999999977 : f32
    %mul3A_12 = vector.broadcast %mul3A : f32 to vector<512x64xf32>
    %mul3A_13 = arith.mulf %mul3A_12, %add3A_9 : vector<512x64xf32>
    %select_n3A = arith.select %ge3A_11, %add3A_9, %mul3A_13 : vector<512x64xi1>, vector<512x64xf32>
    %swap3A = arith.constant 0 : index
    %swap3A_14 = arith.constant 0 : index
    %swap3A_15 = vector.load %arg4[%swap3A, %swap3A_14] : memref<512x64xf32, #tpu.memory_space<vmem>>, vector<512x64xf32>
    tpu.vector_store %arg4[%swap3A, %swap3A_14], %select_n3A {strides = array<i32>} : memref<512x64xf32, #tpu.memory_space<vmem>>, vector<512x64xf32>,
    return
  }
  func.func @transform_0(%arg0: i32) -> (i32, i32) {
    %c0_i32 = arith.constant 0 : i32
    %c0_i32_0 = arith.constant 0 : i32
    return %arg0, %c0_i32 : i32, i32
  }
  func.func @transform_1(%arg0: i32) -> (i32, i32) {
    %c0_i32 = arith.constant 0 : i32
    %c0_i32_0 = arith.constant 0 : i32
    %c0_i32_1 = arith.constant 0 : i32
    return %c0_i32, %c0_i32_0 : i32, i32
  }
  func.func @transform_2(%arg0: i32) -> (i32, i32) {
    %c0_i32 = arith.constant 0 : i32
    %c0_i32_0 = arith.constant 0 : i32
    %c0_i32_1 = arith.constant 0 : i32
    return %c0_i32, %c0_i32_0 : i32, i32
  }
  func.func @transform_3(%arg0: i32) -> (i32, i32) {
    %c0_i32 = arith.constant 0 : i32
    %c0_i32_0 = arith.constant 0 : i32
    return %arg0, %c0_i32 : i32, i32
  }
}

module attributes {stable_mosaic.version = 14 : i64} {
  func.func @body(%arg0: memref<10000x64xf32, #tpu.memory_space<vmem>>, %arg1: memref<1x64xf32, #tpu.memory_space<vmem>>, %arg2: memref<1x64xf32, #tpu.memory_space<vmem>>, %arg3: memref<10000x64xf32, #tpu.memory_space<vmem>>) attributes {dimension_semantics = [], scalar_prefetch = 0 : i64, scratch_operands = 0 : i64, tpu.core_type = #tpu.core_type<tc>} {
    %get3A = arith.constant 0 : index
    %get3A_0 = arith.constant 0 : index
    %get3A_1 = vector.load %arg0[%get3A, %get3A_0] : memref<10000x64xf32, #tpu.memory_space<vmem>>, vector<10000x64xf32>
    %max3A = arith.constant 0.000000e+00 : f32
    %max3A_2 = vector.broadcast %max3A : f32 to vector<10000x64xf32>
    %max3A_3 = arith.maximumf %get3A_1, %max3A_2 : vector<10000x64xf32>
    %reduce_sum3A = arith.constant dense<0.000000e+00> : vector<64xf32>
    %reduce_sum3A_4 = vector.multi_reduction <add>, %max3A_3, %reduce_sum3A [0] : vector<10000x64xf32> to vector<64xf32>
    %broadcast_in_dim3A = vector.shape_cast %reduce_sum3A_4 : vector<64xf32> to vector<1x64xf32>
    %div3A = arith.constant 1.000000e+04 : f32
    %div3A_5 = vector.broadcast %div3A : f32 to vector<1x64xf32>
    %div3A_6 = arith.divf %broadcast_in_dim3A, %div3A_5 : vector<1x64xf32>
    %sub3A = vector.broadcast %div3A_6 : vector<1x64xf32> to vector<10000x64xf32>
    %sub3A_7 = arith.subf %max3A_3, %sub3A : vector<10000x64xf32>
    %integer_pow3A = arith.mulf %sub3A_7, %sub3A_7 : vector<10000x64xf32>
    %reduce_sum3A_8 = arith.constant dense<0.000000e+00> : vector<64xf32>
    %reduce_sum3A_9 = vector.multi_reduction <add>, %integer_pow3A, %reduce_sum3A_8 [0] : vector<10000x64xf32> to vector<64xf32>
    %broadcast_in_dim3A_10 = vector.shape_cast %reduce_sum3A_9 : vector<64xf32> to vector<1x64xf32>
    %div3A_11 = arith.constant 1.000000e+04 : f32
    %div3A_12 = vector.broadcast %div3A_11 : f32 to vector<1x64xf32>
    %div3A_13 = arith.divf %broadcast_in_dim3A_10, %div3A_12 : vector<1x64xf32>
    %sub3A_14 = vector.broadcast %div3A_6 : vector<1x64xf32> to vector<10000x64xf32>
    %sub3A_15 = arith.subf %max3A_3, %sub3A_14 : vector<10000x64xf32>
    %add3A = arith.constant 9.99999974E-6 : f32
    %add3A_16 = vector.broadcast %add3A : f32 to vector<1x64xf32>
    %add3A_17 = arith.addf %div3A_13, %add3A_16 : vector<1x64xf32>
    %sqrt3A = math.sqrt %add3A_17 : vector<1x64xf32>
    %div3A_18 = vector.broadcast %sqrt3A : vector<1x64xf32> to vector<10000x64xf32>
    %div3A_19 = arith.divf %sub3A_15, %div3A_18 : vector<10000x64xf32>
    %get3A_20 = arith.constant 0 : index
    %get3A_21 = arith.constant 0 : index
    %get3A_22 = vector.load %arg1[%get3A_20, %get3A_21] : memref<1x64xf32, #tpu.memory_space<vmem>>, vector<1x64xf32>
    %mul3A = vector.broadcast %get3A_22 : vector<1x64xf32> to vector<10000x64xf32>
    %mul3A_23 = arith.mulf %div3A_19, %mul3A : vector<10000x64xf32>
    %get3A_24 = arith.constant 0 : index
    %get3A_25 = arith.constant 0 : index
    %get3A_26 = vector.load %arg2[%get3A_24, %get3A_25] : memref<1x64xf32, #tpu.memory_space<vmem>>, vector<1x64xf32>
    %add3A_27 = vector.broadcast %get3A_26 : vector<1x64xf32> to vector<10000x64xf32>
    %add3A_28 = arith.addf %mul3A_23, %add3A_27 : vector<10000x64xf32>
    %swap3A = arith.constant 0 : index
    %swap3A_29 = arith.constant 0 : index
    %swap3A_30 = vector.load %arg3[%swap3A, %swap3A_29] : memref<10000x64xf32, #tpu.memory_space<vmem>>, vector<10000x64xf32>
    tpu.vector_store %arg3[%swap3A, %swap3A_29], %add3A_28 {strides = array<i32>} : memref<10000x64xf32, #tpu.memory_space<vmem>>, vector<10000x64xf32>,
    return
  }
}

module attributes {stable_mosaic.version = 14 : i64} {
  func.func @body(%arg0: i32, %arg1: memref<10000x64xf32, #tpu.memory_space<vmem>>, %arg2: memref<10000x1xi32, #tpu.memory_space<vmem>>, %arg3: memref<1x1x64xf32, #tpu.memory_space<vmem>>) attributes {dimension_semantics = [#tpu.dimension_semantics<arbitrary>], iteration_bounds = array<i64: 128>, scalar_prefetch = 0 : i64, scratch_operands = 0 : i64, tpu.core_type = #tpu.core_type<tc>, window_params = [{pipeline_mode = #tpu.pipeline_mode<synchronous>, transform_indices = @transform_0, window_bounds = array<i64: 10000, 64>}, {pipeline_mode = #tpu.pipeline_mode<synchronous>, transform_indices = @transform_1, window_bounds = array<i64: 10000, 1>}, {transform_indices = @transform_2, window_bounds = array<i64: 1, 1, 64>}]} {
    %get3A = arith.constant 0 : index
    %get3A_0 = arith.constant 0 : index
    %get3A_1 = vector.load %arg2[%get3A, %get3A_0] : memref<10000x1xi32, #tpu.memory_space<vmem>>, vector<10000x1xi32>
    %eq3A = vector.broadcast %arg0 : i32 to vector<10000x1xi32>
    %eq3A_2 = arith.cmpi eq, %get3A_1, %eq3A : vector<10000x1xi32>
    %get3A_3 = arith.constant 0 : index
    %get3A_4 = arith.constant 0 : index
    %get3A_5 = vector.load %arg1[%get3A_3, %get3A_4] : memref<10000x64xf32, #tpu.memory_space<vmem>>, vector<10000x64xf32>
    %jit3A = arith.constant 0xFF800000 : f32
    %broadcast_in_dim3A = vector.shape_cast %eq3A_2 : vector<10000x1xi1> to vector<10000x1xi1>
    %broadcast_in_dim3A_6 = vector.broadcast %broadcast_in_dim3A : vector<10000x1xi1> to vector<10000x64xi1>
    %broadcast_in_dim3A_7 = vector.broadcast %jit3A : f32 to vector<10000x64xf32>
    %select_n3A = arith.select %broadcast_in_dim3A_6, %get3A_5, %broadcast_in_dim3A_7 : vector<10000x64xi1>, vector<10000x64xf32>
    %reduce_max3A = arith.constant dense<0xFF800000> : vector<64xf32>
    %reduce_max3A_8 = vector.multi_reduction <maximumf>, %select_n3A, %reduce_max3A [0] : vector<10000x64xf32> to vector<64xf32>
    %broadcast_in_dim3A_9 = vector.shape_cast %reduce_max3A_8 : vector<64xf32> to vector<1x64xf32>
    %broadcast_in_dim3A_10 = vector.shape_cast %broadcast_in_dim3A_9 : vector<1x64xf32> to vector<1x1x64xf32>
    %swap3A = arith.constant 0 : index
    %swap3A_11 = arith.constant 0 : index
    %swap3A_12 = arith.constant 0 : index
    %swap3A_13 = vector.load %arg3[%swap3A, %swap3A_11, %swap3A_12] : memref<1x1x64xf32, #tpu.memory_space<vmem>>, vector<1x1x64xf32>
    tpu.vector_store %arg3[%swap3A, %swap3A_11, %swap3A_12], %broadcast_in_dim3A_10 {strides = array<i32>} : memref<1x1x64xf32, #tpu.memory_space<vmem>>, vector<1x1x64xf32>,
    return
  }
  func.func @transform_0(%arg0: i32) -> (i32, i32) {
    %c0_i32 = arith.constant 0 : i32
    %c0_i32_0 = arith.constant 0 : i32
    %c0_i32_1 = arith.constant 0 : i32
    return %c0_i32, %c0_i32_0 : i32, i32
  }
  func.func @transform_1(%arg0: i32) -> (i32, i32) {
    %c0_i32 = arith.constant 0 : i32
    %c0_i32_0 = arith.constant 0 : i32
    %c0_i32_1 = arith.constant 0 : i32
    return %c0_i32, %c0_i32_0 : i32, i32
  }
  func.func @transform_2(%arg0: i32) -> (i32, i32, i32) {
    %c0_i32 = arith.constant 0 : i32
    %c0_i32_0 = arith.constant 0 : i32
    %c0_i32_1 = arith.constant 0 : i32
    return %arg0, %c0_i32, %c0_i32_0 : i32, i32, i32
  }
}

module attributes {stable_mosaic.version = 14 : i64} {
  func.func @body(%arg0: memref<1152x64xf32, #tpu.memory_space<vmem>>, %arg1: memref<1x64xf32, #tpu.memory_space<vmem>>, %arg2: memref<1x64xf32, #tpu.memory_space<vmem>>, %arg3: memref<1152x64xf32, #tpu.memory_space<vmem>>) attributes {dimension_semantics = [], scalar_prefetch = 0 : i64, scratch_operands = 0 : i64, tpu.core_type = #tpu.core_type<tc>} {
    %get3A = arith.constant 0 : index
    %get3A_0 = arith.constant 0 : index
    %get3A_1 = vector.load %arg0[%get3A, %get3A_0] : memref<1152x64xf32, #tpu.memory_space<vmem>>, vector<1152x64xf32>
    %reduce_sum3A = arith.constant dense<0.000000e+00> : vector<64xf32>
    %reduce_sum3A_2 = vector.multi_reduction <add>, %get3A_1, %reduce_sum3A [0] : vector<1152x64xf32> to vector<64xf32>
    %broadcast_in_dim3A = vector.shape_cast %reduce_sum3A_2 : vector<64xf32> to vector<1x64xf32>
    %div3A = arith.constant 1.152000e+03 : f32
    %div3A_3 = vector.broadcast %div3A : f32 to vector<1x64xf32>
    %div3A_4 = arith.divf %broadcast_in_dim3A, %div3A_3 : vector<1x64xf32>
    %sub3A = vector.broadcast %div3A_4 : vector<1x64xf32> to vector<1152x64xf32>
    %sub3A_5 = arith.subf %get3A_1, %sub3A : vector<1152x64xf32>
    %integer_pow3A = arith.mulf %sub3A_5, %sub3A_5 : vector<1152x64xf32>
    %reduce_sum3A_6 = arith.constant dense<0.000000e+00> : vector<64xf32>
    %reduce_sum3A_7 = vector.multi_reduction <add>, %integer_pow3A, %reduce_sum3A_6 [0] : vector<1152x64xf32> to vector<64xf32>
    %broadcast_in_dim3A_8 = vector.shape_cast %reduce_sum3A_7 : vector<64xf32> to vector<1x64xf32>
    %div3A_9 = arith.constant 1.152000e+03 : f32
    %div3A_10 = vector.broadcast %div3A_9 : f32 to vector<1x64xf32>
    %div3A_11 = arith.divf %broadcast_in_dim3A_8, %div3A_10 : vector<1x64xf32>
    %sub3A_12 = vector.broadcast %div3A_4 : vector<1x64xf32> to vector<1152x64xf32>
    %sub3A_13 = arith.subf %get3A_1, %sub3A_12 : vector<1152x64xf32>
    %add3A = arith.constant 9.99999974E-6 : f32
    %add3A_14 = vector.broadcast %add3A : f32 to vector<1x64xf32>
    %add3A_15 = arith.addf %div3A_11, %add3A_14 : vector<1x64xf32>
    %sqrt3A = math.sqrt %add3A_15 : vector<1x64xf32>
    %div3A_16 = vector.broadcast %sqrt3A : vector<1x64xf32> to vector<1152x64xf32>
    %div3A_17 = arith.divf %sub3A_13, %div3A_16 : vector<1152x64xf32>
    %get3A_18 = arith.constant 0 : index
    %get3A_19 = arith.constant 0 : index
    %get3A_20 = vector.load %arg1[%get3A_18, %get3A_19] : memref<1x64xf32, #tpu.memory_space<vmem>>, vector<1x64xf32>
    %mul3A = vector.broadcast %get3A_20 : vector<1x64xf32> to vector<1152x64xf32>
    %mul3A_21 = arith.mulf %div3A_17, %mul3A : vector<1152x64xf32>
    %get3A_22 = arith.constant 0 : index
    %get3A_23 = arith.constant 0 : index
    %get3A_24 = vector.load %arg2[%get3A_22, %get3A_23] : memref<1x64xf32, #tpu.memory_space<vmem>>, vector<1x64xf32>
    %add3A_25 = vector.broadcast %get3A_24 : vector<1x64xf32> to vector<1152x64xf32>
    %add3A_26 = arith.addf %mul3A_21, %add3A_25 : vector<1152x64xf32>
    %swap3A = arith.constant 0 : index
    %swap3A_27 = arith.constant 0 : index
    %swap3A_28 = vector.load %arg3[%swap3A, %swap3A_27] : memref<1152x64xf32, #tpu.memory_space<vmem>>, vector<1152x64xf32>
    tpu.vector_store %arg3[%swap3A, %swap3A_27], %add3A_26 {strides = array<i32>} : memref<1152x64xf32, #tpu.memory_space<vmem>>, vector<1152x64xf32>,
    return
  }
}

</mosaic_0001>

<sc_bundles>
// kernel: kernel.31.cloned.1.call-start
scs
__scs_entry_jumppad:
0x0: {  	(pc) =	sbr.rel $0x88, $3  }
0x1: {  	(tag) =	ssettag $0x0;
	lr =	simm.s32 $0x1  }
0x2: {  	[smem:$0x3F75] =	sst lr;
	_ =	strace $0xD0000000  }
0x3: {  	_ = 	snop  }
0x4: {  	_ = 	snop  }
0x5: {  	_ = 	snop  }
0x6: {  	_ = 	snop  }
0x7: {  	_ = 	snop  }
__scs_overlays_trampoline_lowered:
0x8: {  	[smem:$0x3F84] =	sst s0  }
0x9: {  	[smem:$0x3F85] =	sst s1  }
0xa: {  	[smem:$0x3F86] =	sst s2  }
0xb: {  	[smem:$0x3F87] =	sst s3  }
0xc: {  	[smem:$0x3F88] =	sst s4  }
0xd: {  	[smem:$0x3F89] =	sst s5  }
0xe: {  	[smem:$0x3F8A] =	sst s6  }
0xf: {  	[smem:$0x3F8B] =	sst s7  }
0x10: {  	[smem:$0x3F8C] =	sst s8  }
0x11: {  	[smem:$0x3F8D] =	sst s9;
	s0 =	simm.s32 @!p0 $0x0  }
0x12: {  	s1 =	sld [smem:$0x3F73];
	s0 =	simm.s32 @p0 $0x1  }
0x13: {  	[smem:$0x3F8E] =	sst s0;
	s0 =	simm.s32 @!p1 $0x0  }
0x14: {  	s2 =	sld [smem:$0x3F72];
	s0 =	simm.s32 @p1 $0x1  }
0x15: {  	[smem:$0x3F8F] =	sst s0;
	s0 =	simm.s32 @!p2 $0x0  }
0x16: {  	s3 =	sld [smem:$0x3FDB];
	s0 =	simm.s32 @p2 $0x1  }
0x17: {  	s4 =	simm.s32 $0x1BF5;
	[smem:$0x3F91] =	sst s0  }
0x18: {  	s0 =	sld [smem:$0x3F74];
	_ =	swait.ge [sflag:s4], $0x0  }
0x19: {  	s7 =	sld [smem:$0x3F75]  }
0x1a: {  	s8 =	sadd.s32 $0xFFFFE003, lr  }
0x1b: {  	s9 =	sadd.s32 $0xFFFFFEF7, lr;
	s5 =	simm.s32 $0xFFFFFFFF;
	p2 =	slt.u32 s8, $0xFFFFF086  }
0x1c: {  	p1 =	slt.u32 s9, $0xF7A;
	s5 =	simm.s32 @!p2 $0x0  }
0x1d: {  	s5 =	simm.s32 @p1 $0x1;
	p0 =	seq.s32 s7, s2  }
0x1e: {  	s7 =	smul.u32 @!p0 $0xF7A, s2;
	p2 =	seq.s32 @!p0 s5, $0x0  }
0x1f: {  	s9 =	smul.u32 $0xF7A, s1;
	s8 =	simm.s32 @!p0 $0x1BF5;
	p2 =	por !p2, p0  }
0x20: {  	[sflag:s8] =	ssyncset.s32 @!p0 $0xFFFFF086;
	s6 =	sadd.s32 @!p0 s3, s7;
	s7 =	simm.s32 @!p0 $0x108  }
0x21: {  	s3 =	sadd.s32 s3, s9;
	s6 =	sadd.s32 @!p0 $0x88, s6;
	s7 =	simm.s32 @p2 $0x1082  }
0x22: {  	[simem:s7], [sflag:s8] =	dma.local @!p0 [hbm:s6], $0xF7A  }
0x23: {  	s9 =	sor.u32 $0xD0000000, s2;
	s6 =	simm.s32 $0x108;
	_ =	swait.ge @!p0 [sflag:s8], $0x0  }
0x24: {  	s3 =	sadd.s32 $0x88, s3;
	s6 =	simm.s32 @!p1 $0x1082;
	[sflag:s4] =	ssyncset.s32 $0xFFFFF086  }
0x25: {  	[simem:s6], [sflag:s4] =	dma.local [hbm:s3], $0xF7A  }
0x26: {  	[smem:$0x3F75] =	sst s1;
	(tag) =	ssettag s2;
	_ =	strace s9  }
0x27: {  	s1 =	sld [smem:$0x3F85]  }
0x28: {  	s2 =	sld [smem:$0x3F86]  }
0x29: {  	s4 =	sld [smem:$0x3F88]  }
0x2a: {  	p0 =	seq.s32 s5, $0x0;
	s5 =	sld [smem:$0x3F89]  }
0x2b: {  	s6 =	sld [smem:$0x3F8A]  }
0x2c: {  	s7 =	sld [smem:$0x3F8B]  }
0x2d: {  	s3 =	simm.s32 $0x108;
	s8 =	sld [smem:$0x3F8C]  }
0x2e: {  	s3 =	simm.s32 @!p0 $0x1082;
	s9 =	sld [smem:$0x3F8D]  }
0x2f: {  	lr =	sadd.s32 s0, s3;
	s0 =	sld [smem:$0x3F84]  }
0x30: {  	s3 =	sld [smem:$0x3F87]  }
0x31: {  	[smem:$0x3F90] =	sst s10  }
0x32: {  	s10 =	sld [smem:$0x3F8E];
	_ =	sdelay $0x3  }
0x33: {  	p0 =	seq.s32 s10, $0x1;
	s10 =	sld [smem:$0x3F90];
	_ =	sdelay $0x3  }
0x34: {  	[smem:$0x3F90] =	sst s10  }
0x35: {  	s10 =	sld [smem:$0x3F8F];
	_ =	sdelay $0x3  }
0x36: {  	p1 =	seq.s32 s10, $0x1;
	s10 =	sld [smem:$0x3F90];
	_ =	sdelay $0x3  }
0x37: {  	[smem:$0x3F90] =	sst s10  }
0x38: {  	s10 =	sld [smem:$0x3F91]  }
0x39: {  	_ = 	snop;
	(pc) =	sbr.ind lr, $3  }
0x3a: {  	_ = 	snop  }
0x3b: {  	_ = 	snop  }
0x3c: {  	p2 =	seq.s32 s10, $0x1;
	s10 =	sld [smem:$0x3F90]  }
0x3d: {  	_ =	shalt  }
0x3e: {  	_ =	shalt  }
0x3f: {  	_ =	shalt  }
0x40: {  	_ =	shalt  }
0x41: {  	_ =	shalt  }
0x42: {  	_ =	shalt  }
0x43: {  	_ =	shalt  }
0x44: {  	_ =	shalt  }
0x45: {  	_ =	shalt  }
0x46: {  	_ =	shalt  }
0x47: {  	_ =	shalt  }
0x48: {  	_ =	shalt  }
0x49: {  	_ =	shalt  }
0x4a: {  	_ =	shalt  }
0x4b: {  	_ =	shalt  }
0x4c: {  	_ =	shalt  }
0x4d: {  	_ =	shalt  }
0x4e: {  	_ =	shalt  }
0x4f: {  	_ =	shalt  }
0x50: {  	_ =	shalt  }
0x51: {  	_ =	shalt  }
0x52: {  	_ =	shalt  }
0x53: {  	_ =	shalt  }
0x54: {  	_ =	shalt  }
0x55: {  	_ =	shalt  }
0x56: {  	_ =	shalt  }
0x57: {  	_ =	shalt  }
0x58: {  	_ =	shalt  }
0x59: {  	_ =	shalt  }
0x5a: {  	_ =	shalt  }
0x5b: {  	_ =	shalt  }
0x5c: {  	_ =	shalt  }
0x5d: {  	_ =	shalt  }
0x5e: {  	_ =	shalt  }
0x5f: {  	_ =	shalt  }
0x60: {  	_ =	shalt  }
0x61: {  	_ =	shalt  }
0x62: {  	_ =	shalt  }
0x63: {  	_ =	shalt  }
0x64: {  	_ =	shalt  }
0x65: {  	_ =	shalt  }
0x66: {  	_ =	shalt  }
0x67: {  	_ =	shalt  }
0x68: {  	_ =	shalt  }
0x69: {  	_ =	shalt  }
0x6a: {  	_ =	shalt  }
0x6b: {  	_ =	shalt  }
0x6c: {  	_ =	shalt  }
0x6d: {  	_ =	shalt  }
0x6e: {  	_ =	shalt  }
0x6f: {  	_ =	shalt  }
0x70: {  	_ =	shalt  }
0x71: {  	_ =	shalt  }
0x72: {  	_ =	shalt  }
0x73: {  	_ =	shalt  }
0x74: {  	_ =	shalt  }
0x75: {  	_ =	shalt  }
0x76: {  	_ =	shalt  }
0x77: {  	_ =	shalt  }
0x78: {  	_ =	shalt  }
0x79: {  	_ =	shalt  }
0x7a: {  	_ =	shalt  }
0x7b: {  	_ =	shalt  }
0x7c: {  	_ =	shalt  }
0x7d: {  	_ =	shalt  }
0x7e: {  	_ =	shalt  }
0x7f: {  	_ =	shalt  }
0x80: {  	_ =	shalt  }
0x81: {  	_ =	shalt  }
0x82: {  	_ =	shalt  }
0x83: {  	_ =	shalt  }
0x84: {  	_ =	shalt  }
0x85: {  	_ =	shalt  }
0x86: {  	_ =	shalt  }
0x87: {  	_ =	shalt  }
.Lfunc_end0:
.L_simem_size_0:
called_computation.1_lowered:
.L_overlay_start_0:
0x88: {  	s2 =	sld [smem:$0x3FD9]  }
0x89: {  	s3 =	sld [smem:$0x3FFE];
	_ =	sdelay $0x1  }
0x8a: {  	s1 =	srdreg.scid  }
0x8b: {  	s0 =	sand.u32 $0x1, s1  }
0x8c: {  	s16 =	sshll.u32 s0, $0xA;
	s2 =	sadd.s32 s3, s2  }
0x8d: {  	s2 =	sadd.s32 s2, s16  }
0x8e: {  	[smem:$0x3F9C] =	sst s2  }
0x8f: {  	_ = 	snop  }
0x90: {  	(tm) =	ssettm $0x1  }
0x91: {  	s17 =	sld [smem:$0x3FFB];
	_ =	sdelay $0x3  }
0x92: {  	_ =	strace s17  }
0x93: {  	s2 =	sld [smem:$0x3FFC];
	_ =	sdelay $0x3  }
0x94: {  	_ =	strace s2  }
0x95: {  	s2 =	sld [smem:$0x3FFD];
	_ =	sdelay $0x3  }
0x96: {  	_ =	strace s2  }
0x97: {  	_ =	strace $0x8FFFFFFF  }
0x98: {  	s18 =	sld [smem:$0x3FDB];
	_ =	sdelay $0x1  }
0x99: {  	s19 =	simm.s32 $_scs_section_size  }
0x9a: {  	s4 =	simm.s32 $_size__tile_overlayer_lowered;
	s5 =	simm.s32 $_tile_overlayer_lowered  }
0x9b: {  	s22 =	simm.s32 $0x1BFF;
	s21 =	sshll.u32 s5, $0x1;
	s2 =	sadd.s32 s19, s18  }
0x9c: {  	s6 =	simm.s32 $0x0;
	s20 =	sshll.u32 s4, $0x1;
	s4 =	sadd.s32 s21, s2  }
0x9d: {  	[timem:s6], [sflag:s22] =	dma.local [hbm:s4], s20  }
0x9e: {  	_ =	swait.ge [sflag:s22], s20  }
0x9f: {  	s3 =	ssub.s32 $0x0, s20;
	[sflag:s22] =	ssyncset.done $0x0  }
0xa0: {  	[sflag:s22] =	ssyncadd.s32 s3;
	_ =	sdelay $0x1  }
0xa1: {  	s23 =	simm.s32 $0x1B8B  }
0xa2: {  	_ =	swait.ge [sflag:s23], $0x1  }
0xa3: {  	[sflag:s23] =	ssyncset.done $0x0  }
0xa4: {  	s25 =	simm.s32 $0x1B8E;
	s24 =	sld [smem:$0x3FFE];
	[sflag:s23] =	ssyncadd.s32 $0xFFFFFFFF  }
0xa5: {  	s26 =	simm.s32 $execute0_lowered;
	[smem:$0x3FD2] =	sst s25  }
0xa6: {  	s4 =	sshll.u32 s26, $0x1;
	_ =	strace $0x80000046;
	[dreg:$0x1] =	wrdreg $0xFFFFFFFF  }
0xa7: {  	s28 =	simm.s32 $_size_execute0_lowered;
	s2 =	sadd.s32 s2, s4;
	[dreg:$0x0] =	wrdreg $0x0  }
0xa8: {  	s4 =	sshll.u32 s28, $0x1;
	[dreg:$0x2] =	wrdreg s2  }
0xa9: {  	[dreg:$0x3] =	wrdreg s4  }
0xaa: {  	[dreg:$0x4] =	wrdreg $0xC0  }
0xab: {  	_ =	task [dreg:s6], $0x5FFFF  }
0xac: {  	[dreg:$0x1] =	wrdreg $0xFFFFFFFF  }
0xad: {  	[dreg:$0x0] =	wrdreg $0x60  }
0xae: {  	[dreg:$0x2] =	wrdreg s24  }
0xaf: {  	[dreg:$0x3] =	wrdreg $0x0  }
0xb0: {  	[dreg:$0x4] =	wrdreg $0x9  }
0xb1: {  	_ =	task.clear_ibuf [dreg:s6], $0x5FFFF;
	_ =	strace $0x90000046  }
0xb2: {  	s29 =	simm.s32 $0x9;
	_ =	strace $0x80000048  }
0xb3: {  	_ =	swait.ge [sflag:s29], $0x1  }
0xb4: {  	[sflag:s29] =	ssyncadd.s32 $0xFFFFFFFF  }
0xb5: {  	_ =	strace $0x90000048  }
0xb6: {  	_ =	sfence  }
0xb7: {  	s30 =	sld [smem:$0x0];
	_ =	sdelay $0x2  }
0xb8: {  	s31 =	sshll.u32 s1, $0xD;
	s1 =	sshrl.u32 s1, $0x2  }
0xb9: {  	s3 =	sand.u32 $0x4000, s31;
	s1 =	sadd.s32 s1, s30  }
0xba: {  	s0 =	sor.u32 s3, s0;
	s1 =	sshll.u32 s1, $0x11  }
0xbb: {  	s0 =	sor.u32 s1, s0  }
0xbc: {  	s0 =	sadd.s32 $0x8F2B, s0  }
0xbd: {  	[sflag:s0] =	ssyncadd.remote.s32 $0x1  }
0xbe: {  	_ =	sfence.sel $0xFFFF  }
0xbf: {  	[dreg:$0x0] =	wrdreg $0xFFFFFFFF;
	(pc) =	sbr.abs _section_cstart, $3  }
0xc0: {  	[dreg:$0x1] =	wrdreg $0xFFFFFFFF  }
0xc1: {  	_ =	task.clear_ibuf [dreg:s6], $0x2FFFF;
	_ =	strace $0x9FFFFFFF  }
0xc2: {  	(tm) =	ssettm $0x7FFFFFFF  }
0xc3: {  	_ =	shalt  }
tec
execute0_lowered:
.L_overlay_start_1:
0x0: {  	(tag) =	ssettag $0x1  }
0x1: {  	s4 =	rddreg [dreg:$0x0];
	s0 =	srdreg.scid  }
0x2: {  	s2 =	rddreg [dreg:$0x1];
	s1 =	stileid.u32;
	s3 =	simm.s32 $0x0  }
0x3: {  	s10 =	simm.s32 $0x14000;
	s11 =	simm.s32 $0x50;
	s12 =	simm.s32 $0x18000  }
0x4: {  	s5 =	sand.u32 $0x1, s0;
	s0 =	rddreg [dreg:$0x2];
	s7 =	smul.u32 $0x14000, s1  }
0x5: {  	[smem:$0x7FF] =	sst s3;
	s8 =	sshll.u32 s1, $0xB;
	s9 =	smul.u32 $0x50000, s1  }
0x6: {  	s13 =	sshll.u32 s1, $0x6;
	s6 =	smul.u32 $0x140000, s5;
	_ =	strace $0x80000047  }
0x7: {  	s8 =	sadd.s32 s8, s4;
	s29 =	ssub.s32 $0x2, s5;
	s5 =	sshll.u32 s5, $0xF  }
0x8: {  	s13 =	sor.u32 $0x1C01, s13;
	s30 =	sshrl.u32 s29, $0x1;
	s31 =	sshrl.u32 s9, $0x2  }
0x9: {  	s5 =	sadd.s32 s5, s8;
	s8 =	simm.s32 $0x1A800;
	s6 =	sadd.s32 s7, s6  }
0xa: {  	s9 =	simm.s32 $0x1;
	s7 =	ssub.s32 s29, s30;
	s6 =	sshrl.u32 s6, $0x3  }
0xb: {  	s5 =	sadd.s32 $0x1B800, s5;
	s6 =	sadd.s32 s6, s4;
	s4 =	sadd.s32 s31, s2  }
0xc: {  	v0 =	vimm.f32 $0.0e+00;
	v1 =	vimm.f32 $1.000000000e+00;
	s7 =	smax.u32 s7, $0x1;
	s6 =	sadd.s32 $0x2B800, s6;
	s14 =	sshrl.u32 s4, $0x3  }
.LBB2_1:
0xd: {  	s15 =	simm.s32 $0x0;
	s16 =	simm.s32 $0x200  }
.LBB2_2:
0xe: {  	p0 =	sne.s32 s16, $0x1E00;
	[tilespmem:s15+$0x1A870] =	vst v0  }
0xf: {  	[tilespmem:s15+$0x1A800] =	vst v0  }
0x10: {  	[tilespmem:s15+$0x1A810] =	vst v0  }
.Ltmp0:
0x11: {  	[tilespmem:s15+$0x1A820] =	vst v0;
	(pc) =	sbr.rel @p0 .LBB2_2-.Ltmp0, $4  }
0x12: {  	[tilespmem:s15+$0x1A830] =	vst v0  }
0x13: {  	[tilespmem:s15+$0x1A840] =	vst v0  }
0x14: {  	[tilespmem:s15+$0x1A850] =	vst v0  }
0x15: {  	[tilespmem:s15+$0x1A860] =	vst v0;
	s15 =	sshra.s32 s16, $0x2;
	s16 =	sadd.s32 $0x200, s16  }
0x16: {  	[tilespmem:s15+$0x1A870] =	vst v0  }
0x17: {  	[tilespmem:s15+$0x1A800] =	vst v0  }
0x18: {  	[tilespmem:s15+$0x1A810] =	vst v0  }
0x19: {  	[tilespmem:s15+$0x1A820] =	vst v0  }
0x1a: {  	[tilespmem:s15+$0x1A830] =	vst v0  }
0x1b: {  	[tilespmem:s15+$0x1A840] =	vst v0  }
0x1c: {  	[tilespmem:s15+$0x1A850] =	vst v0  }
0x1d: {  	[tilespmem:s15+$0x1A860] =	vst v0;
	s31 =	sadd.s32 $0x0, s4  }
0x1e: {  	[spmem:s31] =	stream.linear.scatter [tilespmem:s8], [sflag:$0x1], $0x800, $0x38;
	[tilespmem:$0x1B000] =	vst v63  }
0x1f: {  	s15 =	simm.s32 $0x2000;
	_ =	swait.ge [sflag:s9], $0x800  }
.LBB2_4:
0x20: {  	s16 =	sshra.s32 s15, $0x2;
	[sflag:s9] =	ssyncset.done $0x0;
	p0 =	sne.s32 s15, $0x4E000  }
.Ltmp1:
0x21: {  	s16 =	sadd.s32 s16, s4;
	[sflag:s9] =	ssyncadd.s32 $0xFFFFF800;
	(pc) =	sbr.rel @p0 .LBB2_4-.Ltmp1, $3  }
0x22: {  	[spmem:s16] =	stream.linear.scatter [tilespmem:s8], [sflag:$0x1], $0x800, $0x38;
	[tilespmem:$0x1B000] =	vst v63  }
0x23: {  	s15 =	sadd.s32 $0x2000, s15;
	_ =	sdelay $0x1  }
0x24: {  	_ =	swait.ge [sflag:s9], $0x800  }
0x25: {  	[sflag:s9] =	ssyncset.done $0x0  }
0x26: {  	s15 =	simm.s32 $0x70;
	s16 =	simm.s32 $0x3C0;
	[sflag:s9] =	ssyncadd.s32 $0xFFFFF800  }
.LBB2_6:
0x27: {  	p0 =	sne.s32 s16, $0x9FC0;
	[tilespmem:s15+$0x18000] =	vst v1  }
0x28: {  	[tilespmem:s15+$0x17F90] =	vst v1  }
0x29: {  	[tilespmem:s15+$0x17FA0] =	vst v1  }
.Ltmp2:
0x2a: {  	[tilespmem:s15+$0x17FB0] =	vst v1;
	(pc) =	sbr.rel @p0 .LBB2_6-.Ltmp2, $4  }
0x2b: {  	[tilespmem:s15+$0x17FC0] =	vst v1  }
0x2c: {  	[tilespmem:s15+$0x17FD0] =	vst v1  }
0x2d: {  	[tilespmem:s15+$0x17FE0] =	vst v1  }
0x2e: {  	[tilespmem:s15+$0x17FF0] =	vst v1;
	s15 =	sshra.s32 s16, $0x2;
	s16 =	sadd.s32 $0x200, s16  }
0x2f: {  	[tilespmem:s15+$0x18000] =	vst v1  }
0x30: {  	[tilespmem:s15+$0x17F90] =	vst v1  }
0x31: {  	[tilespmem:s15+$0x17FA0] =	vst v1  }
0x32: {  	[tilespmem:s15+$0x17FB0] =	vst v1  }
0x33: {  	[tilespmem:s15+$0x17FC0] =	vst v1  }
0x34: {  	[tilespmem:s15+$0x17FD0] =	vst v1  }
0x35: {  	[tilespmem:s15+$0x17FE0] =	vst v1  }
0x36: {  	[tilespmem:s15+$0x17FF0] =	vst v1;
	s30 =	simm.s32 $0x0  }
0x37: {  	[tilespmem:s10], [sflag:$0x1] =	stream.linear.gather [hbm4b:s5+s30], $0x3E80, $0x38;
	[tilespmem:$0x1B000] =	vst v63  }
0x38: {  	_ =	swait.ge [sflag:s9], $0x3E80  }
0x39: {  	[sflag:s9] =	ssyncset.done $0x0  }
0x3a: {  	[sflag:s9] =	ssyncadd.s32 $0xFFFFC180  }
0x3b: {  	s31 =	simm.s32 $0x14000;
	[bflag:$0x0] =	sbarrier.arrive $0xFFFF  }
0x3c: {  	[spmem:s2] =	stream.indirect.scatter.add.f32 [tilespmem:s12], [sflag:$0x1], $0x80, s31, s11, $0xb8;
	[tilespmem:$0x1B000] =	vst v63  }
0x3d: {  	s15 =	simm.s32 $0x200;
	_ =	swait.ge [sflag:s9], $0x2800  }
.LBB2_8:
0x3e: {  	s16 =	sshra.s32 s15, $0x2;
	[sflag:s9] =	ssyncset.done $0x0;
	p0 =	sne.s32 s15, $0xF800  }
.Ltmp3:
0x3f: {  	s16 =	sadd.s32 $0x14000, s16;
	[sflag:s9] =	ssyncadd.s32 $0xFFFFD800;
	(pc) =	sbr.rel @p0 .LBB2_8-.Ltmp3, $3  }
0x40: {  	[spmem:s2] =	stream.indirect.scatter.add.f32 [tilespmem:s12], [sflag:$0x1], $0x80, s16, s11, $0xb8;
	[tilespmem:$0x1B000] =	vst v63  }
0x41: {  	s15 =	sadd.s32 $0x200, s15;
	_ =	sdelay $0x1  }
0x42: {  	_ =	swait.ge [sflag:s9], $0x2800  }
0x43: {  	[sflag:s9] =	ssyncset.done $0x0;
	s3 =	sadd.s32 $0x1, s3  }
0x44: {  	[sflag:s9] =	ssyncadd.s32 $0xFFFFD800;
	p0 =	sne.s32 s3, s7  }
.Ltmp4:
0x45: {  	[bflag:$0x0] =	sbarrier.arrive $0xFFFF;
	(pc) =	sbr.rel @p0 .LBB2_1-.Ltmp4, $4  }
0x46: {  	[hbm:s6], [sflag:s13] =	dma.local [spmem:s14], $0x2800  }
0x47: {  	_ =	swait.ge [sflag:s9], $0x2800  }
0x48: {  	[sflag:s9] =	ssyncset.done $0x0  }
0x49: {  	[sflag:s9] =	ssyncadd.s32 $0xFFFFD800  }
0x4a: {  	_ =	sfence.sel $0x180000  }
0x4b: {  	[bflag:$0x0] =	sbarrier.arrive $0xFFFF  }
0x4c: {  	p0 =	sne.s32 s1, $0x0;
	_ =	strace $0x90000047  }
0x4d: {  	s0 =	sadd.s32 @!p0 $0x100000, s0;
	[bflag:$0x2] =	sbarrier.arrive $0xFFFF  }
0x4e: {  	[sflag:s0] =	ssyncadd.tile.s32 @!p0 $0x1;
	_ =	shalt  }
.Lfunc_end2:
_tile_overlayer_lowered:
.L_overlay_start_2:
0x4f: {  	(tag) =	ssettag $0x2  }
0x50: {  	s0 =	rddreg [dreg:$0x0];
	s2 =	stileid.u32  }
0x51: {  	s1 =	rddreg [dreg:$0x1];
	p0 =	sne.s32 s2, $0x0  }
0x52: {  	s3 =	rddreg [dreg:$0x2];
	[bflag:$0x3] =	sbarrier.arrive $0xFFFF;
	s2 =	simm.s32 @!p0 $0x1C01  }
0x53: {  	[timem:s3], [sflag:s2] =	dma.local @!p0 [hbm:s0], s1  }
0x54: {  	s0 =	simm.s32 @!p0 $0x1  }
0x55: {  	_ =	swait.ge @!p0 [sflag:s0], s1  }
0x56: {  	s1 =	ssub.s32 @!p0 $0x0, s1;
	[sflag:s0] =	ssyncset.done @!p0 $0x0  }
0x57: {  	[sflag:s0] =	ssyncadd.s32 @!p0 s1  }
0x58: {  	[bflag:$0x3] =	sbarrier.arrive $0xFFFF  }
0x59: {  	_ =	shalt  }

// kernel: kernel.34.cloned.1.call-start
scs
__scs_entry_jumppad:
0x0: {  	(pc) =	sbr.rel $0x88, $3  }
0x1: {  	(tag) =	ssettag $0x0;
	lr =	simm.s32 $0x1  }
0x2: {  	[smem:$0x3F75] =	sst lr;
	_ =	strace $0xD0000000  }
0x3: {  	_ = 	snop  }
0x4: {  	_ = 	snop  }
0x5: {  	_ = 	snop  }
0x6: {  	_ = 	snop  }
0x7: {  	_ = 	snop  }
__scs_overlays_trampoline_lowered:
0x8: {  	[smem:$0x3F84] =	sst s0  }
0x9: {  	[smem:$0x3F85] =	sst s1  }
0xa: {  	[smem:$0x3F86] =	sst s2  }
0xb: {  	[smem:$0x3F87] =	sst s3  }
0xc: {  	[smem:$0x3F88] =	sst s4  }
0xd: {  	[smem:$0x3F89] =	sst s5  }
0xe: {  	[smem:$0x3F8A] =	sst s6  }
0xf: {  	[smem:$0x3F8B] =	sst s7  }
0x10: {  	[smem:$0x3F8C] =	sst s8  }
0x11: {  	[smem:$0x3F8D] =	sst s9;
	s0 =	simm.s32 @!p0 $0x0  }
0x12: {  	s1 =	sld [smem:$0x3F73];
	s0 =	simm.s32 @p0 $0x1  }
0x13: {  	[smem:$0x3F8E] =	sst s0;
	s0 =	simm.s32 @!p1 $0x0  }
0x14: {  	s2 =	sld [smem:$0x3F72];
	s0 =	simm.s32 @p1 $0x1  }
0x15: {  	[smem:$0x3F8F] =	sst s0;
	s0 =	simm.s32 @!p2 $0x0  }
0x16: {  	s3 =	sld [smem:$0x3FDB];
	s0 =	simm.s32 @p2 $0x1  }
0x17: {  	s4 =	simm.s32 $0x1BF5;
	[smem:$0x3F91] =	sst s0  }
0x18: {  	s0 =	sld [smem:$0x3F74];
	_ =	swait.ge [sflag:s4], $0x0  }
0x19: {  	s7 =	sld [smem:$0x3F75]  }
0x1a: {  	s8 =	sadd.s32 $0xFFFFE003, lr  }
0x1b: {  	s9 =	sadd.s32 $0xFFFFFEF7, lr;
	s5 =	simm.s32 $0xFFFFFFFF;
	p2 =	slt.u32 s8, $0xFFFFF086  }
0x1c: {  	p1 =	slt.u32 s9, $0xF7A;
	s5 =	simm.s32 @!p2 $0x0  }
0x1d: {  	s5 =	simm.s32 @p1 $0x1;
	p0 =	seq.s32 s7, s2  }
0x1e: {  	s7 =	smul.u32 @!p0 $0xF7A, s2;
	p2 =	seq.s32 @!p0 s5, $0x0  }
0x1f: {  	s9 =	smul.u32 $0xF7A, s1;
	s8 =	simm.s32 @!p0 $0x1BF5;
	p2 =	por !p2, p0  }
0x20: {  	[sflag:s8] =	ssyncset.s32 @!p0 $0xFFFFF086;
	s6 =	sadd.s32 @!p0 s3, s7;
	s7 =	simm.s32 @!p0 $0x108  }
0x21: {  	s3 =	sadd.s32 s3, s9;
	s6 =	sadd.s32 @!p0 $0x88, s6;
	s7 =	simm.s32 @p2 $0x1082  }
0x22: {  	[simem:s7], [sflag:s8] =	dma.local @!p0 [hbm:s6], $0xF7A  }
0x23: {  	s9 =	sor.u32 $0xD0000000, s2;
	s6 =	simm.s32 $0x108;
	_ =	swait.ge @!p0 [sflag:s8], $0x0  }
0x24: {  	s3 =	sadd.s32 $0x88, s3;
	s6 =	simm.s32 @!p1 $0x1082;
	[sflag:s4] =	ssyncset.s32 $0xFFFFF086  }
0x25: {  	[simem:s6], [sflag:s4] =	dma.local [hbm:s3], $0xF7A  }
0x26: {  	[smem:$0x3F75] =	sst s1;
	(tag) =	ssettag s2;
	_ =	strace s9  }
0x27: {  	s1 =	sld [smem:$0x3F85]  }
0x28: {  	s2 =	sld [smem:$0x3F86]  }
0x29: {  	s4 =	sld [smem:$0x3F88]  }
0x2a: {  	p0 =	seq.s32 s5, $0x0;
	s5 =	sld [smem:$0x3F89]  }
0x2b: {  	s6 =	sld [smem:$0x3F8A]  }
0x2c: {  	s7 =	sld [smem:$0x3F8B]  }
0x2d: {  	s3 =	simm.s32 $0x108;
	s8 =	sld [smem:$0x3F8C]  }
0x2e: {  	s3 =	simm.s32 @!p0 $0x1082;
	s9 =	sld [smem:$0x3F8D]  }
0x2f: {  	lr =	sadd.s32 s0, s3;
	s0 =	sld [smem:$0x3F84]  }
0x30: {  	s3 =	sld [smem:$0x3F87]  }
0x31: {  	[smem:$0x3F90] =	sst s10  }
0x32: {  	s10 =	sld [smem:$0x3F8E];
	_ =	sdelay $0x3  }
0x33: {  	p0 =	seq.s32 s10, $0x1;
	s10 =	sld [smem:$0x3F90];
	_ =	sdelay $0x3  }
0x34: {  	[smem:$0x3F90] =	sst s10  }
0x35: {  	s10 =	sld [smem:$0x3F8F];
	_ =	sdelay $0x3  }
0x36: {  	p1 =	seq.s32 s10, $0x1;
	s10 =	sld [smem:$0x3F90];
	_ =	sdelay $0x3  }
0x37: {  	[smem:$0x3F90] =	sst s10  }
0x38: {  	s10 =	sld [smem:$0x3F91]  }
0x39: {  	_ = 	snop;
	(pc) =	sbr.ind lr, $3  }
0x3a: {  	_ = 	snop  }
0x3b: {  	_ = 	snop  }
0x3c: {  	p2 =	seq.s32 s10, $0x1;
	s10 =	sld [smem:$0x3F90]  }
0x3d: {  	_ =	shalt  }
0x3e: {  	_ =	shalt  }
0x3f: {  	_ =	shalt  }
0x40: {  	_ =	shalt  }
0x41: {  	_ =	shalt  }
0x42: {  	_ =	shalt  }
0x43: {  	_ =	shalt  }
0x44: {  	_ =	shalt  }
0x45: {  	_ =	shalt  }
0x46: {  	_ =	shalt  }
0x47: {  	_ =	shalt  }
0x48: {  	_ =	shalt  }
0x49: {  	_ =	shalt  }
0x4a: {  	_ =	shalt  }
0x4b: {  	_ =	shalt  }
0x4c: {  	_ =	shalt  }
0x4d: {  	_ =	shalt  }
0x4e: {  	_ =	shalt  }
0x4f: {  	_ =	shalt  }
0x50: {  	_ =	shalt  }
0x51: {  	_ =	shalt  }
0x52: {  	_ =	shalt  }
0x53: {  	_ =	shalt  }
0x54: {  	_ =	shalt  }
0x55: {  	_ =	shalt  }
0x56: {  	_ =	shalt  }
0x57: {  	_ =	shalt  }
0x58: {  	_ =	shalt  }
0x59: {  	_ =	shalt  }
0x5a: {  	_ =	shalt  }
0x5b: {  	_ =	shalt  }
0x5c: {  	_ =	shalt  }
0x5d: {  	_ =	shalt  }
0x5e: {  	_ =	shalt  }
0x5f: {  	_ =	shalt  }
0x60: {  	_ =	shalt  }
0x61: {  	_ =	shalt  }
0x62: {  	_ =	shalt  }
0x63: {  	_ =	shalt  }
0x64: {  	_ =	shalt  }
0x65: {  	_ =	shalt  }
0x66: {  	_ =	shalt  }
0x67: {  	_ =	shalt  }
0x68: {  	_ =	shalt  }
0x69: {  	_ =	shalt  }
0x6a: {  	_ =	shalt  }
0x6b: {  	_ =	shalt  }
0x6c: {  	_ =	shalt  }
0x6d: {  	_ =	shalt  }
0x6e: {  	_ =	shalt  }
0x6f: {  	_ =	shalt  }
0x70: {  	_ =	shalt  }
0x71: {  	_ =	shalt  }
0x72: {  	_ =	shalt  }
0x73: {  	_ =	shalt  }
0x74: {  	_ =	shalt  }
0x75: {  	_ =	shalt  }
0x76: {  	_ =	shalt  }
0x77: {  	_ =	shalt  }
0x78: {  	_ =	shalt  }
0x79: {  	_ =	shalt  }
0x7a: {  	_ =	shalt  }
0x7b: {  	_ =	shalt  }
0x7c: {  	_ =	shalt  }
0x7d: {  	_ =	shalt  }
0x7e: {  	_ =	shalt  }
0x7f: {  	_ =	shalt  }
0x80: {  	_ =	shalt  }
0x81: {  	_ =	shalt  }
0x82: {  	_ =	shalt  }
0x83: {  	_ =	shalt  }
0x84: {  	_ =	shalt  }
0x85: {  	_ =	shalt  }
0x86: {  	_ =	shalt  }
0x87: {  	_ =	shalt  }
.Lfunc_end0:
.L_simem_size_0:
called_computation.2_lowered:
.L_overlay_start_0:
0x88: {  	s2 =	sld [smem:$0x3FD9]  }
0x89: {  	s3 =	sld [smem:$0x3FFE];
	_ =	sdelay $0x1  }
0x8a: {  	s1 =	srdreg.scid  }
0x8b: {  	s0 =	sand.u32 $0x1, s1  }
0x8c: {  	s16 =	sshll.u32 s0, $0xA;
	s2 =	sadd.s32 s3, s2  }
0x8d: {  	s2 =	sadd.s32 s2, s16  }
0x8e: {  	[smem:$0x3F9C] =	sst s2  }
0x8f: {  	_ = 	snop  }
0x90: {  	(tm) =	ssettm $0x1  }
0x91: {  	s17 =	sld [smem:$0x3FFB];
	_ =	sdelay $0x3  }
0x92: {  	_ =	strace s17  }
0x93: {  	s2 =	sld [smem:$0x3FFC];
	_ =	sdelay $0x3  }
0x94: {  	_ =	strace s2  }
0x95: {  	s2 =	sld [smem:$0x3FFD];
	_ =	sdelay $0x3  }
0x96: {  	_ =	strace s2  }
0x97: {  	_ =	strace $0x8FFFFFFF  }
0x98: {  	s18 =	sld [smem:$0x3FDB];
	_ =	sdelay $0x1  }
0x99: {  	s19 =	simm.s32 $_scs_section_size  }
0x9a: {  	s4 =	simm.s32 $_size__tile_overlayer_lowered;
	s5 =	simm.s32 $_tile_overlayer_lowered  }
0x9b: {  	s22 =	simm.s32 $0x1BFF;
	s21 =	sshll.u32 s5, $0x1;
	s2 =	sadd.s32 s19, s18  }
0x9c: {  	s6 =	simm.s32 $0x0;
	s20 =	sshll.u32 s4, $0x1;
	s4 =	sadd.s32 s21, s2  }
0x9d: {  	[timem:s6], [sflag:s22] =	dma.local [hbm:s4], s20  }
0x9e: {  	_ =	swait.ge [sflag:s22], s20  }
0x9f: {  	s3 =	ssub.s32 $0x0, s20;
	[sflag:s22] =	ssyncset.done $0x0  }
0xa0: {  	[sflag:s22] =	ssyncadd.s32 s3;
	_ =	sdelay $0x1  }
0xa1: {  	s23 =	simm.s32 $0x1B8B  }
0xa2: {  	_ =	swait.ge [sflag:s23], $0x1  }
0xa3: {  	[sflag:s23] =	ssyncset.done $0x0  }
0xa4: {  	s25 =	simm.s32 $0x1B8E;
	s24 =	sld [smem:$0x3FFE];
	[sflag:s23] =	ssyncadd.s32 $0xFFFFFFFF  }
0xa5: {  	s26 =	simm.s32 $execute0_lowered;
	[smem:$0x3FD2] =	sst s25  }
0xa6: {  	s4 =	sshll.u32 s26, $0x1;
	_ =	strace $0x80000049;
	[dreg:$0x1] =	wrdreg $0xFFFFFFFF  }
0xa7: {  	s28 =	simm.s32 $_size_execute0_lowered;
	s2 =	sadd.s32 s2, s4;
	[dreg:$0x0] =	wrdreg $0x0  }
0xa8: {  	s4 =	sshll.u32 s28, $0x1;
	[dreg:$0x2] =	wrdreg s2  }
0xa9: {  	[dreg:$0x3] =	wrdreg s4  }
0xaa: {  	[dreg:$0x4] =	wrdreg $0xC0  }
0xab: {  	_ =	task [dreg:s6], $0x5FFFF  }
0xac: {  	[dreg:$0x1] =	wrdreg $0xFFFFFFFF  }
0xad: {  	[dreg:$0x0] =	wrdreg $0x60  }
0xae: {  	[dreg:$0x2] =	wrdreg s24  }
0xaf: {  	[dreg:$0x3] =	wrdreg $0x0  }
0xb0: {  	[dreg:$0x4] =	wrdreg $0x9  }
0xb1: {  	_ =	task.clear_ibuf [dreg:s6], $0x5FFFF;
	_ =	strace $0x90000049  }
0xb2: {  	s29 =	simm.s32 $0x9;
	_ =	strace $0x8000004B  }
0xb3: {  	_ =	swait.ge [sflag:s29], $0x1  }
0xb4: {  	[sflag:s29] =	ssyncadd.s32 $0xFFFFFFFF  }
0xb5: {  	_ =	strace $0x9000004B  }
0xb6: {  	_ =	sfence  }
0xb7: {  	s30 =	sld [smem:$0x0];
	_ =	sdelay $0x2  }
0xb8: {  	s31 =	sshll.u32 s1, $0xD;
	s1 =	sshrl.u32 s1, $0x2  }
0xb9: {  	s3 =	sand.u32 $0x4000, s31;
	s1 =	sadd.s32 s1, s30  }
0xba: {  	s0 =	sor.u32 s3, s0;
	s1 =	sshll.u32 s1, $0x11  }
0xbb: {  	s0 =	sor.u32 s1, s0  }
0xbc: {  	s0 =	sadd.s32 $0x8F2B, s0  }
0xbd: {  	[sflag:s0] =	ssyncadd.remote.s32 $0x1  }
0xbe: {  	_ =	sfence.sel $0xFFFF  }
0xbf: {  	[dreg:$0x0] =	wrdreg $0xFFFFFFFF;
	(pc) =	sbr.abs _section_cstart, $3  }
0xc0: {  	[dreg:$0x1] =	wrdreg $0xFFFFFFFF  }
0xc1: {  	_ =	task.clear_ibuf [dreg:s6], $0x2FFFF;
	_ =	strace $0x9FFFFFFF  }
0xc2: {  	(tm) =	ssettm $0x7FFFFFFF  }
0xc3: {  	_ =	shalt  }
tec
execute0_lowered:
.L_overlay_start_1:
0x0: {  	(tag) =	ssettag $0x1  }
0x1: {  	s5 =	rddreg [dreg:$0x0]  }
0x2: {  	s1 =	rddreg [dreg:$0x1]  }
0x3: {  	s0 =	rddreg [dreg:$0x2]  }
0x4: {  	s3 =	simm.s32 $0x0;
	s2 =	srdreg.scid;
	s12 =	simm.s32 $0x14000  }
0x5: {  	s13 =	simm.s32 $0x18000;
	s14 =	simm.s32 $0x50;
	s15 =	simm.s32 $0x1C000  }
0x6: {  	s16 =	simm.s32 $0x1;
	[smem:$0x7FF] =	sst s3;
	s6 =	sand.u32 $0x1, s2  }
0x7: {  	s2 =	stileid.u32;
	s4 =	sadd.s32 $0x2B800, s5;
	s7 =	smul.u32 $0x140000, s6  }
0x8: {  	s8 =	sshll.u32 s6, $0xF;
	s9 =	sshll.u32 s2, $0xB;
	s10 =	smul.u32 $0x14000, s2  }
0x9: {  	_ =	strace $0x8000004A;
	s6 =	ssub.s32 $0x2, s6;
	s29 =	smul.u32 $0x50000, s2  }
0xa: {  	s17 =	sshll.u32 s2, $0x6;
	s8 =	sor.u32 s9, s8;
	s30 =	sshrl.u32 s6, $0x1  }
0xb: {  	s17 =	sor.u32 $0x1C02, s17;
	s7 =	sadd.s32 s10, s7;
	s8 =	sadd.s32 s8, s5  }
0xc: {  	s10 =	ssub.s32 s6, s30;
	s31 =	sshrl.u32 s29, $0x2;
	s7 =	sshrl.u32 s7, $0x3  }
0xd: {  	s6 =	sadd.s32 $0xB800, s8;
	s9 =	smax.u32 s10, $0x1;
	s10 =	simm.s32 $0x1E800  }
0xe: {  	s11 =	sadd.s32 s7, s5;
	s5 =	sadd.s32 s31, s1;
	s7 =	sadd.s32 $0x1B800, s8  }
0xf: {  	v0 =	vimm.f32 $0.0e+00;
	s8 =	sadd.s32 $0x52A00, s11;
	s11 =	simm.s32 $0x2;
	s18 =	sshrl.u32 s5, $0x3  }
.LBB2_1:
0x10: {  	s19 =	simm.s32 $0x0;
	s20 =	simm.s32 $0x200  }
.LBB2_2:
0x11: {  	p0 =	sne.s32 s20, $0x1E00;
	[tilespmem:s19+$0x1E870] =	vst v0  }
0x12: {  	[tilespmem:s19+$0x1E800] =	vst v0  }
0x13: {  	[tilespmem:s19+$0x1E810] =	vst v0  }
.Ltmp0:
0x14: {  	[tilespmem:s19+$0x1E820] =	vst v0;
	(pc) =	sbr.rel @p0 .LBB2_2-.Ltmp0, $4  }
0x15: {  	[tilespmem:s19+$0x1E830] =	vst v0  }
0x16: {  	[tilespmem:s19+$0x1E840] =	vst v0  }
0x17: {  	[tilespmem:s19+$0x1E850] =	vst v0  }
0x18: {  	[tilespmem:s19+$0x1E860] =	vst v0;
	s19 =	sshra.s32 s20, $0x2;
	s20 =	sadd.s32 $0x200, s20  }
0x19: {  	[tilespmem:s19+$0x1E870] =	vst v0  }
0x1a: {  	[tilespmem:s19+$0x1E800] =	vst v0  }
0x1b: {  	[tilespmem:s19+$0x1E810] =	vst v0  }
0x1c: {  	[tilespmem:s19+$0x1E820] =	vst v0  }
0x1d: {  	[tilespmem:s19+$0x1E830] =	vst v0  }
0x1e: {  	[tilespmem:s19+$0x1E840] =	vst v0  }
0x1f: {  	[tilespmem:s19+$0x1E850] =	vst v0  }
0x20: {  	[tilespmem:s19+$0x1E860] =	vst v0;
	s31 =	sadd.s32 $0x0, s5  }
0x21: {  	[spmem:s31] =	stream.linear.scatter [tilespmem:s10], [sflag:$0x2], $0x800, $0x38;
	[tilespmem:$0x1F000] =	vst v63  }
0x22: {  	s19 =	simm.s32 $0x2000;
	_ =	swait.ge [sflag:s11], $0x800  }
.LBB2_4:
0x23: {  	s20 =	sshra.s32 s19, $0x2;
	[sflag:s11] =	ssyncset.done $0x0;
	p0 =	sne.s32 s19, $0x4E000  }
.Ltmp1:
0x24: {  	s20 =	sadd.s32 s20, s5;
	[sflag:s11] =	ssyncadd.s32 $0xFFFFF800;
	(pc) =	sbr.rel @p0 .LBB2_4-.Ltmp1, $3  }
0x25: {  	[spmem:s20] =	stream.linear.scatter [tilespmem:s10], [sflag:$0x2], $0x800, $0x38;
	[tilespmem:$0x1F000] =	vst v63  }
0x26: {  	s19 =	sadd.s32 $0x2000, s19;
	_ =	sdelay $0x1  }
0x27: {  	_ =	swait.ge [sflag:s11], $0x800  }
0x28: {  	[sflag:s11] =	ssyncset.done $0x0  }
0x29: {  	s19 =	simm.s32 $0x0;
	[sflag:s11] =	ssyncadd.s32 $0xFFFFF800  }
0x2a: {  	[tilespmem:s12], [sflag:$0x2] =	stream.linear.gather [hbm4b:s6+s19], $0x3E80, $0x38;
	[tilespmem:$0x1F000] =	vst v63  }
0x2b: {  	_ =	swait.ge [sflag:s11], $0x3E80  }
0x2c: {  	[sflag:s11] =	ssyncset.done $0x0  }
0x2d: {  	[sflag:s11] =	ssyncadd.s32 $0xFFFFC180  }
0x2e: {  	[tilespmem:s13], [sflag:$0x2] =	stream.linear.gather [hbm4b:s7+s19], $0x3E80, $0x38;
	[tilespmem:$0x1F000] =	vst v63  }
0x2f: {  	_ =	swait.ge [sflag:s11], $0x3E80  }
0x30: {  	[sflag:s11] =	ssyncset.done $0x0  }
0x31: {  	[sflag:s11] =	ssyncadd.s32 $0xFFFFC180  }
0x32: {  	s30 =	simm.s32 $0x14000;
	[bflag:$0x0] =	sbarrier.arrive $0xFFFF  }
0x33: {  	[tilespmem:s15], [sflag:$0x1] =	stream.indirect.gather [hbm4b:s4+s14], $0x80, s30, s14, $0xb8;
	[tilespmem:$0x1F000] =	vst v63  }
0x34: {  	_ =	swait.ge [sflag:s16], $0x2800  }
0x35: {  	[sflag:s16] =	ssyncset.done $0x0  }
0x36: {  	s31 =	simm.s32 $0x18000;
	[sflag:s16] =	ssyncadd.s32 $0xFFFFD800  }
0x37: {  	[spmem:s1] =	stream.indirect.scatter.add.f32 [tilespmem:s15], [sflag:$0x2], $0x80, s31, s14, $0xb8;
	[tilespmem:$0x1F000] =	vst v63  }
0x38: {  	_ =	swait.ge [sflag:s11], $0x2800  }
0x39: {  	s20 =	simm.s32 $0x400;
	s19 =	simm.s32 $0x80;
	[sflag:s11] =	ssyncset.done $0x0  }
.LBB2_6:
0x3a: {  	s21 =	sadd.s32 $0x14000, s19  }
0x3b: {  	[sflag:s11] =	ssyncadd.s32 $0xFFFFD800;
	s22 =	smov.u32 s20;
	s23 =	sadd.s32 $0x200, s20  }
0x3c: {  	[tilespmem:s15], [sflag:$0x1] =	stream.indirect.gather [hbm4b:s4+s14], $0x80, s21, s14, $0xb8;
	[tilespmem:$0x1F000] =	vst v63  }
0x3d: {  	p0 =	sne.s32 s20, $0xF800;
	_ =	swait.ge [sflag:s16], $0x2800  }
.Ltmp2:
0x3e: {  	[sflag:s16] =	ssyncset.done $0x0;
	(pc) =	sbr.rel @p0 .LBB2_6-.Ltmp2, $4  }
0x3f: {  	s19 =	sadd.s32 $0x18000, s19;
	[sflag:s16] =	ssyncadd.s32 $0xFFFFD800  }
0x40: {  	[spmem:s1] =	stream.indirect.scatter.add.f32 [tilespmem:s15], [sflag:$0x2], $0x80, s19, s14, $0xb8;
	[tilespmem:$0x1F000] =	vst v63  }
0x41: {  	_ =	swait.ge [sflag:s11], $0x2800  }
0x42: {  	s20 =	smov.u32 s23;
	s19 =	sshra.s32 s22, $0x2;
	[sflag:s11] =	ssyncset.done $0x0  }
0x43: {  	s20 =	sadd.s32 $0x14000, s19;
	[sflag:s11] =	ssyncadd.s32 $0xFFFFD800  }
0x44: {  	[tilespmem:s15], [sflag:$0x1] =	stream.indirect.gather [hbm4b:s4+s14], $0x80, s20, s14, $0xb8;
	[tilespmem:$0x1F000] =	vst v63  }
0x45: {  	_ =	swait.ge [sflag:s16], $0x2800  }
0x46: {  	[sflag:s16] =	ssyncset.done $0x0  }
0x47: {  	s31 =	sadd.s32 $0x18000, s19;
	[sflag:s16] =	ssyncadd.s32 $0xFFFFD800  }
0x48: {  	[spmem:s1] =	stream.indirect.scatter.add.f32 [tilespmem:s15], [sflag:$0x2], $0x80, s31, s14, $0xb8;
	[tilespmem:$0x1F000] =	vst v63  }
0x49: {  	_ =	swait.ge [sflag:s11], $0x2800  }
0x4a: {  	s3 =	sadd.s32 $0x1, s3;
	[sflag:s11] =	ssyncset.done $0x0  }
0x4b: {  	p0 =	sne.s32 s3, s9;
	[sflag:s11] =	ssyncadd.s32 $0xFFFFD800  }
.Ltmp3:
0x4c: {  	[bflag:$0x0] =	sbarrier.arrive $0xFFFF;
	(pc) =	sbr.rel @p0 .LBB2_1-.Ltmp3, $4  }
0x4d: {  	[hbm:s8], [sflag:s17] =	dma.local [spmem:s18], $0x2800  }
0x4e: {  	_ =	swait.ge [sflag:s11], $0x2800  }
0x4f: {  	[sflag:s11] =	ssyncset.done $0x0  }
0x50: {  	[sflag:s11] =	ssyncadd.s32 $0xFFFFD800  }
0x51: {  	_ =	sfence.sel $0x180000  }
0x52: {  	[bflag:$0x0] =	sbarrier.arrive $0xFFFF  }
0x53: {  	p0 =	sne.s32 s2, $0x0;
	_ =	strace $0x9000004A  }
0x54: {  	s0 =	sadd.s32 @!p0 $0x100000, s0;
	[bflag:$0x2] =	sbarrier.arrive $0xFFFF  }
0x55: {  	[sflag:s0] =	ssyncadd.tile.s32 @!p0 $0x1;
	_ =	shalt  }
.Lfunc_end2:
_tile_overlayer_lowered:
.L_overlay_start_2:
0x56: {  	(tag) =	ssettag $0x2  }
0x57: {  	s0 =	rddreg [dreg:$0x0];
	s2 =	stileid.u32  }
0x58: {  	s1 =	rddreg [dreg:$0x1];
	p0 =	sne.s32 s2, $0x0  }
0x59: {  	s3 =	rddreg [dreg:$0x2];
	[bflag:$0x3] =	sbarrier.arrive $0xFFFF;
	s2 =	simm.s32 @!p0 $0x1C02  }
0x5a: {  	[timem:s3], [sflag:s2] =	dma.local @!p0 [hbm:s0], s1  }
0x5b: {  	s0 =	simm.s32 @!p0 $0x2  }
0x5c: {  	_ =	swait.ge @!p0 [sflag:s0], s1  }
0x5d: {  	s1 =	ssub.s32 @!p0 $0x0, s1;
	[sflag:s0] =	ssyncset.done @!p0 $0x0  }
0x5e: {  	[sflag:s0] =	ssyncadd.s32 @!p0 s1  }
0x5f: {  	[bflag:$0x3] =	sbarrier.arrive $0xFFFF  }
0x60: {  	_ =	shalt  }

// kernel: kernel.37.cloned.1.call-start
scs
__scs_entry_jumppad:
0x0: {  	(pc) =	sbr.rel $0x88, $3  }
0x1: {  	(tag) =	ssettag $0x0;
	lr =	simm.s32 $0x1  }
0x2: {  	[smem:$0x3F75] =	sst lr;
	_ =	strace $0xD0000000  }
0x3: {  	_ = 	snop  }
0x4: {  	_ = 	snop  }
0x5: {  	_ = 	snop  }
0x6: {  	_ = 	snop  }
0x7: {  	_ = 	snop  }
__scs_overlays_trampoline_lowered:
0x8: {  	[smem:$0x3F84] =	sst s0  }
0x9: {  	[smem:$0x3F85] =	sst s1  }
0xa: {  	[smem:$0x3F86] =	sst s2  }
0xb: {  	[smem:$0x3F87] =	sst s3  }
0xc: {  	[smem:$0x3F88] =	sst s4  }
0xd: {  	[smem:$0x3F89] =	sst s5  }
0xe: {  	[smem:$0x3F8A] =	sst s6  }
0xf: {  	[smem:$0x3F8B] =	sst s7  }
0x10: {  	[smem:$0x3F8C] =	sst s8  }
0x11: {  	[smem:$0x3F8D] =	sst s9;
	s0 =	simm.s32 @!p0 $0x0  }
0x12: {  	s1 =	sld [smem:$0x3F73];
	s0 =	simm.s32 @p0 $0x1  }
0x13: {  	[smem:$0x3F8E] =	sst s0;
	s0 =	simm.s32 @!p1 $0x0  }
0x14: {  	s2 =	sld [smem:$0x3F72];
	s0 =	simm.s32 @p1 $0x1  }
0x15: {  	[smem:$0x3F8F] =	sst s0;
	s0 =	simm.s32 @!p2 $0x0  }
0x16: {  	s3 =	sld [smem:$0x3FDB];
	s0 =	simm.s32 @p2 $0x1  }
0x17: {  	s4 =	simm.s32 $0x1BF5;
	[smem:$0x3F91] =	sst s0  }
0x18: {  	s0 =	sld [smem:$0x3F74];
	_ =	swait.ge [sflag:s4], $0x0  }
0x19: {  	s7 =	sld [smem:$0x3F75]  }
0x1a: {  	s8 =	sadd.s32 $0xFFFFE003, lr  }
0x1b: {  	s9 =	sadd.s32 $0xFFFFFEF7, lr;
	s5 =	simm.s32 $0xFFFFFFFF;
	p2 =	slt.u32 s8, $0xFFFFF086  }
0x1c: {  	p1 =	slt.u32 s9, $0xF7A;
	s5 =	simm.s32 @!p2 $0x0  }
0x1d: {  	s5 =	simm.s32 @p1 $0x1;
	p0 =	seq.s32 s7, s2  }
0x1e: {  	s7 =	smul.u32 @!p0 $0xF7A, s2;
	p2 =	seq.s32 @!p0 s5, $0x0  }
0x1f: {  	s9 =	smul.u32 $0xF7A, s1;
	s8 =	simm.s32 @!p0 $0x1BF5;
	p2 =	por !p2, p0  }
0x20: {  	[sflag:s8] =	ssyncset.s32 @!p0 $0xFFFFF086;
	s6 =	sadd.s32 @!p0 s3, s7;
	s7 =	simm.s32 @!p0 $0x108  }
0x21: {  	s3 =	sadd.s32 s3, s9;
	s6 =	sadd.s32 @!p0 $0x88, s6;
	s7 =	simm.s32 @p2 $0x1082  }
0x22: {  	[simem:s7], [sflag:s8] =	dma.local @!p0 [hbm:s6], $0xF7A  }
0x23: {  	s9 =	sor.u32 $0xD0000000, s2;
	s6 =	simm.s32 $0x108;
	_ =	swait.ge @!p0 [sflag:s8], $0x0  }
0x24: {  	s3 =	sadd.s32 $0x88, s3;
	s6 =	simm.s32 @!p1 $0x1082;
	[sflag:s4] =	ssyncset.s32 $0xFFFFF086  }
0x25: {  	[simem:s6], [sflag:s4] =	dma.local [hbm:s3], $0xF7A  }
0x26: {  	[smem:$0x3F75] =	sst s1;
	(tag) =	ssettag s2;
	_ =	strace s9  }
0x27: {  	s1 =	sld [smem:$0x3F85]  }
0x28: {  	s2 =	sld [smem:$0x3F86]  }
0x29: {  	s4 =	sld [smem:$0x3F88]  }
0x2a: {  	p0 =	seq.s32 s5, $0x0;
	s5 =	sld [smem:$0x3F89]  }
0x2b: {  	s6 =	sld [smem:$0x3F8A]  }
0x2c: {  	s7 =	sld [smem:$0x3F8B]  }
0x2d: {  	s3 =	simm.s32 $0x108;
	s8 =	sld [smem:$0x3F8C]  }
0x2e: {  	s3 =	simm.s32 @!p0 $0x1082;
	s9 =	sld [smem:$0x3F8D]  }
0x2f: {  	lr =	sadd.s32 s0, s3;
	s0 =	sld [smem:$0x3F84]  }
0x30: {  	s3 =	sld [smem:$0x3F87]  }
0x31: {  	[smem:$0x3F90] =	sst s10  }
0x32: {  	s10 =	sld [smem:$0x3F8E];
	_ =	sdelay $0x3  }
0x33: {  	p0 =	seq.s32 s10, $0x1;
	s10 =	sld [smem:$0x3F90];
	_ =	sdelay $0x3  }
0x34: {  	[smem:$0x3F90] =	sst s10  }
0x35: {  	s10 =	sld [smem:$0x3F8F];
	_ =	sdelay $0x3  }
0x36: {  	p1 =	seq.s32 s10, $0x1;
	s10 =	sld [smem:$0x3F90];
	_ =	sdelay $0x3  }
0x37: {  	[smem:$0x3F90] =	sst s10  }
0x38: {  	s10 =	sld [smem:$0x3F91]  }
0x39: {  	_ = 	snop;
	(pc) =	sbr.ind lr, $3  }
0x3a: {  	_ = 	snop  }
0x3b: {  	_ = 	snop  }
0x3c: {  	p2 =	seq.s32 s10, $0x1;
	s10 =	sld [smem:$0x3F90]  }
0x3d: {  	_ =	shalt  }
0x3e: {  	_ =	shalt  }
0x3f: {  	_ =	shalt  }
0x40: {  	_ =	shalt  }
0x41: {  	_ =	shalt  }
0x42: {  	_ =	shalt  }
0x43: {  	_ =	shalt  }
0x44: {  	_ =	shalt  }
0x45: {  	_ =	shalt  }
0x46: {  	_ =	shalt  }
0x47: {  	_ =	shalt  }
0x48: {  	_ =	shalt  }
0x49: {  	_ =	shalt  }
0x4a: {  	_ =	shalt  }
0x4b: {  	_ =	shalt  }
0x4c: {  	_ =	shalt  }
0x4d: {  	_ =	shalt  }
0x4e: {  	_ =	shalt  }
0x4f: {  	_ =	shalt  }
0x50: {  	_ =	shalt  }
0x51: {  	_ =	shalt  }
0x52: {  	_ =	shalt  }
0x53: {  	_ =	shalt  }
0x54: {  	_ =	shalt  }
0x55: {  	_ =	shalt  }
0x56: {  	_ =	shalt  }
0x57: {  	_ =	shalt  }
0x58: {  	_ =	shalt  }
0x59: {  	_ =	shalt  }
0x5a: {  	_ =	shalt  }
0x5b: {  	_ =	shalt  }
0x5c: {  	_ =	shalt  }
0x5d: {  	_ =	shalt  }
0x5e: {  	_ =	shalt  }
0x5f: {  	_ =	shalt  }
0x60: {  	_ =	shalt  }
0x61: {  	_ =	shalt  }
0x62: {  	_ =	shalt  }
0x63: {  	_ =	shalt  }
0x64: {  	_ =	shalt  }
0x65: {  	_ =	shalt  }
0x66: {  	_ =	shalt  }
0x67: {  	_ =	shalt  }
0x68: {  	_ =	shalt  }
0x69: {  	_ =	shalt  }
0x6a: {  	_ =	shalt  }
0x6b: {  	_ =	shalt  }
0x6c: {  	_ =	shalt  }
0x6d: {  	_ =	shalt  }
0x6e: {  	_ =	shalt  }
0x6f: {  	_ =	shalt  }
0x70: {  	_ =	shalt  }
0x71: {  	_ =	shalt  }
0x72: {  	_ =	shalt  }
0x73: {  	_ =	shalt  }
0x74: {  	_ =	shalt  }
0x75: {  	_ =	shalt  }
0x76: {  	_ =	shalt  }
0x77: {  	_ =	shalt  }
0x78: {  	_ =	shalt  }
0x79: {  	_ =	shalt  }
0x7a: {  	_ =	shalt  }
0x7b: {  	_ =	shalt  }
0x7c: {  	_ =	shalt  }
0x7d: {  	_ =	shalt  }
0x7e: {  	_ =	shalt  }
0x7f: {  	_ =	shalt  }
0x80: {  	_ =	shalt  }
0x81: {  	_ =	shalt  }
0x82: {  	_ =	shalt  }
0x83: {  	_ =	shalt  }
0x84: {  	_ =	shalt  }
0x85: {  	_ =	shalt  }
0x86: {  	_ =	shalt  }
0x87: {  	_ =	shalt  }
.Lfunc_end0:
.L_simem_size_0:
called_computation.3_lowered:
.L_overlay_start_0:
0x88: {  	s2 =	sld [smem:$0x3FD9]  }
0x89: {  	s3 =	sld [smem:$0x3FFE];
	_ =	sdelay $0x1  }
0x8a: {  	s1 =	srdreg.scid  }
0x8b: {  	s0 =	sand.u32 $0x1, s1  }
0x8c: {  	s16 =	sshll.u32 s0, $0xA;
	s2 =	sadd.s32 s3, s2  }
0x8d: {  	s2 =	sadd.s32 s2, s16  }
0x8e: {  	[smem:$0x3F9C] =	sst s2  }
0x8f: {  	_ = 	snop  }
0x90: {  	(tm) =	ssettm $0x1  }
0x91: {  	s17 =	sld [smem:$0x3FFB];
	_ =	sdelay $0x3  }
0x92: {  	_ =	strace s17  }
0x93: {  	s2 =	sld [smem:$0x3FFC];
	_ =	sdelay $0x3  }
0x94: {  	_ =	strace s2  }
0x95: {  	s2 =	sld [smem:$0x3FFD];
	_ =	sdelay $0x3  }
0x96: {  	_ =	strace s2  }
0x97: {  	_ =	strace $0x8FFFFFFF  }
0x98: {  	s18 =	sld [smem:$0x3FDB];
	_ =	sdelay $0x1  }
0x99: {  	s19 =	simm.s32 $_scs_section_size  }
0x9a: {  	s4 =	simm.s32 $_size__tile_overlayer_lowered;
	s5 =	simm.s32 $_tile_overlayer_lowered  }
0x9b: {  	s22 =	simm.s32 $0x1BFF;
	s21 =	sshll.u32 s5, $0x1;
	s2 =	sadd.s32 s19, s18  }
0x9c: {  	s6 =	simm.s32 $0x0;
	s20 =	sshll.u32 s4, $0x1;
	s4 =	sadd.s32 s21, s2  }
0x9d: {  	[timem:s6], [sflag:s22] =	dma.local [hbm:s4], s20  }
0x9e: {  	_ =	swait.ge [sflag:s22], s20  }
0x9f: {  	s3 =	ssub.s32 $0x0, s20;
	[sflag:s22] =	ssyncset.done $0x0  }
0xa0: {  	[sflag:s22] =	ssyncadd.s32 s3;
	_ =	sdelay $0x1  }
0xa1: {  	s23 =	simm.s32 $0x1B8B  }
0xa2: {  	_ =	swait.ge [sflag:s23], $0x1  }
0xa3: {  	[sflag:s23] =	ssyncset.done $0x0  }
0xa4: {  	s25 =	simm.s32 $0x1B8E;
	s24 =	sld [smem:$0x3FFE];
	[sflag:s23] =	ssyncadd.s32 $0xFFFFFFFF  }
0xa5: {  	s26 =	simm.s32 $execute0_lowered;
	[smem:$0x3FD2] =	sst s25  }
0xa6: {  	s4 =	sshll.u32 s26, $0x1;
	_ =	strace $0x8000004C;
	[dreg:$0x1] =	wrdreg $0xFFFFFFFF  }
0xa7: {  	s28 =	simm.s32 $_size_execute0_lowered;
	s2 =	sadd.s32 s2, s4;
	[dreg:$0x0] =	wrdreg $0x0  }
0xa8: {  	s4 =	sshll.u32 s28, $0x1;
	[dreg:$0x2] =	wrdreg s2  }
0xa9: {  	[dreg:$0x3] =	wrdreg s4  }
0xaa: {  	[dreg:$0x4] =	wrdreg $0xC0  }
0xab: {  	_ =	task [dreg:s6], $0x5FFFF  }
0xac: {  	[dreg:$0x1] =	wrdreg $0xFFFFFFFF  }
0xad: {  	[dreg:$0x0] =	wrdreg $0x60  }
0xae: {  	[dreg:$0x2] =	wrdreg s24  }
0xaf: {  	[dreg:$0x3] =	wrdreg $0x0  }
0xb0: {  	[dreg:$0x4] =	wrdreg $0x9  }
0xb1: {  	_ =	task.clear_ibuf [dreg:s6], $0x5FFFF;
	_ =	strace $0x9000004C  }
0xb2: {  	s29 =	simm.s32 $0x9;
	_ =	strace $0x8000004E  }
0xb3: {  	_ =	swait.ge [sflag:s29], $0x1  }
0xb4: {  	[sflag:s29] =	ssyncadd.s32 $0xFFFFFFFF  }
0xb5: {  	_ =	strace $0x9000004E  }
0xb6: {  	_ =	sfence  }
0xb7: {  	s30 =	sld [smem:$0x0];
	_ =	sdelay $0x2  }
0xb8: {  	s31 =	sshll.u32 s1, $0xD;
	s1 =	sshrl.u32 s1, $0x2  }
0xb9: {  	s3 =	sand.u32 $0x4000, s31;
	s1 =	sadd.s32 s1, s30  }
0xba: {  	s0 =	sor.u32 s3, s0;
	s1 =	sshll.u32 s1, $0x11  }
0xbb: {  	s0 =	sor.u32 s1, s0  }
0xbc: {  	s0 =	sadd.s32 $0x8F2B, s0  }
0xbd: {  	[sflag:s0] =	ssyncadd.remote.s32 $0x1  }
0xbe: {  	_ =	sfence.sel $0xFFFF  }
0xbf: {  	[dreg:$0x0] =	wrdreg $0xFFFFFFFF;
	(pc) =	sbr.abs _section_cstart, $3  }
0xc0: {  	[dreg:$0x1] =	wrdreg $0xFFFFFFFF  }
0xc1: {  	_ =	task.clear_ibuf [dreg:s6], $0x2FFFF;
	_ =	strace $0x9FFFFFFF  }
0xc2: {  	(tm) =	ssettm $0x7FFFFFFF  }
0xc3: {  	_ =	shalt  }
tec
execute0_lowered:
.L_overlay_start_1:
0x0: {  	(tag) =	ssettag $0x1  }
0x1: {  	s5 =	rddreg [dreg:$0x0]  }
0x2: {  	s1 =	rddreg [dreg:$0x1]  }
0x3: {  	s0 =	rddreg [dreg:$0x2]  }
0x4: {  	s3 =	simm.s32 $0x0;
	s2 =	srdreg.scid;
	s12 =	simm.s32 $0x14000  }
0x5: {  	s13 =	simm.s32 $0x18000;
	s14 =	simm.s32 $0x50;
	s15 =	simm.s32 $0x1C000  }
0x6: {  	s16 =	simm.s32 $0x1;
	[smem:$0x7FF] =	sst s3;
	s6 =	sand.u32 $0x1, s2  }
0x7: {  	s2 =	stileid.u32;
	s4 =	sadd.s32 $0x2B800, s5;
	s7 =	smul.u32 $0x140000, s6  }
0x8: {  	s8 =	sshll.u32 s6, $0xF;
	s9 =	sshll.u32 s2, $0xB;
	s10 =	smul.u32 $0x14000, s2  }
0x9: {  	_ =	strace $0x8000004D;
	s6 =	ssub.s32 $0x2, s6;
	s29 =	smul.u32 $0x50000, s2  }
0xa: {  	s17 =	sshll.u32 s2, $0x6;
	s8 =	sor.u32 s9, s8;
	s30 =	sshrl.u32 s6, $0x1  }
0xb: {  	s17 =	sor.u32 $0x1C02, s17;
	s7 =	sadd.s32 s10, s7;
	s8 =	sadd.s32 s8, s5  }
0xc: {  	s10 =	ssub.s32 s6, s30;
	s31 =	sshrl.u32 s29, $0x2;
	s7 =	sshrl.u32 s7, $0x3  }
0xd: {  	s6 =	sadd.s32 $0xB800, s8;
	s9 =	smax.u32 s10, $0x1;
	s10 =	simm.s32 $0x1E800  }
0xe: {  	s11 =	sadd.s32 s7, s5;
	s5 =	sadd.s32 s31, s1;
	s7 =	sadd.s32 $0x1B800, s8  }
0xf: {  	v0 =	vimm.f32 $0.0e+00;
	s8 =	sadd.s32 $0x79C00, s11;
	s11 =	simm.s32 $0x2;
	s18 =	sshrl.u32 s5, $0x3  }
.LBB2_1:
0x10: {  	s19 =	simm.s32 $0x0;
	s20 =	simm.s32 $0x200  }
.LBB2_2:
0x11: {  	p0 =	sne.s32 s20, $0x1E00;
	[tilespmem:s19+$0x1E870] =	vst v0  }
0x12: {  	[tilespmem:s19+$0x1E800] =	vst v0  }
0x13: {  	[tilespmem:s19+$0x1E810] =	vst v0  }
.Ltmp0:
0x14: {  	[tilespmem:s19+$0x1E820] =	vst v0;
	(pc) =	sbr.rel @p0 .LBB2_2-.Ltmp0, $4  }
0x15: {  	[tilespmem:s19+$0x1E830] =	vst v0  }
0x16: {  	[tilespmem:s19+$0x1E840] =	vst v0  }
0x17: {  	[tilespmem:s19+$0x1E850] =	vst v0  }
0x18: {  	[tilespmem:s19+$0x1E860] =	vst v0;
	s19 =	sshra.s32 s20, $0x2;
	s20 =	sadd.s32 $0x200, s20  }
0x19: {  	[tilespmem:s19+$0x1E870] =	vst v0  }
0x1a: {  	[tilespmem:s19+$0x1E800] =	vst v0  }
0x1b: {  	[tilespmem:s19+$0x1E810] =	vst v0  }
0x1c: {  	[tilespmem:s19+$0x1E820] =	vst v0  }
0x1d: {  	[tilespmem:s19+$0x1E830] =	vst v0  }
0x1e: {  	[tilespmem:s19+$0x1E840] =	vst v0  }
0x1f: {  	[tilespmem:s19+$0x1E850] =	vst v0  }
0x20: {  	[tilespmem:s19+$0x1E860] =	vst v0;
	s31 =	sadd.s32 $0x0, s5  }
0x21: {  	[spmem:s31] =	stream.linear.scatter [tilespmem:s10], [sflag:$0x2], $0x800, $0x38;
	[tilespmem:$0x1F000] =	vst v63  }
0x22: {  	s19 =	simm.s32 $0x2000;
	_ =	swait.ge [sflag:s11], $0x800  }
.LBB2_4:
0x23: {  	s20 =	sshra.s32 s19, $0x2;
	[sflag:s11] =	ssyncset.done $0x0;
	p0 =	sne.s32 s19, $0x4E000  }
.Ltmp1:
0x24: {  	s20 =	sadd.s32 s20, s5;
	[sflag:s11] =	ssyncadd.s32 $0xFFFFF800;
	(pc) =	sbr.rel @p0 .LBB2_4-.Ltmp1, $3  }
0x25: {  	[spmem:s20] =	stream.linear.scatter [tilespmem:s10], [sflag:$0x2], $0x800, $0x38;
	[tilespmem:$0x1F000] =	vst v63  }
0x26: {  	s19 =	sadd.s32 $0x2000, s19;
	_ =	sdelay $0x1  }
0x27: {  	_ =	swait.ge [sflag:s11], $0x800  }
0x28: {  	[sflag:s11] =	ssyncset.done $0x0  }
0x29: {  	s19 =	simm.s32 $0x0;
	[sflag:s11] =	ssyncadd.s32 $0xFFFFF800  }
0x2a: {  	[tilespmem:s12], [sflag:$0x2] =	stream.linear.gather [hbm4b:s6+s19], $0x3E80, $0x38;
	[tilespmem:$0x1F000] =	vst v63  }
0x2b: {  	_ =	swait.ge [sflag:s11], $0x3E80  }
0x2c: {  	[sflag:s11] =	ssyncset.done $0x0  }
0x2d: {  	[sflag:s11] =	ssyncadd.s32 $0xFFFFC180  }
0x2e: {  	[tilespmem:s13], [sflag:$0x2] =	stream.linear.gather [hbm4b:s7+s19], $0x3E80, $0x38;
	[tilespmem:$0x1F000] =	vst v63  }
0x2f: {  	_ =	swait.ge [sflag:s11], $0x3E80  }
0x30: {  	[sflag:s11] =	ssyncset.done $0x0  }
0x31: {  	[sflag:s11] =	ssyncadd.s32 $0xFFFFC180  }
0x32: {  	s30 =	simm.s32 $0x14000;
	[bflag:$0x0] =	sbarrier.arrive $0xFFFF  }
0x33: {  	[tilespmem:s15], [sflag:$0x1] =	stream.indirect.gather [hbm4b:s4+s14], $0x80, s30, s14, $0xb8;
	[tilespmem:$0x1F000] =	vst v63  }
0x34: {  	_ =	swait.ge [sflag:s16], $0x2800  }
0x35: {  	[sflag:s16] =	ssyncset.done $0x0  }
0x36: {  	s31 =	simm.s32 $0x18000;
	[sflag:s16] =	ssyncadd.s32 $0xFFFFD800  }
0x37: {  	[spmem:s1] =	stream.indirect.scatter.add.f32 [tilespmem:s15], [sflag:$0x2], $0x80, s31, s14, $0xb8;
	[tilespmem:$0x1F000] =	vst v63  }
0x38: {  	_ =	swait.ge [sflag:s11], $0x2800  }
0x39: {  	s20 =	simm.s32 $0x400;
	s19 =	simm.s32 $0x80;
	[sflag:s11] =	ssyncset.done $0x0  }
.LBB2_6:
0x3a: {  	s21 =	sadd.s32 $0x14000, s19  }
0x3b: {  	[sflag:s11] =	ssyncadd.s32 $0xFFFFD800;
	s22 =	smov.u32 s20;
	s23 =	sadd.s32 $0x200, s20  }
0x3c: {  	[tilespmem:s15], [sflag:$0x1] =	stream.indirect.gather [hbm4b:s4+s14], $0x80, s21, s14, $0xb8;
	[tilespmem:$0x1F000] =	vst v63  }
0x3d: {  	p0 =	sne.s32 s20, $0xF800;
	_ =	swait.ge [sflag:s16], $0x2800  }
.Ltmp2:
0x3e: {  	[sflag:s16] =	ssyncset.done $0x0;
	(pc) =	sbr.rel @p0 .LBB2_6-.Ltmp2, $4  }
0x3f: {  	s19 =	sadd.s32 $0x18000, s19;
	[sflag:s16] =	ssyncadd.s32 $0xFFFFD800  }
0x40: {  	[spmem:s1] =	stream.indirect.scatter.add.f32 [tilespmem:s15], [sflag:$0x2], $0x80, s19, s14, $0xb8;
	[tilespmem:$0x1F000] =	vst v63  }
0x41: {  	_ =	swait.ge [sflag:s11], $0x2800  }
0x42: {  	s20 =	smov.u32 s23;
	s19 =	sshra.s32 s22, $0x2;
	[sflag:s11] =	ssyncset.done $0x0  }
0x43: {  	s20 =	sadd.s32 $0x14000, s19;
	[sflag:s11] =	ssyncadd.s32 $0xFFFFD800  }
0x44: {  	[tilespmem:s15], [sflag:$0x1] =	stream.indirect.gather [hbm4b:s4+s14], $0x80, s20, s14, $0xb8;
	[tilespmem:$0x1F000] =	vst v63  }
0x45: {  	_ =	swait.ge [sflag:s16], $0x2800  }
0x46: {  	[sflag:s16] =	ssyncset.done $0x0  }
0x47: {  	s31 =	sadd.s32 $0x18000, s19;
	[sflag:s16] =	ssyncadd.s32 $0xFFFFD800  }
0x48: {  	[spmem:s1] =	stream.indirect.scatter.add.f32 [tilespmem:s15], [sflag:$0x2], $0x80, s31, s14, $0xb8;
	[tilespmem:$0x1F000] =	vst v63  }
0x49: {  	_ =	swait.ge [sflag:s11], $0x2800  }
0x4a: {  	s3 =	sadd.s32 $0x1, s3;
	[sflag:s11] =	ssyncset.done $0x0  }
0x4b: {  	p0 =	sne.s32 s3, s9;
	[sflag:s11] =	ssyncadd.s32 $0xFFFFD800  }
.Ltmp3:
0x4c: {  	[bflag:$0x0] =	sbarrier.arrive $0xFFFF;
	(pc) =	sbr.rel @p0 .LBB2_1-.Ltmp3, $4  }
0x4d: {  	[hbm:s8], [sflag:s17] =	dma.local [spmem:s18], $0x2800  }
0x4e: {  	_ =	swait.ge [sflag:s11], $0x2800  }
0x4f: {  	[sflag:s11] =	ssyncset.done $0x0  }
0x50: {  	[sflag:s11] =	ssyncadd.s32 $0xFFFFD800  }
0x51: {  	_ =	sfence.sel $0x180000  }
0x52: {  	[bflag:$0x0] =	sbarrier.arrive $0xFFFF  }
0x53: {  	p0 =	sne.s32 s2, $0x0;
	_ =	strace $0x9000004D  }
0x54: {  	s0 =	sadd.s32 @!p0 $0x100000, s0;
	[bflag:$0x2] =	sbarrier.arrive $0xFFFF  }
0x55: {  	[sflag:s0] =	ssyncadd.tile.s32 @!p0 $0x1;
	_ =	shalt  }
.Lfunc_end2:
_tile_overlayer_lowered:
.L_overlay_start_2:
0x56: {  	(tag) =	ssettag $0x2  }
0x57: {  	s0 =	rddreg [dreg:$0x0];
	s2 =	stileid.u32  }
0x58: {  	s1 =	rddreg [dreg:$0x1];
	p0 =	sne.s32 s2, $0x0  }
0x59: {  	s3 =	rddreg [dreg:$0x2];
	[bflag:$0x3] =	sbarrier.arrive $0xFFFF;
	s2 =	simm.s32 @!p0 $0x1C02  }
0x5a: {  	[timem:s3], [sflag:s2] =	dma.local @!p0 [hbm:s0], s1  }
0x5b: {  	s0 =	simm.s32 @!p0 $0x2  }
0x5c: {  	_ =	swait.ge @!p0 [sflag:s0], s1  }
0x5d: {  	s1 =	ssub.s32 @!p0 $0x0, s1;
	[sflag:s0] =	ssyncset.done @!p0 $0x0  }
0x5e: {  	[sflag:s0] =	ssyncadd.s32 @!p0 s1  }
0x5f: {  	[bflag:$0x3] =	sbarrier.arrive $0xFFFF  }
0x60: {  	_ =	shalt  }

// kernel: kernel.40.cloned.1.call-start
scs
__scs_entry_jumppad:
0x0: {  	(pc) =	sbr.rel $0x88, $3  }
0x1: {  	(tag) =	ssettag $0x0;
	lr =	simm.s32 $0x1  }
0x2: {  	[smem:$0x3F75] =	sst lr;
	_ =	strace $0xD0000000  }
0x3: {  	_ = 	snop  }
0x4: {  	_ = 	snop  }
0x5: {  	_ = 	snop  }
0x6: {  	_ = 	snop  }
0x7: {  	_ = 	snop  }
__scs_overlays_trampoline_lowered:
0x8: {  	[smem:$0x3F84] =	sst s0  }
0x9: {  	[smem:$0x3F85] =	sst s1  }
0xa: {  	[smem:$0x3F86] =	sst s2  }
0xb: {  	[smem:$0x3F87] =	sst s3  }
0xc: {  	[smem:$0x3F88] =	sst s4  }
0xd: {  	[smem:$0x3F89] =	sst s5  }
0xe: {  	[smem:$0x3F8A] =	sst s6  }
0xf: {  	[smem:$0x3F8B] =	sst s7  }
0x10: {  	[smem:$0x3F8C] =	sst s8  }
0x11: {  	[smem:$0x3F8D] =	sst s9;
	s0 =	simm.s32 @!p0 $0x0  }
0x12: {  	s1 =	sld [smem:$0x3F73];
	s0 =	simm.s32 @p0 $0x1  }
0x13: {  	[smem:$0x3F8E] =	sst s0;
	s0 =	simm.s32 @!p1 $0x0  }
0x14: {  	s2 =	sld [smem:$0x3F72];
	s0 =	simm.s32 @p1 $0x1  }
0x15: {  	[smem:$0x3F8F] =	sst s0;
	s0 =	simm.s32 @!p2 $0x0  }
0x16: {  	s3 =	sld [smem:$0x3FDB];
	s0 =	simm.s32 @p2 $0x1  }
0x17: {  	s4 =	simm.s32 $0x1BF5;
	[smem:$0x3F91] =	sst s0  }
0x18: {  	s0 =	sld [smem:$0x3F74];
	_ =	swait.ge [sflag:s4], $0x0  }
0x19: {  	s7 =	sld [smem:$0x3F75]  }
0x1a: {  	s8 =	sadd.s32 $0xFFFFE003, lr  }
0x1b: {  	s9 =	sadd.s32 $0xFFFFFEF7, lr;
	s5 =	simm.s32 $0xFFFFFFFF;
	p2 =	slt.u32 s8, $0xFFFFF086  }
0x1c: {  	p1 =	slt.u32 s9, $0xF7A;
	s5 =	simm.s32 @!p2 $0x0  }
0x1d: {  	s5 =	simm.s32 @p1 $0x1;
	p0 =	seq.s32 s7, s2  }
0x1e: {  	s7 =	smul.u32 @!p0 $0xF7A, s2;
	p2 =	seq.s32 @!p0 s5, $0x0  }
0x1f: {  	s9 =	smul.u32 $0xF7A, s1;
	s8 =	simm.s32 @!p0 $0x1BF5;
	p2 =	por !p2, p0  }
0x20: {  	[sflag:s8] =	ssyncset.s32 @!p0 $0xFFFFF086;
	s6 =	sadd.s32 @!p0 s3, s7;
	s7 =	simm.s32 @!p0 $0x108  }
0x21: {  	s3 =	sadd.s32 s3, s9;
	s6 =	sadd.s32 @!p0 $0x88, s6;
	s7 =	simm.s32 @p2 $0x1082  }
0x22: {  	[simem:s7], [sflag:s8] =	dma.local @!p0 [hbm:s6], $0xF7A  }
0x23: {  	s9 =	sor.u32 $0xD0000000, s2;
	s6 =	simm.s32 $0x108;
	_ =	swait.ge @!p0 [sflag:s8], $0x0  }
0x24: {  	s3 =	sadd.s32 $0x88, s3;
	s6 =	simm.s32 @!p1 $0x1082;
	[sflag:s4] =	ssyncset.s32 $0xFFFFF086  }
0x25: {  	[simem:s6], [sflag:s4] =	dma.local [hbm:s3], $0xF7A  }
0x26: {  	[smem:$0x3F75] =	sst s1;
	(tag) =	ssettag s2;
	_ =	strace s9  }
0x27: {  	s1 =	sld [smem:$0x3F85]  }
0x28: {  	s2 =	sld [smem:$0x3F86]  }
0x29: {  	s4 =	sld [smem:$0x3F88]  }
0x2a: {  	p0 =	seq.s32 s5, $0x0;
	s5 =	sld [smem:$0x3F89]  }
0x2b: {  	s6 =	sld [smem:$0x3F8A]  }
0x2c: {  	s7 =	sld [smem:$0x3F8B]  }
0x2d: {  	s3 =	simm.s32 $0x108;
	s8 =	sld [smem:$0x3F8C]  }
0x2e: {  	s3 =	simm.s32 @!p0 $0x1082;
	s9 =	sld [smem:$0x3F8D]  }
0x2f: {  	lr =	sadd.s32 s0, s3;
	s0 =	sld [smem:$0x3F84]  }
0x30: {  	s3 =	sld [smem:$0x3F87]  }
0x31: {  	[smem:$0x3F90] =	sst s10  }
0x32: {  	s10 =	sld [smem:$0x3F8E];
	_ =	sdelay $0x3  }
0x33: {  	p0 =	seq.s32 s10, $0x1;
	s10 =	sld [smem:$0x3F90];
	_ =	sdelay $0x3  }
0x34: {  	[smem:$0x3F90] =	sst s10  }
0x35: {  	s10 =	sld [smem:$0x3F8F];
	_ =	sdelay $0x3  }
0x36: {  	p1 =	seq.s32 s10, $0x1;
	s10 =	sld [smem:$0x3F90];
	_ =	sdelay $0x3  }
0x37: {  	[smem:$0x3F90] =	sst s10  }
0x38: {  	s10 =	sld [smem:$0x3F91]  }
0x39: {  	_ = 	snop;
	(pc) =	sbr.ind lr, $3  }
0x3a: {  	_ = 	snop  }
0x3b: {  	_ = 	snop  }
0x3c: {  	p2 =	seq.s32 s10, $0x1;
	s10 =	sld [smem:$0x3F90]  }
0x3d: {  	_ =	shalt  }
0x3e: {  	_ =	shalt  }
0x3f: {  	_ =	shalt  }
0x40: {  	_ =	shalt  }
0x41: {  	_ =	shalt  }
0x42: {  	_ =	shalt  }
0x43: {  	_ =	shalt  }
0x44: {  	_ =	shalt  }
0x45: {  	_ =	shalt  }
0x46: {  	_ =	shalt  }
0x47: {  	_ =	shalt  }
0x48: {  	_ =	shalt  }
0x49: {  	_ =	shalt  }
0x4a: {  	_ =	shalt  }
0x4b: {  	_ =	shalt  }
0x4c: {  	_ =	shalt  }
0x4d: {  	_ =	shalt  }
0x4e: {  	_ =	shalt  }
0x4f: {  	_ =	shalt  }
0x50: {  	_ =	shalt  }
0x51: {  	_ =	shalt  }
0x52: {  	_ =	shalt  }
0x53: {  	_ =	shalt  }
0x54: {  	_ =	shalt  }
0x55: {  	_ =	shalt  }
0x56: {  	_ =	shalt  }
0x57: {  	_ =	shalt  }
0x58: {  	_ =	shalt  }
0x59: {  	_ =	shalt  }
0x5a: {  	_ =	shalt  }
0x5b: {  	_ =	shalt  }
0x5c: {  	_ =	shalt  }
0x5d: {  	_ =	shalt  }
0x5e: {  	_ =	shalt  }
0x5f: {  	_ =	shalt  }
0x60: {  	_ =	shalt  }
0x61: {  	_ =	shalt  }
0x62: {  	_ =	shalt  }
0x63: {  	_ =	shalt  }
0x64: {  	_ =	shalt  }
0x65: {  	_ =	shalt  }
0x66: {  	_ =	shalt  }
0x67: {  	_ =	shalt  }
0x68: {  	_ =	shalt  }
0x69: {  	_ =	shalt  }
0x6a: {  	_ =	shalt  }
0x6b: {  	_ =	shalt  }
0x6c: {  	_ =	shalt  }
0x6d: {  	_ =	shalt  }
0x6e: {  	_ =	shalt  }
0x6f: {  	_ =	shalt  }
0x70: {  	_ =	shalt  }
0x71: {  	_ =	shalt  }
0x72: {  	_ =	shalt  }
0x73: {  	_ =	shalt  }
0x74: {  	_ =	shalt  }
0x75: {  	_ =	shalt  }
0x76: {  	_ =	shalt  }
0x77: {  	_ =	shalt  }
0x78: {  	_ =	shalt  }
0x79: {  	_ =	shalt  }
0x7a: {  	_ =	shalt  }
0x7b: {  	_ =	shalt  }
0x7c: {  	_ =	shalt  }
0x7d: {  	_ =	shalt  }
0x7e: {  	_ =	shalt  }
0x7f: {  	_ =	shalt  }
0x80: {  	_ =	shalt  }
0x81: {  	_ =	shalt  }
0x82: {  	_ =	shalt  }
0x83: {  	_ =	shalt  }
0x84: {  	_ =	shalt  }
0x85: {  	_ =	shalt  }
0x86: {  	_ =	shalt  }
0x87: {  	_ =	shalt  }
.Lfunc_end0:
.L_simem_size_0:
called_computation.4_lowered:
.L_overlay_start_0:
0x88: {  	s2 =	sld [smem:$0x3FD9]  }
0x89: {  	s3 =	sld [smem:$0x3FFE];
	_ =	sdelay $0x1  }
0x8a: {  	s1 =	srdreg.scid  }
0x8b: {  	s0 =	sand.u32 $0x1, s1  }
0x8c: {  	s17 =	sshll.u32 s0, $0xA;
	s2 =	sadd.s32 s3, s2  }
0x8d: {  	s2 =	sadd.s32 s2, s17  }
0x8e: {  	[smem:$0x3F9C] =	sst s2  }
0x8f: {  	_ = 	snop  }
0x90: {  	(tm) =	ssettm $0x1  }
0x91: {  	s18 =	sld [smem:$0x3FFB];
	_ =	sdelay $0x3  }
0x92: {  	_ =	strace s18  }
0x93: {  	s2 =	sld [smem:$0x3FFC];
	_ =	sdelay $0x3  }
0x94: {  	_ =	strace s2  }
0x95: {  	s2 =	sld [smem:$0x3FFD];
	_ =	sdelay $0x3  }
0x96: {  	_ =	strace s2  }
0x97: {  	_ =	strace $0x8FFFFFFF  }
0x98: {  	s19 =	sld [smem:$0x3FDB];
	_ =	sdelay $0x1  }
0x99: {  	s20 =	simm.s32 $_scs_section_size  }
0x9a: {  	s4 =	simm.s32 $_size__tile_overlayer_lowered;
	s5 =	simm.s32 $_tile_overlayer_lowered  }
0x9b: {  	s6 =	simm.s32 $0x1BFF;
	s21 =	sshll.u32 s5, $0x1;
	s3 =	sadd.s32 s20, s19  }
0x9c: {  	s22 =	simm.s32 $0x0;
	s4 =	sshll.u32 s4, $0x1;
	s5 =	sadd.s32 s21, s3  }
0x9d: {  	[timem:s22], [sflag:s6] =	dma.local [hbm:s5], s4  }
0x9e: {  	_ =	swait.ge [sflag:s6], s4  }
0x9f: {  	s4 =	ssub.s32 $0x0, s4;
	[sflag:s6] =	ssyncset.done $0x0  }
0xa0: {  	[sflag:s6] =	ssyncadd.s32 s4;
	_ =	sdelay $0x1  }
0xa1: {  	s23 =	simm.s32 $0x1B8B  }
0xa2: {  	_ =	swait.ge [sflag:s23], $0x1  }
0xa3: {  	[sflag:s23] =	ssyncset.done $0x0  }
0xa4: {  	[sflag:s23] =	ssyncadd.s32 $0xFFFFFFFF  }
0xa5: {  	s4 =	sld [smem:$0x0]  }
0xa6: {  	s5 =	sand.u32 $0xFFFFFFFE, s1  }
0xa7: {  	p0 =	sne.s32 s1, s5  }
0xa8: {  	s5 =	sshll.u32 @p0 s5, $0xE  }
0xa9: {  	s5 =	sadd.s32 @p0 $0x11B8D, s5;
	s6 =	sshll.u32 @p0 s4, $0x11  }
0xaa: {  	s5 =	sor.u32 @p0 s6, s5  }
0xab: {  	[sflag:s5] =	ssyncadd.remote.s32 @p0 $0x1;
	_ =	sdelay $0x1  }
0xac: {  	s5 =	simm.s32 @p0 $0x1B8D  }
0xad: {  	_ =	swait.eq @p0 [sflag:s5], $0x1  }
0xae: {  	[sflag:s5] =	ssyncadd.s32 @p0 $0xFFFFFFFF  }
0xaf: {  	s6 =	sshll.u32 @!p0 s1, $0xE  }
0xb0: {  	s6 =	sor.u32 @!p0 $0x4000, s6;
	s5 =	simm.s32 @!p0 $0x1B8D  }
0xb1: {  	s4 =	sshll.u32 @!p0 s4, $0x11;
	s6 =	sadd.s32 @!p0 $0x11B8D, s6;
	_ =	swait.eq @!p0 [sflag:s5], $0x1  }
0xb2: {  	s4 =	sor.u32 @!p0 s4, s6;
	[sflag:s5] =	ssyncadd.s32 @!p0 $0xFFFFFFFF  }
0xb3: {  	s25 =	simm.s32 $0x1B8E;
	s24 =	sld [smem:$0x3FFE];
	[sflag:s4] =	ssyncadd.remote.s32 @!p0 $0x1  }
0xb4: {  	s26 =	simm.s32 $execute0_lowered;
	[smem:$0x3FD2] =	sst s25  }
0xb5: {  	s5 =	sshll.u32 s26, $0x1;
	_ =	strace $0x8000004F;
	[dreg:$0x1] =	wrdreg $0xFFFFFFFF  }
0xb6: {  	s28 =	simm.s32 $_size_execute0_lowered;
	s3 =	sadd.s32 s3, s5;
	[dreg:$0x0] =	wrdreg $0x0  }
0xb7: {  	s5 =	sshll.u32 s28, $0x1;
	[dreg:$0x2] =	wrdreg s3  }
0xb8: {  	[dreg:$0x3] =	wrdreg s5  }
0xb9: {  	[dreg:$0x4] =	wrdreg $0xC0  }
0xba: {  	_ =	task [dreg:s22], $0x5FFFF  }
0xbb: {  	[dreg:$0x1] =	wrdreg $0xFFFFFFFF  }
0xbc: {  	[dreg:$0x0] =	wrdreg $0x60  }
0xbd: {  	[dreg:$0x2] =	wrdreg s24  }
0xbe: {  	[dreg:$0x3] =	wrdreg $0x0  }
0xbf: {  	[dreg:$0x4] =	wrdreg $0xA  }
0xc0: {  	_ =	task.clear_ibuf [dreg:s22], $0x5FFFF;
	_ =	strace $0x9000004F  }
0xc1: {  	s29 =	simm.s32 $0xA;
	_ =	strace $0x80000051  }
0xc2: {  	_ =	swait.ge [sflag:s29], $0x1  }
0xc3: {  	[sflag:s29] =	ssyncadd.s32 $0xFFFFFFFF  }
0xc4: {  	_ =	strace $0x90000051  }
0xc5: {  	_ =	sfence  }
0xc6: {  	s30 =	sld [smem:$0x0];
	_ =	sdelay $0x2  }
0xc7: {  	s31 =	sshll.u32 s1, $0xD;
	s1 =	sshrl.u32 s1, $0x2  }
0xc8: {  	s4 =	sand.u32 $0x4000, s31;
	s1 =	sadd.s32 s1, s30  }
0xc9: {  	s0 =	sor.u32 s4, s0;
	s1 =	sshll.u32 s1, $0x11  }
0xca: {  	s0 =	sor.u32 s1, s0  }
0xcb: {  	s0 =	sadd.s32 $0x8F2B, s0  }
0xcc: {  	[sflag:s0] =	ssyncadd.remote.s32 $0x1  }
0xcd: {  	_ =	sfence.sel $0xFFFF  }
0xce: {  	[dreg:$0x0] =	wrdreg $0xFFFFFFFF;
	(pc) =	sbr.abs _section_cstart, $3  }
0xcf: {  	[dreg:$0x1] =	wrdreg $0xFFFFFFFF  }
0xd0: {  	_ =	task.clear_ibuf [dreg:s22], $0x2FFFF;
	_ =	strace $0x9FFFFFFF  }
0xd1: {  	(tm) =	ssettm $0x7FFFFFFF  }
tec
execute0_lowered:
.L_overlay_start_1:
0x0: {  	(tag) =	ssettag $0x1  }
0x1: {  	s5 =	rddreg [dreg:$0x0]  }
0x2: {  	s1 =	rddreg [dreg:$0x1]  }
0x3: {  	s0 =	rddreg [dreg:$0x2]  }
0x4: {  	s3 =	simm.s32 $0x0;
	s2 =	srdreg.scid;
	s12 =	simm.s32 $0x14000  }
0x5: {  	s13 =	simm.s32 $0x18000;
	s14 =	simm.s32 $0x50;
	s15 =	simm.s32 $0x1C000  }
0x6: {  	s16 =	simm.s32 $0x1;
	[smem:$0x7FF] =	sst s3;
	s6 =	sand.u32 $0x1, s2  }
0x7: {  	s2 =	stileid.u32;
	s4 =	sadd.s32 $0x52A00, s5;
	s7 =	smul.u32 $0x140000, s6  }
0x8: {  	s8 =	sshll.u32 s6, $0xF;
	s9 =	sshll.u32 s2, $0xB;
	s10 =	smul.u32 $0x14000, s2  }
0x9: {  	_ =	strace $0x80000050;
	s6 =	ssub.s32 $0x2, s6;
	s29 =	smul.u32 $0x50000, s2  }
0xa: {  	s17 =	sshll.u32 s2, $0x6;
	s8 =	sor.u32 s9, s8;
	s30 =	sshrl.u32 s6, $0x1  }
0xb: {  	s17 =	sor.u32 $0x1C02, s17;
	s7 =	sadd.s32 s10, s7;
	s8 =	sadd.s32 s8, s5  }
0xc: {  	s10 =	ssub.s32 s6, s30;
	s31 =	sshrl.u32 s29, $0x2;
	s7 =	sshrl.u32 s7, $0x3  }
0xd: {  	s6 =	sadd.s32 $0xB800, s8;
	s9 =	smax.u32 s10, $0x1;
	s10 =	simm.s32 $0x1E800  }
0xe: {  	s11 =	sadd.s32 s7, s5;
	s5 =	sadd.s32 s31, s1;
	s7 =	sadd.s32 $0x1B800, s8  }
0xf: {  	v0 =	vimm.f32 $0.0e+00;
	s8 =	sadd.s32 $0xC9C00, s11;
	s11 =	simm.s32 $0x2;
	s18 =	sshrl.u32 s5, $0x3  }
.LBB2_1:
0x10: {  	s19 =	simm.s32 $0x0;
	s20 =	simm.s32 $0x200  }
.LBB2_2:
0x11: {  	p0 =	sne.s32 s20, $0x1E00;
	[tilespmem:s19+$0x1E870] =	vst v0  }
0x12: {  	[tilespmem:s19+$0x1E800] =	vst v0  }
0x13: {  	[tilespmem:s19+$0x1E810] =	vst v0  }
.Ltmp0:
0x14: {  	[tilespmem:s19+$0x1E820] =	vst v0;
	(pc) =	sbr.rel @p0 .LBB2_2-.Ltmp0, $4  }
0x15: {  	[tilespmem:s19+$0x1E830] =	vst v0  }
0x16: {  	[tilespmem:s19+$0x1E840] =	vst v0  }
0x17: {  	[tilespmem:s19+$0x1E850] =	vst v0  }
0x18: {  	[tilespmem:s19+$0x1E860] =	vst v0;
	s19 =	sshra.s32 s20, $0x2;
	s20 =	sadd.s32 $0x200, s20  }
0x19: {  	[tilespmem:s19+$0x1E870] =	vst v0  }
0x1a: {  	[tilespmem:s19+$0x1E800] =	vst v0  }
0x1b: {  	[tilespmem:s19+$0x1E810] =	vst v0  }
0x1c: {  	[tilespmem:s19+$0x1E820] =	vst v0  }
0x1d: {  	[tilespmem:s19+$0x1E830] =	vst v0  }
0x1e: {  	[tilespmem:s19+$0x1E840] =	vst v0  }
0x1f: {  	[tilespmem:s19+$0x1E850] =	vst v0  }
0x20: {  	[tilespmem:s19+$0x1E860] =	vst v0;
	s31 =	sadd.s32 $0x0, s5  }
0x21: {  	[spmem:s31] =	stream.linear.scatter [tilespmem:s10], [sflag:$0x2], $0x800, $0x38;
	[tilespmem:$0x1F000] =	vst v63  }
0x22: {  	s19 =	simm.s32 $0x2000;
	_ =	swait.ge [sflag:s11], $0x800  }
.LBB2_4:
0x23: {  	s20 =	sshra.s32 s19, $0x2;
	[sflag:s11] =	ssyncset.done $0x0;
	p0 =	sne.s32 s19, $0x4E000  }
.Ltmp1:
0x24: {  	s20 =	sadd.s32 s20, s5;
	[sflag:s11] =	ssyncadd.s32 $0xFFFFF800;
	(pc) =	sbr.rel @p0 .LBB2_4-.Ltmp1, $3  }
0x25: {  	[spmem:s20] =	stream.linear.scatter [tilespmem:s10], [sflag:$0x2], $0x800, $0x38;
	[tilespmem:$0x1F000] =	vst v63  }
0x26: {  	s19 =	sadd.s32 $0x2000, s19;
	_ =	sdelay $0x1  }
0x27: {  	_ =	swait.ge [sflag:s11], $0x800  }
0x28: {  	[sflag:s11] =	ssyncset.done $0x0  }
0x29: {  	s19 =	simm.s32 $0x0;
	[sflag:s11] =	ssyncadd.s32 $0xFFFFF800  }
0x2a: {  	[tilespmem:s12], [sflag:$0x2] =	stream.linear.gather [hbm4b:s6+s19], $0x3E80, $0x38;
	[tilespmem:$0x1F000] =	vst v63  }
0x2b: {  	_ =	swait.ge [sflag:s11], $0x3E80  }
0x2c: {  	[sflag:s11] =	ssyncset.done $0x0  }
0x2d: {  	[sflag:s11] =	ssyncadd.s32 $0xFFFFC180  }
0x2e: {  	[tilespmem:s13], [sflag:$0x2] =	stream.linear.gather [hbm4b:s7+s19], $0x3E80, $0x38;
	[tilespmem:$0x1F000] =	vst v63  }
0x2f: {  	_ =	swait.ge [sflag:s11], $0x3E80  }
0x30: {  	[sflag:s11] =	ssyncset.done $0x0  }
0x31: {  	[sflag:s11] =	ssyncadd.s32 $0xFFFFC180  }
0x32: {  	s30 =	simm.s32 $0x14000;
	[bflag:$0x0] =	sbarrier.arrive $0xFFFF  }
0x33: {  	[tilespmem:s15], [sflag:$0x1] =	stream.indirect.gather [hbm4b:s4+s14], $0x80, s30, s14, $0xb8;
	[tilespmem:$0x1F000] =	vst v63  }
0x34: {  	_ =	swait.ge [sflag:s16], $0x2800  }
0x35: {  	[sflag:s16] =	ssyncset.done $0x0  }
0x36: {  	s31 =	simm.s32 $0x18000;
	[sflag:s16] =	ssyncadd.s32 $0xFFFFD800  }
0x37: {  	[spmem:s1] =	stream.indirect.scatter.add.f32 [tilespmem:s15], [sflag:$0x2], $0x80, s31, s14, $0xb8;
	[tilespmem:$0x1F000] =	vst v63  }
0x38: {  	_ =	swait.ge [sflag:s11], $0x2800  }
0x39: {  	s20 =	simm.s32 $0x400;
	s19 =	simm.s32 $0x80;
	[sflag:s11] =	ssyncset.done $0x0  }
.LBB2_6:
0x3a: {  	s21 =	sadd.s32 $0x14000, s19  }
0x3b: {  	[sflag:s11] =	ssyncadd.s32 $0xFFFFD800;
	s22 =	smov.u32 s20;
	s23 =	sadd.s32 $0x200, s20  }
0x3c: {  	[tilespmem:s15], [sflag:$0x1] =	stream.indirect.gather [hbm4b:s4+s14], $0x80, s21, s14, $0xb8;
	[tilespmem:$0x1F000] =	vst v63  }
0x3d: {  	p0 =	sne.s32 s20, $0xF800;
	_ =	swait.ge [sflag:s16], $0x2800  }
.Ltmp2:
0x3e: {  	[sflag:s16] =	ssyncset.done $0x0;
	(pc) =	sbr.rel @p0 .LBB2_6-.Ltmp2, $4  }
0x3f: {  	s19 =	sadd.s32 $0x18000, s19;
	[sflag:s16] =	ssyncadd.s32 $0xFFFFD800  }
0x40: {  	[spmem:s1] =	stream.indirect.scatter.add.f32 [tilespmem:s15], [sflag:$0x2], $0x80, s19, s14, $0xb8;
	[tilespmem:$0x1F000] =	vst v63  }
0x41: {  	_ =	swait.ge [sflag:s11], $0x2800  }
0x42: {  	s20 =	smov.u32 s23;
	s19 =	sshra.s32 s22, $0x2;
	[sflag:s11] =	ssyncset.done $0x0  }
0x43: {  	s20 =	sadd.s32 $0x14000, s19;
	[sflag:s11] =	ssyncadd.s32 $0xFFFFD800  }
0x44: {  	[tilespmem:s15], [sflag:$0x1] =	stream.indirect.gather [hbm4b:s4+s14], $0x80, s20, s14, $0xb8;
	[tilespmem:$0x1F000] =	vst v63  }
0x45: {  	_ =	swait.ge [sflag:s16], $0x2800  }
0x46: {  	[sflag:s16] =	ssyncset.done $0x0  }
0x47: {  	s31 =	sadd.s32 $0x18000, s19;
	[sflag:s16] =	ssyncadd.s32 $0xFFFFD800  }
0x48: {  	[spmem:s1] =	stream.indirect.scatter.add.f32 [tilespmem:s15], [sflag:$0x2], $0x80, s31, s14, $0xb8;
	[tilespmem:$0x1F000] =	vst v63  }
0x49: {  	_ =	swait.ge [sflag:s11], $0x2800  }
0x4a: {  	s3 =	sadd.s32 $0x1, s3;
	[sflag:s11] =	ssyncset.done $0x0  }
0x4b: {  	p0 =	sne.s32 s3, s9;
	[sflag:s11] =	ssyncadd.s32 $0xFFFFD800  }
.Ltmp3:
0x4c: {  	[bflag:$0x0] =	sbarrier.arrive $0xFFFF;
	(pc) =	sbr.rel @p0 .LBB2_1-.Ltmp3, $4  }
0x4d: {  	[hbm:s8], [sflag:s17] =	dma.local [spmem:s18], $0x2800  }
0x4e: {  	_ =	swait.ge [sflag:s11], $0x2800  }
0x4f: {  	[sflag:s11] =	ssyncset.done $0x0  }
0x50: {  	[sflag:s11] =	ssyncadd.s32 $0xFFFFD800  }
0x51: {  	_ =	sfence.sel $0x180000  }
0x52: {  	[bflag:$0x0] =	sbarrier.arrive $0xFFFF  }
0x53: {  	p0 =	sne.s32 s2, $0x0;
	_ =	strace $0x90000050  }
0x54: {  	s0 =	sadd.s32 @!p0 $0x100000, s0;
	[bflag:$0x2] =	sbarrier.arrive $0xFFFF  }
0x55: {  	[sflag:s0] =	ssyncadd.tile.s32 @!p0 $0x1;
	_ =	shalt  }
.Lfunc_end2:
_tile_overlayer_lowered:
.L_overlay_start_2:
0x56: {  	(tag) =	ssettag $0x2  }
0x57: {  	s0 =	rddreg [dreg:$0x0];
	s2 =	stileid.u32  }
0x58: {  	s1 =	rddreg [dreg:$0x1];
	p0 =	sne.s32 s2, $0x0  }
0x59: {  	s3 =	rddreg [dreg:$0x2];
	[bflag:$0x3] =	sbarrier.arrive $0xFFFF;
	s2 =	simm.s32 @!p0 $0x1C02  }
0x5a: {  	[timem:s3], [sflag:s2] =	dma.local @!p0 [hbm:s0], s1  }
0x5b: {  	s0 =	simm.s32 @!p0 $0x2  }
0x5c: {  	_ =	swait.ge @!p0 [sflag:s0], s1  }
0x5d: {  	s1 =	ssub.s32 @!p0 $0x0, s1;
	[sflag:s0] =	ssyncset.done @!p0 $0x0  }
0x5e: {  	[sflag:s0] =	ssyncadd.s32 @!p0 s1  }
0x5f: {  	[bflag:$0x3] =	sbarrier.arrive $0xFFFF  }
0x60: {  	_ =	shalt  }

// kernel: kernel.43.cloned.1.call-start
scs
__scs_entry_jumppad:
0x0: {  	(pc) =	sbr.rel $0x88, $3  }
0x1: {  	(tag) =	ssettag $0x0;
	lr =	simm.s32 $0x1  }
0x2: {  	[smem:$0x3F75] =	sst lr;
	_ =	strace $0xD0000000  }
0x3: {  	_ = 	snop  }
0x4: {  	_ = 	snop  }
0x5: {  	_ = 	snop  }
0x6: {  	_ = 	snop  }
0x7: {  	_ = 	snop  }
__scs_overlays_trampoline_lowered:
0x8: {  	[smem:$0x3F84] =	sst s0  }
0x9: {  	[smem:$0x3F85] =	sst s1  }
0xa: {  	[smem:$0x3F86] =	sst s2  }
0xb: {  	[smem:$0x3F87] =	sst s3  }
0xc: {  	[smem:$0x3F88] =	sst s4  }
0xd: {  	[smem:$0x3F89] =	sst s5  }
0xe: {  	[smem:$0x3F8A] =	sst s6  }
0xf: {  	[smem:$0x3F8B] =	sst s7  }
0x10: {  	[smem:$0x3F8C] =	sst s8  }
0x11: {  	[smem:$0x3F8D] =	sst s9;
	s0 =	simm.s32 @!p0 $0x0  }
0x12: {  	s1 =	sld [smem:$0x3F73];
	s0 =	simm.s32 @p0 $0x1  }
0x13: {  	[smem:$0x3F8E] =	sst s0;
	s0 =	simm.s32 @!p1 $0x0  }
0x14: {  	s2 =	sld [smem:$0x3F72];
	s0 =	simm.s32 @p1 $0x1  }
0x15: {  	[smem:$0x3F8F] =	sst s0;
	s0 =	simm.s32 @!p2 $0x0  }
0x16: {  	s3 =	sld [smem:$0x3FDB];
	s0 =	simm.s32 @p2 $0x1  }
0x17: {  	s4 =	simm.s32 $0x1BF5;
	[smem:$0x3F91] =	sst s0  }
0x18: {  	s0 =	sld [smem:$0x3F74];
	_ =	swait.ge [sflag:s4], $0x0  }
0x19: {  	s7 =	sld [smem:$0x3F75]  }
0x1a: {  	s8 =	sadd.s32 $0xFFFFE003, lr  }
0x1b: {  	s9 =	sadd.s32 $0xFFFFFEF7, lr;
	s5 =	simm.s32 $0xFFFFFFFF;
	p2 =	slt.u32 s8, $0xFFFFF086  }
0x1c: {  	p1 =	slt.u32 s9, $0xF7A;
	s5 =	simm.s32 @!p2 $0x0  }
0x1d: {  	s5 =	simm.s32 @p1 $0x1;
	p0 =	seq.s32 s7, s2  }
0x1e: {  	s7 =	smul.u32 @!p0 $0xF7A, s2;
	p2 =	seq.s32 @!p0 s5, $0x0  }
0x1f: {  	s9 =	smul.u32 $0xF7A, s1;
	s8 =	simm.s32 @!p0 $0x1BF5;
	p2 =	por !p2, p0  }
0x20: {  	[sflag:s8] =	ssyncset.s32 @!p0 $0xFFFFF086;
	s6 =	sadd.s32 @!p0 s3, s7;
	s7 =	simm.s32 @!p0 $0x108  }
0x21: {  	s3 =	sadd.s32 s3, s9;
	s6 =	sadd.s32 @!p0 $0x88, s6;
	s7 =	simm.s32 @p2 $0x1082  }
0x22: {  	[simem:s7], [sflag:s8] =	dma.local @!p0 [hbm:s6], $0xF7A  }
0x23: {  	s9 =	sor.u32 $0xD0000000, s2;
	s6 =	simm.s32 $0x108;
	_ =	swait.ge @!p0 [sflag:s8], $0x0  }
0x24: {  	s3 =	sadd.s32 $0x88, s3;
	s6 =	simm.s32 @!p1 $0x1082;
	[sflag:s4] =	ssyncset.s32 $0xFFFFF086  }
0x25: {  	[simem:s6], [sflag:s4] =	dma.local [hbm:s3], $0xF7A  }
0x26: {  	[smem:$0x3F75] =	sst s1;
	(tag) =	ssettag s2;
	_ =	strace s9  }
0x27: {  	s1 =	sld [smem:$0x3F85]  }
0x28: {  	s2 =	sld [smem:$0x3F86]  }
0x29: {  	s4 =	sld [smem:$0x3F88]  }
0x2a: {  	p0 =	seq.s32 s5, $0x0;
	s5 =	sld [smem:$0x3F89]  }
0x2b: {  	s6 =	sld [smem:$0x3F8A]  }
0x2c: {  	s7 =	sld [smem:$0x3F8B]  }
0x2d: {  	s3 =	simm.s32 $0x108;
	s8 =	sld [smem:$0x3F8C]  }
0x2e: {  	s3 =	simm.s32 @!p0 $0x1082;
	s9 =	sld [smem:$0x3F8D]  }
0x2f: {  	lr =	sadd.s32 s0, s3;
	s0 =	sld [smem:$0x3F84]  }
0x30: {  	s3 =	sld [smem:$0x3F87]  }
0x31: {  	[smem:$0x3F90] =	sst s10  }
0x32: {  	s10 =	sld [smem:$0x3F8E];
	_ =	sdelay $0x3  }
0x33: {  	p0 =	seq.s32 s10, $0x1;
	s10 =	sld [smem:$0x3F90];
	_ =	sdelay $0x3  }
0x34: {  	[smem:$0x3F90] =	sst s10  }
0x35: {  	s10 =	sld [smem:$0x3F8F];
	_ =	sdelay $0x3  }
0x36: {  	p1 =	seq.s32 s10, $0x1;
	s10 =	sld [smem:$0x3F90];
	_ =	sdelay $0x3  }
0x37: {  	[smem:$0x3F90] =	sst s10  }
0x38: {  	s10 =	sld [smem:$0x3F91]  }
0x39: {  	_ = 	snop;
	(pc) =	sbr.ind lr, $3  }
0x3a: {  	_ = 	snop  }
0x3b: {  	_ = 	snop  }
0x3c: {  	p2 =	seq.s32 s10, $0x1;
	s10 =	sld [smem:$0x3F90]  }
0x3d: {  	_ =	shalt  }
0x3e: {  	_ =	shalt  }
0x3f: {  	_ =	shalt  }
0x40: {  	_ =	shalt  }
0x41: {  	_ =	shalt  }
0x42: {  	_ =	shalt  }
0x43: {  	_ =	shalt  }
0x44: {  	_ =	shalt  }
0x45: {  	_ =	shalt  }
0x46: {  	_ =	shalt  }
0x47: {  	_ =	shalt  }
0x48: {  	_ =	shalt  }
0x49: {  	_ =	shalt  }
0x4a: {  	_ =	shalt  }
0x4b: {  	_ =	shalt  }
0x4c: {  	_ =	shalt  }
0x4d: {  	_ =	shalt  }
0x4e: {  	_ =	shalt  }
0x4f: {  	_ =	shalt  }
0x50: {  	_ =	shalt  }
0x51: {  	_ =	shalt  }
0x52: {  	_ =	shalt  }
0x53: {  	_ =	shalt  }
0x54: {  	_ =	shalt  }
0x55: {  	_ =	shalt  }
0x56: {  	_ =	shalt  }
0x57: {  	_ =	shalt  }
0x58: {  	_ =	shalt  }
0x59: {  	_ =	shalt  }
0x5a: {  	_ =	shalt  }
0x5b: {  	_ =	shalt  }
0x5c: {  	_ =	shalt  }
0x5d: {  	_ =	shalt  }
0x5e: {  	_ =	shalt  }
0x5f: {  	_ =	shalt  }
0x60: {  	_ =	shalt  }
0x61: {  	_ =	shalt  }
0x62: {  	_ =	shalt  }
0x63: {  	_ =	shalt  }
0x64: {  	_ =	shalt  }
0x65: {  	_ =	shalt  }
0x66: {  	_ =	shalt  }
0x67: {  	_ =	shalt  }
0x68: {  	_ =	shalt  }
0x69: {  	_ =	shalt  }
0x6a: {  	_ =	shalt  }
0x6b: {  	_ =	shalt  }
0x6c: {  	_ =	shalt  }
0x6d: {  	_ =	shalt  }
0x6e: {  	_ =	shalt  }
0x6f: {  	_ =	shalt  }
0x70: {  	_ =	shalt  }
0x71: {  	_ =	shalt  }
0x72: {  	_ =	shalt  }
0x73: {  	_ =	shalt  }
0x74: {  	_ =	shalt  }
0x75: {  	_ =	shalt  }
0x76: {  	_ =	shalt  }
0x77: {  	_ =	shalt  }
0x78: {  	_ =	shalt  }
0x79: {  	_ =	shalt  }
0x7a: {  	_ =	shalt  }
0x7b: {  	_ =	shalt  }
0x7c: {  	_ =	shalt  }
0x7d: {  	_ =	shalt  }
0x7e: {  	_ =	shalt  }
0x7f: {  	_ =	shalt  }
0x80: {  	_ =	shalt  }
0x81: {  	_ =	shalt  }
0x82: {  	_ =	shalt  }
0x83: {  	_ =	shalt  }
0x84: {  	_ =	shalt  }
0x85: {  	_ =	shalt  }
0x86: {  	_ =	shalt  }
0x87: {  	_ =	shalt  }
.Lfunc_end0:
.L_simem_size_0:
called_computation.5_lowered:
.L_overlay_start_0:
0x88: {  	s2 =	sld [smem:$0x3FD9]  }
0x89: {  	s3 =	sld [smem:$0x3FFE];
	_ =	sdelay $0x1  }
0x8a: {  	s1 =	srdreg.scid  }
0x8b: {  	s0 =	sand.u32 $0x1, s1  }
0x8c: {  	s16 =	sshll.u32 s0, $0xA;
	s2 =	sadd.s32 s3, s2  }
0x8d: {  	s2 =	sadd.s32 s2, s16  }
0x8e: {  	[smem:$0x3F9C] =	sst s2  }
0x8f: {  	_ = 	snop  }
0x90: {  	(tm) =	ssettm $0x1  }
0x91: {  	s17 =	sld [smem:$0x3FFB];
	_ =	sdelay $0x3  }
0x92: {  	_ =	strace s17  }
0x93: {  	s2 =	sld [smem:$0x3FFC];
	_ =	sdelay $0x3  }
0x94: {  	_ =	strace s2  }
0x95: {  	s2 =	sld [smem:$0x3FFD];
	_ =	sdelay $0x3  }
0x96: {  	_ =	strace s2  }
0x97: {  	_ =	strace $0x8FFFFFFF  }
0x98: {  	s18 =	sld [smem:$0x3FDB];
	_ =	sdelay $0x1  }
0x99: {  	s19 =	simm.s32 $_scs_section_size  }
0x9a: {  	s4 =	simm.s32 $_size__tile_overlayer_lowered;
	s5 =	simm.s32 $_tile_overlayer_lowered  }
0x9b: {  	s22 =	simm.s32 $0x1BFF;
	s21 =	sshll.u32 s5, $0x1;
	s2 =	sadd.s32 s19, s18  }
0x9c: {  	s6 =	simm.s32 $0x0;
	s20 =	sshll.u32 s4, $0x1;
	s4 =	sadd.s32 s21, s2  }
0x9d: {  	[timem:s6], [sflag:s22] =	dma.local [hbm:s4], s20  }
0x9e: {  	_ =	swait.ge [sflag:s22], s20  }
0x9f: {  	s3 =	ssub.s32 $0x0, s20;
	[sflag:s22] =	ssyncset.done $0x0  }
0xa0: {  	[sflag:s22] =	ssyncadd.s32 s3;
	_ =	sdelay $0x1  }
0xa1: {  	s23 =	simm.s32 $0x1B8B  }
0xa2: {  	_ =	swait.ge [sflag:s23], $0x1  }
0xa3: {  	[sflag:s23] =	ssyncset.done $0x0  }
0xa4: {  	s25 =	simm.s32 $0x1B8E;
	s24 =	sld [smem:$0x3FFE];
	[sflag:s23] =	ssyncadd.s32 $0xFFFFFFFF  }
0xa5: {  	s26 =	simm.s32 $execute0_lowered;
	[smem:$0x3FD2] =	sst s25  }
0xa6: {  	s4 =	sshll.u32 s26, $0x1;
	_ =	strace $0x80000052;
	[dreg:$0x1] =	wrdreg $0xFFFFFFFF  }
0xa7: {  	s28 =	simm.s32 $_size_execute0_lowered;
	s2 =	sadd.s32 s2, s4;
	[dreg:$0x0] =	wrdreg $0x0  }
0xa8: {  	s4 =	sshll.u32 s28, $0x1;
	[dreg:$0x2] =	wrdreg s2  }
0xa9: {  	[dreg:$0x3] =	wrdreg s4  }
0xaa: {  	[dreg:$0x4] =	wrdreg $0xC0  }
0xab: {  	_ =	task [dreg:s6], $0x5FFFF  }
0xac: {  	[dreg:$0x1] =	wrdreg $0xFFFFFFFF  }
0xad: {  	[dreg:$0x0] =	wrdreg $0x60  }
0xae: {  	[dreg:$0x2] =	wrdreg s24  }
0xaf: {  	[dreg:$0x3] =	wrdreg $0x0  }
0xb0: {  	[dreg:$0x4] =	wrdreg $0xA  }
0xb1: {  	_ =	task.clear_ibuf [dreg:s6], $0x5FFFF;
	_ =	strace $0x90000052  }
0xb2: {  	s29 =	simm.s32 $0xA;
	_ =	strace $0x80000054  }
0xb3: {  	_ =	swait.ge [sflag:s29], $0x1  }
0xb4: {  	[sflag:s29] =	ssyncadd.s32 $0xFFFFFFFF  }
0xb5: {  	_ =	strace $0x90000054  }
0xb6: {  	_ =	sfence  }
0xb7: {  	s30 =	sld [smem:$0x0];
	_ =	sdelay $0x2  }
0xb8: {  	s31 =	sshll.u32 s1, $0xD;
	s1 =	sshrl.u32 s1, $0x2  }
0xb9: {  	s3 =	sand.u32 $0x4000, s31;
	s1 =	sadd.s32 s1, s30  }
0xba: {  	s0 =	sor.u32 s3, s0;
	s1 =	sshll.u32 s1, $0x11  }
0xbb: {  	s0 =	sor.u32 s1, s0  }
0xbc: {  	s0 =	sadd.s32 $0x8F2B, s0  }
0xbd: {  	[sflag:s0] =	ssyncadd.remote.s32 $0x1  }
0xbe: {  	_ =	sfence.sel $0xFFFF  }
0xbf: {  	[dreg:$0x0] =	wrdreg $0xFFFFFFFF;
	(pc) =	sbr.abs _section_cstart, $3  }
0xc0: {  	[dreg:$0x1] =	wrdreg $0xFFFFFFFF  }
0xc1: {  	_ =	task.clear_ibuf [dreg:s6], $0x2FFFF;
	_ =	strace $0x9FFFFFFF  }
0xc2: {  	(tm) =	ssettm $0x7FFFFFFF  }
0xc3: {  	_ =	shalt  }
tec
execute0_lowered:
.L_overlay_start_1:
0x0: {  	(tag) =	ssettag $0x1  }
0x1: {  	s5 =	rddreg [dreg:$0x0]  }
0x2: {  	s1 =	rddreg [dreg:$0x1]  }
0x3: {  	s0 =	rddreg [dreg:$0x2]  }
0x4: {  	s3 =	simm.s32 $0x0;
	s2 =	srdreg.scid;
	s12 =	simm.s32 $0x14000  }
0x5: {  	s13 =	simm.s32 $0x18000;
	s14 =	simm.s32 $0x50;
	s15 =	simm.s32 $0x1C000  }
0x6: {  	s16 =	simm.s32 $0x1;
	[smem:$0x7FF] =	sst s3;
	s6 =	sand.u32 $0x1, s2  }
0x7: {  	s2 =	stileid.u32;
	s4 =	sadd.s32 $0x79A00, s5;
	s7 =	smul.u32 $0x140000, s6  }
0x8: {  	s8 =	sshll.u32 s6, $0xF;
	s9 =	sshll.u32 s2, $0xB;
	s10 =	smul.u32 $0x14000, s2  }
0x9: {  	_ =	strace $0x80000053;
	s6 =	ssub.s32 $0x2, s6;
	s29 =	smul.u32 $0x50000, s2  }
0xa: {  	s17 =	sshll.u32 s2, $0x6;
	s8 =	sor.u32 s9, s8;
	s30 =	sshrl.u32 s6, $0x1  }
0xb: {  	s17 =	sor.u32 $0x1C02, s17;
	s7 =	sadd.s32 s10, s7;
	s8 =	sadd.s32 s8, s5  }
0xc: {  	s10 =	ssub.s32 s6, s30;
	s31 =	sshrl.u32 s29, $0x2;
	s7 =	sshrl.u32 s7, $0x3  }
0xd: {  	s6 =	sadd.s32 $0xB800, s8;
	s9 =	smax.u32 s10, $0x1;
	s10 =	simm.s32 $0x1E800  }
0xe: {  	s11 =	sadd.s32 s7, s5;
	s5 =	sadd.s32 s31, s1;
	s7 =	sadd.s32 $0x1B800, s8  }
0xf: {  	v0 =	vimm.f32 $0.0e+00;
	s8 =	sadd.s32 $0xC7E00, s11;
	s11 =	simm.s32 $0x2;
	s18 =	sshrl.u32 s5, $0x3  }
.LBB2_1:
0x10: {  	s19 =	simm.s32 $0x0;
	s20 =	simm.s32 $0x200  }
.LBB2_2:
0x11: {  	p0 =	sne.s32 s20, $0x1E00;
	[tilespmem:s19+$0x1E870] =	vst v0  }
0x12: {  	[tilespmem:s19+$0x1E800] =	vst v0  }
0x13: {  	[tilespmem:s19+$0x1E810] =	vst v0  }
.Ltmp0:
0x14: {  	[tilespmem:s19+$0x1E820] =	vst v0;
	(pc) =	sbr.rel @p0 .LBB2_2-.Ltmp0, $4  }
0x15: {  	[tilespmem:s19+$0x1E830] =	vst v0  }
0x16: {  	[tilespmem:s19+$0x1E840] =	vst v0  }
0x17: {  	[tilespmem:s19+$0x1E850] =	vst v0  }
0x18: {  	[tilespmem:s19+$0x1E860] =	vst v0;
	s19 =	sshra.s32 s20, $0x2;
	s20 =	sadd.s32 $0x200, s20  }
0x19: {  	[tilespmem:s19+$0x1E870] =	vst v0  }
0x1a: {  	[tilespmem:s19+$0x1E800] =	vst v0  }
0x1b: {  	[tilespmem:s19+$0x1E810] =	vst v0  }
0x1c: {  	[tilespmem:s19+$0x1E820] =	vst v0  }
0x1d: {  	[tilespmem:s19+$0x1E830] =	vst v0  }
0x1e: {  	[tilespmem:s19+$0x1E840] =	vst v0  }
0x1f: {  	[tilespmem:s19+$0x1E850] =	vst v0  }
0x20: {  	[tilespmem:s19+$0x1E860] =	vst v0;
	s31 =	sadd.s32 $0x0, s5  }
0x21: {  	[spmem:s31] =	stream.linear.scatter [tilespmem:s10], [sflag:$0x2], $0x800, $0x38;
	[tilespmem:$0x1F000] =	vst v63  }
0x22: {  	s19 =	simm.s32 $0x2000;
	_ =	swait.ge [sflag:s11], $0x800  }
.LBB2_4:
0x23: {  	s20 =	sshra.s32 s19, $0x2;
	[sflag:s11] =	ssyncset.done $0x0;
	p0 =	sne.s32 s19, $0x4E000  }
.Ltmp1:
0x24: {  	s20 =	sadd.s32 s20, s5;
	[sflag:s11] =	ssyncadd.s32 $0xFFFFF800;
	(pc) =	sbr.rel @p0 .LBB2_4-.Ltmp1, $3  }
0x25: {  	[spmem:s20] =	stream.linear.scatter [tilespmem:s10], [sflag:$0x2], $0x800, $0x38;
	[tilespmem:$0x1F000] =	vst v63  }
0x26: {  	s19 =	sadd.s32 $0x2000, s19;
	_ =	sdelay $0x1  }
0x27: {  	_ =	swait.ge [sflag:s11], $0x800  }
0x28: {  	[sflag:s11] =	ssyncset.done $0x0  }
0x29: {  	s19 =	simm.s32 $0x0;
	[sflag:s11] =	ssyncadd.s32 $0xFFFFF800  }
0x2a: {  	[tilespmem:s12], [sflag:$0x2] =	stream.linear.gather [hbm4b:s6+s19], $0x3E80, $0x38;
	[tilespmem:$0x1F000] =	vst v63  }
0x2b: {  	_ =	swait.ge [sflag:s11], $0x3E80  }
0x2c: {  	[sflag:s11] =	ssyncset.done $0x0  }
0x2d: {  	[sflag:s11] =	ssyncadd.s32 $0xFFFFC180  }
0x2e: {  	[tilespmem:s13], [sflag:$0x2] =	stream.linear.gather [hbm4b:s7+s19], $0x3E80, $0x38;
	[tilespmem:$0x1F000] =	vst v63  }
0x2f: {  	_ =	swait.ge [sflag:s11], $0x3E80  }
0x30: {  	[sflag:s11] =	ssyncset.done $0x0  }
0x31: {  	[sflag:s11] =	ssyncadd.s32 $0xFFFFC180  }
0x32: {  	s30 =	simm.s32 $0x14000;
	[bflag:$0x0] =	sbarrier.arrive $0xFFFF  }
0x33: {  	[tilespmem:s15], [sflag:$0x1] =	stream.indirect.gather [hbm4b:s4+s14], $0x80, s30, s14, $0xb8;
	[tilespmem:$0x1F000] =	vst v63  }
0x34: {  	_ =	swait.ge [sflag:s16], $0x2800  }
0x35: {  	[sflag:s16] =	ssyncset.done $0x0  }
0x36: {  	s31 =	simm.s32 $0x18000;
	[sflag:s16] =	ssyncadd.s32 $0xFFFFD800  }
0x37: {  	[spmem:s1] =	stream.indirect.scatter.add.f32 [tilespmem:s15], [sflag:$0x2], $0x80, s31, s14, $0xb8;
	[tilespmem:$0x1F000] =	vst v63  }
0x38: {  	_ =	swait.ge [sflag:s11], $0x2800  }
0x39: {  	s20 =	simm.s32 $0x400;
	s19 =	simm.s32 $0x80;
	[sflag:s11] =	ssyncset.done $0x0  }
.LBB2_6:
0x3a: {  	s21 =	sadd.s32 $0x14000, s19  }
0x3b: {  	[sflag:s11] =	ssyncadd.s32 $0xFFFFD800;
	s22 =	smov.u32 s20;
	s23 =	sadd.s32 $0x200, s20  }
0x3c: {  	[tilespmem:s15], [sflag:$0x1] =	stream.indirect.gather [hbm4b:s4+s14], $0x80, s21, s14, $0xb8;
	[tilespmem:$0x1F000] =	vst v63  }
0x3d: {  	p0 =	sne.s32 s20, $0xF800;
	_ =	swait.ge [sflag:s16], $0x2800  }
.Ltmp2:
0x3e: {  	[sflag:s16] =	ssyncset.done $0x0;
	(pc) =	sbr.rel @p0 .LBB2_6-.Ltmp2, $4  }
0x3f: {  	s19 =	sadd.s32 $0x18000, s19;
	[sflag:s16] =	ssyncadd.s32 $0xFFFFD800  }
0x40: {  	[spmem:s1] =	stream.indirect.scatter.add.f32 [tilespmem:s15], [sflag:$0x2], $0x80, s19, s14, $0xb8;
	[tilespmem:$0x1F000] =	vst v63  }
0x41: {  	_ =	swait.ge [sflag:s11], $0x2800  }
0x42: {  	s20 =	smov.u32 s23;
	s19 =	sshra.s32 s22, $0x2;
	[sflag:s11] =	ssyncset.done $0x0  }
0x43: {  	s20 =	sadd.s32 $0x14000, s19;
	[sflag:s11] =	ssyncadd.s32 $0xFFFFD800  }
0x44: {  	[tilespmem:s15], [sflag:$0x1] =	stream.indirect.gather [hbm4b:s4+s14], $0x80, s20, s14, $0xb8;
	[tilespmem:$0x1F000] =	vst v63  }
0x45: {  	_ =	swait.ge [sflag:s16], $0x2800  }
0x46: {  	[sflag:s16] =	ssyncset.done $0x0  }
0x47: {  	s31 =	sadd.s32 $0x18000, s19;
	[sflag:s16] =	ssyncadd.s32 $0xFFFFD800  }
0x48: {  	[spmem:s1] =	stream.indirect.scatter.add.f32 [tilespmem:s15], [sflag:$0x2], $0x80, s31, s14, $0xb8;
	[tilespmem:$0x1F000] =	vst v63  }
0x49: {  	_ =	swait.ge [sflag:s11], $0x2800  }
0x4a: {  	s3 =	sadd.s32 $0x1, s3;
	[sflag:s11] =	ssyncset.done $0x0  }
0x4b: {  	p0 =	sne.s32 s3, s9;
	[sflag:s11] =	ssyncadd.s32 $0xFFFFD800  }
.Ltmp3:
0x4c: {  	[bflag:$0x0] =	sbarrier.arrive $0xFFFF;
	(pc) =	sbr.rel @p0 .LBB2_1-.Ltmp3, $4  }
0x4d: {  	[hbm:s8], [sflag:s17] =	dma.local [spmem:s18], $0x2800  }
0x4e: {  	_ =	swait.ge [sflag:s11], $0x2800  }
0x4f: {  	[sflag:s11] =	ssyncset.done $0x0  }
0x50: {  	[sflag:s11] =	ssyncadd.s32 $0xFFFFD800  }
0x51: {  	_ =	sfence.sel $0x180000  }
0x52: {  	[bflag:$0x0] =	sbarrier.arrive $0xFFFF  }
0x53: {  	p0 =	sne.s32 s2, $0x0;
	_ =	strace $0x90000053  }
0x54: {  	s0 =	sadd.s32 @!p0 $0x100000, s0;
	[bflag:$0x2] =	sbarrier.arrive $0xFFFF  }
0x55: {  	[sflag:s0] =	ssyncadd.tile.s32 @!p0 $0x1;
	_ =	shalt  }
.Lfunc_end2:
_tile_overlayer_lowered:
.L_overlay_start_2:
0x56: {  	(tag) =	ssettag $0x2  }
0x57: {  	s0 =	rddreg [dreg:$0x0];
	s2 =	stileid.u32  }
0x58: {  	s1 =	rddreg [dreg:$0x1];
	p0 =	sne.s32 s2, $0x0  }
0x59: {  	s3 =	rddreg [dreg:$0x2];
	[bflag:$0x3] =	sbarrier.arrive $0xFFFF;
	s2 =	simm.s32 @!p0 $0x1C02  }
0x5a: {  	[timem:s3], [sflag:s2] =	dma.local @!p0 [hbm:s0], s1  }
0x5b: {  	s0 =	simm.s32 @!p0 $0x2  }
0x5c: {  	_ =	swait.ge @!p0 [sflag:s0], s1  }
0x5d: {  	s1 =	ssub.s32 @!p0 $0x0, s1;
	[sflag:s0] =	ssyncset.done @!p0 $0x0  }
0x5e: {  	[sflag:s0] =	ssyncadd.s32 @!p0 s1  }
0x5f: {  	[bflag:$0x3] =	sbarrier.arrive $0xFFFF  }
0x60: {  	_ =	shalt  }

// kernel: kernel.46.cloned.1.call-start
scs
__scs_entry_jumppad:
0x0: {  	(pc) =	sbr.rel $0x88, $3  }
0x1: {  	(tag) =	ssettag $0x0;
	lr =	simm.s32 $0x1  }
0x2: {  	[smem:$0x3F75] =	sst lr;
	_ =	strace $0xD0000000  }
0x3: {  	_ = 	snop  }
0x4: {  	_ = 	snop  }
0x5: {  	_ = 	snop  }
0x6: {  	_ = 	snop  }
0x7: {  	_ = 	snop  }
__scs_overlays_trampoline_lowered:
0x8: {  	[smem:$0x3F84] =	sst s0  }
0x9: {  	[smem:$0x3F85] =	sst s1  }
0xa: {  	[smem:$0x3F86] =	sst s2  }
0xb: {  	[smem:$0x3F87] =	sst s3  }
0xc: {  	[smem:$0x3F88] =	sst s4  }
0xd: {  	[smem:$0x3F89] =	sst s5  }
0xe: {  	[smem:$0x3F8A] =	sst s6  }
0xf: {  	[smem:$0x3F8B] =	sst s7  }
0x10: {  	[smem:$0x3F8C] =	sst s8  }
0x11: {  	[smem:$0x3F8D] =	sst s9;
	s0 =	simm.s32 @!p0 $0x0  }
0x12: {  	s1 =	sld [smem:$0x3F73];
	s0 =	simm.s32 @p0 $0x1  }
0x13: {  	[smem:$0x3F8E] =	sst s0;
	s0 =	simm.s32 @!p1 $0x0  }
0x14: {  	s2 =	sld [smem:$0x3F72];
	s0 =	simm.s32 @p1 $0x1  }
0x15: {  	[smem:$0x3F8F] =	sst s0;
	s0 =	simm.s32 @!p2 $0x0  }
0x16: {  	s3 =	sld [smem:$0x3FDB];
	s0 =	simm.s32 @p2 $0x1  }
0x17: {  	s4 =	simm.s32 $0x1BF5;
	[smem:$0x3F91] =	sst s0  }
0x18: {  	s0 =	sld [smem:$0x3F74];
	_ =	swait.ge [sflag:s4], $0x0  }
0x19: {  	s7 =	sld [smem:$0x3F75]  }
0x1a: {  	s8 =	sadd.s32 $0xFFFFE003, lr  }
0x1b: {  	s9 =	sadd.s32 $0xFFFFFEF7, lr;
	s5 =	simm.s32 $0xFFFFFFFF;
	p2 =	slt.u32 s8, $0xFFFFF086  }
0x1c: {  	p1 =	slt.u32 s9, $0xF7A;
	s5 =	simm.s32 @!p2 $0x0  }
0x1d: {  	s5 =	simm.s32 @p1 $0x1;
	p0 =	seq.s32 s7, s2  }
0x1e: {  	s7 =	smul.u32 @!p0 $0xF7A, s2;
	p2 =	seq.s32 @!p0 s5, $0x0  }
0x1f: {  	s9 =	smul.u32 $0xF7A, s1;
	s8 =	simm.s32 @!p0 $0x1BF5;
	p2 =	por !p2, p0  }
0x20: {  	[sflag:s8] =	ssyncset.s32 @!p0 $0xFFFFF086;
	s6 =	sadd.s32 @!p0 s3, s7;
	s7 =	simm.s32 @!p0 $0x108  }
0x21: {  	s3 =	sadd.s32 s3, s9;
	s6 =	sadd.s32 @!p0 $0x88, s6;
	s7 =	simm.s32 @p2 $0x1082  }
0x22: {  	[simem:s7], [sflag:s8] =	dma.local @!p0 [hbm:s6], $0xF7A  }
0x23: {  	s9 =	sor.u32 $0xD0000000, s2;
	s6 =	simm.s32 $0x108;
	_ =	swait.ge @!p0 [sflag:s8], $0x0  }
0x24: {  	s3 =	sadd.s32 $0x88, s3;
	s6 =	simm.s32 @!p1 $0x1082;
	[sflag:s4] =	ssyncset.s32 $0xFFFFF086  }
0x25: {  	[simem:s6], [sflag:s4] =	dma.local [hbm:s3], $0xF7A  }
0x26: {  	[smem:$0x3F75] =	sst s1;
	(tag) =	ssettag s2;
	_ =	strace s9  }
0x27: {  	s1 =	sld [smem:$0x3F85]  }
0x28: {  	s2 =	sld [smem:$0x3F86]  }
0x29: {  	s4 =	sld [smem:$0x3F88]  }
0x2a: {  	p0 =	seq.s32 s5, $0x0;
	s5 =	sld [smem:$0x3F89]  }
0x2b: {  	s6 =	sld [smem:$0x3F8A]  }
0x2c: {  	s7 =	sld [smem:$0x3F8B]  }
0x2d: {  	s3 =	simm.s32 $0x108;
	s8 =	sld [smem:$0x3F8C]  }
0x2e: {  	s3 =	simm.s32 @!p0 $0x1082;
	s9 =	sld [smem:$0x3F8D]  }
0x2f: {  	lr =	sadd.s32 s0, s3;
	s0 =	sld [smem:$0x3F84]  }
0x30: {  	s3 =	sld [smem:$0x3F87]  }
0x31: {  	[smem:$0x3F90] =	sst s10  }
0x32: {  	s10 =	sld [smem:$0x3F8E];
	_ =	sdelay $0x3  }
0x33: {  	p0 =	seq.s32 s10, $0x1;
	s10 =	sld [smem:$0x3F90];
	_ =	sdelay $0x3  }
0x34: {  	[smem:$0x3F90] =	sst s10  }
0x35: {  	s10 =	sld [smem:$0x3F8F];
	_ =	sdelay $0x3  }
0x36: {  	p1 =	seq.s32 s10, $0x1;
	s10 =	sld [smem:$0x3F90];
	_ =	sdelay $0x3  }
0x37: {  	[smem:$0x3F90] =	sst s10  }
0x38: {  	s10 =	sld [smem:$0x3F91]  }
0x39: {  	_ = 	snop;
	(pc) =	sbr.ind lr, $3  }
0x3a: {  	_ = 	snop  }
0x3b: {  	_ = 	snop  }
0x3c: {  	p2 =	seq.s32 s10, $0x1;
	s10 =	sld [smem:$0x3F90]  }
0x3d: {  	_ =	shalt  }
0x3e: {  	_ =	shalt  }
0x3f: {  	_ =	shalt  }
0x40: {  	_ =	shalt  }
0x41: {  	_ =	shalt  }
0x42: {  	_ =	shalt  }
0x43: {  	_ =	shalt  }
0x44: {  	_ =	shalt  }
0x45: {  	_ =	shalt  }
0x46: {  	_ =	shalt  }
0x47: {  	_ =	shalt  }
0x48: {  	_ =	shalt  }
0x49: {  	_ =	shalt  }
0x4a: {  	_ =	shalt  }
0x4b: {  	_ =	shalt  }
0x4c: {  	_ =	shalt  }
0x4d: {  	_ =	shalt  }
0x4e: {  	_ =	shalt  }
0x4f: {  	_ =	shalt  }
0x50: {  	_ =	shalt  }
0x51: {  	_ =	shalt  }
0x52: {  	_ =	shalt  }
0x53: {  	_ =	shalt  }
0x54: {  	_ =	shalt  }
0x55: {  	_ =	shalt  }
0x56: {  	_ =	shalt  }
0x57: {  	_ =	shalt  }
0x58: {  	_ =	shalt  }
0x59: {  	_ =	shalt  }
0x5a: {  	_ =	shalt  }
0x5b: {  	_ =	shalt  }
0x5c: {  	_ =	shalt  }
0x5d: {  	_ =	shalt  }
0x5e: {  	_ =	shalt  }
0x5f: {  	_ =	shalt  }
0x60: {  	_ =	shalt  }
0x61: {  	_ =	shalt  }
0x62: {  	_ =	shalt  }
0x63: {  	_ =	shalt  }
0x64: {  	_ =	shalt  }
0x65: {  	_ =	shalt  }
0x66: {  	_ =	shalt  }
0x67: {  	_ =	shalt  }
0x68: {  	_ =	shalt  }
0x69: {  	_ =	shalt  }
0x6a: {  	_ =	shalt  }
0x6b: {  	_ =	shalt  }
0x6c: {  	_ =	shalt  }
0x6d: {  	_ =	shalt  }
0x6e: {  	_ =	shalt  }
0x6f: {  	_ =	shalt  }
0x70: {  	_ =	shalt  }
0x71: {  	_ =	shalt  }
0x72: {  	_ =	shalt  }
0x73: {  	_ =	shalt  }
0x74: {  	_ =	shalt  }
0x75: {  	_ =	shalt  }
0x76: {  	_ =	shalt  }
0x77: {  	_ =	shalt  }
0x78: {  	_ =	shalt  }
0x79: {  	_ =	shalt  }
0x7a: {  	_ =	shalt  }
0x7b: {  	_ =	shalt  }
0x7c: {  	_ =	shalt  }
0x7d: {  	_ =	shalt  }
0x7e: {  	_ =	shalt  }
0x7f: {  	_ =	shalt  }
0x80: {  	_ =	shalt  }
0x81: {  	_ =	shalt  }
0x82: {  	_ =	shalt  }
0x83: {  	_ =	shalt  }
0x84: {  	_ =	shalt  }
0x85: {  	_ =	shalt  }
0x86: {  	_ =	shalt  }
0x87: {  	_ =	shalt  }
.Lfunc_end0:
.L_simem_size_0:
called_computation.6_lowered:
.L_overlay_start_0:
0x88: {  	s2 =	sld [smem:$0x3FD9]  }
0x89: {  	s3 =	sld [smem:$0x3FFE];
	_ =	sdelay $0x1  }
0x8a: {  	s1 =	srdreg.scid  }
0x8b: {  	s0 =	sand.u32 $0x1, s1  }
0x8c: {  	s17 =	sshll.u32 s0, $0xA;
	s2 =	sadd.s32 s3, s2  }
0x8d: {  	s2 =	sadd.s32 s2, s17  }
0x8e: {  	[smem:$0x3F9C] =	sst s2  }
0x8f: {  	_ = 	snop  }
0x90: {  	(tm) =	ssettm $0x1  }
0x91: {  	s18 =	sld [smem:$0x3FFB];
	_ =	sdelay $0x3  }
0x92: {  	_ =	strace s18  }
0x93: {  	s2 =	sld [smem:$0x3FFC];
	_ =	sdelay $0x3  }
0x94: {  	_ =	strace s2  }
0x95: {  	s2 =	sld [smem:$0x3FFD];
	_ =	sdelay $0x3  }
0x96: {  	_ =	strace s2  }
0x97: {  	_ =	strace $0x8FFFFFFF  }
0x98: {  	s19 =	sld [smem:$0x3FDB];
	_ =	sdelay $0x1  }
0x99: {  	s20 =	simm.s32 $_scs_section_size  }
0x9a: {  	s4 =	simm.s32 $_size__tile_overlayer_lowered;
	s5 =	simm.s32 $_tile_overlayer_lowered  }
0x9b: {  	s6 =	simm.s32 $0x1BFF;
	s21 =	sshll.u32 s5, $0x1;
	s3 =	sadd.s32 s20, s19  }
0x9c: {  	s22 =	simm.s32 $0x0;
	s4 =	sshll.u32 s4, $0x1;
	s5 =	sadd.s32 s21, s3  }
0x9d: {  	[timem:s22], [sflag:s6] =	dma.local [hbm:s5], s4  }
0x9e: {  	_ =	swait.ge [sflag:s6], s4  }
0x9f: {  	s4 =	ssub.s32 $0x0, s4;
	[sflag:s6] =	ssyncset.done $0x0  }
0xa0: {  	[sflag:s6] =	ssyncadd.s32 s4;
	_ =	sdelay $0x1  }
0xa1: {  	s23 =	simm.s32 $0x1B8B  }
0xa2: {  	_ =	swait.ge [sflag:s23], $0x1  }
0xa3: {  	[sflag:s23] =	ssyncset.done $0x0  }
0xa4: {  	[sflag:s23] =	ssyncadd.s32 $0xFFFFFFFF  }
0xa5: {  	s4 =	sld [smem:$0x0]  }
0xa6: {  	s5 =	sand.u32 $0xFFFFFFFE, s1  }
0xa7: {  	p0 =	sne.s32 s1, s5  }
0xa8: {  	s5 =	sshll.u32 @p0 s5, $0xE  }
0xa9: {  	s5 =	sadd.s32 @p0 $0x11B8D, s5;
	s6 =	sshll.u32 @p0 s4, $0x11  }
0xaa: {  	s5 =	sor.u32 @p0 s6, s5  }
0xab: {  	[sflag:s5] =	ssyncadd.remote.s32 @p0 $0x1;
	_ =	sdelay $0x1  }
0xac: {  	s5 =	simm.s32 @p0 $0x1B8D  }
0xad: {  	_ =	swait.eq @p0 [sflag:s5], $0x1  }
0xae: {  	[sflag:s5] =	ssyncadd.s32 @p0 $0xFFFFFFFF  }
0xaf: {  	s6 =	sshll.u32 @!p0 s1, $0xE  }
0xb0: {  	s6 =	sor.u32 @!p0 $0x4000, s6;
	s5 =	simm.s32 @!p0 $0x1B8D  }
0xb1: {  	s4 =	sshll.u32 @!p0 s4, $0x11;
	s6 =	sadd.s32 @!p0 $0x11B8D, s6;
	_ =	swait.eq @!p0 [sflag:s5], $0x1  }
0xb2: {  	s4 =	sor.u32 @!p0 s4, s6;
	[sflag:s5] =	ssyncadd.s32 @!p0 $0xFFFFFFFF  }
0xb3: {  	s25 =	simm.s32 $0x1B8E;
	s24 =	sld [smem:$0x3FFE];
	[sflag:s4] =	ssyncadd.remote.s32 @!p0 $0x1  }
0xb4: {  	s26 =	simm.s32 $execute0_lowered;
	[smem:$0x3FD2] =	sst s25  }
0xb5: {  	s5 =	sshll.u32 s26, $0x1;
	_ =	strace $0x80000055;
	[dreg:$0x1] =	wrdreg $0xFFFFFFFF  }
0xb6: {  	s28 =	simm.s32 $_size_execute0_lowered;
	s3 =	sadd.s32 s3, s5;
	[dreg:$0x0] =	wrdreg $0x0  }
0xb7: {  	s5 =	sshll.u32 s28, $0x1;
	[dreg:$0x2] =	wrdreg s3  }
0xb8: {  	[dreg:$0x3] =	wrdreg s5  }
0xb9: {  	[dreg:$0x4] =	wrdreg $0xC0  }
0xba: {  	_ =	task [dreg:s22], $0x5FFFF  }
0xbb: {  	[dreg:$0x1] =	wrdreg $0xFFFFFFFF  }
0xbc: {  	[dreg:$0x0] =	wrdreg $0x60  }
0xbd: {  	[dreg:$0x2] =	wrdreg s24  }
0xbe: {  	[dreg:$0x3] =	wrdreg $0x0  }
0xbf: {  	[dreg:$0x4] =	wrdreg $0xB  }
0xc0: {  	_ =	task.clear_ibuf [dreg:s22], $0x5FFFF;
	_ =	strace $0x90000055  }
0xc1: {  	s29 =	simm.s32 $0xB;
	_ =	strace $0x80000057  }
0xc2: {  	_ =	swait.ge [sflag:s29], $0x1  }
0xc3: {  	[sflag:s29] =	ssyncadd.s32 $0xFFFFFFFF  }
0xc4: {  	_ =	strace $0x90000057  }
0xc5: {  	_ =	sfence  }
0xc6: {  	s30 =	sld [smem:$0x0];
	_ =	sdelay $0x2  }
0xc7: {  	s31 =	sshll.u32 s1, $0xD;
	s1 =	sshrl.u32 s1, $0x2  }
0xc8: {  	s4 =	sand.u32 $0x4000, s31;
	s1 =	sadd.s32 s1, s30  }
0xc9: {  	s0 =	sor.u32 s4, s0;
	s1 =	sshll.u32 s1, $0x11  }
0xca: {  	s0 =	sor.u32 s1, s0  }
0xcb: {  	s0 =	sadd.s32 $0x8F2B, s0  }
0xcc: {  	[sflag:s0] =	ssyncadd.remote.s32 $0x1  }
0xcd: {  	_ =	sfence.sel $0xFFFF  }
0xce: {  	[dreg:$0x0] =	wrdreg $0xFFFFFFFF;
	(pc) =	sbr.abs _section_cstart, $3  }
0xcf: {  	[dreg:$0x1] =	wrdreg $0xFFFFFFFF  }
0xd0: {  	_ =	task.clear_ibuf [dreg:s22], $0x2FFFF;
	_ =	strace $0x9FFFFFFF  }
0xd1: {  	(tm) =	ssettm $0x7FFFFFFF  }
tec
execute0_lowered:
.L_overlay_start_1:
0x0: {  	(tag) =	ssettag $0x1  }
0x1: {  	s5 =	rddreg [dreg:$0x0]  }
0x2: {  	s1 =	rddreg [dreg:$0x1]  }
0x3: {  	s0 =	rddreg [dreg:$0x2]  }
0x4: {  	s3 =	simm.s32 $0x0;
	s2 =	srdreg.scid;
	s12 =	simm.s32 $0x14000  }
0x5: {  	s13 =	simm.s32 $0x18000;
	s14 =	simm.s32 $0x50;
	s15 =	simm.s32 $0x1C000  }
0x6: {  	s16 =	simm.s32 $0x1;
	[smem:$0x7FF] =	sst s3;
	s6 =	sand.u32 $0x1, s2  }
0x7: {  	s2 =	stileid.u32;
	s4 =	sadd.s32 $0xA0C00, s5;
	s7 =	smul.u32 $0x140000, s6  }
0x8: {  	s8 =	sshll.u32 s6, $0xF;
	s9 =	sshll.u32 s2, $0xB;
	s10 =	smul.u32 $0x14000, s2  }
0x9: {  	_ =	strace $0x80000056;
	s6 =	ssub.s32 $0x2, s6;
	s29 =	smul.u32 $0x50000, s2  }
0xa: {  	s17 =	sshll.u32 s2, $0x6;
	s8 =	sor.u32 s9, s8;
	s30 =	sshrl.u32 s6, $0x1  }
0xb: {  	s17 =	sor.u32 $0x1C02, s17;
	s7 =	sadd.s32 s10, s7;
	s8 =	sadd.s32 s8, s5  }
0xc: {  	s10 =	ssub.s32 s6, s30;
	s31 =	sshrl.u32 s29, $0x2;
	s7 =	sshrl.u32 s7, $0x3  }
0xd: {  	s6 =	sadd.s32 $0xB800, s8;
	s9 =	smax.u32 s10, $0x1;
	s10 =	simm.s32 $0x1E800  }
0xe: {  	s11 =	sadd.s32 s7, s5;
	s5 =	sadd.s32 s31, s1;
	s7 =	sadd.s32 $0x1B800, s8  }
0xf: {  	v0 =	vimm.f32 $0.0e+00;
	s8 =	sadd.s32 $0x117E00, s11;
	s11 =	simm.s32 $0x2;
	s18 =	sshrl.u32 s5, $0x3  }
.LBB2_1:
0x10: {  	s19 =	simm.s32 $0x0;
	s20 =	simm.s32 $0x200  }
.LBB2_2:
0x11: {  	p0 =	sne.s32 s20, $0x1E00;
	[tilespmem:s19+$0x1E870] =	vst v0  }
0x12: {  	[tilespmem:s19+$0x1E800] =	vst v0  }
0x13: {  	[tilespmem:s19+$0x1E810] =	vst v0  }
.Ltmp0:
0x14: {  	[tilespmem:s19+$0x1E820] =	vst v0;
	(pc) =	sbr.rel @p0 .LBB2_2-.Ltmp0, $4  }
0x15: {  	[tilespmem:s19+$0x1E830] =	vst v0  }
0x16: {  	[tilespmem:s19+$0x1E840] =	vst v0  }
0x17: {  	[tilespmem:s19+$0x1E850] =	vst v0  }
0x18: {  	[tilespmem:s19+$0x1E860] =	vst v0;
	s19 =	sshra.s32 s20, $0x2;
	s20 =	sadd.s32 $0x200, s20  }
0x19: {  	[tilespmem:s19+$0x1E870] =	vst v0  }
0x1a: {  	[tilespmem:s19+$0x1E800] =	vst v0  }
0x1b: {  	[tilespmem:s19+$0x1E810] =	vst v0  }
0x1c: {  	[tilespmem:s19+$0x1E820] =	vst v0  }
0x1d: {  	[tilespmem:s19+$0x1E830] =	vst v0  }
0x1e: {  	[tilespmem:s19+$0x1E840] =	vst v0  }
0x1f: {  	[tilespmem:s19+$0x1E850] =	vst v0  }
0x20: {  	[tilespmem:s19+$0x1E860] =	vst v0;
	s31 =	sadd.s32 $0x0, s5  }
0x21: {  	[spmem:s31] =	stream.linear.scatter [tilespmem:s10], [sflag:$0x2], $0x800, $0x38;
	[tilespmem:$0x1F000] =	vst v63  }
0x22: {  	s19 =	simm.s32 $0x2000;
	_ =	swait.ge [sflag:s11], $0x800  }
.LBB2_4:
0x23: {  	s20 =	sshra.s32 s19, $0x2;
	[sflag:s11] =	ssyncset.done $0x0;
	p0 =	sne.s32 s19, $0x4E000  }
.Ltmp1:
0x24: {  	s20 =	sadd.s32 s20, s5;
	[sflag:s11] =	ssyncadd.s32 $0xFFFFF800;
	(pc) =	sbr.rel @p0 .LBB2_4-.Ltmp1, $3  }
0x25: {  	[spmem:s20] =	stream.linear.scatter [tilespmem:s10], [sflag:$0x2], $0x800, $0x38;
	[tilespmem:$0x1F000] =	vst v63  }
0x26: {  	s19 =	sadd.s32 $0x2000, s19;
	_ =	sdelay $0x1  }
0x27: {  	_ =	swait.ge [sflag:s11], $0x800  }
0x28: {  	[sflag:s11] =	ssyncset.done $0x0  }
0x29: {  	s19 =	simm.s32 $0x0;
	[sflag:s11] =	ssyncadd.s32 $0xFFFFF800  }
0x2a: {  	[tilespmem:s12], [sflag:$0x2] =	stream.linear.gather [hbm4b:s6+s19], $0x3E80, $0x38;
	[tilespmem:$0x1F000] =	vst v63  }
0x2b: {  	_ =	swait.ge [sflag:s11], $0x3E80  }
0x2c: {  	[sflag:s11] =	ssyncset.done $0x0  }
0x2d: {  	[sflag:s11] =	ssyncadd.s32 $0xFFFFC180  }
0x2e: {  	[tilespmem:s13], [sflag:$0x2] =	stream.linear.gather [hbm4b:s7+s19], $0x3E80, $0x38;
	[tilespmem:$0x1F000] =	vst v63  }
0x2f: {  	_ =	swait.ge [sflag:s11], $0x3E80  }
0x30: {  	[sflag:s11] =	ssyncset.done $0x0  }
0x31: {  	[sflag:s11] =	ssyncadd.s32 $0xFFFFC180  }
0x32: {  	s30 =	simm.s32 $0x14000;
	[bflag:$0x0] =	sbarrier.arrive $0xFFFF  }
0x33: {  	[tilespmem:s15], [sflag:$0x1] =	stream.indirect.gather [hbm4b:s4+s14], $0x80, s30, s14, $0xb8;
	[tilespmem:$0x1F000] =	vst v63  }
0x34: {  	_ =	swait.ge [sflag:s16], $0x2800  }
0x35: {  	[sflag:s16] =	ssyncset.done $0x0  }
0x36: {  	s31 =	simm.s32 $0x18000;
	[sflag:s16] =	ssyncadd.s32 $0xFFFFD800  }
0x37: {  	[spmem:s1] =	stream.indirect.scatter.add.f32 [tilespmem:s15], [sflag:$0x2], $0x80, s31, s14, $0xb8;
	[tilespmem:$0x1F000] =	vst v63  }
0x38: {  	_ =	swait.ge [sflag:s11], $0x2800  }
0x39: {  	s20 =	simm.s32 $0x400;
	s19 =	simm.s32 $0x80;
	[sflag:s11] =	ssyncset.done $0x0  }
.LBB2_6:
0x3a: {  	s21 =	sadd.s32 $0x14000, s19  }
0x3b: {  	[sflag:s11] =	ssyncadd.s32 $0xFFFFD800;
	s22 =	smov.u32 s20;
	s23 =	sadd.s32 $0x200, s20  }
0x3c: {  	[tilespmem:s15], [sflag:$0x1] =	stream.indirect.gather [hbm4b:s4+s14], $0x80, s21, s14, $0xb8;
	[tilespmem:$0x1F000] =	vst v63  }
0x3d: {  	p0 =	sne.s32 s20, $0xF800;
	_ =	swait.ge [sflag:s16], $0x2800  }
.Ltmp2:
0x3e: {  	[sflag:s16] =	ssyncset.done $0x0;
	(pc) =	sbr.rel @p0 .LBB2_6-.Ltmp2, $4  }
0x3f: {  	s19 =	sadd.s32 $0x18000, s19;
	[sflag:s16] =	ssyncadd.s32 $0xFFFFD800  }
0x40: {  	[spmem:s1] =	stream.indirect.scatter.add.f32 [tilespmem:s15], [sflag:$0x2], $0x80, s19, s14, $0xb8;
	[tilespmem:$0x1F000] =	vst v63  }
0x41: {  	_ =	swait.ge [sflag:s11], $0x2800  }
0x42: {  	s20 =	smov.u32 s23;
	s19 =	sshra.s32 s22, $0x2;
	[sflag:s11] =	ssyncset.done $0x0  }
0x43: {  	s20 =	sadd.s32 $0x14000, s19;
	[sflag:s11] =	ssyncadd.s32 $0xFFFFD800  }
0x44: {  	[tilespmem:s15], [sflag:$0x1] =	stream.indirect.gather [hbm4b:s4+s14], $0x80, s20, s14, $0xb8;
	[tilespmem:$0x1F000] =	vst v63  }
0x45: {  	_ =	swait.ge [sflag:s16], $0x2800  }
0x46: {  	[sflag:s16] =	ssyncset.done $0x0  }
0x47: {  	s31 =	sadd.s32 $0x18000, s19;
	[sflag:s16] =	ssyncadd.s32 $0xFFFFD800  }
0x48: {  	[spmem:s1] =	stream.indirect.scatter.add.f32 [tilespmem:s15], [sflag:$0x2], $0x80, s31, s14, $0xb8;
	[tilespmem:$0x1F000] =	vst v63  }
0x49: {  	_ =	swait.ge [sflag:s11], $0x2800  }
0x4a: {  	s3 =	sadd.s32 $0x1, s3;
	[sflag:s11] =	ssyncset.done $0x0  }
0x4b: {  	p0 =	sne.s32 s3, s9;
	[sflag:s11] =	ssyncadd.s32 $0xFFFFD800  }
.Ltmp3:
0x4c: {  	[bflag:$0x0] =	sbarrier.arrive $0xFFFF;
	(pc) =	sbr.rel @p0 .LBB2_1-.Ltmp3, $4  }
0x4d: {  	[hbm:s8], [sflag:s17] =	dma.local [spmem:s18], $0x2800  }
0x4e: {  	_ =	swait.ge [sflag:s11], $0x2800  }
0x4f: {  	[sflag:s11] =	ssyncset.done $0x0  }
0x50: {  	[sflag:s11] =	ssyncadd.s32 $0xFFFFD800  }
0x51: {  	_ =	sfence.sel $0x180000  }
0x52: {  	[bflag:$0x0] =	sbarrier.arrive $0xFFFF  }
0x53: {  	p0 =	sne.s32 s2, $0x0;
	_ =	strace $0x90000056  }
0x54: {  	s0 =	sadd.s32 @!p0 $0x100000, s0;
	[bflag:$0x2] =	sbarrier.arrive $0xFFFF  }
0x55: {  	[sflag:s0] =	ssyncadd.tile.s32 @!p0 $0x1;
	_ =	shalt  }
.Lfunc_end2:
_tile_overlayer_lowered:
.L_overlay_start_2:
0x56: {  	(tag) =	ssettag $0x2  }
0x57: {  	s0 =	rddreg [dreg:$0x0];
	s2 =	stileid.u32  }
0x58: {  	s1 =	rddreg [dreg:$0x1];
	p0 =	sne.s32 s2, $0x0  }
0x59: {  	s3 =	rddreg [dreg:$0x2];
	[bflag:$0x3] =	sbarrier.arrive $0xFFFF;
	s2 =	simm.s32 @!p0 $0x1C02  }
0x5a: {  	[timem:s3], [sflag:s2] =	dma.local @!p0 [hbm:s0], s1  }
0x5b: {  	s0 =	simm.s32 @!p0 $0x2  }
0x5c: {  	_ =	swait.ge @!p0 [sflag:s0], s1  }
0x5d: {  	s1 =	ssub.s32 @!p0 $0x0, s1;
	[sflag:s0] =	ssyncset.done @!p0 $0x0  }
0x5e: {  	[sflag:s0] =	ssyncadd.s32 @!p0 s1  }
0x5f: {  	[bflag:$0x3] =	sbarrier.arrive $0xFFFF  }
0x60: {  	_ =	shalt  }

// kernel: kernel.49.cloned.1.call-start
scs
__scs_entry_jumppad:
0x0: {  	(pc) =	sbr.rel $0x88, $3  }
0x1: {  	(tag) =	ssettag $0x0;
	lr =	simm.s32 $0x1  }
0x2: {  	[smem:$0x3F75] =	sst lr;
	_ =	strace $0xD0000000  }
0x3: {  	_ = 	snop  }
0x4: {  	_ = 	snop  }
0x5: {  	_ = 	snop  }
0x6: {  	_ = 	snop  }
0x7: {  	_ = 	snop  }
__scs_overlays_trampoline_lowered:
0x8: {  	[smem:$0x3F84] =	sst s0  }
0x9: {  	[smem:$0x3F85] =	sst s1  }
0xa: {  	[smem:$0x3F86] =	sst s2  }
0xb: {  	[smem:$0x3F87] =	sst s3  }
0xc: {  	[smem:$0x3F88] =	sst s4  }
0xd: {  	[smem:$0x3F89] =	sst s5  }
0xe: {  	[smem:$0x3F8A] =	sst s6  }
0xf: {  	[smem:$0x3F8B] =	sst s7  }
0x10: {  	[smem:$0x3F8C] =	sst s8  }
0x11: {  	[smem:$0x3F8D] =	sst s9;
	s0 =	simm.s32 @!p0 $0x0  }
0x12: {  	s1 =	sld [smem:$0x3F73];
	s0 =	simm.s32 @p0 $0x1  }
0x13: {  	[smem:$0x3F8E] =	sst s0;
	s0 =	simm.s32 @!p1 $0x0  }
0x14: {  	s2 =	sld [smem:$0x3F72];
	s0 =	simm.s32 @p1 $0x1  }
0x15: {  	[smem:$0x3F8F] =	sst s0;
	s0 =	simm.s32 @!p2 $0x0  }
0x16: {  	s3 =	sld [smem:$0x3FDB];
	s0 =	simm.s32 @p2 $0x1  }
0x17: {  	s4 =	simm.s32 $0x1BF5;
	[smem:$0x3F91] =	sst s0  }
0x18: {  	s0 =	sld [smem:$0x3F74];
	_ =	swait.ge [sflag:s4], $0x0  }
0x19: {  	s7 =	sld [smem:$0x3F75]  }
0x1a: {  	s8 =	sadd.s32 $0xFFFFE003, lr  }
0x1b: {  	s9 =	sadd.s32 $0xFFFFFEF7, lr;
	s5 =	simm.s32 $0xFFFFFFFF;
	p2 =	slt.u32 s8, $0xFFFFF086  }
0x1c: {  	p1 =	slt.u32 s9, $0xF7A;
	s5 =	simm.s32 @!p2 $0x0  }
0x1d: {  	s5 =	simm.s32 @p1 $0x1;
	p0 =	seq.s32 s7, s2  }
0x1e: {  	s7 =	smul.u32 @!p0 $0xF7A, s2;
	p2 =	seq.s32 @!p0 s5, $0x0  }
0x1f: {  	s9 =	smul.u32 $0xF7A, s1;
	s8 =	simm.s32 @!p0 $0x1BF5;
	p2 =	por !p2, p0  }
0x20: {  	[sflag:s8] =	ssyncset.s32 @!p0 $0xFFFFF086;
	s6 =	sadd.s32 @!p0 s3, s7;
	s7 =	simm.s32 @!p0 $0x108  }
0x21: {  	s3 =	sadd.s32 s3, s9;
	s6 =	sadd.s32 @!p0 $0x88, s6;
	s7 =	simm.s32 @p2 $0x1082  }
0x22: {  	[simem:s7], [sflag:s8] =	dma.local @!p0 [hbm:s6], $0xF7A  }
0x23: {  	s9 =	sor.u32 $0xD0000000, s2;
	s6 =	simm.s32 $0x108;
	_ =	swait.ge @!p0 [sflag:s8], $0x0  }
0x24: {  	s3 =	sadd.s32 $0x88, s3;
	s6 =	simm.s32 @!p1 $0x1082;
	[sflag:s4] =	ssyncset.s32 $0xFFFFF086  }
0x25: {  	[simem:s6], [sflag:s4] =	dma.local [hbm:s3], $0xF7A  }
0x26: {  	[smem:$0x3F75] =	sst s1;
	(tag) =	ssettag s2;
	_ =	strace s9  }
0x27: {  	s1 =	sld [smem:$0x3F85]  }
0x28: {  	s2 =	sld [smem:$0x3F86]  }
0x29: {  	s4 =	sld [smem:$0x3F88]  }
0x2a: {  	p0 =	seq.s32 s5, $0x0;
	s5 =	sld [smem:$0x3F89]  }
0x2b: {  	s6 =	sld [smem:$0x3F8A]  }
0x2c: {  	s7 =	sld [smem:$0x3F8B]  }
0x2d: {  	s3 =	simm.s32 $0x108;
	s8 =	sld [smem:$0x3F8C]  }
0x2e: {  	s3 =	simm.s32 @!p0 $0x1082;
	s9 =	sld [smem:$0x3F8D]  }
0x2f: {  	lr =	sadd.s32 s0, s3;
	s0 =	sld [smem:$0x3F84]  }
0x30: {  	s3 =	sld [smem:$0x3F87]  }
0x31: {  	[smem:$0x3F90] =	sst s10  }
0x32: {  	s10 =	sld [smem:$0x3F8E];
	_ =	sdelay $0x3  }
0x33: {  	p0 =	seq.s32 s10, $0x1;
	s10 =	sld [smem:$0x3F90];
	_ =	sdelay $0x3  }
0x34: {  	[smem:$0x3F90] =	sst s10  }
0x35: {  	s10 =	sld [smem:$0x3F8F];
	_ =	sdelay $0x3  }
0x36: {  	p1 =	seq.s32 s10, $0x1;
	s10 =	sld [smem:$0x3F90];
	_ =	sdelay $0x3  }
0x37: {  	[smem:$0x3F90] =	sst s10  }
0x38: {  	s10 =	sld [smem:$0x3F91]  }
0x39: {  	_ = 	snop;
	(pc) =	sbr.ind lr, $3  }
0x3a: {  	_ = 	snop  }
0x3b: {  	_ = 	snop  }
0x3c: {  	p2 =	seq.s32 s10, $0x1;
	s10 =	sld [smem:$0x3F90]  }
0x3d: {  	_ =	shalt  }
0x3e: {  	_ =	shalt  }
0x3f: {  	_ =	shalt  }
0x40: {  	_ =	shalt  }
0x41: {  	_ =	shalt  }
0x42: {  	_ =	shalt  }
0x43: {  	_ =	shalt  }
0x44: {  	_ =	shalt  }
0x45: {  	_ =	shalt  }
0x46: {  	_ =	shalt  }
0x47: {  	_ =	shalt  }
0x48: {  	_ =	shalt  }
0x49: {  	_ =	shalt  }
0x4a: {  	_ =	shalt  }
0x4b: {  	_ =	shalt  }
0x4c: {  	_ =	shalt  }
0x4d: {  	_ =	shalt  }
0x4e: {  	_ =	shalt  }
0x4f: {  	_ =	shalt  }
0x50: {  	_ =	shalt  }
0x51: {  	_ =	shalt  }
0x52: {  	_ =	shalt  }
0x53: {  	_ =	shalt  }
0x54: {  	_ =	shalt  }
0x55: {  	_ =	shalt  }
0x56: {  	_ =	shalt  }
0x57: {  	_ =	shalt  }
0x58: {  	_ =	shalt  }
0x59: {  	_ =	shalt  }
0x5a: {  	_ =	shalt  }
0x5b: {  	_ =	shalt  }
0x5c: {  	_ =	shalt  }
0x5d: {  	_ =	shalt  }
0x5e: {  	_ =	shalt  }
0x5f: {  	_ =	shalt  }
0x60: {  	_ =	shalt  }
0x61: {  	_ =	shalt  }
0x62: {  	_ =	shalt  }
0x63: {  	_ =	shalt  }
0x64: {  	_ =	shalt  }
0x65: {  	_ =	shalt  }
0x66: {  	_ =	shalt  }
0x67: {  	_ =	shalt  }
0x68: {  	_ =	shalt  }
0x69: {  	_ =	shalt  }
0x6a: {  	_ =	shalt  }
0x6b: {  	_ =	shalt  }
0x6c: {  	_ =	shalt  }
0x6d: {  	_ =	shalt  }
0x6e: {  	_ =	shalt  }
0x6f: {  	_ =	shalt  }
0x70: {  	_ =	shalt  }
0x71: {  	_ =	shalt  }
0x72: {  	_ =	shalt  }
0x73: {  	_ =	shalt  }
0x74: {  	_ =	shalt  }
0x75: {  	_ =	shalt  }
0x76: {  	_ =	shalt  }
0x77: {  	_ =	shalt  }
0x78: {  	_ =	shalt  }
0x79: {  	_ =	shalt  }
0x7a: {  	_ =	shalt  }
0x7b: {  	_ =	shalt  }
0x7c: {  	_ =	shalt  }
0x7d: {  	_ =	shalt  }
0x7e: {  	_ =	shalt  }
0x7f: {  	_ =	shalt  }
0x80: {  	_ =	shalt  }
0x81: {  	_ =	shalt  }
0x82: {  	_ =	shalt  }
0x83: {  	_ =	shalt  }
0x84: {  	_ =	shalt  }
0x85: {  	_ =	shalt  }
0x86: {  	_ =	shalt  }
0x87: {  	_ =	shalt  }
.Lfunc_end0:
.L_simem_size_0:
called_computation.7_lowered:
.L_overlay_start_0:
0x88: {  	s2 =	sld [smem:$0x3FD9]  }
0x89: {  	s3 =	sld [smem:$0x3FFE];
	_ =	sdelay $0x1  }
0x8a: {  	s1 =	srdreg.scid  }
0x8b: {  	s0 =	sand.u32 $0x1, s1  }
0x8c: {  	s17 =	sshll.u32 s0, $0xA;
	s2 =	sadd.s32 s3, s2  }
0x8d: {  	s2 =	sadd.s32 s2, s17  }
0x8e: {  	[smem:$0x3F9C] =	sst s2  }
0x8f: {  	_ = 	snop  }
0x90: {  	(tm) =	ssettm $0x1  }
0x91: {  	s18 =	sld [smem:$0x3FFB];
	_ =	sdelay $0x3  }
0x92: {  	_ =	strace s18  }
0x93: {  	s2 =	sld [smem:$0x3FFC];
	_ =	sdelay $0x3  }
0x94: {  	_ =	strace s2  }
0x95: {  	s2 =	sld [smem:$0x3FFD];
	_ =	sdelay $0x3  }
0x96: {  	_ =	strace s2  }
0x97: {  	_ =	strace $0x8FFFFFFF  }
0x98: {  	s19 =	sld [smem:$0x3FDB];
	_ =	sdelay $0x1  }
0x99: {  	s20 =	simm.s32 $_scs_section_size  }
0x9a: {  	s4 =	simm.s32 $_size__tile_overlayer_lowered;
	s5 =	simm.s32 $_tile_overlayer_lowered  }
0x9b: {  	s6 =	simm.s32 $0x1BFF;
	s21 =	sshll.u32 s5, $0x1;
	s3 =	sadd.s32 s20, s19  }
0x9c: {  	s22 =	simm.s32 $0x0;
	s4 =	sshll.u32 s4, $0x1;
	s5 =	sadd.s32 s21, s3  }
0x9d: {  	[timem:s22], [sflag:s6] =	dma.local [hbm:s5], s4  }
0x9e: {  	_ =	swait.ge [sflag:s6], s4  }
0x9f: {  	s4 =	ssub.s32 $0x0, s4;
	[sflag:s6] =	ssyncset.done $0x0  }
0xa0: {  	[sflag:s6] =	ssyncadd.s32 s4;
	_ =	sdelay $0x1  }
0xa1: {  	s23 =	simm.s32 $0x1B8B  }
0xa2: {  	_ =	swait.ge [sflag:s23], $0x1  }
0xa3: {  	[sflag:s23] =	ssyncset.done $0x0  }
0xa4: {  	[sflag:s23] =	ssyncadd.s32 $0xFFFFFFFF  }
0xa5: {  	s4 =	sld [smem:$0x0]  }
0xa6: {  	s5 =	sand.u32 $0xFFFFFFFE, s1  }
0xa7: {  	p0 =	sne.s32 s1, s5  }
0xa8: {  	s5 =	sshll.u32 @p0 s5, $0xE  }
0xa9: {  	s5 =	sadd.s32 @p0 $0x11B8D, s5;
	s6 =	sshll.u32 @p0 s4, $0x11  }
0xaa: {  	s5 =	sor.u32 @p0 s6, s5  }
0xab: {  	[sflag:s5] =	ssyncadd.remote.s32 @p0 $0x1;
	_ =	sdelay $0x1  }
0xac: {  	s5 =	simm.s32 @p0 $0x1B8D  }
0xad: {  	_ =	swait.eq @p0 [sflag:s5], $0x1  }
0xae: {  	[sflag:s5] =	ssyncadd.s32 @p0 $0xFFFFFFFF  }
0xaf: {  	s6 =	sshll.u32 @!p0 s1, $0xE  }
0xb0: {  	s6 =	sor.u32 @!p0 $0x4000, s6;
	s5 =	simm.s32 @!p0 $0x1B8D  }
0xb1: {  	s4 =	sshll.u32 @!p0 s4, $0x11;
	s6 =	sadd.s32 @!p0 $0x11B8D, s6;
	_ =	swait.eq @!p0 [sflag:s5], $0x1  }
0xb2: {  	s4 =	sor.u32 @!p0 s4, s6;
	[sflag:s5] =	ssyncadd.s32 @!p0 $0xFFFFFFFF  }
0xb3: {  	s25 =	simm.s32 $0x1B8E;
	s24 =	sld [smem:$0x3FFE];
	[sflag:s4] =	ssyncadd.remote.s32 @!p0 $0x1  }
0xb4: {  	s26 =	simm.s32 $execute0_lowered;
	[smem:$0x3FD2] =	sst s25  }
0xb5: {  	s5 =	sshll.u32 s26, $0x1;
	_ =	strace $0x8000005B;
	[dreg:$0x1] =	wrdreg $0xFFFFFFFF  }
0xb6: {  	s28 =	simm.s32 $_size_execute0_lowered;
	s3 =	sadd.s32 s3, s5;
	[dreg:$0x0] =	wrdreg $0x0  }
0xb7: {  	s5 =	sshll.u32 s28, $0x1;
	[dreg:$0x2] =	wrdreg s3  }
0xb8: {  	[dreg:$0x3] =	wrdreg s5  }
0xb9: {  	[dreg:$0x4] =	wrdreg $0xC0  }
0xba: {  	_ =	task [dreg:s22], $0x5FFFF  }
0xbb: {  	[dreg:$0x1] =	wrdreg $0xFFFFFFFF  }
0xbc: {  	[dreg:$0x0] =	wrdreg $0x60  }
0xbd: {  	[dreg:$0x2] =	wrdreg s24  }
0xbe: {  	[dreg:$0x3] =	wrdreg $0x0  }
0xbf: {  	[dreg:$0x4] =	wrdreg $0xA  }
0xc0: {  	_ =	task.clear_ibuf [dreg:s22], $0x5FFFF;
	_ =	strace $0x9000005B  }
0xc1: {  	s29 =	simm.s32 $0xA;
	_ =	strace $0x8000005D  }
0xc2: {  	_ =	swait.ge [sflag:s29], $0x1  }
0xc3: {  	[sflag:s29] =	ssyncadd.s32 $0xFFFFFFFF  }
0xc4: {  	_ =	strace $0x9000005D  }
0xc5: {  	_ =	sfence  }
0xc6: {  	s30 =	sld [smem:$0x0];
	_ =	sdelay $0x2  }
0xc7: {  	s31 =	sshll.u32 s1, $0xD;
	s1 =	sshrl.u32 s1, $0x2  }
0xc8: {  	s4 =	sand.u32 $0x4000, s31;
	s1 =	sadd.s32 s1, s30  }
0xc9: {  	s0 =	sor.u32 s4, s0;
	s1 =	sshll.u32 s1, $0x11  }
0xca: {  	s0 =	sor.u32 s1, s0  }
0xcb: {  	s0 =	sadd.s32 $0x8F2B, s0  }
0xcc: {  	[sflag:s0] =	ssyncadd.remote.s32 $0x1  }
0xcd: {  	_ =	sfence.sel $0xFFFF  }
0xce: {  	[dreg:$0x0] =	wrdreg $0xFFFFFFFF;
	(pc) =	sbr.abs _section_cstart, $3  }
0xcf: {  	[dreg:$0x1] =	wrdreg $0xFFFFFFFF  }
0xd0: {  	_ =	task.clear_ibuf [dreg:s22], $0x2FFFF;
	_ =	strace $0x9FFFFFFF  }
0xd1: {  	(tm) =	ssettm $0x7FFFFFFF  }
tec
execute0_lowered:
.L_overlay_start_1:
0x0: {  	(tag) =	ssettag $0x1  }
0x1: {  	s5 =	rddreg [dreg:$0x0]  }
0x2: {  	s1 =	rddreg [dreg:$0x1]  }
0x3: {  	s0 =	rddreg [dreg:$0x2]  }
0x4: {  	s3 =	simm.s32 $0x0;
	s2 =	srdreg.scid;
	s12 =	simm.s32 $0x14000  }
0x5: {  	s13 =	simm.s32 $0x18000;
	s14 =	simm.s32 $0x50;
	s15 =	simm.s32 $0x1C000  }
0x6: {  	s16 =	simm.s32 $0x1;
	[smem:$0x7FF] =	sst s3;
	s6 =	sand.u32 $0x1, s2  }
0x7: {  	s2 =	stileid.u32;
	s4 =	sadd.s32 $0x293E00, s5;
	s7 =	smul.u32 $0x140000, s6  }
0x8: {  	s8 =	sshll.u32 s6, $0xF;
	s9 =	sshll.u32 s2, $0xB;
	s10 =	smul.u32 $0x14000, s2  }
0x9: {  	_ =	strace $0x8000005C;
	s6 =	ssub.s32 $0x2, s6;
	s29 =	smul.u32 $0x50000, s2  }
0xa: {  	s17 =	sshll.u32 s2, $0x6;
	s8 =	sor.u32 s9, s8;
	s30 =	sshrl.u32 s6, $0x1  }
0xb: {  	s17 =	sor.u32 $0x1C02, s17;
	s7 =	sadd.s32 s10, s7;
	s8 =	sadd.s32 s8, s5  }
0xc: {  	s10 =	ssub.s32 s6, s30;
	s31 =	sshrl.u32 s29, $0x2;
	s7 =	sshrl.u32 s7, $0x3  }
0xd: {  	s6 =	sadd.s32 $0xB800, s8;
	s9 =	smax.u32 s10, $0x1;
	s10 =	simm.s32 $0x1E800  }
0xe: {  	s11 =	sadd.s32 s7, s5;
	s5 =	sadd.s32 s31, s1;
	s7 =	sadd.s32 $0x1B800, s8  }
0xf: {  	v0 =	vimm.f32 $0.0e+00;
	s8 =	sadd.s32 $0x2B800, s11;
	s11 =	simm.s32 $0x2;
	s18 =	sshrl.u32 s5, $0x3  }
.LBB2_1:
0x10: {  	s19 =	simm.s32 $0x0;
	s20 =	simm.s32 $0x200  }
.LBB2_2:
0x11: {  	p0 =	sne.s32 s20, $0x1E00;
	[tilespmem:s19+$0x1E870] =	vst v0  }
0x12: {  	[tilespmem:s19+$0x1E800] =	vst v0  }
0x13: {  	[tilespmem:s19+$0x1E810] =	vst v0  }
.Ltmp0:
0x14: {  	[tilespmem:s19+$0x1E820] =	vst v0;
	(pc) =	sbr.rel @p0 .LBB2_2-.Ltmp0, $4  }
0x15: {  	[tilespmem:s19+$0x1E830] =	vst v0  }
0x16: {  	[tilespmem:s19+$0x1E840] =	vst v0  }
0x17: {  	[tilespmem:s19+$0x1E850] =	vst v0  }
0x18: {  	[tilespmem:s19+$0x1E860] =	vst v0;
	s19 =	sshra.s32 s20, $0x2;
	s20 =	sadd.s32 $0x200, s20  }
0x19: {  	[tilespmem:s19+$0x1E870] =	vst v0  }
0x1a: {  	[tilespmem:s19+$0x1E800] =	vst v0  }
0x1b: {  	[tilespmem:s19+$0x1E810] =	vst v0  }
0x1c: {  	[tilespmem:s19+$0x1E820] =	vst v0  }
0x1d: {  	[tilespmem:s19+$0x1E830] =	vst v0  }
0x1e: {  	[tilespmem:s19+$0x1E840] =	vst v0  }
0x1f: {  	[tilespmem:s19+$0x1E850] =	vst v0  }
0x20: {  	[tilespmem:s19+$0x1E860] =	vst v0;
	s31 =	sadd.s32 $0x0, s5  }
0x21: {  	[spmem:s31] =	stream.linear.scatter [tilespmem:s10], [sflag:$0x2], $0x800, $0x38;
	[tilespmem:$0x1F000] =	vst v63  }
0x22: {  	s19 =	simm.s32 $0x2000;
	_ =	swait.ge [sflag:s11], $0x800  }
.LBB2_4:
0x23: {  	s20 =	sshra.s32 s19, $0x2;
	[sflag:s11] =	ssyncset.done $0x0;
	p0 =	sne.s32 s19, $0x4E000  }
.Ltmp1:
0x24: {  	s20 =	sadd.s32 s20, s5;
	[sflag:s11] =	ssyncadd.s32 $0xFFFFF800;
	(pc) =	sbr.rel @p0 .LBB2_4-.Ltmp1, $3  }
0x25: {  	[spmem:s20] =	stream.linear.scatter [tilespmem:s10], [sflag:$0x2], $0x800, $0x38;
	[tilespmem:$0x1F000] =	vst v63  }
0x26: {  	s19 =	sadd.s32 $0x2000, s19;
	_ =	sdelay $0x1  }
0x27: {  	_ =	swait.ge [sflag:s11], $0x800  }
0x28: {  	[sflag:s11] =	ssyncset.done $0x0  }
0x29: {  	s19 =	simm.s32 $0x0;
	[sflag:s11] =	ssyncadd.s32 $0xFFFFF800  }
0x2a: {  	[tilespmem:s12], [sflag:$0x2] =	stream.linear.gather [hbm4b:s6+s19], $0x3E80, $0x38;
	[tilespmem:$0x1F000] =	vst v63  }
0x2b: {  	_ =	swait.ge [sflag:s11], $0x3E80  }
0x2c: {  	[sflag:s11] =	ssyncset.done $0x0  }
0x2d: {  	[sflag:s11] =	ssyncadd.s32 $0xFFFFC180  }
0x2e: {  	[tilespmem:s13], [sflag:$0x2] =	stream.linear.gather [hbm4b:s7+s19], $0x3E80, $0x38;
	[tilespmem:$0x1F000] =	vst v63  }
0x2f: {  	_ =	swait.ge [sflag:s11], $0x3E80  }
0x30: {  	[sflag:s11] =	ssyncset.done $0x0  }
0x31: {  	[sflag:s11] =	ssyncadd.s32 $0xFFFFC180  }
0x32: {  	s30 =	simm.s32 $0x14000;
	[bflag:$0x0] =	sbarrier.arrive $0xFFFF  }
0x33: {  	[tilespmem:s15], [sflag:$0x1] =	stream.indirect.gather [hbm4b:s4+s14], $0x80, s30, s14, $0xb8;
	[tilespmem:$0x1F000] =	vst v63  }
0x34: {  	_ =	swait.ge [sflag:s16], $0x2800  }
0x35: {  	[sflag:s16] =	ssyncset.done $0x0  }
0x36: {  	s31 =	simm.s32 $0x18000;
	[sflag:s16] =	ssyncadd.s32 $0xFFFFD800  }
0x37: {  	[spmem:s1] =	stream.indirect.scatter.add.f32 [tilespmem:s15], [sflag:$0x2], $0x80, s31, s14, $0xb8;
	[tilespmem:$0x1F000] =	vst v63  }
0x38: {  	_ =	swait.ge [sflag:s11], $0x2800  }
0x39: {  	s20 =	simm.s32 $0x400;
	s19 =	simm.s32 $0x80;
	[sflag:s11] =	ssyncset.done $0x0  }
.LBB2_6:
0x3a: {  	s21 =	sadd.s32 $0x14000, s19  }
0x3b: {  	[sflag:s11] =	ssyncadd.s32 $0xFFFFD800;
	s22 =	smov.u32 s20;
	s23 =	sadd.s32 $0x200, s20  }
0x3c: {  	[tilespmem:s15], [sflag:$0x1] =	stream.indirect.gather [hbm4b:s4+s14], $0x80, s21, s14, $0xb8;
	[tilespmem:$0x1F000] =	vst v63  }
0x3d: {  	p0 =	sne.s32 s20, $0xF800;
	_ =	swait.ge [sflag:s16], $0x2800  }
.Ltmp2:
0x3e: {  	[sflag:s16] =	ssyncset.done $0x0;
	(pc) =	sbr.rel @p0 .LBB2_6-.Ltmp2, $4  }
0x3f: {  	s19 =	sadd.s32 $0x18000, s19;
	[sflag:s16] =	ssyncadd.s32 $0xFFFFD800  }
0x40: {  	[spmem:s1] =	stream.indirect.scatter.add.f32 [tilespmem:s15], [sflag:$0x2], $0x80, s19, s14, $0xb8;
	[tilespmem:$0x1F000] =	vst v63  }
0x41: {  	_ =	swait.ge [sflag:s11], $0x2800  }
0x42: {  	s20 =	smov.u32 s23;
	s19 =	sshra.s32 s22, $0x2;
	[sflag:s11] =	ssyncset.done $0x0  }
0x43: {  	s20 =	sadd.s32 $0x14000, s19;
	[sflag:s11] =	ssyncadd.s32 $0xFFFFD800  }
0x44: {  	[tilespmem:s15], [sflag:$0x1] =	stream.indirect.gather [hbm4b:s4+s14], $0x80, s20, s14, $0xb8;
	[tilespmem:$0x1F000] =	vst v63  }
0x45: {  	_ =	swait.ge [sflag:s16], $0x2800  }
0x46: {  	[sflag:s16] =	ssyncset.done $0x0  }
0x47: {  	s31 =	sadd.s32 $0x18000, s19;
	[sflag:s16] =	ssyncadd.s32 $0xFFFFD800  }
0x48: {  	[spmem:s1] =	stream.indirect.scatter.add.f32 [tilespmem:s15], [sflag:$0x2], $0x80, s31, s14, $0xb8;
	[tilespmem:$0x1F000] =	vst v63  }
0x49: {  	_ =	swait.ge [sflag:s11], $0x2800  }
0x4a: {  	s3 =	sadd.s32 $0x1, s3;
	[sflag:s11] =	ssyncset.done $0x0  }
0x4b: {  	p0 =	sne.s32 s3, s9;
	[sflag:s11] =	ssyncadd.s32 $0xFFFFD800  }
.Ltmp3:
0x4c: {  	[bflag:$0x0] =	sbarrier.arrive $0xFFFF;
	(pc) =	sbr.rel @p0 .LBB2_1-.Ltmp3, $4  }
0x4d: {  	[hbm:s8], [sflag:s17] =	dma.local [spmem:s18], $0x2800  }
0x4e: {  	_ =	swait.ge [sflag:s11], $0x2800  }
0x4f: {  	[sflag:s11] =	ssyncset.done $0x0  }
0x50: {  	[sflag:s11] =	ssyncadd.s32 $0xFFFFD800  }
0x51: {  	_ =	sfence.sel $0x180000  }
0x52: {  	[bflag:$0x0] =	sbarrier.arrive $0xFFFF  }
0x53: {  	p0 =	sne.s32 s2, $0x0;
	_ =	strace $0x9000005C  }
0x54: {  	s0 =	sadd.s32 @!p0 $0x100000, s0;
	[bflag:$0x2] =	sbarrier.arrive $0xFFFF  }
0x55: {  	[sflag:s0] =	ssyncadd.tile.s32 @!p0 $0x1;
	_ =	shalt  }
.Lfunc_end2:
_tile_overlayer_lowered:
.L_overlay_start_2:
0x56: {  	(tag) =	ssettag $0x2  }
0x57: {  	s0 =	rddreg [dreg:$0x0];
	s2 =	stileid.u32  }
0x58: {  	s1 =	rddreg [dreg:$0x1];
	p0 =	sne.s32 s2, $0x0  }
0x59: {  	s3 =	rddreg [dreg:$0x2];
	[bflag:$0x3] =	sbarrier.arrive $0xFFFF;
	s2 =	simm.s32 @!p0 $0x1C02  }
0x5a: {  	[timem:s3], [sflag:s2] =	dma.local @!p0 [hbm:s0], s1  }
0x5b: {  	s0 =	simm.s32 @!p0 $0x2  }
0x5c: {  	_ =	swait.ge @!p0 [sflag:s0], s1  }
0x5d: {  	s1 =	ssub.s32 @!p0 $0x0, s1;
	[sflag:s0] =	ssyncset.done @!p0 $0x0  }
0x5e: {  	[sflag:s0] =	ssyncadd.s32 @!p0 s1  }
0x5f: {  	[bflag:$0x3] =	sbarrier.arrive $0xFFFF  }
0x60: {  	_ =	shalt  }

// kernel: sparse-core-data-format-call.cloned.1.call-start
scs
called_computation_lowered:
.L_overlay_start_0:
0x0: {  	s2 =	sld [smem:$0x3FD9]  }
0x1: {  	s3 =	sld [smem:$0x3FFE];
	_ =	sdelay $0x1  }
0x2: {  	s1 =	srdreg.scid  }
0x3: {  	s0 =	sand.u32 $0x1, s1  }
0x4: {  	s18 =	sshll.u32 s0, $0xA;
	s2 =	sadd.s32 s3, s2  }
0x5: {  	s2 =	sadd.s32 s2, s18  }
0x6: {  	[smem:$0x3F9C] =	sst s2  }
0x7: {  	_ = 	snop  }
0x8: {  	(tm) =	ssettm $0x1  }
0x9: {  	s19 =	sld [smem:$0x3FFB];
	_ =	sdelay $0x3  }
0xa: {  	_ =	strace s19  }
0xb: {  	s2 =	sld [smem:$0x3FFC];
	_ =	sdelay $0x3  }
0xc: {  	_ =	strace s2  }
0xd: {  	s2 =	sld [smem:$0x3FFD];
	_ =	sdelay $0x3  }
0xe: {  	_ =	strace s2  }
0xf: {  	_ =	strace $0x8FFFFFFF  }
0x10: {  	s20 =	sld [smem:$0x3FDB];
	_ =	sdelay $0x1  }
0x11: {  	s21 =	simm.s32 $_scs_section_size  }
0x12: {  	s4 =	simm.s32 $_size__tile_overlayer_lowered;
	s5 =	simm.s32 $_tile_overlayer_lowered  }
0x13: {  	s6 =	simm.s32 $0x1BFF;
	s22 =	sshll.u32 s5, $0x1;
	s3 =	sadd.s32 s21, s20  }
0x14: {  	s23 =	simm.s32 $0x0;
	s4 =	sshll.u32 s4, $0x1;
	s5 =	sadd.s32 s22, s3  }
0x15: {  	[timem:s23], [sflag:s6] =	dma.local [hbm:s5], s4  }
0x16: {  	_ =	swait.ge [sflag:s6], s4  }
0x17: {  	s4 =	ssub.s32 $0x0, s4;
	[sflag:s6] =	ssyncset.done $0x0  }
0x18: {  	[sflag:s6] =	ssyncadd.s32 s4;
	_ =	sdelay $0x1  }
0x19: {  	s24 =	simm.s32 $0x1B8B  }
0x1a: {  	_ =	swait.ge [sflag:s24], $0x1  }
0x1b: {  	[sflag:s24] =	ssyncset.done $0x0  }
0x1c: {  	[sflag:s24] =	ssyncadd.s32 $0xFFFFFFFF  }
0x1d: {  	s4 =	sld [smem:$0x0]  }
0x1e: {  	s5 =	sand.u32 $0xFFFFFFFE, s1  }
0x1f: {  	p0 =	sne.s32 s1, s5  }
0x20: {  	s5 =	sshll.u32 @p0 s5, $0xE  }
0x21: {  	s5 =	sadd.s32 @p0 $0x11B8D, s5;
	s6 =	sshll.u32 @p0 s4, $0x11  }
0x22: {  	s5 =	sor.u32 @p0 s6, s5  }
0x23: {  	[sflag:s5] =	ssyncadd.remote.s32 @p0 $0x1;
	_ =	sdelay $0x1  }
0x24: {  	s5 =	simm.s32 @p0 $0x1B8D  }
0x25: {  	_ =	swait.eq @p0 [sflag:s5], $0x1  }
0x26: {  	[sflag:s5] =	ssyncadd.s32 @p0 $0xFFFFFFFF  }
0x27: {  	s6 =	sshll.u32 @!p0 s1, $0xE  }
0x28: {  	s6 =	sor.u32 @!p0 $0x4000, s6;
	s5 =	simm.s32 @!p0 $0x1B8D  }
0x29: {  	s4 =	sshll.u32 @!p0 s4, $0x11;
	s6 =	sadd.s32 @!p0 $0x11B8D, s6;
	_ =	swait.eq @!p0 [sflag:s5], $0x1  }
0x2a: {  	s4 =	sor.u32 @!p0 s4, s6;
	[sflag:s5] =	ssyncadd.s32 @!p0 $0xFFFFFFFF  }
0x2b: {  	s26 =	simm.s32 $0x1B8E;
	s25 =	sld [smem:$0x3FFE];
	[sflag:s4] =	ssyncadd.remote.s32 @!p0 $0x1  }
0x2c: {  	s27 =	simm.s32 $execute0_lowered;
	[smem:$0x3FD2] =	sst s26  }
0x2d: {  	s5 =	sshll.u32 s27, $0x1;
	_ =	strace $0x80000058;
	[dreg:$0x1] =	wrdreg $0xFFFFFFFF  }
0x2e: {  	s28 =	simm.s32 $_size_execute0_lowered;
	s3 =	sadd.s32 s3, s5;
	[dreg:$0x0] =	wrdreg $0x0  }
0x2f: {  	s5 =	sshll.u32 s28, $0x1;
	[dreg:$0x2] =	wrdreg s3  }
0x30: {  	[dreg:$0x3] =	wrdreg s5  }
0x31: {  	[dreg:$0x4] =	wrdreg $0xC0  }
0x32: {  	_ =	task [dreg:s23], $0x5FFFF  }
0x33: {  	[dreg:$0x1] =	wrdreg $0xFFFFFFFF  }
0x34: {  	[dreg:$0x0] =	wrdreg $0x60  }
0x35: {  	[dreg:$0x2] =	wrdreg s25  }
0x36: {  	[dreg:$0x3] =	wrdreg $0x9  }
0x37: {  	_ =	task.clear_ibuf [dreg:s23], $0x4FFFF;
	_ =	strace $0x90000058  }
0x38: {  	s29 =	simm.s32 $0x9;
	_ =	strace $0x8000005A  }
0x39: {  	_ =	swait.ge [sflag:s29], $0x1  }
0x3a: {  	[sflag:s29] =	ssyncadd.s32 $0xFFFFFFFF  }
0x3b: {  	_ =	strace $0x9000005A  }
0x3c: {  	_ =	sfence  }
0x3d: {  	s30 =	sld [smem:$0x0];
	_ =	sdelay $0x2  }
0x3e: {  	s31 =	sshll.u32 s1, $0xD;
	s1 =	sshrl.u32 s1, $0x2  }
0x3f: {  	s4 =	sand.u32 $0x4000, s31;
	s1 =	sadd.s32 s1, s30  }
0x40: {  	s0 =	sor.u32 s4, s0;
	s1 =	sshll.u32 s1, $0x11  }
0x41: {  	s0 =	sor.u32 s1, s0  }
0x42: {  	s0 =	sadd.s32 $0x8F2B, s0  }
0x43: {  	[sflag:s0] =	ssyncadd.remote.s32 $0x1  }
0x44: {  	_ =	sfence.sel $0xFFFF  }
0x45: {  	[dreg:$0x0] =	wrdreg $0xFFFFFFFF;
	(pc) =	sbr.abs _section_cstart, $3  }
0x46: {  	[dreg:$0x1] =	wrdreg $0xFFFFFFFF  }
0x47: {  	_ =	task.clear_ibuf [dreg:s23], $0x2FFFF;
	_ =	strace $0x9FFFFFFF  }
0x48: {  	(tm) =	ssettm $0x7FFFFFFF  }
0x49: {  	_ =	shalt  }
tec
execute0_lowered:
.L_overlay_start_1:
0x0: {  	(tag) =	ssettag $0x1  }
0x1: {  	s4 =	rddreg [dreg:$0x0]  }
0x2: {  	s0 =	stileid.u32;
	s1 =	rddreg [dreg:$0x1]  }
0x3: {  	_ =	strace $0x80000059;
	s7 =	srdreg.scid;
	s31 =	simm.s32 $0x2  }
0x4: {  	s17 =	simm.s32 $0x0;
	s9 =	simm.s32 $0x2000;
	s19 =	simm.s32 $0x0  }
0x5: {  	s18 =	simm.s32 $0x0;
	s10 =	simm.s32 $0x0;
	s2 =	sshll.u32 s0, $0x7  }
0x6: {  	s11 =	simm.s32 $0x0;
	s12 =	simm.s32 $0x0;
	s2 =	sand.u32 $0x380, s2  }
0x7: {  	s14 =	simm.s32 $0x0;
	s16 =	simm.s32 $0x0;
	s5 =	ssub.s32 $0x400, s2  }
0x8: {  	s3 =	sadd.s32 $0x2E7E00, s4;
	s8 =	sshll.u32 s0, $0x4;
	s6 =	sand.u32 $0x380, s5  }
0x9: {  	s7 =	sshll.u32 s7, $0x8;
	p0 =	sne.s32 s6, $0x0;
	s6 =	simm.s32 $0x1  }
.Ltmp0:
0xa: {  	s5 =	sshrl.u32 s5, $0xA;
	s6 =	simm.s32 @!p0 $0x0;
	(pc) =	sbr.rel .LBB1_1-.Ltmp0, $4  }
0xb: {  	s4 =	sadd.s32 $0x167E00, s4;
	s7 =	sor.u32 s8, s7;
	s6 =	sadd.s32 s6, s5  }
0xc: {  	s7 =	sand.u32 $0x180, s7;
	s5 =	simm.s32 $0x1;
	s6 =	smul.u32 $0x14, s6  }
0xd: {  	s15 =	smov.u32 s2;
	s13 =	smov.u32 s7;
	[sflag:s5] =	ssyncpa.u1 $0x0  }
0xe: {  	p0 =	por $0x0, $0x0;
	[sflag:s31] =	ssyncpa.u1 $0x0;
	s8 =	sor.u32 $0x1, s6  }
.LBB1_4:
0xf: {  	s25 =	sshll.u32 s10, $0xA;
	s24 =	sshra.s32 s24, $0x2;
	s26 =	sshll.u32 s12, $0x3  }
0x10: {  	p1 =	sgt.s32 s11, $0x9;
	s27 =	smov.u32 s11;
	s28 =	sshra.s32 s11, $0x1F  }
0x11: {  	p2 =	sgt.s32 s12, $0x380;
	s31 =	sshra.s32 s12, $0x1F;
	s25 =	sand.u32 $0xFFFFE000, s25  }
0x12: {  	s26 =	sand.u32 $0xFFFFFC00, s26;
	s27 =	simm.s32 @!p1 $0x9;
	s28 =	sand.u32 s28, s11  }
0x13: {  	[tilespmem:s22+$0x2040 ss:$0x81] =	vst.msk $0xffff, v4;
	s23 =	sadd.s32 s24, s23;
	s29 =	sadd.s32 s26, s25;
	s25 =	ssub.s32 s27, s28  }
0x14: {  	[tilespmem:s22+$0x2850 ss:$0x81] =	vst.msk $0xffff, v3;
	s27 =	smov.u32 s12;
	s28 =	smov.u32 s10;
	s26 =	sand.u32 s31, s12  }
0x15: {  	[tilespmem:s22+$0x3060 ss:$0x81] =	vst.msk $0xffff, v2;
	s24 =	sshrl.u32 s29, $0xA;
	s30 =	sadd.s32 $0xFFFFFFF7, s25;
	s27 =	simm.s32 @!p2 $0x380  }
0x16: {  	v5 =	vld [tilespmem:s21+$0xFFFFFFD0];
	[tilespmem:s22+$0x0 ss:$0x81] =	vst.msk $0xffff, v1;
	p2 =	sgt.s32 s10, $0x340;
	s29 =	sshra.s32 s10, $0x1F;
	s22 =	ssub.s32 $0xA, s25  }
0x17: {  	v58 =	vld [tilespmem:s21+$0xFFFFFFE0];
	p1 =	sgt.s32 s30, $0x0;
	s28 =	simm.s32 @!p2 $0x340;
	s29 =	sand.u32 s29, s10  }
0x18: {  	v59 =	vld [tilespmem:s21+$0xFFFFFFF0];
	s26 =	ssub.s32 s27, s26;
	s27 =	smulhi.u32 $0x444445, s24;
	s28 =	ssub.s32 s28, s29  }
0x19: {  	v60 =	vld [tilespmem:s21+$0x0];
	s30 =	sadd.s32 $0xFFFFFC80, s26;
	s25 =	ssub.s32 $0x400, s26;
	s22 =	simm.s32 @p1 $0x0  }
0x1a: {  	v61 =	vld [tilespmem:s21+$0x10];
	[tilespmem:s23+$0x3870 ss:$0x81] =	vst.msk $0xffff, v0;
	s29 =	sand.u32 $0x78, s12;
	p2 =	sgt.s32 s30, $0x7F;
	s31 =	sadd.s32 $0xFFFFFCC0, s28  }
0x1b: {  	v62 =	vld [tilespmem:s21+$0x20];
	[tilespmem:s23+$0x810 ss:$0x81] =	vst.msk $0xffff, v5;
	s27 =	smul.u32 $0x3C0, s27;
	s30 =	sshll.u32 s10, $0x7;
	s28 =	ssub.s32 $0x3C0, s28  }
0x1c: {  	v63 =	vld [tilespmem:s21+$0xFFFFFFC0];
	[tilespmem:s23+$0x1020 ss:$0x81] =	vst.msk $0xffff, v58;
	s25 =	simm.s32 @p2 $0x0;
	p1 =	sgt.s32 s31, $0x7F;
	s31 =	smul.u32 $0x1E000, s11  }
0x1d: {  	[tilespmem:s23+$0x1830 ss:$0x81] =	vst.msk $0xffff, v59;
	s21 =	sand.u32 $0x380, s30;
	s22 =	smul.u32 s25, s22;
	s28 =	simm.s32 @p1 $0x0  }
0x1e: {  	[tilespmem:s23+$0x2040 ss:$0x81] =	vst.msk $0xffff, v60;
	s21 =	sor.u32 s29, s21;
	s24 =	ssub.s32 s24, s27;
	s29 =	sand.u32 $0x7, s12  }
0x1f: {  	[tilespmem:s23+$0x2850 ss:$0x81] =	vst.msk $0xffff, v61;
	s21 =	sshrl.u32 s21, $0x3;
	s25 =	sadd.s32 s4, s31;
	s22 =	smul.u32 s28, s22  }
0x20: {  	[tilespmem:s23+$0x3060 ss:$0x81] =	vst.msk $0xffff, v62;
	s24 =	sshll.u32 s24, $0x7;
	s30 =	sshll.u32 s29, $0x12;
	s21 =	sadd.s32 s21, s25  }
0x21: {  	[tilespmem:s23+$0x0 ss:$0x81] =	vst.msk $0xffff, v63;
	s31 =	sor.u32 $0x400, s30;
	s21 =	sadd.s32 s24, s21;
	s22 =	sand.u32 $0x3FFFFFFF, s22  }
0x22: {  	[hbm4b:s21+s31] =	stream.strided.scatter [tilespmem:s20], [sflag:$0x2], s22, s9, s31, $0x20;
	[tilespmem:$0x10100] =	vst v63  }
.LBB1_5:
0x23: {  	p1 =	slt.u32 s16, $0x2  }
0x24: {  	p2 =	sgt.s32 @!p1 s19, $0x9  }
0x25: {  	s20 =	smov.u32 s19;
	s21 =	sshra.s32 @!p1 s19, $0x1F;
	p2 =	por !p2, p1  }
0x26: {  	s19 =	sand.u32 @!p1 s21, s19;
	s20 =	simm.s32 @p2 $0x9  }
0x27: {  	p3 =	sgt.s32 @!p1 s17, $0x340;
	s19 =	ssub.s32 @!p1 s20, s19  }
0x28: {  	p4 =	sgt.s32 @!p1 s18, $0x380;
	s22 =	sshra.s32 @!p1 s18, $0x1F;
	s20 =	sadd.s32 @!p1 $0xFFFFFFF7, s19  }
0x29: {  	s21 =	smov.u32 s17;
	p2 =	sgt.s32 @!p1 s20, $0x0;
	s20 =	sshra.s32 @!p1 s17, $0x1F  }
0x2a: {  	p4 =	por !p4, p1;
	s17 =	sand.u32 @!p1 s20, s17;
	s20 =	smov.u32 s18  }
0x2b: {  	p3 =	por !p3, p1;
	s18 =	sand.u32 @!p1 s22, s18;
	s20 =	simm.s32 @p4 $0x380  }
0x2c: {  	s21 =	simm.s32 @p3 $0x340;
	s19 =	ssub.s32 @!p1 $0xA, s19;
	s18 =	ssub.s32 @!p1 s20, s18  }
0x2d: {  	p2 =	por !p2, p1;
	s17 =	ssub.s32 @!p1 s21, s17;
	s21 =	sadd.s32 @!p1 $0xFFFFFC80, s18  }
0x2e: {  	s19 =	simm.s32 @!p2 $0x0;
	p3 =	sgt.s32 @!p1 s21, $0x7F  }
0x2f: {  	s20 =	sadd.s32 @!p1 $0xFFFFFCC0, s17;
	s18 =	ssub.s32 @!p1 $0x400, s18;
	p3 =	por !p3, p1  }
0x30: {  	p2 =	sgt.s32 @!p1 s20, $0x7F;
	s20 =	sadd.s32 $0x200, s13;
	s18 =	simm.s32 @!p3 $0x0  }
0x31: {  	p3 =	sgt.s32 s20, $0x3BF;
	s18 =	smul.u32 @!p1 s18, s19;
	s19 =	simm.s32 $0x1  }
0x32: {  	s17 =	ssub.s32 @!p1 $0x3C0, s17;
	p2 =	por !p2, p1;
	s19 =	simm.s32 @!p3 $0x0  }
0x33: {  	s22 =	smov.u32 s15;
	s17 =	simm.s32 @!p2 $0x0;
	s21 =	sadd.s32 s19, s14  }
0x34: {  	s17 =	smul.u32 @!p1 s17, s18;
	s18 =	sadd.s32 $0x400, s15;
	p2 =	sgt.s32 s21, $0x9  }
0x35: {  	p0 =	por !p0, !p0;
	s23 =	simm.s32 @!p1 $0x2;
	s22 =	smov.u32 @p2 s18  }
0x36: {  	s20 =	smov.u32 @p3 s7;
	s21 =	simm.s32 @p2 $0x0;
	p2 =	sgt.s32 s22, $0x3FF  }
0x37: {  	s19 =	smov.u32 s11;
	s22 =	smov.u32 @p2 s2;
	p2 =	sne.s32 s16, s8  }
.Ltmp1:
0x38: {  	s11 =	smov.u32 s14;
	s17 =	sand.u32 @!p1 $0x3FFFFFFF, s17;
	(pc) =	sbr.rel @!p2 .LBB1_6-.Ltmp1, $4  }
0x39: {  	s18 =	smov.u32 s12;
	s12 =	smov.u32 s15;
	_ =	swait.ge @!p1 [sflag:s23], s17  }
0x3a: {  	s24 =	ssub.s32 @!p1 $0x0, s17;
	s17 =	smov.u32 s10;
	s10 =	smov.u32 s13  }
0x3b: {  	s13 =	smov.u32 s20;
	s14 =	smov.u32 s21;
	[sflag:s23] =	ssyncset.done @!p1 $0x0  }
0x3c: {  	s16 =	sadd.s32 $0x1, s16;
	[sflag:s23] =	ssyncadd.s32 @!p1 s24;
	s15 =	smov.u32 s22  }
.LBB1_1:
0x3d: {  	p1 =	sge.u32 s16, s6  }
0x3e: {  	s31 =	sadd.s32 $0xFFFFFFFF, s16;
	s20 =	sshll.u32 @!p1 s14, $0x7  }
0x3f: {  	s21 =	sxor.u32 @!p1 $0xFFFFFFFF, s16;
	s22 =	sand.u32 @!p1 $0x78, s13;
	s23 =	sand.u32 @!p1 $0x380, s20  }
0x40: {  	s21 =	sshll.u32 @!p1 s21, $0xE;
	s22 =	sor.u32 @!p1 s22, s23;
	s23 =	sshll.u32 @!p1 s15, $0xB  }
0x41: {  	s20 =	sand.u32 @!p1 $0x400, s20;
	s22 =	sshrl.u32 @!p1 s22, $0x3;
	s23 =	sadd.s32 @!p1 s3, s23  }
0x42: {  	s20 =	sadd.s32 @!p1 s13, s20;
	s22 =	sadd.s32 @!p1 s22, s23;
	s23 =	sand.u32 @!p1 $0x7, s13  }
0x43: {  	s21 =	sand.u32 @!p1 $0x4000, s21;
	s20 =	sand.u32 @!p1 $0x780, s20;
	s23 =	sshll.u32 @!p1 s23, $0x12  }
0x44: {  	s20 =	sadd.s32 @!p1 s20, s22;
	s22 =	sor.u32 @!p1 $0x80, s23;
	s23 =	simm.s32 @!p1 $0x4000  }
0x45: {  	[tilespmem:s21], [sflag:$0x1] =	stream.strided.gather @!p1 [hbm4b:s20+s22], $0x4000, s23, s22, $0x38;
	[tilespmem:$0x10100] =	vst v63  }
0x46: {  	p1 =	sge.u32 s31, s6  }
.Ltmp2:
0x47: {  	_ = 	snop;
	(pc) =	sbr.rel @p1 .LBB1_5-.Ltmp2, $1  }
0x48: {  	_ =	sdelay $0x3  }
0x49: {  	s20 =	simm.s32 $0x1  }
0x4a: {  	_ =	swait.ge [sflag:s5], $0x4000;
	s20 =	simm.s32 @!p0 $0x0  }
0x4b: {  	[sflag:s5] =	ssyncset.done $0x0;
	s21 =	sshll.u32 s20, $0xE  }
0x4c: {  	[sflag:s5] =	ssyncadd.s32 $0xFFFFC000;
	s21 =	sor.u32 $0x40, s21  }
0x4d: {  	s20 =	smul.u32 $0x10200, s20;
	v0 =	vld [tilespmem:s21+$0x30]  }
0x4e: {  	v1 =	vld [tilespmem:s21+$0xFFFFFFD0]  }
0x4f: {  	s20 =	sshrl.u32 s20, $0x2;
	v5 =	vld [tilespmem:s21+$0xFFFFFFE0]  }
0x50: {  	v6 =	vld [tilespmem:s21+$0xFFFFFFF0];
	s23 =	sor.u32 $0x8000, s20  }
0x51: {  	s31 =	sand.u32 $0x1, s16;
	v4 =	vld [tilespmem:s21+$0x0];
	s22 =	sadd.s32 $0x0, s23  }
0x52: {  	v3 =	vld [tilespmem:s21+$0x10];
	s20 =	smul.u32 $0x10200, s31;
	[tilespmem:s22+$0x3870 ss:$0x81] =	vst.msk $0xffff, v0  }
0x53: {  	v2 =	vld [tilespmem:s21+$0x20];
	[tilespmem:s22+$0x810 ss:$0x81] =	vst.msk $0xffff, v1  }
0x54: {  	s20 =	sshrl.u32 s20, $0x2;
	v1 =	vld [tilespmem:s21+$0xFFFFFFC0];
	[tilespmem:s22+$0x1020 ss:$0x81] =	vst.msk $0xffff, v5;
	s21 =	sadd.s32 $0x80, s21  }
0x55: {  	s24 =	simm.s32 $0x4;
	s25 =	simm.s32 $0x8;
	s20 =	sor.u32 $0x8000, s20;
	[tilespmem:s22+$0x1830 ss:$0x81] =	vst.msk $0xffff, v6;
	v0 =	vld [tilespmem:s21+$0x30]  }
.LBB1_3:
0x56: {  	p1 =	sne.s32 s25, $0x1FC;
	v5 =	vld [tilespmem:s21+$0xFFFFFFD0];
	[tilespmem:s22+$0x2040 ss:$0x81] =	vst.msk $0xffff, v4  }
0x57: {  	v6 =	vld [tilespmem:s21+$0xFFFFFFE0];
	[tilespmem:s22+$0x2850 ss:$0x81] =	vst.msk $0xffff, v3  }
0x58: {  	s26 =	sshra.s32 s24, $0x2;
	s24 =	smov.u32 s25;
	v7 =	vld [tilespmem:s21+$0xFFFFFFF0];
	[tilespmem:s22+$0x3060 ss:$0x81] =	vst.msk $0xffff, v2  }
.Ltmp3:
0x59: {  	v4 =	vld [tilespmem:s21+$0x0];
	[tilespmem:s22+$0x0 ss:$0x81] =	vst.msk $0xffff, v1;
	s22 =	sadd.s32 s26, s23;
	(pc) =	sbr.rel @p1 .LBB1_3-.Ltmp3, $4  }
0x5a: {  	v3 =	vld [tilespmem:s21+$0x10];
	[tilespmem:s22+$0x3870 ss:$0x81] =	vst.msk $0xffff, v0  }
0x5b: {  	[tilespmem:s22+$0x810 ss:$0x81] =	vst.msk $0xffff, v5;
	v2 =	vld [tilespmem:s21+$0x20]  }
0x5c: {  	v1 =	vld [tilespmem:s21+$0xFFFFFFC0];
	[tilespmem:s22+$0x1020 ss:$0x81] =	vst.msk $0xffff, v6;
	s21 =	sadd.s32 $0x80, s21  }
0x5d: {  	s25 =	sadd.s32 $0x4, s25;
	v0 =	vld [tilespmem:s21+$0x30];
	[tilespmem:s22+$0x1830 ss:$0x81] =	vst.msk $0xffff, v7  }
.Ltmp4:
0x5e: {  	_ = 	snop;
	(pc) =	sbr.rel .LBB1_4-.Ltmp4, $1  }
0x5f: {  	_ =	sdelay $0x3  }
.LBB1_6:
0x60: {  	_ =	sfence.sel $0x180000  }
0x61: {  	s2 =	simm.s32 $0x1;
	[bflag:$0x0] =	sbarrier.arrive $0xFFFF  }
0x62: {  	s31 =	simm.s32 $0x2;
	[sflag:s2] =	ssyncpa.u1 $0x1  }
0x63: {  	[sflag:s31] =	ssyncpa.u1 $0x1  }
0x64: {  	p0 =	sne.s32 s0, $0x0;
	_ =	strace $0x90000059  }
0x65: {  	s0 =	sadd.s32 @!p0 $0x100000, s1;
	[bflag:$0x2] =	sbarrier.arrive $0xFFFF  }
0x66: {  	[sflag:s0] =	ssyncadd.tile.s32 @!p0 $0x1;
	_ =	shalt  }
.Lfunc_end1:
_tile_overlayer_lowered:
.L_overlay_start_2:
0x67: {  	(tag) =	ssettag $0x2  }
0x68: {  	s0 =	rddreg [dreg:$0x0];
	s2 =	stileid.u32  }
0x69: {  	s1 =	rddreg [dreg:$0x1];
	p0 =	sne.s32 s2, $0x0  }
0x6a: {  	s3 =	rddreg [dreg:$0x2];
	[bflag:$0x3] =	sbarrier.arrive $0xFFFF;
	s2 =	simm.s32 @!p0 $0x1C01  }
0x6b: {  	[timem:s3], [sflag:s2] =	dma.local @!p0 [hbm:s0], s1  }
0x6c: {  	s0 =	simm.s32 @!p0 $0x1  }
0x6d: {  	_ =	swait.ge @!p0 [sflag:s0], s1  }
0x6e: {  	s1 =	ssub.s32 @!p0 $0x0, s1;
	[sflag:s0] =	ssyncset.done @!p0 $0x0  }
0x6f: {  	[sflag:s0] =	ssyncadd.s32 @!p0 s1  }
0x70: {  	[bflag:$0x3] =	sbarrier.arrive $0xFFFF  }
0x71: {  	_ =	shalt  }

</sc_bundles>
